<compile_context>
chip_gen: v7x
topology: tpu7x:2x2x1
jax: 0.10.2.dev20260603
libtpu: 0.0.44.dev20260713+nightly
codegen_flags: <defaults>
</compile_context>

<pallas_src>
import functools

import jax
import jax.numpy as jnp
from jax import lax
from jax.experimental import pallas as pl
from jax.experimental.pallas import tpu as pltpu
from jax.experimental.pallas import tpu_sc as plsc

NC = 2
NS = 16
NW = NC * NS
L = 16

CHUNK = 80
NSLOT = 3
NROT = 3


def _linear_relu(x, W, b):
    n, d = x.shape
    blk = 1000
    assert n % blk == 0

    def body(x_ref, w_ref, b_ref, o_ref):
        y = lax.dot_general(x_ref[...], w_ref[...], (((1,), (1,)), ((), ())),
                            preferred_element_type=jnp.float32)
        o_ref[...] = jnp.maximum(y + b_ref[...], 0.0)

    return pl.pallas_call(
        body,
        grid=(n // blk,),
        in_specs=[
            pl.BlockSpec((blk, d), lambda i: (i, 0)),
            pl.BlockSpec((d, d), lambda i: (0, 0)),
            pl.BlockSpec((1, d), lambda i: (0, 0)),
        ],
        out_specs=pl.BlockSpec((blk, d), lambda i: (i, 0)),
        out_shape=jax.ShapeDtypeStruct((n, d), jnp.float32),
    )(x, W, b.reshape(1, d))


def _make_sc_agg(n, d, e):
    ept = e // NW
    assert ept * NW == e and ept % CHUNK == 0
    steps = ept // CHUNK
    trips = (steps - 2) // NSLOT
    assert trips * NSLOT + 2 == steps
    span = -(-(n - 8 * CHUNK) // (NS - 1)) if NS > 1 else 0
    span -= span % 8
    zchunks = 8
    assert span * (NS - 1) + zchunks * CHUNK >= n and span > 0
    mesh = plsc.VectorSubcoreMesh(core_axis_name="c", subcore_axis_name="s",
                                  num_cores=NC, num_subcores=NS)

    @functools.partial(
        pl.kernel,
        out_type=(
            jax.ShapeDtypeStruct((NC, n, d), jnp.float32),
            jax.ShapeDtypeStruct((NW * n,), jnp.float32),
        ),
        mesh=mesh,
        scratch_types=[
            pltpu.VMEM_SHARED((n, d), jnp.float32),
            pltpu.VMEM((n,), jnp.float32),
            pltpu.VMEM((NSLOT, CHUNK), jnp.int32),
            pltpu.VMEM((NSLOT, CHUNK), jnp.int32),
            pltpu.VMEM((NSLOT, CHUNK), jnp.float32),
            pltpu.VMEM((NROT, CHUNK, d), jnp.float32),
            pltpu.SemaphoreType.DMA,
            pltpu.SemaphoreType.DMA,
            pltpu.SemaphoreType.DMA,
        ],
        compiler_params=pltpu.CompilerParams(needs_layout_passes=False),
    )
    def sc_agg(xt, src_h, dst_h, w_h, out, rs_out,
               aggr_sh, rs_v, dst_r, src_r, w_r, rows_v, gsem, ssem, isem):
        cid = lax.axis_index("c")
        sid = lax.axis_index("s")
        wid = sid * NC + cid

        zero16 = jnp.zeros((L,), jnp.float32)

        @plsc.parallel_loop(0, NROT * CHUNK * (d // L), unroll=8)
        def _zrow(i):
            rows_v[i // (d // L) // CHUNK, (i // (d // L)) % CHUNK,
                   pl.ds((i % (d // L)) * L, L)] = zero16

        @plsc.parallel_loop(0, n // L, unroll=8)
        def _zrs(i):
            rs_v[pl.ds(i * L, L)] = zero16

        row0 = pl.multiple_of(sid * span, 8)
        zdescs = [
            pltpu.async_copy(rows_v.at[0],
                             aggr_sh.at[pl.ds(row0 + k * CHUNK, CHUNK)], gsem)
            for k in range(zchunks)
        ]
        for zd in zdescs:
            zd.wait()
        plsc.subcore_barrier()

        ebase = pl.multiple_of(wid * ept, 8)

        def chunk_off(t):
            return pl.multiple_of(ebase + lax.rem(t, steps) * CHUNK, 8)

        def load_idx(t, slot):
            o = chunk_off(t)
            pltpu.async_copy(dst_h.at[pl.ds(o, CHUNK)], dst_r.at[slot], isem)
            pltpu.async_copy(src_h.at[pl.ds(o, CHUNK)], src_r.at[slot], isem)
            pltpu.async_copy(w_h.at[pl.ds(o, CHUNK)], w_r.at[slot], isem)

        def wait_idx(slot):
            for ref in (dst_r, src_r, w_r):
                pltpu.make_async_copy(dst_h.at[pl.ds(ebase, CHUNK)],
                                      ref.at[slot], isem).wait()

        def start_gather(slot, r):
            pltpu.async_copy(xt.at[dst_r.at[slot]], rows_v.at[r], gsem)

        def wait_gather(slot, r):
            pltpu.make_async_copy(xt.at[dst_r.at[slot]], rows_v.at[r],
                                  gsem).wait()

        def start_scatter(slot, r):
            pltpu.async_copy(rows_v.at[r], aggr_sh.at[src_r.at[slot]], ssem,
                             add=True)

        def wait_scatter(slot, r):
            pltpu.make_async_copy(rows_v.at[r], aggr_sh.at[src_r.at[slot]],
                                  ssem).wait()

        def scale_and_deg(slot, r):
            @plsc.parallel_loop(0, CHUNK, unroll=4)
            def _row_body(i):
                wb = plsc.load_gather(w_r.at[slot],
                                      [jnp.zeros((L,), jnp.int32) + i])
                for cb in range(d // L):
                    rows_v[r, i, pl.ds(cb * L, L)] = (
                        rows_v[r, i, pl.ds(cb * L, L)] * wb)

            for g in range(CHUNK // L):
                sv = src_r[slot, pl.ds(g * L, L)]
                wv = w_r[slot, pl.ds(g * L, L)]
                plsc.addupdate_scatter(rs_v, [sv], wv)

        load_idx(0, 0)
        for _ in range(3):
            pltpu.make_async_copy(dst_h.at[pl.ds(ebase, CHUNK)],
                                  dst_r.at[0], isem).wait()
        load_idx(1, 1)
        start_gather(0, 0)
        start_scatter(0, 1)
        start_scatter(0, 2)

        def trip_body(k, _):
            t0 = k * NSLOT
            for j in range(NSLOT):
                t = t0 + j
                sj = j
                sn = (j + 1) % NSLOT
                sp = (j + 2) % NSLOT
                wait_scatter(sn, sn)
                wait_idx(sn)
                start_gather(sn, sn)
                wait_gather(sj, sj)
                load_idx(t + 2, sp)
                scale_and_deg(sj, sj)
                start_scatter(sj, sj)
            return 0

        lax.fori_loop(0, trips, trip_body, 0)

        wait_scatter(1, 1)
        wait_idx(1)
        start_gather(1, 1)
        wait_gather(0, 0)
        scale_and_deg(0, 0)
        start_scatter(0, 0)
        wait_scatter(2, 2)
        wait_gather(1, 1)
        scale_and_deg(1, 1)
        start_scatter(1, 1)
        wait_scatter(0, 0)
        wait_scatter(1, 1)

        plsc.subcore_barrier()

        wdescs = [
            pltpu.async_copy(aggr_sh.at[pl.ds(pl.multiple_of(row0 + k * CHUNK, 8), CHUNK)],
                             out.at[cid, pl.ds(pl.multiple_of(row0 + k * CHUNK, 8), CHUNK)],
                             gsem)
            for k in range(zchunks)
        ]
        wdescs.append(pltpu.async_copy(rs_v, rs_out.at[pl.ds(wid * n, n)], ssem))
        for wd in wdescs:
            wd.wait()

    return sc_agg


def _combine(parts, rs, n, d):
    blk = 1000
    assert n % blk == 0

    def body(p_ref, r_ref, o_ref):
        s = p_ref[0] + p_ref[1]
        deg = lax.dot_general(r_ref[0], jnp.ones((NW, 1), jnp.float32),
                              (((0,), (0,)), ((), ())),
                              preferred_element_type=jnp.float32)
        o_ref[...] = s / jnp.maximum(deg, 1.0)

    return pl.pallas_call(
        body,
        grid=(n // blk,),
        in_specs=[
            pl.BlockSpec((NC, blk, d), lambda i: (0, i, 0)),
            pl.BlockSpec((1, NW, blk), lambda i: (i, 0, 0)),
        ],
        out_specs=pl.BlockSpec((blk, d), lambda i: (i, 0)),
        out_shape=jax.ShapeDtypeStruct((n, d), jnp.float32),
    )(parts, rs)


def kernel(x, edge_index, num_node, edge_weight, W, b):
    del num_node
    n, d = x.shape
    e = edge_index.shape[1]
    xt = _linear_relu(x, W, b)
    src = edge_index[0]
    dst = edge_index[1]
    parts, rs = _make_sc_agg(n, d, e)(xt, src, dst, edge_weight)
    blk = 1000
    rs3 = rs.reshape(NW, n // blk, blk).swapaxes(0, 1)
    return _combine(parts, rs3, n, d)

# --- scband reference (transcript-rebuilt; emitter-appended) ---
"""Pipeline reference for scband-neigh-agg-49323404427460 (READ-ONLY COPY).

The authoritative reference and input builder live on the scoring server;
editing this copy changes nothing except your own understanding.
"""

import jax, jax.numpy as jnp
import numpy as np

N = 10000
E = 320000
D = 128

def setup_inputs(seed: int = 0) -> dict:
    key = jax.random.key(seed)
    k1, k2, k3, k4 = jax.random.split(key, 4)
    x = jax.random.normal(k1, (N, D), dtype=jnp.float32)
    edge_index = jax.random.randint(k2, (2, E), 0, N, dtype=jnp.int32)
    edge_weight = jax.random.uniform(k3, (E,), dtype=jnp.float32)
    W = jax.random.normal(k4, (D, D), dtype=jnp.float32) * 0.05
    b = jnp.zeros((D,), dtype=jnp.float32)
    return {"x": x, "edge_index": edge_index, "num_node": N, "edge_weight": edge_weight, "W": W, "b": b}

def reference(x, edge_index, num_node, edge_weight, W, b):
    num_node_static = x.shape[0]
    source_nodes = edge_index[0] + num_node * 0
    target_nodes = edge_index[1]
    # x_target = relu(Linear(x))
    x_target = jax.nn.relu(x @ W.T + b)
    # gather target rows and scale by edge weight
    x_target_weighted = x_target[target_nodes] * edge_weight[:, None]
    # scatter-add into source node slots (index_add_)
    aggr_features = jnp.zeros((num_node_static, x.shape[1]), dtype=x.dtype).at[source_nodes].add(x_target_weighted)
    # weighted degree normalization (bincount with weights, clamp min=1)
    row_sum = jnp.bincount(source_nodes, weights=edge_weight, length=num_node_static).astype(jnp.float32)
    row_sum = jnp.clip(row_sum, 1.0, None)
    aggr_features = aggr_features / row_sum[:, None]
    # dropout p=0.0 in eval -> identity
    return aggr_features

if __name__ == "__main__":
    import jax
    _d = setup_inputs()
    print(jax.jit(kernel)(*tuple(_d.values())))

</pallas_src>

<mosaic_0001>
#map = affine_map<(d0, d1) -> (0, 0)>
#map1 = affine_map<(d0, d1) -> (0)>
#map2 = affine_map<(d0, d1) -> (0, 0, 0)>
module attributes {stable_mosaic.version = 14 : i64} {
  func.func @sc_agg(%arg0: i32, %arg1: i32, %arg2: memref<10000x128xf32, #tpu.memory_space<hbm>>, %arg3: memref<320000xi32, #tpu.memory_space<hbm>>, %arg4: memref<320000xi32, #tpu.memory_space<hbm>>, %arg5: memref<320000xf32, #tpu.memory_space<hbm>>, %arg6: memref<2x10000x128xf32, #tpu.memory_space<hbm>>, %arg7: memref<320000xf32, #tpu.memory_space<hbm>>, %arg8: memref<10000x128xf32, #tpu.memory_space<vmem_shared>>, %arg9: memref<10000xf32, #tpu.memory_space<vmem>>, %arg10: memref<3x80xi32, #tpu.memory_space<vmem>>, %arg11: memref<3x80xi32, #tpu.memory_space<vmem>>, %arg12: memref<3x80xf32, #tpu.memory_space<vmem>>, %arg13: memref<3x80x128xf32, #tpu.memory_space<vmem>>, %arg14: memref<!tpu.dma_semaphore, #tpu.memory_space<semaphore_mem>>, %arg15: memref<!tpu.dma_semaphore, #tpu.memory_space<semaphore_mem>>, %arg16: memref<!tpu.dma_semaphore, #tpu.memory_space<semaphore_mem>>) attributes {dimension_semantics = [#tpu.dimension_semantics<core_parallel>, #tpu.dimension_semantics<subcore_parallel>], iteration_bounds = array<i64: 2, 16>, scalar_prefetch = 0 : i64, scratch_operands = 9 : i64, tpu.core_type = #tpu.core_type<sc_vector_subcore>, window_params = [{transform_indices = #map}, {transform_indices = #map1}, {transform_indices = #map1}, {transform_indices = #map1}, {transform_indices = #map2}, {transform_indices = #map1}]} {
    %mul3A = arith.constant 2 : i32
    %mul3A_0 = arith.muli %arg1, %mul3A : i32
    %add3A = arith.addi %mul3A_0, %arg0 : i32
    %broadcast_in_dim3A = arith.constant 0.000000e+00 : f32
    %broadcast_in_dim3A_1 = vector.broadcast %broadcast_in_dim3A : f32 to vector<16xf32>
    %parallel_loop3A = arith.constant 0 : i32
    %parallel_loop3A_2 = arith.constant 1920 : i32
    %parallel_loop3A_3 = arith.constant 1 : i32
    scf.for %parallel_loop3A_725 = %parallel_loop3A to %parallel_loop3A_2 step %parallel_loop3A_3  : i32 {
      %parallel_loop3A_726 = arith.constant 8 : i32
      %parallel_loop3A_727 = arith.divsi %parallel_loop3A_725, %parallel_loop3A_726 : i32
      %parallel_loop3A_728 = arith.constant 0 : i32
      %parallel_loop3A_729 = arith.cmpi sgt, %parallel_loop3A_725, %parallel_loop3A_728 : i32
      %parallel_loop3A_730 = arith.extui %parallel_loop3A_729 : i1 to i32
      %parallel_loop3A_731 = arith.constant 0 : i32
      %parallel_loop3A_732 = arith.cmpi slt, %parallel_loop3A_725, %parallel_loop3A_731 : i32
      %parallel_loop3A_733 = arith.extui %parallel_loop3A_732 : i1 to i32
      %parallel_loop3A_734 = arith.subi %parallel_loop3A_730, %parallel_loop3A_733 : i32
      %parallel_loop3A_735 = arith.constant 0 : i32
      %parallel_loop3A_736 = arith.cmpi sgt, %parallel_loop3A_726, %parallel_loop3A_735 : i32
      %parallel_loop3A_737 = arith.extui %parallel_loop3A_736 : i1 to i32
      %parallel_loop3A_738 = arith.constant 0 : i32
      %parallel_loop3A_739 = arith.cmpi slt, %parallel_loop3A_726, %parallel_loop3A_738 : i32
      %parallel_loop3A_740 = arith.extui %parallel_loop3A_739 : i1 to i32
      %parallel_loop3A_741 = arith.subi %parallel_loop3A_737, %parallel_loop3A_740 : i32
      %parallel_loop3A_742 = arith.cmpi ne, %parallel_loop3A_734, %parallel_loop3A_741 : i32
      %parallel_loop3A_743 = arith.remsi %parallel_loop3A_725, %parallel_loop3A_726 : i32
      %parallel_loop3A_744 = arith.constant 0 : i32
      %parallel_loop3A_745 = arith.cmpi ne, %parallel_loop3A_743, %parallel_loop3A_744 : i32
      %parallel_loop3A_746 = arith.andi %parallel_loop3A_742, %parallel_loop3A_745 : i1
      %parallel_loop3A_747 = arith.constant 1 : i32
      %parallel_loop3A_748 = arith.subi %parallel_loop3A_727, %parallel_loop3A_747 : i32
      %parallel_loop3A_749 = arith.select %parallel_loop3A_746, %parallel_loop3A_748, %parallel_loop3A_727 : i32
      %parallel_loop3A_750 = arith.constant 80 : i32
      %parallel_loop3A_751 = arith.divsi %parallel_loop3A_749, %parallel_loop3A_750 : i32
      %parallel_loop3A_752 = arith.constant 0 : i32
      %parallel_loop3A_753 = arith.cmpi sgt, %parallel_loop3A_749, %parallel_loop3A_752 : i32
      %parallel_loop3A_754 = arith.extui %parallel_loop3A_753 : i1 to i32
      %parallel_loop3A_755 = arith.constant 0 : i32
      %parallel_loop3A_756 = arith.cmpi slt, %parallel_loop3A_749, %parallel_loop3A_755 : i32
      %parallel_loop3A_757 = arith.extui %parallel_loop3A_756 : i1 to i32
      %parallel_loop3A_758 = arith.subi %parallel_loop3A_754, %parallel_loop3A_757 : i32
      %parallel_loop3A_759 = arith.constant 0 : i32
      %parallel_loop3A_760 = arith.cmpi sgt, %parallel_loop3A_750, %parallel_loop3A_759 : i32
      %parallel_loop3A_761 = arith.extui %parallel_loop3A_760 : i1 to i32
      %parallel_loop3A_762 = arith.constant 0 : i32
      %parallel_loop3A_763 = arith.cmpi slt, %parallel_loop3A_750, %parallel_loop3A_762 : i32
      %parallel_loop3A_764 = arith.extui %parallel_loop3A_763 : i1 to i32
      %parallel_loop3A_765 = arith.subi %parallel_loop3A_761, %parallel_loop3A_764 : i32
      %parallel_loop3A_766 = arith.cmpi ne, %parallel_loop3A_758, %parallel_loop3A_765 : i32
      %parallel_loop3A_767 = arith.remsi %parallel_loop3A_749, %parallel_loop3A_750 : i32
      %parallel_loop3A_768 = arith.constant 0 : i32
      %parallel_loop3A_769 = arith.cmpi ne, %parallel_loop3A_767, %parallel_loop3A_768 : i32
      %parallel_loop3A_770 = arith.andi %parallel_loop3A_766, %parallel_loop3A_769 : i1
      %parallel_loop3A_771 = arith.constant 1 : i32
      %parallel_loop3A_772 = arith.subi %parallel_loop3A_751, %parallel_loop3A_771 : i32
      %parallel_loop3A_773 = arith.select %parallel_loop3A_770, %parallel_loop3A_772, %parallel_loop3A_751 : i32
      %parallel_loop3A_774 = arith.constant 8 : i32
      %parallel_loop3A_775 = arith.divsi %parallel_loop3A_725, %parallel_loop3A_774 : i32
      %parallel_loop3A_776 = arith.constant 0 : i32
      %parallel_loop3A_777 = arith.cmpi sgt, %parallel_loop3A_725, %parallel_loop3A_776 : i32
      %parallel_loop3A_778 = arith.extui %parallel_loop3A_777 : i1 to i32
      %parallel_loop3A_779 = arith.constant 0 : i32
      %parallel_loop3A_780 = arith.cmpi slt, %parallel_loop3A_725, %parallel_loop3A_779 : i32
      %parallel_loop3A_781 = arith.extui %parallel_loop3A_780 : i1 to i32
      %parallel_loop3A_782 = arith.subi %parallel_loop3A_778, %parallel_loop3A_781 : i32
      %parallel_loop3A_783 = arith.constant 0 : i32
      %parallel_loop3A_784 = arith.cmpi sgt, %parallel_loop3A_774, %parallel_loop3A_783 : i32
      %parallel_loop3A_785 = arith.extui %parallel_loop3A_784 : i1 to i32
      %parallel_loop3A_786 = arith.constant 0 : i32
      %parallel_loop3A_787 = arith.cmpi slt, %parallel_loop3A_774, %parallel_loop3A_786 : i32
      %parallel_loop3A_788 = arith.extui %parallel_loop3A_787 : i1 to i32
      %parallel_loop3A_789 = arith.subi %parallel_loop3A_785, %parallel_loop3A_788 : i32
      %parallel_loop3A_790 = arith.cmpi ne, %parallel_loop3A_782, %parallel_loop3A_789 : i32
      %parallel_loop3A_791 = arith.remsi %parallel_loop3A_725, %parallel_loop3A_774 : i32
      %parallel_loop3A_792 = arith.constant 0 : i32
      %parallel_loop3A_793 = arith.cmpi ne, %parallel_loop3A_791, %parallel_loop3A_792 : i32
      %parallel_loop3A_794 = arith.andi %parallel_loop3A_790, %parallel_loop3A_793 : i1
      %parallel_loop3A_795 = arith.constant 1 : i32
      %parallel_loop3A_796 = arith.subi %parallel_loop3A_775, %parallel_loop3A_795 : i32
      %parallel_loop3A_797 = arith.select %parallel_loop3A_794, %parallel_loop3A_796, %parallel_loop3A_775 : i32
      %parallel_loop3A_798 = arith.constant 80 : i32
      %parallel_loop3A_799 = arith.constant 0 : i32
      %parallel_loop3A_800 = arith.cmpi eq, %parallel_loop3A_798, %parallel_loop3A_799 : i32
      %parallel_loop3A_801 = arith.constant 1 : i32
      %parallel_loop3A_802 = arith.select %parallel_loop3A_800, %parallel_loop3A_801, %parallel_loop3A_798 : i32
      %parallel_loop3A_803 = arith.remsi %parallel_loop3A_797, %parallel_loop3A_802 : i32
      %parallel_loop3A_804 = arith.constant 0 : i32
      %parallel_loop3A_805 = arith.cmpi ne, %parallel_loop3A_803, %parallel_loop3A_804 : i32
      %parallel_loop3A_806 = arith.constant 0 : i32
      %parallel_loop3A_807 = arith.cmpi slt, %parallel_loop3A_803, %parallel_loop3A_806 : i32
      %parallel_loop3A_808 = arith.constant 0 : i32
      %parallel_loop3A_809 = arith.cmpi slt, %parallel_loop3A_802, %parallel_loop3A_808 : i32
      %parallel_loop3A_810 = arith.xori %parallel_loop3A_807, %parallel_loop3A_809 : i1
      %parallel_loop3A_811 = arith.andi %parallel_loop3A_810, %parallel_loop3A_805 : i1
      %parallel_loop3A_812 = arith.addi %parallel_loop3A_803, %parallel_loop3A_802 : i32
      %parallel_loop3A_813 = arith.select %parallel_loop3A_811, %parallel_loop3A_812, %parallel_loop3A_803 : i32
      %parallel_loop3A_814 = arith.constant 8 : i32
      %parallel_loop3A_815 = arith.constant 0 : i32
      %parallel_loop3A_816 = arith.cmpi eq, %parallel_loop3A_814, %parallel_loop3A_815 : i32
      %parallel_loop3A_817 = arith.constant 1 : i32
      %parallel_loop3A_818 = arith.select %parallel_loop3A_816, %parallel_loop3A_817, %parallel_loop3A_814 : i32
      %parallel_loop3A_819 = arith.remsi %parallel_loop3A_725, %parallel_loop3A_818 : i32
      %parallel_loop3A_820 = arith.constant 0 : i32
      %parallel_loop3A_821 = arith.cmpi ne, %parallel_loop3A_819, %parallel_loop3A_820 : i32
      %parallel_loop3A_822 = arith.constant 0 : i32
      %parallel_loop3A_823 = arith.cmpi slt, %parallel_loop3A_819, %parallel_loop3A_822 : i32
      %parallel_loop3A_824 = arith.constant 0 : i32
      %parallel_loop3A_825 = arith.cmpi slt, %parallel_loop3A_818, %parallel_loop3A_824 : i32
      %parallel_loop3A_826 = arith.xori %parallel_loop3A_823, %parallel_loop3A_825 : i1
      %parallel_loop3A_827 = arith.andi %parallel_loop3A_826, %parallel_loop3A_821 : i1
      %parallel_loop3A_828 = arith.addi %parallel_loop3A_819, %parallel_loop3A_818 : i32
      %parallel_loop3A_829 = arith.select %parallel_loop3A_827, %parallel_loop3A_828, %parallel_loop3A_819 : i32
      %parallel_loop3A_830 = arith.constant 16 : i32
      %parallel_loop3A_831 = arith.muli %parallel_loop3A_829, %parallel_loop3A_830 : i32
      %parallel_loop3A_832 = arith.index_cast %parallel_loop3A_773 : i32 to index
      %parallel_loop3A_833 = arith.index_cast %parallel_loop3A_813 : i32 to index
      %parallel_loop3A_834 = arith.index_cast %parallel_loop3A_831 : i32 to index
      %parallel_loop3A_835 = tpu.vector_load %arg13[%parallel_loop3A_832, %parallel_loop3A_833, %parallel_loop3A_834] {strides = array<i32>} : memref<3x80x128xf32, #tpu.memory_space<vmem>>, vector<16xf32>,
      tpu.vector_store %arg13[%parallel_loop3A_832, %parallel_loop3A_833, %parallel_loop3A_834], %broadcast_in_dim3A_1 {strides = array<i32>} : memref<3x80x128xf32, #tpu.memory_space<vmem>>, vector<16xf32>,
    } {sc.loop_unroll_factor = 8 : i64, sc.parallel_access}
    %parallel_loop3A_4 = arith.constant 0 : i32
    %parallel_loop3A_5 = arith.constant 625 : i32
    %parallel_loop3A_6 = arith.constant 1 : i32
    scf.for %parallel_loop3A_725 = %parallel_loop3A_4 to %parallel_loop3A_5 step %parallel_loop3A_6  : i32 {
      %parallel_loop3A_726 = arith.constant 16 : i32
      %parallel_loop3A_727 = arith.muli %parallel_loop3A_725, %parallel_loop3A_726 : i32
      %parallel_loop3A_728 = arith.index_cast %parallel_loop3A_727 : i32 to index
      %parallel_loop3A_729 = tpu.vector_load %arg9[%parallel_loop3A_728] {strides = array<i32>} : memref<10000xf32, #tpu.memory_space<vmem>>, vector<16xf32>,
      tpu.vector_store %arg9[%parallel_loop3A_728], %broadcast_in_dim3A_1 {strides = array<i32>} : memref<10000xf32, #tpu.memory_space<vmem>>, vector<16xf32>,
    } {sc.loop_unroll_factor = 8 : i64, sc.parallel_access}
    %mul3A_7 = arith.constant 624 : i32
    %mul3A_8 = arith.muli %arg1, %mul3A_7 : i32
    %multiple_of3A = tpu.assume_multiple %mul3A_8, 8 : i32
    %add3A_9 = arith.constant 0 : i32
    %add3A_10 = arith.addi %multiple_of3A, %add3A_9 : i32
    %dma_start3A = arith.constant 0 : i32
    %dma_start3A_11 = arith.constant 0 : i32
    %dma_start3A_12 = arith.constant 0 : i32
    %dma_start3A_13 = tpu.memref_slice %arg13[%dma_start3A, %dma_start3A_11, %dma_start3A_12] : memref<3x80x128xf32, #tpu.memory_space<vmem>> -> memref<1x80x128xf32, #tpu.memory_space<vmem>>
    %dma_start3A_14 = tpu.memref_squeeze %dma_start3A_13 : memref<1x80x128xf32, #tpu.memory_space<vmem>> -> memref<80x128xf32, #tpu.memory_space<vmem>>
    %dma_start3A_15 = arith.constant 0 : i32
    %dma_start3A_16 = tpu.memref_slice %arg8[%add3A_10, %dma_start3A_15] : memref<10000x128xf32, #tpu.memory_space<vmem_shared>> -> memref<80x128xf32, #tpu.memory_space<vmem_shared>>
    %dma_start3A_17 = arith.constant 0 : i32
    %dma_start3A_18 = tpu.memref_slice %arg8[%add3A_10, %dma_start3A_17] : memref<10000x128xf32, #tpu.memory_space<vmem_shared>> -> memref<80x128xf32, #tpu.memory_space<vmem_shared>>
    %dma_start3A_19 = arith.constant 0 : i32
    %dma_start3A_20 = arith.constant 0 : i32
    %dma_start3A_21 = tpu.memref_slice %arg13[%dma_start3A, %dma_start3A_19, %dma_start3A_20] : memref<3x80x128xf32, #tpu.memory_space<vmem>> -> memref<1x80x128xf32, #tpu.memory_space<vmem>>
    %dma_start3A_22 = tpu.memref_squeeze %dma_start3A_21 : memref<1x80x128xf32, #tpu.memory_space<vmem>> -> memref<80x128xf32, #tpu.memory_space<vmem>>
    tpu.enqueue_dma source(%dma_start3A_22 : memref<80x128xf32, #tpu.memory_space<vmem>>) target(%dma_start3A_18 : memref<80x128xf32, #tpu.memory_space<vmem_shared>>) target_semaphore(%arg14 : memref<!tpu.dma_semaphore, #tpu.memory_space<semaphore_mem>>)
    %add3A_23 = arith.constant 80 : i32
    %add3A_24 = arith.addi %multiple_of3A, %add3A_23 : i32
    %dma_start3A_25 = arith.constant 0 : i32
    %dma_start3A_26 = arith.constant 0 : i32
    %dma_start3A_27 = arith.constant 0 : i32
    %dma_start3A_28 = tpu.memref_slice %arg13[%dma_start3A_25, %dma_start3A_26, %dma_start3A_27] : memref<3x80x128xf32, #tpu.memory_space<vmem>> -> memref<1x80x128xf32, #tpu.memory_space<vmem>>
    %dma_start3A_29 = tpu.memref_squeeze %dma_start3A_28 : memref<1x80x128xf32, #tpu.memory_space<vmem>> -> memref<80x128xf32, #tpu.memory_space<vmem>>
    %dma_start3A_30 = arith.constant 0 : i32
    %dma_start3A_31 = tpu.memref_slice %arg8[%add3A_24, %dma_start3A_30] : memref<10000x128xf32, #tpu.memory_space<vmem_shared>> -> memref<80x128xf32, #tpu.memory_space<vmem_shared>>
    %dma_start3A_32 = arith.constant 0 : i32
    %dma_start3A_33 = tpu.memref_slice %arg8[%add3A_24, %dma_start3A_32] : memref<10000x128xf32, #tpu.memory_space<vmem_shared>> -> memref<80x128xf32, #tpu.memory_space<vmem_shared>>
    %dma_start3A_34 = arith.constant 0 : i32
    %dma_start3A_35 = arith.constant 0 : i32
    %dma_start3A_36 = tpu.memref_slice %arg13[%dma_start3A_25, %dma_start3A_34, %dma_start3A_35] : memref<3x80x128xf32, #tpu.memory_space<vmem>> -> memref<1x80x128xf32, #tpu.memory_space<vmem>>
    %dma_start3A_37 = tpu.memref_squeeze %dma_start3A_36 : memref<1x80x128xf32, #tpu.memory_space<vmem>> -> memref<80x128xf32, #tpu.memory_space<vmem>>
    tpu.enqueue_dma source(%dma_start3A_37 : memref<80x128xf32, #tpu.memory_space<vmem>>) target(%dma_start3A_33 : memref<80x128xf32, #tpu.memory_space<vmem_shared>>) target_semaphore(%arg14 : memref<!tpu.dma_semaphore, #tpu.memory_space<semaphore_mem>>)
    %add3A_38 = arith.constant 160 : i32
    %add3A_39 = arith.addi %multiple_of3A, %add3A_38 : i32
    %dma_start3A_40 = arith.constant 0 : i32
    %dma_start3A_41 = arith.constant 0 : i32
    %dma_start3A_42 = arith.constant 0 : i32
    %dma_start3A_43 = tpu.memref_slice %arg13[%dma_start3A_40, %dma_start3A_41, %dma_start3A_42] : memref<3x80x128xf32, #tpu.memory_space<vmem>> -> memref<1x80x128xf32, #tpu.memory_space<vmem>>
    %dma_start3A_44 = tpu.memref_squeeze %dma_start3A_43 : memref<1x80x128xf32, #tpu.memory_space<vmem>> -> memref<80x128xf32, #tpu.memory_space<vmem>>
    %dma_start3A_45 = arith.constant 0 : i32
    %dma_start3A_46 = tpu.memref_slice %arg8[%add3A_39, %dma_start3A_45] : memref<10000x128xf32, #tpu.memory_space<vmem_shared>> -> memref<80x128xf32, #tpu.memory_space<vmem_shared>>
    %dma_start3A_47 = arith.constant 0 : i32
    %dma_start3A_48 = tpu.memref_slice %arg8[%add3A_39, %dma_start3A_47] : memref<10000x128xf32, #tpu.memory_space<vmem_shared>> -> memref<80x128xf32, #tpu.memory_space<vmem_shared>>
    %dma_start3A_49 = arith.constant 0 : i32
    %dma_start3A_50 = arith.constant 0 : i32
    %dma_start3A_51 = tpu.memref_slice %arg13[%dma_start3A_40, %dma_start3A_49, %dma_start3A_50] : memref<3x80x128xf32, #tpu.memory_space<vmem>> -> memref<1x80x128xf32, #tpu.memory_space<vmem>>
    %dma_start3A_52 = tpu.memref_squeeze %dma_start3A_51 : memref<1x80x128xf32, #tpu.memory_space<vmem>> -> memref<80x128xf32, #tpu.memory_space<vmem>>
    tpu.enqueue_dma source(%dma_start3A_52 : memref<80x128xf32, #tpu.memory_space<vmem>>) target(%dma_start3A_48 : memref<80x128xf32, #tpu.memory_space<vmem_shared>>) target_semaphore(%arg14 : memref<!tpu.dma_semaphore, #tpu.memory_space<semaphore_mem>>)
    %add3A_53 = arith.constant 240 : i32
    %add3A_54 = arith.addi %multiple_of3A, %add3A_53 : i32
    %dma_start3A_55 = arith.constant 0 : i32
    %dma_start3A_56 = arith.constant 0 : i32
    %dma_start3A_57 = arith.constant 0 : i32
    %dma_start3A_58 = tpu.memref_slice %arg13[%dma_start3A_55, %dma_start3A_56, %dma_start3A_57] : memref<3x80x128xf32, #tpu.memory_space<vmem>> -> memref<1x80x128xf32, #tpu.memory_space<vmem>>
    %dma_start3A_59 = tpu.memref_squeeze %dma_start3A_58 : memref<1x80x128xf32, #tpu.memory_space<vmem>> -> memref<80x128xf32, #tpu.memory_space<vmem>>
    %dma_start3A_60 = arith.constant 0 : i32
    %dma_start3A_61 = tpu.memref_slice %arg8[%add3A_54, %dma_start3A_60] : memref<10000x128xf32, #tpu.memory_space<vmem_shared>> -> memref<80x128xf32, #tpu.memory_space<vmem_shared>>
    %dma_start3A_62 = arith.constant 0 : i32
    %dma_start3A_63 = tpu.memref_slice %arg8[%add3A_54, %dma_start3A_62] : memref<10000x128xf32, #tpu.memory_space<vmem_shared>> -> memref<80x128xf32, #tpu.memory_space<vmem_shared>>
    %dma_start3A_64 = arith.constant 0 : i32
    %dma_start3A_65 = arith.constant 0 : i32
    %dma_start3A_66 = tpu.memref_slice %arg13[%dma_start3A_55, %dma_start3A_64, %dma_start3A_65] : memref<3x80x128xf32, #tpu.memory_space<vmem>> -> memref<1x80x128xf32, #tpu.memory_space<vmem>>
    %dma_start3A_67 = tpu.memref_squeeze %dma_start3A_66 : memref<1x80x128xf32, #tpu.memory_space<vmem>> -> memref<80x128xf32, #tpu.memory_space<vmem>>
    tpu.enqueue_dma source(%dma_start3A_67 : memref<80x128xf32, #tpu.memory_space<vmem>>) target(%dma_start3A_63 : memref<80x128xf32, #tpu.memory_space<vmem_shared>>) target_semaphore(%arg14 : memref<!tpu.dma_semaphore, #tpu.memory_space<semaphore_mem>>)
    %add3A_68 = arith.constant 320 : i32
    %add3A_69 = arith.addi %multiple_of3A, %add3A_68 : i32
    %dma_start3A_70 = arith.constant 0 : i32
    %dma_start3A_71 = arith.constant 0 : i32
    %dma_start3A_72 = arith.constant 0 : i32
    %dma_start3A_73 = tpu.memref_slice %arg13[%dma_start3A_70, %dma_start3A_71, %dma_start3A_72] : memref<3x80x128xf32, #tpu.memory_space<vmem>> -> memref<1x80x128xf32, #tpu.memory_space<vmem>>
    %dma_start3A_74 = tpu.memref_squeeze %dma_start3A_73 : memref<1x80x128xf32, #tpu.memory_space<vmem>> -> memref<80x128xf32, #tpu.memory_space<vmem>>
    %dma_start3A_75 = arith.constant 0 : i32
    %dma_start3A_76 = tpu.memref_slice %arg8[%add3A_69, %dma_start3A_75] : memref<10000x128xf32, #tpu.memory_space<vmem_shared>> -> memref<80x128xf32, #tpu.memory_space<vmem_shared>>
    %dma_start3A_77 = arith.constant 0 : i32
    %dma_start3A_78 = tpu.memref_slice %arg8[%add3A_69, %dma_start3A_77] : memref<10000x128xf32, #tpu.memory_space<vmem_shared>> -> memref<80x128xf32, #tpu.memory_space<vmem_shared>>
    %dma_start3A_79 = arith.constant 0 : i32
    %dma_start3A_80 = arith.constant 0 : i32
    %dma_start3A_81 = tpu.memref_slice %arg13[%dma_start3A_70, %dma_start3A_79, %dma_start3A_80] : memref<3x80x128xf32, #tpu.memory_space<vmem>> -> memref<1x80x128xf32, #tpu.memory_space<vmem>>
    %dma_start3A_82 = tpu.memref_squeeze %dma_start3A_81 : memref<1x80x128xf32, #tpu.memory_space<vmem>> -> memref<80x128xf32, #tpu.memory_space<vmem>>
    tpu.enqueue_dma source(%dma_start3A_82 : memref<80x128xf32, #tpu.memory_space<vmem>>) target(%dma_start3A_78 : memref<80x128xf32, #tpu.memory_space<vmem_shared>>) target_semaphore(%arg14 : memref<!tpu.dma_semaphore, #tpu.memory_space<semaphore_mem>>)
    %add3A_83 = arith.constant 400 : i32
    %add3A_84 = arith.addi %multiple_of3A, %add3A_83 : i32
    %dma_start3A_85 = arith.constant 0 : i32
    %dma_start3A_86 = arith.constant 0 : i32
    %dma_start3A_87 = arith.constant 0 : i32
    %dma_start3A_88 = tpu.memref_slice %arg13[%dma_start3A_85, %dma_start3A_86, %dma_start3A_87] : memref<3x80x128xf32, #tpu.memory_space<vmem>> -> memref<1x80x128xf32, #tpu.memory_space<vmem>>
    %dma_start3A_89 = tpu.memref_squeeze %dma_start3A_88 : memref<1x80x128xf32, #tpu.memory_space<vmem>> -> memref<80x128xf32, #tpu.memory_space<vmem>>
    %dma_start3A_90 = arith.constant 0 : i32
    %dma_start3A_91 = tpu.memref_slice %arg8[%add3A_84, %dma_start3A_90] : memref<10000x128xf32, #tpu.memory_space<vmem_shared>> -> memref<80x128xf32, #tpu.memory_space<vmem_shared>>
    %dma_start3A_92 = arith.constant 0 : i32
    %dma_start3A_93 = tpu.memref_slice %arg8[%add3A_84, %dma_start3A_92] : memref<10000x128xf32, #tpu.memory_space<vmem_shared>> -> memref<80x128xf32, #tpu.memory_space<vmem_shared>>
    %dma_start3A_94 = arith.constant 0 : i32
    %dma_start3A_95 = arith.constant 0 : i32
    %dma_start3A_96 = tpu.memref_slice %arg13[%dma_start3A_85, %dma_start3A_94, %dma_start3A_95] : memref<3x80x128xf32, #tpu.memory_space<vmem>> -> memref<1x80x128xf32, #tpu.memory_space<vmem>>
    %dma_start3A_97 = tpu.memref_squeeze %dma_start3A_96 : memref<1x80x128xf32, #tpu.memory_space<vmem>> -> memref<80x128xf32, #tpu.memory_space<vmem>>
    tpu.enqueue_dma source(%dma_start3A_97 : memref<80x128xf32, #tpu.memory_space<vmem>>) target(%dma_start3A_93 : memref<80x128xf32, #tpu.memory_space<vmem_shared>>) target_semaphore(%arg14 : memref<!tpu.dma_semaphore, #tpu.memory_space<semaphore_mem>>)
    %add3A_98 = arith.constant 480 : i32
    %add3A_99 = arith.addi %multiple_of3A, %add3A_98 : i32
    %dma_start3A_100 = arith.constant 0 : i32
    %dma_start3A_101 = arith.constant 0 : i32
    %dma_start3A_102 = arith.constant 0 : i32
    %dma_start3A_103 = tpu.memref_slice %arg13[%dma_start3A_100, %dma_start3A_101, %dma_start3A_102] : memref<3x80x128xf32, #tpu.memory_space<vmem>> -> memref<1x80x128xf32, #tpu.memory_space<vmem>>
    %dma_start3A_104 = tpu.memref_squeeze %dma_start3A_103 : memref<1x80x128xf32, #tpu.memory_space<vmem>> -> memref<80x128xf32, #tpu.memory_space<vmem>>
    %dma_start3A_105 = arith.constant 0 : i32
    %dma_start3A_106 = tpu.memref_slice %arg8[%add3A_99, %dma_start3A_105] : memref<10000x128xf32, #tpu.memory_space<vmem_shared>> -> memref<80x128xf32, #tpu.memory_space<vmem_shared>>
    %dma_start3A_107 = arith.constant 0 : i32
    %dma_start3A_108 = tpu.memref_slice %arg8[%add3A_99, %dma_start3A_107] : memref<10000x128xf32, #tpu.memory_space<vmem_shared>> -> memref<80x128xf32, #tpu.memory_space<vmem_shared>>
    %dma_start3A_109 = arith.constant 0 : i32
    %dma_start3A_110 = arith.constant 0 : i32
    %dma_start3A_111 = tpu.memref_slice %arg13[%dma_start3A_100, %dma_start3A_109, %dma_start3A_110] : memref<3x80x128xf32, #tpu.memory_space<vmem>> -> memref<1x80x128xf32, #tpu.memory_space<vmem>>
    %dma_start3A_112 = tpu.memref_squeeze %dma_start3A_111 : memref<1x80x128xf32, #tpu.memory_space<vmem>> -> memref<80x128xf32, #tpu.memory_space<vmem>>
    tpu.enqueue_dma source(%dma_start3A_112 : memref<80x128xf32, #tpu.memory_space<vmem>>) target(%dma_start3A_108 : memref<80x128xf32, #tpu.memory_space<vmem_shared>>) target_semaphore(%arg14 : memref<!tpu.dma_semaphore, #tpu.memory_space<semaphore_mem>>)
    %add3A_113 = arith.constant 560 : i32
    %add3A_114 = arith.addi %multiple_of3A, %add3A_113 : i32
    %dma_start3A_115 = arith.constant 0 : i32
    %dma_start3A_116 = arith.constant 0 : i32
    %dma_start3A_117 = arith.constant 0 : i32
    %dma_start3A_118 = tpu.memref_slice %arg13[%dma_start3A_115, %dma_start3A_116, %dma_start3A_117] : memref<3x80x128xf32, #tpu.memory_space<vmem>> -> memref<1x80x128xf32, #tpu.memory_space<vmem>>
    %dma_start3A_119 = tpu.memref_squeeze %dma_start3A_118 : memref<1x80x128xf32, #tpu.memory_space<vmem>> -> memref<80x128xf32, #tpu.memory_space<vmem>>
    %dma_start3A_120 = arith.constant 0 : i32
    %dma_start3A_121 = tpu.memref_slice %arg8[%add3A_114, %dma_start3A_120] : memref<10000x128xf32, #tpu.memory_space<vmem_shared>> -> memref<80x128xf32, #tpu.memory_space<vmem_shared>>
    %dma_start3A_122 = arith.constant 0 : i32
    %dma_start3A_123 = tpu.memref_slice %arg8[%add3A_114, %dma_start3A_122] : memref<10000x128xf32, #tpu.memory_space<vmem_shared>> -> memref<80x128xf32, #tpu.memory_space<vmem_shared>>
    %dma_start3A_124 = arith.constant 0 : i32
    %dma_start3A_125 = arith.constant 0 : i32
    %dma_start3A_126 = tpu.memref_slice %arg13[%dma_start3A_115, %dma_start3A_124, %dma_start3A_125] : memref<3x80x128xf32, #tpu.memory_space<vmem>> -> memref<1x80x128xf32, #tpu.memory_space<vmem>>
    %dma_start3A_127 = tpu.memref_squeeze %dma_start3A_126 : memref<1x80x128xf32, #tpu.memory_space<vmem>> -> memref<80x128xf32, #tpu.memory_space<vmem>>
    tpu.enqueue_dma source(%dma_start3A_127 : memref<80x128xf32, #tpu.memory_space<vmem>>) target(%dma_start3A_123 : memref<80x128xf32, #tpu.memory_space<vmem_shared>>) target_semaphore(%arg14 : memref<!tpu.dma_semaphore, #tpu.memory_space<semaphore_mem>>)
    %dma_wait3A = arith.constant 0 : i32
    %dma_wait3A_128 = arith.constant 0 : i32
    %dma_wait3A_129 = arith.constant 0 : i32
    %dma_wait3A_130 = tpu.memref_slice %arg13[%dma_wait3A, %dma_wait3A_128, %dma_wait3A_129] : memref<3x80x128xf32, #tpu.memory_space<vmem>> -> memref<1x80x128xf32, #tpu.memory_space<vmem>>
    %dma_wait3A_131 = tpu.memref_squeeze %dma_wait3A_130 : memref<1x80x128xf32, #tpu.memory_space<vmem>> -> memref<80x128xf32, #tpu.memory_space<vmem>>
    %dma_wait3A_132 = arith.constant 0 : i32
    %dma_wait3A_133 = tpu.memref_slice %arg8[%add3A_10, %dma_wait3A_132] : memref<10000x128xf32, #tpu.memory_space<vmem_shared>> -> memref<80x128xf32, #tpu.memory_space<vmem_shared>>
    %dma_wait3A_134 = arith.constant 0 : i32
    %dma_wait3A_135 = tpu.memref_slice %arg8[%add3A_10, %dma_wait3A_134] : memref<10000x128xf32, #tpu.memory_space<vmem_shared>> -> memref<80x128xf32, #tpu.memory_space<vmem_shared>>
    %dma_wait3A_136 = arith.constant 0 : i32
    %dma_wait3A_137 = arith.constant 0 : i32
    %dma_wait3A_138 = tpu.memref_slice %arg13[%dma_wait3A, %dma_wait3A_136, %dma_wait3A_137] : memref<3x80x128xf32, #tpu.memory_space<vmem>> -> memref<1x80x128xf32, #tpu.memory_space<vmem>>
    %dma_wait3A_139 = tpu.memref_squeeze %dma_wait3A_138 : memref<1x80x128xf32, #tpu.memory_space<vmem>> -> memref<80x128xf32, #tpu.memory_space<vmem>>
    tpu.wait_dma2 semaphore(%arg14 : memref<!tpu.dma_semaphore, #tpu.memory_space<semaphore_mem>>) src(%dma_wait3A_139 : memref<80x128xf32, #tpu.memory_space<vmem>>) dst(%dma_wait3A_135 : memref<80x128xf32, #tpu.memory_space<vmem_shared>>)
    %dma_wait3A_140 = arith.constant 0 : i32
    %dma_wait3A_141 = arith.constant 0 : i32
    %dma_wait3A_142 = arith.constant 0 : i32
    %dma_wait3A_143 = tpu.memref_slice %arg13[%dma_wait3A_140, %dma_wait3A_141, %dma_wait3A_142] : memref<3x80x128xf32, #tpu.memory_space<vmem>> -> memref<1x80x128xf32, #tpu.memory_space<vmem>>
    %dma_wait3A_144 = tpu.memref_squeeze %dma_wait3A_143 : memref<1x80x128xf32, #tpu.memory_space<vmem>> -> memref<80x128xf32, #tpu.memory_space<vmem>>
    %dma_wait3A_145 = arith.constant 0 : i32
    %dma_wait3A_146 = tpu.memref_slice %arg8[%add3A_24, %dma_wait3A_145] : memref<10000x128xf32, #tpu.memory_space<vmem_shared>> -> memref<80x128xf32, #tpu.memory_space<vmem_shared>>
    %dma_wait3A_147 = arith.constant 0 : i32
    %dma_wait3A_148 = tpu.memref_slice %arg8[%add3A_24, %dma_wait3A_147] : memref<10000x128xf32, #tpu.memory_space<vmem_shared>> -> memref<80x128xf32, #tpu.memory_space<vmem_shared>>
    %dma_wait3A_149 = arith.constant 0 : i32
    %dma_wait3A_150 = arith.constant 0 : i32
    %dma_wait3A_151 = tpu.memref_slice %arg13[%dma_wait3A_140, %dma_wait3A_149, %dma_wait3A_150] : memref<3x80x128xf32, #tpu.memory_space<vmem>> -> memref<1x80x128xf32, #tpu.memory_space<vmem>>
    %dma_wait3A_152 = tpu.memref_squeeze %dma_wait3A_151 : memref<1x80x128xf32, #tpu.memory_space<vmem>> -> memref<80x128xf32, #tpu.memory_space<vmem>>
    tpu.wait_dma2 semaphore(%arg14 : memref<!tpu.dma_semaphore, #tpu.memory_space<semaphore_mem>>) src(%dma_wait3A_152 : memref<80x128xf32, #tpu.memory_space<vmem>>) dst(%dma_wait3A_148 : memref<80x128xf32, #tpu.memory_space<vmem_shared>>)
    %dma_wait3A_153 = arith.constant 0 : i32
    %dma_wait3A_154 = arith.constant 0 : i32
    %dma_wait3A_155 = arith.constant 0 : i32
    %dma_wait3A_156 = tpu.memref_slice %arg13[%dma_wait3A_153, %dma_wait3A_154, %dma_wait3A_155] : memref<3x80x128xf32, #tpu.memory_space<vmem>> -> memref<1x80x128xf32, #tpu.memory_space<vmem>>
    %dma_wait3A_157 = tpu.memref_squeeze %dma_wait3A_156 : memref<1x80x128xf32, #tpu.memory_space<vmem>> -> memref<80x128xf32, #tpu.memory_space<vmem>>
    %dma_wait3A_158 = arith.constant 0 : i32
    %dma_wait3A_159 = tpu.memref_slice %arg8[%add3A_39, %dma_wait3A_158] : memref<10000x128xf32, #tpu.memory_space<vmem_shared>> -> memref<80x128xf32, #tpu.memory_space<vmem_shared>>
    %dma_wait3A_160 = arith.constant 0 : i32
    %dma_wait3A_161 = tpu.memref_slice %arg8[%add3A_39, %dma_wait3A_160] : memref<10000x128xf32, #tpu.memory_space<vmem_shared>> -> memref<80x128xf32, #tpu.memory_space<vmem_shared>>
    %dma_wait3A_162 = arith.constant 0 : i32
    %dma_wait3A_163 = arith.constant 0 : i32
    %dma_wait3A_164 = tpu.memref_slice %arg13[%dma_wait3A_153, %dma_wait3A_162, %dma_wait3A_163] : memref<3x80x128xf32, #tpu.memory_space<vmem>> -> memref<1x80x128xf32, #tpu.memory_space<vmem>>
    %dma_wait3A_165 = tpu.memref_squeeze %dma_wait3A_164 : memref<1x80x128xf32, #tpu.memory_space<vmem>> -> memref<80x128xf32, #tpu.memory_space<vmem>>
    tpu.wait_dma2 semaphore(%arg14 : memref<!tpu.dma_semaphore, #tpu.memory_space<semaphore_mem>>) src(%dma_wait3A_165 : memref<80x128xf32, #tpu.memory_space<vmem>>) dst(%dma_wait3A_161 : memref<80x128xf32, #tpu.memory_space<vmem_shared>>)
    %dma_wait3A_166 = arith.constant 0 : i32
    %dma_wait3A_167 = arith.constant 0 : i32
    %dma_wait3A_168 = arith.constant 0 : i32
    %dma_wait3A_169 = tpu.memref_slice %arg13[%dma_wait3A_166, %dma_wait3A_167, %dma_wait3A_168] : memref<3x80x128xf32, #tpu.memory_space<vmem>> -> memref<1x80x128xf32, #tpu.memory_space<vmem>>
    %dma_wait3A_170 = tpu.memref_squeeze %dma_wait3A_169 : memref<1x80x128xf32, #tpu.memory_space<vmem>> -> memref<80x128xf32, #tpu.memory_space<vmem>>
    %dma_wait3A_171 = arith.constant 0 : i32
    %dma_wait3A_172 = tpu.memref_slice %arg8[%add3A_54, %dma_wait3A_171] : memref<10000x128xf32, #tpu.memory_space<vmem_shared>> -> memref<80x128xf32, #tpu.memory_space<vmem_shared>>
    %dma_wait3A_173 = arith.constant 0 : i32
    %dma_wait3A_174 = tpu.memref_slice %arg8[%add3A_54, %dma_wait3A_173] : memref<10000x128xf32, #tpu.memory_space<vmem_shared>> -> memref<80x128xf32, #tpu.memory_space<vmem_shared>>
    %dma_wait3A_175 = arith.constant 0 : i32
    %dma_wait3A_176 = arith.constant 0 : i32
    %dma_wait3A_177 = tpu.memref_slice %arg13[%dma_wait3A_166, %dma_wait3A_175, %dma_wait3A_176] : memref<3x80x128xf32, #tpu.memory_space<vmem>> -> memref<1x80x128xf32, #tpu.memory_space<vmem>>
    %dma_wait3A_178 = tpu.memref_squeeze %dma_wait3A_177 : memref<1x80x128xf32, #tpu.memory_space<vmem>> -> memref<80x128xf32, #tpu.memory_space<vmem>>
    tpu.wait_dma2 semaphore(%arg14 : memref<!tpu.dma_semaphore, #tpu.memory_space<semaphore_mem>>) src(%dma_wait3A_178 : memref<80x128xf32, #tpu.memory_space<vmem>>) dst(%dma_wait3A_174 : memref<80x128xf32, #tpu.memory_space<vmem_shared>>)
    %dma_wait3A_179 = arith.constant 0 : i32
    %dma_wait3A_180 = arith.constant 0 : i32
    %dma_wait3A_181 = arith.constant 0 : i32
    %dma_wait3A_182 = tpu.memref_slice %arg13[%dma_wait3A_179, %dma_wait3A_180, %dma_wait3A_181] : memref<3x80x128xf32, #tpu.memory_space<vmem>> -> memref<1x80x128xf32, #tpu.memory_space<vmem>>
    %dma_wait3A_183 = tpu.memref_squeeze %dma_wait3A_182 : memref<1x80x128xf32, #tpu.memory_space<vmem>> -> memref<80x128xf32, #tpu.memory_space<vmem>>
    %dma_wait3A_184 = arith.constant 0 : i32
    %dma_wait3A_185 = tpu.memref_slice %arg8[%add3A_69, %dma_wait3A_184] : memref<10000x128xf32, #tpu.memory_space<vmem_shared>> -> memref<80x128xf32, #tpu.memory_space<vmem_shared>>
    %dma_wait3A_186 = arith.constant 0 : i32
    %dma_wait3A_187 = tpu.memref_slice %arg8[%add3A_69, %dma_wait3A_186] : memref<10000x128xf32, #tpu.memory_space<vmem_shared>> -> memref<80x128xf32, #tpu.memory_space<vmem_shared>>
    %dma_wait3A_188 = arith.constant 0 : i32
    %dma_wait3A_189 = arith.constant 0 : i32
    %dma_wait3A_190 = tpu.memref_slice %arg13[%dma_wait3A_179, %dma_wait3A_188, %dma_wait3A_189] : memref<3x80x128xf32, #tpu.memory_space<vmem>> -> memref<1x80x128xf32, #tpu.memory_space<vmem>>
    %dma_wait3A_191 = tpu.memref_squeeze %dma_wait3A_190 : memref<1x80x128xf32, #tpu.memory_space<vmem>> -> memref<80x128xf32, #tpu.memory_space<vmem>>
    tpu.wait_dma2 semaphore(%arg14 : memref<!tpu.dma_semaphore, #tpu.memory_space<semaphore_mem>>) src(%dma_wait3A_191 : memref<80x128xf32, #tpu.memory_space<vmem>>) dst(%dma_wait3A_187 : memref<80x128xf32, #tpu.memory_space<vmem_shared>>)
    %dma_wait3A_192 = arith.constant 0 : i32
    %dma_wait3A_193 = arith.constant 0 : i32
    %dma_wait3A_194 = arith.constant 0 : i32
    %dma_wait3A_195 = tpu.memref_slice %arg13[%dma_wait3A_192, %dma_wait3A_193, %dma_wait3A_194] : memref<3x80x128xf32, #tpu.memory_space<vmem>> -> memref<1x80x128xf32, #tpu.memory_space<vmem>>
    %dma_wait3A_196 = tpu.memref_squeeze %dma_wait3A_195 : memref<1x80x128xf32, #tpu.memory_space<vmem>> -> memref<80x128xf32, #tpu.memory_space<vmem>>
    %dma_wait3A_197 = arith.constant 0 : i32
    %dma_wait3A_198 = tpu.memref_slice %arg8[%add3A_84, %dma_wait3A_197] : memref<10000x128xf32, #tpu.memory_space<vmem_shared>> -> memref<80x128xf32, #tpu.memory_space<vmem_shared>>
    %dma_wait3A_199 = arith.constant 0 : i32
    %dma_wait3A_200 = tpu.memref_slice %arg8[%add3A_84, %dma_wait3A_199] : memref<10000x128xf32, #tpu.memory_space<vmem_shared>> -> memref<80x128xf32, #tpu.memory_space<vmem_shared>>
    %dma_wait3A_201 = arith.constant 0 : i32
    %dma_wait3A_202 = arith.constant 0 : i32
    %dma_wait3A_203 = tpu.memref_slice %arg13[%dma_wait3A_192, %dma_wait3A_201, %dma_wait3A_202] : memref<3x80x128xf32, #tpu.memory_space<vmem>> -> memref<1x80x128xf32, #tpu.memory_space<vmem>>
    %dma_wait3A_204 = tpu.memref_squeeze %dma_wait3A_203 : memref<1x80x128xf32, #tpu.memory_space<vmem>> -> memref<80x128xf32, #tpu.memory_space<vmem>>
    tpu.wait_dma2 semaphore(%arg14 : memref<!tpu.dma_semaphore, #tpu.memory_space<semaphore_mem>>) src(%dma_wait3A_204 : memref<80x128xf32, #tpu.memory_space<vmem>>) dst(%dma_wait3A_200 : memref<80x128xf32, #tpu.memory_space<vmem_shared>>)
    %dma_wait3A_205 = arith.constant 0 : i32
    %dma_wait3A_206 = arith.constant 0 : i32
    %dma_wait3A_207 = arith.constant 0 : i32
    %dma_wait3A_208 = tpu.memref_slice %arg13[%dma_wait3A_205, %dma_wait3A_206, %dma_wait3A_207] : memref<3x80x128xf32, #tpu.memory_space<vmem>> -> memref<1x80x128xf32, #tpu.memory_space<vmem>>
    %dma_wait3A_209 = tpu.memref_squeeze %dma_wait3A_208 : memref<1x80x128xf32, #tpu.memory_space<vmem>> -> memref<80x128xf32, #tpu.memory_space<vmem>>
    %dma_wait3A_210 = arith.constant 0 : i32
    %dma_wait3A_211 = tpu.memref_slice %arg8[%add3A_99, %dma_wait3A_210] : memref<10000x128xf32, #tpu.memory_space<vmem_shared>> -> memref<80x128xf32, #tpu.memory_space<vmem_shared>>
    %dma_wait3A_212 = arith.constant 0 : i32
    %dma_wait3A_213 = tpu.memref_slice %arg8[%add3A_99, %dma_wait3A_212] : memref<10000x128xf32, #tpu.memory_space<vmem_shared>> -> memref<80x128xf32, #tpu.memory_space<vmem_shared>>
    %dma_wait3A_214 = arith.constant 0 : i32
    %dma_wait3A_215 = arith.constant 0 : i32
    %dma_wait3A_216 = tpu.memref_slice %arg13[%dma_wait3A_205, %dma_wait3A_214, %dma_wait3A_215] : memref<3x80x128xf32, #tpu.memory_space<vmem>> -> memref<1x80x128xf32, #tpu.memory_space<vmem>>
    %dma_wait3A_217 = tpu.memref_squeeze %dma_wait3A_216 : memref<1x80x128xf32, #tpu.memory_space<vmem>> -> memref<80x128xf32, #tpu.memory_space<vmem>>
    tpu.wait_dma2 semaphore(%arg14 : memref<!tpu.dma_semaphore, #tpu.memory_space<semaphore_mem>>) src(%dma_wait3A_217 : memref<80x128xf32, #tpu.memory_space<vmem>>) dst(%dma_wait3A_213 : memref<80x128xf32, #tpu.memory_space<vmem_shared>>)
    %dma_wait3A_218 = arith.constant 0 : i32
    %dma_wait3A_219 = arith.constant 0 : i32
    %dma_wait3A_220 = arith.constant 0 : i32
    %dma_wait3A_221 = tpu.memref_slice %arg13[%dma_wait3A_218, %dma_wait3A_219, %dma_wait3A_220] : memref<3x80x128xf32, #tpu.memory_space<vmem>> -> memref<1x80x128xf32, #tpu.memory_space<vmem>>
    %dma_wait3A_222 = tpu.memref_squeeze %dma_wait3A_221 : memref<1x80x128xf32, #tpu.memory_space<vmem>> -> memref<80x128xf32, #tpu.memory_space<vmem>>
    %dma_wait3A_223 = arith.constant 0 : i32
    %dma_wait3A_224 = tpu.memref_slice %arg8[%add3A_114, %dma_wait3A_223] : memref<10000x128xf32, #tpu.memory_space<vmem_shared>> -> memref<80x128xf32, #tpu.memory_space<vmem_shared>>
    %dma_wait3A_225 = arith.constant 0 : i32
    %dma_wait3A_226 = tpu.memref_slice %arg8[%add3A_114, %dma_wait3A_225] : memref<10000x128xf32, #tpu.memory_space<vmem_shared>> -> memref<80x128xf32, #tpu.memory_space<vmem_shared>>
    %dma_wait3A_227 = arith.constant 0 : i32
    %dma_wait3A_228 = arith.constant 0 : i32
    %dma_wait3A_229 = tpu.memref_slice %arg13[%dma_wait3A_218, %dma_wait3A_227, %dma_wait3A_228] : memref<3x80x128xf32, #tpu.memory_space<vmem>> -> memref<1x80x128xf32, #tpu.memory_space<vmem>>
    %dma_wait3A_230 = tpu.memref_squeeze %dma_wait3A_229 : memref<1x80x128xf32, #tpu.memory_space<vmem>> -> memref<80x128xf32, #tpu.memory_space<vmem>>
    tpu.wait_dma2 semaphore(%arg14 : memref<!tpu.dma_semaphore, #tpu.memory_space<semaphore_mem>>) src(%dma_wait3A_230 : memref<80x128xf32, #tpu.memory_space<vmem>>) dst(%dma_wait3A_226 : memref<80x128xf32, #tpu.memory_space<vmem_shared>>)
    %barrier3A = arith.constant 0 : index
    tpu.barrier barrier_id(%barrier3A)
    %mul3A_231 = arith.constant 10000 : i32
    %mul3A_232 = arith.muli %add3A, %mul3A_231 : i32
    %multiple_of3A_233 = tpu.assume_multiple %mul3A_232, 8 : i32
    %rem3A = arith.constant 0 : i32
    %rem3A_234 = arith.constant 125 : i32
    %rem3A_235 = arith.remsi %rem3A, %rem3A_234 : i32
    %mul3A_236 = arith.constant 80 : i32
    %mul3A_237 = arith.muli %rem3A_235, %mul3A_236 : i32
    %add3A_238 = arith.addi %multiple_of3A_233, %mul3A_237 : i32
    %multiple_of3A_239 = tpu.assume_multiple %add3A_238, 8 : i32
    %dma_start3A_240 = arith.constant 0 : i32
    %dma_start3A_241 = arith.constant 0 : i32
    %dma_start3A_242 = tpu.memref_slice %arg10[%dma_start3A_240, %dma_start3A_241] : memref<3x80xi32, #tpu.memory_space<vmem>> -> memref<1x80xi32, #tpu.memory_space<vmem>>
    %dma_start3A_243 = tpu.memref_squeeze %dma_start3A_242 : memref<1x80xi32, #tpu.memory_space<vmem>> -> memref<80xi32, #tpu.memory_space<vmem>>
    %dma_start3A_244 = tpu.memref_slice %arg4[%multiple_of3A_239] : memref<320000xi32, #tpu.memory_space<hbm>> -> memref<80xi32, #tpu.memory_space<hbm>>
    %dma_start3A_245 = arith.constant 0 : i32
    %dma_start3A_246 = tpu.memref_slice %arg10[%dma_start3A_240, %dma_start3A_245] : memref<3x80xi32, #tpu.memory_space<vmem>> -> memref<1x80xi32, #tpu.memory_space<vmem>>
    %dma_start3A_247 = tpu.memref_squeeze %dma_start3A_246 : memref<1x80xi32, #tpu.memory_space<vmem>> -> memref<80xi32, #tpu.memory_space<vmem>>
    %dma_start3A_248 = tpu.memref_slice %arg4[%multiple_of3A_239] : memref<320000xi32, #tpu.memory_space<hbm>> -> memref<80xi32, #tpu.memory_space<hbm>>
    tpu.enqueue_dma source(%dma_start3A_248 : memref<80xi32, #tpu.memory_space<hbm>>) target(%dma_start3A_247 : memref<80xi32, #tpu.memory_space<vmem>>) target_semaphore(%arg16 : memref<!tpu.dma_semaphore, #tpu.memory_space<semaphore_mem>>)
    %dma_start3A_249 = arith.constant 0 : i32
    %dma_start3A_250 = arith.constant 0 : i32
    %dma_start3A_251 = tpu.memref_slice %arg11[%dma_start3A_249, %dma_start3A_250] : memref<3x80xi32, #tpu.memory_space<vmem>> -> memref<1x80xi32, #tpu.memory_space<vmem>>
    %dma_start3A_252 = tpu.memref_squeeze %dma_start3A_251 : memref<1x80xi32, #tpu.memory_space<vmem>> -> memref<80xi32, #tpu.memory_space<vmem>>
    %dma_start3A_253 = tpu.memref_slice %arg3[%multiple_of3A_239] : memref<320000xi32, #tpu.memory_space<hbm>> -> memref<80xi32, #tpu.memory_space<hbm>>
    %dma_start3A_254 = arith.constant 0 : i32
    %dma_start3A_255 = tpu.memref_slice %arg11[%dma_start3A_249, %dma_start3A_254] : memref<3x80xi32, #tpu.memory_space<vmem>> -> memref<1x80xi32, #tpu.memory_space<vmem>>
    %dma_start3A_256 = tpu.memref_squeeze %dma_start3A_255 : memref<1x80xi32, #tpu.memory_space<vmem>> -> memref<80xi32, #tpu.memory_space<vmem>>
    %dma_start3A_257 = tpu.memref_slice %arg3[%multiple_of3A_239] : memref<320000xi32, #tpu.memory_space<hbm>> -> memref<80xi32, #tpu.memory_space<hbm>>
    tpu.enqueue_dma source(%dma_start3A_257 : memref<80xi32, #tpu.memory_space<hbm>>) target(%dma_start3A_256 : memref<80xi32, #tpu.memory_space<vmem>>) target_semaphore(%arg16 : memref<!tpu.dma_semaphore, #tpu.memory_space<semaphore_mem>>)
    %dma_start3A_258 = arith.constant 0 : i32
    %dma_start3A_259 = arith.constant 0 : i32
    %dma_start3A_260 = tpu.memref_slice %arg12[%dma_start3A_258, %dma_start3A_259] : memref<3x80xf32, #tpu.memory_space<vmem>> -> memref<1x80xf32, #tpu.memory_space<vmem>>
    %dma_start3A_261 = tpu.memref_squeeze %dma_start3A_260 : memref<1x80xf32, #tpu.memory_space<vmem>> -> memref<80xf32, #tpu.memory_space<vmem>>
    %dma_start3A_262 = tpu.memref_slice %arg5[%multiple_of3A_239] : memref<320000xf32, #tpu.memory_space<hbm>> -> memref<80xf32, #tpu.memory_space<hbm>>
    %dma_start3A_263 = arith.constant 0 : i32
    %dma_start3A_264 = tpu.memref_slice %arg12[%dma_start3A_258, %dma_start3A_263] : memref<3x80xf32, #tpu.memory_space<vmem>> -> memref<1x80xf32, #tpu.memory_space<vmem>>
    %dma_start3A_265 = tpu.memref_squeeze %dma_start3A_264 : memref<1x80xf32, #tpu.memory_space<vmem>> -> memref<80xf32, #tpu.memory_space<vmem>>
    %dma_start3A_266 = tpu.memref_slice %arg5[%multiple_of3A_239] : memref<320000xf32, #tpu.memory_space<hbm>> -> memref<80xf32, #tpu.memory_space<hbm>>
    tpu.enqueue_dma source(%dma_start3A_266 : memref<80xf32, #tpu.memory_space<hbm>>) target(%dma_start3A_265 : memref<80xf32, #tpu.memory_space<vmem>>) target_semaphore(%arg16 : memref<!tpu.dma_semaphore, #tpu.memory_space<semaphore_mem>>)
    %dma_wait3A_267 = arith.constant 0 : i32
    %dma_wait3A_268 = arith.constant 0 : i32
    %dma_wait3A_269 = tpu.memref_slice %arg10[%dma_wait3A_267, %dma_wait3A_268] : memref<3x80xi32, #tpu.memory_space<vmem>> -> memref<1x80xi32, #tpu.memory_space<vmem>>
    %dma_wait3A_270 = tpu.memref_squeeze %dma_wait3A_269 : memref<1x80xi32, #tpu.memory_space<vmem>> -> memref<80xi32, #tpu.memory_space<vmem>>
    %dma_wait3A_271 = tpu.memref_slice %arg4[%multiple_of3A_233] : memref<320000xi32, #tpu.memory_space<hbm>> -> memref<80xi32, #tpu.memory_space<hbm>>
    %dma_wait3A_272 = arith.constant 0 : i32
    %dma_wait3A_273 = tpu.memref_slice %arg10[%dma_wait3A_267, %dma_wait3A_272] : memref<3x80xi32, #tpu.memory_space<vmem>> -> memref<1x80xi32, #tpu.memory_space<vmem>>
    %dma_wait3A_274 = tpu.memref_squeeze %dma_wait3A_273 : memref<1x80xi32, #tpu.memory_space<vmem>> -> memref<80xi32, #tpu.memory_space<vmem>>
    %dma_wait3A_275 = tpu.memref_slice %arg4[%multiple_of3A_233] : memref<320000xi32, #tpu.memory_space<hbm>> -> memref<80xi32, #tpu.memory_space<hbm>>
    tpu.wait_dma2 semaphore(%arg16 : memref<!tpu.dma_semaphore, #tpu.memory_space<semaphore_mem>>) src(%dma_wait3A_275 : memref<80xi32, #tpu.memory_space<hbm>>) dst(%dma_wait3A_274 : memref<80xi32, #tpu.memory_space<vmem>>)
    %dma_wait3A_276 = arith.constant 0 : i32
    %dma_wait3A_277 = arith.constant 0 : i32
    %dma_wait3A_278 = tpu.memref_slice %arg10[%dma_wait3A_276, %dma_wait3A_277] : memref<3x80xi32, #tpu.memory_space<vmem>> -> memref<1x80xi32, #tpu.memory_space<vmem>>
    %dma_wait3A_279 = tpu.memref_squeeze %dma_wait3A_278 : memref<1x80xi32, #tpu.memory_space<vmem>> -> memref<80xi32, #tpu.memory_space<vmem>>
    %dma_wait3A_280 = tpu.memref_slice %arg4[%multiple_of3A_233] : memref<320000xi32, #tpu.memory_space<hbm>> -> memref<80xi32, #tpu.memory_space<hbm>>
    %dma_wait3A_281 = arith.constant 0 : i32
    %dma_wait3A_282 = tpu.memref_slice %arg10[%dma_wait3A_276, %dma_wait3A_281] : memref<3x80xi32, #tpu.memory_space<vmem>> -> memref<1x80xi32, #tpu.memory_space<vmem>>
    %dma_wait3A_283 = tpu.memref_squeeze %dma_wait3A_282 : memref<1x80xi32, #tpu.memory_space<vmem>> -> memref<80xi32, #tpu.memory_space<vmem>>
    %dma_wait3A_284 = tpu.memref_slice %arg4[%multiple_of3A_233] : memref<320000xi32, #tpu.memory_space<hbm>> -> memref<80xi32, #tpu.memory_space<hbm>>
    tpu.wait_dma2 semaphore(%arg16 : memref<!tpu.dma_semaphore, #tpu.memory_space<semaphore_mem>>) src(%dma_wait3A_284 : memref<80xi32, #tpu.memory_space<hbm>>) dst(%dma_wait3A_283 : memref<80xi32, #tpu.memory_space<vmem>>)
    %dma_wait3A_285 = arith.constant 0 : i32
    %dma_wait3A_286 = arith.constant 0 : i32
    %dma_wait3A_287 = tpu.memref_slice %arg10[%dma_wait3A_285, %dma_wait3A_286] : memref<3x80xi32, #tpu.memory_space<vmem>> -> memref<1x80xi32, #tpu.memory_space<vmem>>
    %dma_wait3A_288 = tpu.memref_squeeze %dma_wait3A_287 : memref<1x80xi32, #tpu.memory_space<vmem>> -> memref<80xi32, #tpu.memory_space<vmem>>
    %dma_wait3A_289 = tpu.memref_slice %arg4[%multiple_of3A_233] : memref<320000xi32, #tpu.memory_space<hbm>> -> memref<80xi32, #tpu.memory_space<hbm>>
    %dma_wait3A_290 = arith.constant 0 : i32
    %dma_wait3A_291 = tpu.memref_slice %arg10[%dma_wait3A_285, %dma_wait3A_290] : memref<3x80xi32, #tpu.memory_space<vmem>> -> memref<1x80xi32, #tpu.memory_space<vmem>>
    %dma_wait3A_292 = tpu.memref_squeeze %dma_wait3A_291 : memref<1x80xi32, #tpu.memory_space<vmem>> -> memref<80xi32, #tpu.memory_space<vmem>>
    %dma_wait3A_293 = tpu.memref_slice %arg4[%multiple_of3A_233] : memref<320000xi32, #tpu.memory_space<hbm>> -> memref<80xi32, #tpu.memory_space<hbm>>
    tpu.wait_dma2 semaphore(%arg16 : memref<!tpu.dma_semaphore, #tpu.memory_space<semaphore_mem>>) src(%dma_wait3A_293 : memref<80xi32, #tpu.memory_space<hbm>>) dst(%dma_wait3A_292 : memref<80xi32, #tpu.memory_space<vmem>>)
    %rem3A_294 = arith.constant 1 : i32
    %rem3A_295 = arith.constant 125 : i32
    %rem3A_296 = arith.remsi %rem3A_294, %rem3A_295 : i32
    %mul3A_297 = arith.constant 80 : i32
    %mul3A_298 = arith.muli %rem3A_296, %mul3A_297 : i32
    %add3A_299 = arith.addi %multiple_of3A_233, %mul3A_298 : i32
    %multiple_of3A_300 = tpu.assume_multiple %add3A_299, 8 : i32
    %dma_start3A_301 = arith.constant 1 : i32
    %dma_start3A_302 = arith.constant 0 : i32
    %dma_start3A_303 = tpu.memref_slice %arg10[%dma_start3A_301, %dma_start3A_302] : memref<3x80xi32, #tpu.memory_space<vmem>> -> memref<1x80xi32, #tpu.memory_space<vmem>>
    %dma_start3A_304 = tpu.memref_squeeze %dma_start3A_303 : memref<1x80xi32, #tpu.memory_space<vmem>> -> memref<80xi32, #tpu.memory_space<vmem>>
    %dma_start3A_305 = tpu.memref_slice %arg4[%multiple_of3A_300] : memref<320000xi32, #tpu.memory_space<hbm>> -> memref<80xi32, #tpu.memory_space<hbm>>
    %dma_start3A_306 = arith.constant 0 : i32
    %dma_start3A_307 = tpu.memref_slice %arg10[%dma_start3A_301, %dma_start3A_306] : memref<3x80xi32, #tpu.memory_space<vmem>> -> memref<1x80xi32, #tpu.memory_space<vmem>>
    %dma_start3A_308 = tpu.memref_squeeze %dma_start3A_307 : memref<1x80xi32, #tpu.memory_space<vmem>> -> memref<80xi32, #tpu.memory_space<vmem>>
    %dma_start3A_309 = tpu.memref_slice %arg4[%multiple_of3A_300] : memref<320000xi32, #tpu.memory_space<hbm>> -> memref<80xi32, #tpu.memory_space<hbm>>
    tpu.enqueue_dma source(%dma_start3A_309 : memref<80xi32, #tpu.memory_space<hbm>>) target(%dma_start3A_308 : memref<80xi32, #tpu.memory_space<vmem>>) target_semaphore(%arg16 : memref<!tpu.dma_semaphore, #tpu.memory_space<semaphore_mem>>)
    %dma_start3A_310 = arith.constant 1 : i32
    %dma_start3A_311 = arith.constant 0 : i32
    %dma_start3A_312 = tpu.memref_slice %arg11[%dma_start3A_310, %dma_start3A_311] : memref<3x80xi32, #tpu.memory_space<vmem>> -> memref<1x80xi32, #tpu.memory_space<vmem>>
    %dma_start3A_313 = tpu.memref_squeeze %dma_start3A_312 : memref<1x80xi32, #tpu.memory_space<vmem>> -> memref<80xi32, #tpu.memory_space<vmem>>
    %dma_start3A_314 = tpu.memref_slice %arg3[%multiple_of3A_300] : memref<320000xi32, #tpu.memory_space<hbm>> -> memref<80xi32, #tpu.memory_space<hbm>>
    %dma_start3A_315 = arith.constant 0 : i32
    %dma_start3A_316 = tpu.memref_slice %arg11[%dma_start3A_310, %dma_start3A_315] : memref<3x80xi32, #tpu.memory_space<vmem>> -> memref<1x80xi32, #tpu.memory_space<vmem>>
    %dma_start3A_317 = tpu.memref_squeeze %dma_start3A_316 : memref<1x80xi32, #tpu.memory_space<vmem>> -> memref<80xi32, #tpu.memory_space<vmem>>
    %dma_start3A_318 = tpu.memref_slice %arg3[%multiple_of3A_300] : memref<320000xi32, #tpu.memory_space<hbm>> -> memref<80xi32, #tpu.memory_space<hbm>>
    tpu.enqueue_dma source(%dma_start3A_318 : memref<80xi32, #tpu.memory_space<hbm>>) target(%dma_start3A_317 : memref<80xi32, #tpu.memory_space<vmem>>) target_semaphore(%arg16 : memref<!tpu.dma_semaphore, #tpu.memory_space<semaphore_mem>>)
    %dma_start3A_319 = arith.constant 1 : i32
    %dma_start3A_320 = arith.constant 0 : i32
    %dma_start3A_321 = tpu.memref_slice %arg12[%dma_start3A_319, %dma_start3A_320] : memref<3x80xf32, #tpu.memory_space<vmem>> -> memref<1x80xf32, #tpu.memory_space<vmem>>
    %dma_start3A_322 = tpu.memref_squeeze %dma_start3A_321 : memref<1x80xf32, #tpu.memory_space<vmem>> -> memref<80xf32, #tpu.memory_space<vmem>>
    %dma_start3A_323 = tpu.memref_slice %arg5[%multiple_of3A_300] : memref<320000xf32, #tpu.memory_space<hbm>> -> memref<80xf32, #tpu.memory_space<hbm>>
    %dma_start3A_324 = arith.constant 0 : i32
    %dma_start3A_325 = tpu.memref_slice %arg12[%dma_start3A_319, %dma_start3A_324] : memref<3x80xf32, #tpu.memory_space<vmem>> -> memref<1x80xf32, #tpu.memory_space<vmem>>
    %dma_start3A_326 = tpu.memref_squeeze %dma_start3A_325 : memref<1x80xf32, #tpu.memory_space<vmem>> -> memref<80xf32, #tpu.memory_space<vmem>>
    %dma_start3A_327 = tpu.memref_slice %arg5[%multiple_of3A_300] : memref<320000xf32, #tpu.memory_space<hbm>> -> memref<80xf32, #tpu.memory_space<hbm>>
    tpu.enqueue_dma source(%dma_start3A_327 : memref<80xf32, #tpu.memory_space<hbm>>) target(%dma_start3A_326 : memref<80xf32, #tpu.memory_space<vmem>>) target_semaphore(%arg16 : memref<!tpu.dma_semaphore, #tpu.memory_space<semaphore_mem>>)
    %dma_start3A_328 = arith.constant 0 : i32
    %dma_start3A_329 = arith.constant 0 : i32
    %dma_start3A_330 = arith.constant 0 : i32
    %dma_start3A_331 = arith.constant 0 : i32
    %dma_start3A_332 = tpu.memref_slice %arg13[%dma_start3A_329, %dma_start3A_330, %dma_start3A_331] : memref<3x80x128xf32, #tpu.memory_space<vmem>> -> memref<1x80x128xf32, #tpu.memory_space<vmem>>
    %dma_start3A_333 = tpu.memref_squeeze %dma_start3A_332 : memref<1x80x128xf32, #tpu.memory_space<vmem>> -> memref<80x128xf32, #tpu.memory_space<vmem>>
    %dma_start3A_334 = arith.constant 0 : i32
    %dma_start3A_335 = tpu.memref_slice %arg10[%dma_start3A_328, %dma_start3A_334] : memref<3x80xi32, #tpu.memory_space<vmem>> -> memref<1x80xi32, #tpu.memory_space<vmem>>
    %dma_start3A_336 = tpu.memref_squeeze %dma_start3A_335 : memref<1x80xi32, #tpu.memory_space<vmem>> -> memref<80xi32, #tpu.memory_space<vmem>>
    %dma_start3A_337 = arith.constant 0 : i32
    %dma_start3A_338 = arith.constant 0 : i32
    %dma_start3A_339 = tpu.memref_slice %arg2[%dma_start3A_337, %dma_start3A_338] : memref<10000x128xf32, #tpu.memory_space<hbm>> -> memref<10000x128xf32, #tpu.memory_space<hbm>>
    tpu.enqueue_indirect_dma source(%dma_start3A_339 : memref<10000x128xf32, #tpu.memory_space<hbm>>) target(%dma_start3A_333 : memref<80x128xf32, #tpu.memory_space<vmem>>) offsets(%dma_start3A_336 : memref<80xi32, #tpu.memory_space<vmem>>) semaphore(%arg14 : memref<!tpu.dma_semaphore, #tpu.memory_space<semaphore_mem>>)
    %dma_start3A_340 = arith.constant 1 : i32
    %dma_start3A_341 = arith.constant 0 : i32
    %dma_start3A_342 = arith.constant 0 : i32
    %dma_start3A_343 = arith.constant 0 : i32
    %dma_start3A_344 = tpu.memref_slice %arg13[%dma_start3A_340, %dma_start3A_342, %dma_start3A_343] : memref<3x80x128xf32, #tpu.memory_space<vmem>> -> memref<1x80x128xf32, #tpu.memory_space<vmem>>
    %dma_start3A_345 = tpu.memref_squeeze %dma_start3A_344 : memref<1x80x128xf32, #tpu.memory_space<vmem>> -> memref<80x128xf32, #tpu.memory_space<vmem>>
    %dma_start3A_346 = arith.constant 0 : i32
    %dma_start3A_347 = tpu.memref_slice %arg11[%dma_start3A_341, %dma_start3A_346] : memref<3x80xi32, #tpu.memory_space<vmem>> -> memref<1x80xi32, #tpu.memory_space<vmem>>
    %dma_start3A_348 = tpu.memref_squeeze %dma_start3A_347 : memref<1x80xi32, #tpu.memory_space<vmem>> -> memref<80xi32, #tpu.memory_space<vmem>>
    %dma_start3A_349 = arith.constant 0 : i32
    %dma_start3A_350 = arith.constant 0 : i32
    %dma_start3A_351 = tpu.memref_slice %arg8[%dma_start3A_349, %dma_start3A_350] : memref<10000x128xf32, #tpu.memory_space<vmem_shared>> -> memref<10000x128xf32, #tpu.memory_space<vmem_shared>>
    tpu.enqueue_indirect_dma source(%dma_start3A_345 : memref<80x128xf32, #tpu.memory_space<vmem>>) target(%dma_start3A_351 : memref<10000x128xf32, #tpu.memory_space<vmem_shared>>) offsets(%dma_start3A_348 : memref<80xi32, #tpu.memory_space<vmem>>) semaphore(%arg15 : memref<!tpu.dma_semaphore, #tpu.memory_space<semaphore_mem>>) {add = true}
    %dma_start3A_352 = arith.constant 2 : i32
    %dma_start3A_353 = arith.constant 0 : i32
    %dma_start3A_354 = arith.constant 0 : i32
    %dma_start3A_355 = arith.constant 0 : i32
    %dma_start3A_356 = tpu.memref_slice %arg13[%dma_start3A_352, %dma_start3A_354, %dma_start3A_355] : memref<3x80x128xf32, #tpu.memory_space<vmem>> -> memref<1x80x128xf32, #tpu.memory_space<vmem>>
    %dma_start3A_357 = tpu.memref_squeeze %dma_start3A_356 : memref<1x80x128xf32, #tpu.memory_space<vmem>> -> memref<80x128xf32, #tpu.memory_space<vmem>>
    %dma_start3A_358 = arith.constant 0 : i32
    %dma_start3A_359 = tpu.memref_slice %arg11[%dma_start3A_353, %dma_start3A_358] : memref<3x80xi32, #tpu.memory_space<vmem>> -> memref<1x80xi32, #tpu.memory_space<vmem>>
    %dma_start3A_360 = tpu.memref_squeeze %dma_start3A_359 : memref<1x80xi32, #tpu.memory_space<vmem>> -> memref<80xi32, #tpu.memory_space<vmem>>
    %dma_start3A_361 = arith.constant 0 : i32
    %dma_start3A_362 = arith.constant 0 : i32
    %dma_start3A_363 = tpu.memref_slice %arg8[%dma_start3A_361, %dma_start3A_362] : memref<10000x128xf32, #tpu.memory_space<vmem_shared>> -> memref<10000x128xf32, #tpu.memory_space<vmem_shared>>
    tpu.enqueue_indirect_dma source(%dma_start3A_357 : memref<80x128xf32, #tpu.memory_space<vmem>>) target(%dma_start3A_363 : memref<10000x128xf32, #tpu.memory_space<vmem_shared>>) offsets(%dma_start3A_360 : memref<80xi32, #tpu.memory_space<vmem>>) semaphore(%arg15 : memref<!tpu.dma_semaphore, #tpu.memory_space<semaphore_mem>>) {add = true}
    %scan3A = arith.constant 0 : i32
    %scan3A_364 = arith.constant 0 : i32
    %scan3A_365 = arith.constant 41 : i32
    %scan3A_366 = arith.addi %scan3A_364, %scan3A_365 : i32
    %scan3A_367 = arith.constant 1 : i32
    %scan3A_368 = scf.for %scan3A_725 = %scan3A_364 to %scan3A_366 step %scan3A_367 iter_args(%scan3A_726 = %scan3A) -> (i32)  : i32 {
      %mul3A_727 = arith.constant 3 : i32
      %mul3A_728 = arith.muli %scan3A_725, %mul3A_727 : i32
      %add3A_729 = arith.constant 0 : i32
      %add3A_730 = arith.addi %mul3A_728, %add3A_729 : i32
      %dma_wait3A_731 = arith.constant 1 : i32
      %dma_wait3A_732 = arith.constant 1 : i32
      %dma_wait3A_733 = arith.constant 0 : i32
      %dma_wait3A_734 = arith.constant 0 : i32
      %dma_wait3A_735 = tpu.memref_slice %arg13[%dma_wait3A_731, %dma_wait3A_733, %dma_wait3A_734] : memref<3x80x128xf32, #tpu.memory_space<vmem>> -> memref<1x80x128xf32, #tpu.memory_space<vmem>>
      %dma_wait3A_736 = tpu.memref_squeeze %dma_wait3A_735 : memref<1x80x128xf32, #tpu.memory_space<vmem>> -> memref<80x128xf32, #tpu.memory_space<vmem>>
      %dma_wait3A_737 = arith.constant 0 : i32
      %dma_wait3A_738 = tpu.memref_slice %arg11[%dma_wait3A_732, %dma_wait3A_737] : memref<3x80xi32, #tpu.memory_space<vmem>> -> memref<1x80xi32, #tpu.memory_space<vmem>>
      %dma_wait3A_739 = tpu.memref_squeeze %dma_wait3A_738 : memref<1x80xi32, #tpu.memory_space<vmem>> -> memref<80xi32, #tpu.memory_space<vmem>>
      %dma_wait3A_740 = arith.constant 0 : i32
      %dma_wait3A_741 = arith.constant 0 : i32
      %dma_wait3A_742 = tpu.memref_slice %arg8[%dma_wait3A_740, %dma_wait3A_741] : memref<10000x128xf32, #tpu.memory_space<vmem_shared>> -> memref<10000x128xf32, #tpu.memory_space<vmem_shared>>
      tpu.wait_indirect_dma semaphore(%arg15 : memref<!tpu.dma_semaphore, #tpu.memory_space<semaphore_mem>>) src(%dma_wait3A_736 : memref<80x128xf32, #tpu.memory_space<vmem>>) dst(%dma_wait3A_742 : memref<10000x128xf32, #tpu.memory_space<vmem_shared>>)
      %dma_wait3A_743 = arith.constant 1 : i32
      %dma_wait3A_744 = arith.constant 0 : i32
      %dma_wait3A_745 = tpu.memref_slice %arg10[%dma_wait3A_743, %dma_wait3A_744] : memref<3x80xi32, #tpu.memory_space<vmem>> -> memref<1x80xi32, #tpu.memory_space<vmem>>
      %dma_wait3A_746 = tpu.memref_squeeze %dma_wait3A_745 : memref<1x80xi32, #tpu.memory_space<vmem>> -> memref<80xi32, #tpu.memory_space<vmem>>
      %dma_wait3A_747 = tpu.memref_slice %arg4[%multiple_of3A_233] : memref<320000xi32, #tpu.memory_space<hbm>> -> memref<80xi32, #tpu.memory_space<hbm>>
      %dma_wait3A_748 = arith.constant 0 : i32
      %dma_wait3A_749 = tpu.memref_slice %arg10[%dma_wait3A_743, %dma_wait3A_748] : memref<3x80xi32, #tpu.memory_space<vmem>> -> memref<1x80xi32, #tpu.memory_space<vmem>>
      %dma_wait3A_750 = tpu.memref_squeeze %dma_wait3A_749 : memref<1x80xi32, #tpu.memory_space<vmem>> -> memref<80xi32, #tpu.memory_space<vmem>>
      %dma_wait3A_751 = tpu.memref_slice %arg4[%multiple_of3A_233] : memref<320000xi32, #tpu.memory_space<hbm>> -> memref<80xi32, #tpu.memory_space<hbm>>
      tpu.wait_dma2 semaphore(%arg16 : memref<!tpu.dma_semaphore, #tpu.memory_space<semaphore_mem>>) src(%dma_wait3A_751 : memref<80xi32, #tpu.memory_space<hbm>>) dst(%dma_wait3A_750 : memref<80xi32, #tpu.memory_space<vmem>>)
      %dma_wait3A_752 = arith.constant 1 : i32
      %dma_wait3A_753 = arith.constant 0 : i32
      %dma_wait3A_754 = tpu.memref_slice %arg11[%dma_wait3A_752, %dma_wait3A_753] : memref<3x80xi32, #tpu.memory_space<vmem>> -> memref<1x80xi32, #tpu.memory_space<vmem>>
      %dma_wait3A_755 = tpu.memref_squeeze %dma_wait3A_754 : memref<1x80xi32, #tpu.memory_space<vmem>> -> memref<80xi32, #tpu.memory_space<vmem>>
      %dma_wait3A_756 = tpu.memref_slice %arg4[%multiple_of3A_233] : memref<320000xi32, #tpu.memory_space<hbm>> -> memref<80xi32, #tpu.memory_space<hbm>>
      %dma_wait3A_757 = arith.constant 0 : i32
      %dma_wait3A_758 = tpu.memref_slice %arg11[%dma_wait3A_752, %dma_wait3A_757] : memref<3x80xi32, #tpu.memory_space<vmem>> -> memref<1x80xi32, #tpu.memory_space<vmem>>
      %dma_wait3A_759 = tpu.memref_squeeze %dma_wait3A_758 : memref<1x80xi32, #tpu.memory_space<vmem>> -> memref<80xi32, #tpu.memory_space<vmem>>
      %dma_wait3A_760 = tpu.memref_slice %arg4[%multiple_of3A_233] : memref<320000xi32, #tpu.memory_space<hbm>> -> memref<80xi32, #tpu.memory_space<hbm>>
      tpu.wait_dma2 semaphore(%arg16 : memref<!tpu.dma_semaphore, #tpu.memory_space<semaphore_mem>>) src(%dma_wait3A_760 : memref<80xi32, #tpu.memory_space<hbm>>) dst(%dma_wait3A_759 : memref<80xi32, #tpu.memory_space<vmem>>)
      %dma_wait3A_761 = arith.constant 1 : i32
      %dma_wait3A_762 = arith.constant 0 : i32
      %dma_wait3A_763 = tpu.memref_slice %arg12[%dma_wait3A_761, %dma_wait3A_762] : memref<3x80xf32, #tpu.memory_space<vmem>> -> memref<1x80xf32, #tpu.memory_space<vmem>>
      %dma_wait3A_764 = tpu.memref_squeeze %dma_wait3A_763 : memref<1x80xf32, #tpu.memory_space<vmem>> -> memref<80xf32, #tpu.memory_space<vmem>>
      %dma_wait3A_765 = tpu.memref_slice %arg4[%multiple_of3A_233] : memref<320000xi32, #tpu.memory_space<hbm>> -> memref<80xi32, #tpu.memory_space<hbm>>
      %dma_wait3A_766 = arith.constant 0 : i32
      %dma_wait3A_767 = tpu.memref_slice %arg12[%dma_wait3A_761, %dma_wait3A_766] : memref<3x80xf32, #tpu.memory_space<vmem>> -> memref<1x80xf32, #tpu.memory_space<vmem>>
      %dma_wait3A_768 = tpu.memref_squeeze %dma_wait3A_767 : memref<1x80xf32, #tpu.memory_space<vmem>> -> memref<80xf32, #tpu.memory_space<vmem>>
      %dma_wait3A_769 = tpu.memref_slice %arg4[%multiple_of3A_233] : memref<320000xi32, #tpu.memory_space<hbm>> -> memref<80xi32, #tpu.memory_space<hbm>>
      tpu.wait_dma2 semaphore(%arg16 : memref<!tpu.dma_semaphore, #tpu.memory_space<semaphore_mem>>) src(%dma_wait3A_769 : memref<80xi32, #tpu.memory_space<hbm>>) dst(%dma_wait3A_768 : memref<80xf32, #tpu.memory_space<vmem>>)
      %dma_start3A_770 = arith.constant 1 : i32
      %dma_start3A_771 = arith.constant 1 : i32
      %dma_start3A_772 = arith.constant 0 : i32
      %dma_start3A_773 = arith.constant 0 : i32
      %dma_start3A_774 = tpu.memref_slice %arg13[%dma_start3A_771, %dma_start3A_772, %dma_start3A_773] : memref<3x80x128xf32, #tpu.memory_space<vmem>> -> memref<1x80x128xf32, #tpu.memory_space<vmem>>
      %dma_start3A_775 = tpu.memref_squeeze %dma_start3A_774 : memref<1x80x128xf32, #tpu.memory_space<vmem>> -> memref<80x128xf32, #tpu.memory_space<vmem>>
      %dma_start3A_776 = arith.constant 0 : i32
      %dma_start3A_777 = tpu.memref_slice %arg10[%dma_start3A_770, %dma_start3A_776] : memref<3x80xi32, #tpu.memory_space<vmem>> -> memref<1x80xi32, #tpu.memory_space<vmem>>
      %dma_start3A_778 = tpu.memref_squeeze %dma_start3A_777 : memref<1x80xi32, #tpu.memory_space<vmem>> -> memref<80xi32, #tpu.memory_space<vmem>>
      %dma_start3A_779 = arith.constant 0 : i32
      %dma_start3A_780 = arith.constant 0 : i32
      %dma_start3A_781 = tpu.memref_slice %arg2[%dma_start3A_779, %dma_start3A_780] : memref<10000x128xf32, #tpu.memory_space<hbm>> -> memref<10000x128xf32, #tpu.memory_space<hbm>>
      tpu.enqueue_indirect_dma source(%dma_start3A_781 : memref<10000x128xf32, #tpu.memory_space<hbm>>) target(%dma_start3A_775 : memref<80x128xf32, #tpu.memory_space<vmem>>) offsets(%dma_start3A_778 : memref<80xi32, #tpu.memory_space<vmem>>) semaphore(%arg14 : memref<!tpu.dma_semaphore, #tpu.memory_space<semaphore_mem>>)
      %dma_wait3A_782 = arith.constant 0 : i32
      %dma_wait3A_783 = arith.constant 0 : i32
      %dma_wait3A_784 = arith.constant 0 : i32
      %dma_wait3A_785 = arith.constant 0 : i32
      %dma_wait3A_786 = tpu.memref_slice %arg13[%dma_wait3A_783, %dma_wait3A_784, %dma_wait3A_785] : memref<3x80x128xf32, #tpu.memory_space<vmem>> -> memref<1x80x128xf32, #tpu.memory_space<vmem>>
      %dma_wait3A_787 = tpu.memref_squeeze %dma_wait3A_786 : memref<1x80x128xf32, #tpu.memory_space<vmem>> -> memref<80x128xf32, #tpu.memory_space<vmem>>
      %dma_wait3A_788 = arith.constant 0 : i32
      %dma_wait3A_789 = tpu.memref_slice %arg10[%dma_wait3A_782, %dma_wait3A_788] : memref<3x80xi32, #tpu.memory_space<vmem>> -> memref<1x80xi32, #tpu.memory_space<vmem>>
      %dma_wait3A_790 = tpu.memref_squeeze %dma_wait3A_789 : memref<1x80xi32, #tpu.memory_space<vmem>> -> memref<80xi32, #tpu.memory_space<vmem>>
      %dma_wait3A_791 = arith.constant 0 : i32
      %dma_wait3A_792 = arith.constant 0 : i32
      %dma_wait3A_793 = tpu.memref_slice %arg2[%dma_wait3A_791, %dma_wait3A_792] : memref<10000x128xf32, #tpu.memory_space<hbm>> -> memref<10000x128xf32, #tpu.memory_space<hbm>>
      tpu.wait_indirect_dma semaphore(%arg14 : memref<!tpu.dma_semaphore, #tpu.memory_space<semaphore_mem>>) src(%dma_wait3A_793 : memref<10000x128xf32, #tpu.memory_space<hbm>>) dst(%dma_wait3A_787 : memref<80x128xf32, #tpu.memory_space<vmem>>)
      %add3A_794 = arith.constant 2 : i32
      %add3A_795 = arith.addi %add3A_730, %add3A_794 : i32
      %rem3A_796 = arith.constant 125 : i32
      %rem3A_797 = arith.remsi %add3A_795, %rem3A_796 : i32
      %mul3A_798 = arith.constant 80 : i32
      %mul3A_799 = arith.muli %rem3A_797, %mul3A_798 : i32
      %add3A_800 = arith.addi %multiple_of3A_233, %mul3A_799 : i32
      %multiple_of3A_801 = tpu.assume_multiple %add3A_800, 8 : i32
      %dma_start3A_802 = arith.constant 2 : i32
      %dma_start3A_803 = arith.constant 0 : i32
      %dma_start3A_804 = tpu.memref_slice %arg10[%dma_start3A_802, %dma_start3A_803] : memref<3x80xi32, #tpu.memory_space<vmem>> -> memref<1x80xi32, #tpu.memory_space<vmem>>
      %dma_start3A_805 = tpu.memref_squeeze %dma_start3A_804 : memref<1x80xi32, #tpu.memory_space<vmem>> -> memref<80xi32, #tpu.memory_space<vmem>>
      %dma_start3A_806 = tpu.memref_slice %arg4[%multiple_of3A_801] : memref<320000xi32, #tpu.memory_space<hbm>> -> memref<80xi32, #tpu.memory_space<hbm>>
      %dma_start3A_807 = arith.constant 0 : i32
      %dma_start3A_808 = tpu.memref_slice %arg10[%dma_start3A_802, %dma_start3A_807] : memref<3x80xi32, #tpu.memory_space<vmem>> -> memref<1x80xi32, #tpu.memory_space<vmem>>
      %dma_start3A_809 = tpu.memref_squeeze %dma_start3A_808 : memref<1x80xi32, #tpu.memory_space<vmem>> -> memref<80xi32, #tpu.memory_space<vmem>>
      %dma_start3A_810 = tpu.memref_slice %arg4[%multiple_of3A_801] : memref<320000xi32, #tpu.memory_space<hbm>> -> memref<80xi32, #tpu.memory_space<hbm>>
      tpu.enqueue_dma source(%dma_start3A_810 : memref<80xi32, #tpu.memory_space<hbm>>) target(%dma_start3A_809 : memref<80xi32, #tpu.memory_space<vmem>>) target_semaphore(%arg16 : memref<!tpu.dma_semaphore, #tpu.memory_space<semaphore_mem>>)
      %dma_start3A_811 = arith.constant 2 : i32
      %dma_start3A_812 = arith.constant 0 : i32
      %dma_start3A_813 = tpu.memref_slice %arg11[%dma_start3A_811, %dma_start3A_812] : memref<3x80xi32, #tpu.memory_space<vmem>> -> memref<1x80xi32, #tpu.memory_space<vmem>>
      %dma_start3A_814 = tpu.memref_squeeze %dma_start3A_813 : memref<1x80xi32, #tpu.memory_space<vmem>> -> memref<80xi32, #tpu.memory_space<vmem>>
      %dma_start3A_815 = tpu.memref_slice %arg3[%multiple_of3A_801] : memref<320000xi32, #tpu.memory_space<hbm>> -> memref<80xi32, #tpu.memory_space<hbm>>
      %dma_start3A_816 = arith.constant 0 : i32
      %dma_start3A_817 = tpu.memref_slice %arg11[%dma_start3A_811, %dma_start3A_816] : memref<3x80xi32, #tpu.memory_space<vmem>> -> memref<1x80xi32, #tpu.memory_space<vmem>>
      %dma_start3A_818 = tpu.memref_squeeze %dma_start3A_817 : memref<1x80xi32, #tpu.memory_space<vmem>> -> memref<80xi32, #tpu.memory_space<vmem>>
      %dma_start3A_819 = tpu.memref_slice %arg3[%multiple_of3A_801] : memref<320000xi32, #tpu.memory_space<hbm>> -> memref<80xi32, #tpu.memory_space<hbm>>
      tpu.enqueue_dma source(%dma_start3A_819 : memref<80xi32, #tpu.memory_space<hbm>>) target(%dma_start3A_818 : memref<80xi32, #tpu.memory_space<vmem>>) target_semaphore(%arg16 : memref<!tpu.dma_semaphore, #tpu.memory_space<semaphore_mem>>)
      %dma_start3A_820 = arith.constant 2 : i32
      %dma_start3A_821 = arith.constant 0 : i32
      %dma_start3A_822 = tpu.memref_slice %arg12[%dma_start3A_820, %dma_start3A_821] : memref<3x80xf32, #tpu.memory_space<vmem>> -> memref<1x80xf32, #tpu.memory_space<vmem>>
      %dma_start3A_823 = tpu.memref_squeeze %dma_start3A_822 : memref<1x80xf32, #tpu.memory_space<vmem>> -> memref<80xf32, #tpu.memory_space<vmem>>
      %dma_start3A_824 = tpu.memref_slice %arg5[%multiple_of3A_801] : memref<320000xf32, #tpu.memory_space<hbm>> -> memref<80xf32, #tpu.memory_space<hbm>>
      %dma_start3A_825 = arith.constant 0 : i32
      %dma_start3A_826 = tpu.memref_slice %arg12[%dma_start3A_820, %dma_start3A_825] : memref<3x80xf32, #tpu.memory_space<vmem>> -> memref<1x80xf32, #tpu.memory_space<vmem>>
      %dma_start3A_827 = tpu.memref_squeeze %dma_start3A_826 : memref<1x80xf32, #tpu.memory_space<vmem>> -> memref<80xf32, #tpu.memory_space<vmem>>
      %dma_start3A_828 = tpu.memref_slice %arg5[%multiple_of3A_801] : memref<320000xf32, #tpu.memory_space<hbm>> -> memref<80xf32, #tpu.memory_space<hbm>>
      tpu.enqueue_dma source(%dma_start3A_828 : memref<80xf32, #tpu.memory_space<hbm>>) target(%dma_start3A_827 : memref<80xf32, #tpu.memory_space<vmem>>) target_semaphore(%arg16 : memref<!tpu.dma_semaphore, #tpu.memory_space<semaphore_mem>>)
      %parallel_loop3A_829 = arith.constant 0 : i32
      %parallel_loop3A_830 = arith.constant 80 : i32
      %parallel_loop3A_831 = arith.constant 1 : i32
      scf.for %parallel_loop3A_1195 = %parallel_loop3A_829 to %parallel_loop3A_830 step %parallel_loop3A_831  : i32 {
        %parallel_loop3A_1196 = arith.constant 0 : i32
        %parallel_loop3A_1197 = vector.broadcast %parallel_loop3A_1196 : i32 to vector<16xi32>
        %parallel_loop3A_1198 = vector.broadcast %parallel_loop3A_1195 : i32 to vector<16xi32>
        %parallel_loop3A_1199 = arith.addi %parallel_loop3A_1197, %parallel_loop3A_1198 : vector<16xi32>
        %parallel_loop3A_1200 = arith.constant 0 : i32
        %parallel_loop3A_1201 = arith.constant 0 : i32
        %parallel_loop3A_1202 = tpu.memref_slice %arg12[%parallel_loop3A_1200, %parallel_loop3A_1201] : memref<3x80xf32, #tpu.memory_space<vmem>> -> memref<1x80xf32, #tpu.memory_space<vmem>>
        %parallel_loop3A_1203 = tpu.memref_squeeze %parallel_loop3A_1202 : memref<1x80xf32, #tpu.memory_space<vmem>> -> memref<80xf32, #tpu.memory_space<vmem>>
        %parallel_loop3A_1204 = tpu.vector_load_idx %parallel_loop3A_1203[%parallel_loop3A_1199] : memref<80xf32, #tpu.memory_space<vmem>>[vector<16xi32>], vector<16xf32>,
        %parallel_loop3A_1205 = arith.constant 0 : i32
        %parallel_loop3A_1206 = arith.index_cast %parallel_loop3A_1205 : i32 to index
        %parallel_loop3A_1207 = arith.index_cast %parallel_loop3A_1195 : i32 to index
        %parallel_loop3A_1208 = arith.constant 0 : index
        %parallel_loop3A_1209 = tpu.vector_load %arg13[%parallel_loop3A_1206, %parallel_loop3A_1207, %parallel_loop3A_1208] {strides = array<i32>} : memref<3x80x128xf32, #tpu.memory_space<vmem>>, vector<16xf32>,
        %parallel_loop3A_1210 = arith.mulf %parallel_loop3A_1209, %parallel_loop3A_1204 : vector<16xf32>
        %parallel_loop3A_1211 = arith.constant 0 : i32
        %parallel_loop3A_1212 = arith.index_cast %parallel_loop3A_1211 : i32 to index
        %parallel_loop3A_1213 = arith.index_cast %parallel_loop3A_1195 : i32 to index
        %parallel_loop3A_1214 = arith.constant 0 : index
        %parallel_loop3A_1215 = tpu.vector_load %arg13[%parallel_loop3A_1212, %parallel_loop3A_1213, %parallel_loop3A_1214] {strides = array<i32>} : memref<3x80x128xf32, #tpu.memory_space<vmem>>, vector<16xf32>,
        tpu.vector_store %arg13[%parallel_loop3A_1212, %parallel_loop3A_1213, %parallel_loop3A_1214], %parallel_loop3A_1210 {strides = array<i32>} : memref<3x80x128xf32, #tpu.memory_space<vmem>>, vector<16xf32>,
        %parallel_loop3A_1216 = arith.constant 0 : i32
        %parallel_loop3A_1217 = arith.index_cast %parallel_loop3A_1216 : i32 to index
        %parallel_loop3A_1218 = arith.index_cast %parallel_loop3A_1195 : i32 to index
        %parallel_loop3A_1219 = arith.constant 16 : index
        %parallel_loop3A_1220 = tpu.vector_load %arg13[%parallel_loop3A_1217, %parallel_loop3A_1218, %parallel_loop3A_1219] {strides = array<i32>} : memref<3x80x128xf32, #tpu.memory_space<vmem>>, vector<16xf32>,
        %parallel_loop3A_1221 = arith.mulf %parallel_loop3A_1220, %parallel_loop3A_1204 : vector<16xf32>
        %parallel_loop3A_1222 = arith.constant 0 : i32
        %parallel_loop3A_1223 = arith.index_cast %parallel_loop3A_1222 : i32 to index
        %parallel_loop3A_1224 = arith.index_cast %parallel_loop3A_1195 : i32 to index
        %parallel_loop3A_1225 = arith.constant 16 : index
        %parallel_loop3A_1226 = tpu.vector_load %arg13[%parallel_loop3A_1223, %parallel_loop3A_1224, %parallel_loop3A_1225] {strides = array<i32>} : memref<3x80x128xf32, #tpu.memory_space<vmem>>, vector<16xf32>,
        tpu.vector_store %arg13[%parallel_loop3A_1223, %parallel_loop3A_1224, %parallel_loop3A_1225], %parallel_loop3A_1221 {strides = array<i32>} : memref<3x80x128xf32, #tpu.memory_space<vmem>>, vector<16xf32>,
        %parallel_loop3A_1227 = arith.constant 0 : i32
        %parallel_loop3A_1228 = arith.index_cast %parallel_loop3A_1227 : i32 to index
        %parallel_loop3A_1229 = arith.index_cast %parallel_loop3A_1195 : i32 to index
        %parallel_loop3A_1230 = arith.constant 32 : index
        %parallel_loop3A_1231 = tpu.vector_load %arg13[%parallel_loop3A_1228, %parallel_loop3A_1229, %parallel_loop3A_1230] {strides = array<i32>} : memref<3x80x128xf32, #tpu.memory_space<vmem>>, vector<16xf32>,
        %parallel_loop3A_1232 = arith.mulf %parallel_loop3A_1231, %parallel_loop3A_1204 : vector<16xf32>
        %parallel_loop3A_1233 = arith.constant 0 : i32
        %parallel_loop3A_1234 = arith.index_cast %parallel_loop3A_1233 : i32 to index
        %parallel_loop3A_1235 = arith.index_cast %parallel_loop3A_1195 : i32 to index
        %parallel_loop3A_1236 = arith.constant 32 : index
        %parallel_loop3A_1237 = tpu.vector_load %arg13[%parallel_loop3A_1234, %parallel_loop3A_1235, %parallel_loop3A_1236] {strides = array<i32>} : memref<3x80x128xf32, #tpu.memory_space<vmem>>, vector<16xf32>,
        tpu.vector_store %arg13[%parallel_loop3A_1234, %parallel_loop3A_1235, %parallel_loop3A_1236], %parallel_loop3A_1232 {strides = array<i32>} : memref<3x80x128xf32, #tpu.memory_space<vmem>>, vector<16xf32>,
        %parallel_loop3A_1238 = arith.constant 0 : i32
        %parallel_loop3A_1239 = arith.index_cast %parallel_loop3A_1238 : i32 to index
        %parallel_loop3A_1240 = arith.index_cast %parallel_loop3A_1195 : i32 to index
        %parallel_loop3A_1241 = arith.constant 48 : index
        %parallel_loop3A_1242 = tpu.vector_load %arg13[%parallel_loop3A_1239, %parallel_loop3A_1240, %parallel_loop3A_1241] {strides = array<i32>} : memref<3x80x128xf32, #tpu.memory_space<vmem>>, vector<16xf32>,
        %parallel_loop3A_1243 = arith.mulf %parallel_loop3A_1242, %parallel_loop3A_1204 : vector<16xf32>
        %parallel_loop3A_1244 = arith.constant 0 : i32
        %parallel_loop3A_1245 = arith.index_cast %parallel_loop3A_1244 : i32 to index
        %parallel_loop3A_1246 = arith.index_cast %parallel_loop3A_1195 : i32 to index
        %parallel_loop3A_1247 = arith.constant 48 : index
        %parallel_loop3A_1248 = tpu.vector_load %arg13[%parallel_loop3A_1245, %parallel_loop3A_1246, %parallel_loop3A_1247] {strides = array<i32>} : memref<3x80x128xf32, #tpu.memory_space<vmem>>, vector<16xf32>,
        tpu.vector_store %arg13[%parallel_loop3A_1245, %parallel_loop3A_1246, %parallel_loop3A_1247], %parallel_loop3A_1243 {strides = array<i32>} : memref<3x80x128xf32, #tpu.memory_space<vmem>>, vector<16xf32>,
        %parallel_loop3A_1249 = arith.constant 0 : i32
        %parallel_loop3A_1250 = arith.index_cast %parallel_loop3A_1249 : i32 to index
        %parallel_loop3A_1251 = arith.index_cast %parallel_loop3A_1195 : i32 to index
        %parallel_loop3A_1252 = arith.constant 64 : index
        %parallel_loop3A_1253 = tpu.vector_load %arg13[%parallel_loop3A_1250, %parallel_loop3A_1251, %parallel_loop3A_1252] {strides = array<i32>} : memref<3x80x128xf32, #tpu.memory_space<vmem>>, vector<16xf32>,
        %parallel_loop3A_1254 = arith.mulf %parallel_loop3A_1253, %parallel_loop3A_1204 : vector<16xf32>
        %parallel_loop3A_1255 = arith.constant 0 : i32
        %parallel_loop3A_1256 = arith.index_cast %parallel_loop3A_1255 : i32 to index
        %parallel_loop3A_1257 = arith.index_cast %parallel_loop3A_1195 : i32 to index
        %parallel_loop3A_1258 = arith.constant 64 : index
        %parallel_loop3A_1259 = tpu.vector_load %arg13[%parallel_loop3A_1256, %parallel_loop3A_1257, %parallel_loop3A_1258] {strides = array<i32>} : memref<3x80x128xf32, #tpu.memory_space<vmem>>, vector<16xf32>,
        tpu.vector_store %arg13[%parallel_loop3A_1256, %parallel_loop3A_1257, %parallel_loop3A_1258], %parallel_loop3A_1254 {strides = array<i32>} : memref<3x80x128xf32, #tpu.memory_space<vmem>>, vector<16xf32>,
        %parallel_loop3A_1260 = arith.constant 0 : i32
        %parallel_loop3A_1261 = arith.index_cast %parallel_loop3A_1260 : i32 to index
        %parallel_loop3A_1262 = arith.index_cast %parallel_loop3A_1195 : i32 to index
        %parallel_loop3A_1263 = arith.constant 80 : index
        %parallel_loop3A_1264 = tpu.vector_load %arg13[%parallel_loop3A_1261, %parallel_loop3A_1262, %parallel_loop3A_1263] {strides = array<i32>} : memref<3x80x128xf32, #tpu.memory_space<vmem>>, vector<16xf32>,
        %parallel_loop3A_1265 = arith.mulf %parallel_loop3A_1264, %parallel_loop3A_1204 : vector<16xf32>
        %parallel_loop3A_1266 = arith.constant 0 : i32
        %parallel_loop3A_1267 = arith.index_cast %parallel_loop3A_1266 : i32 to index
        %parallel_loop3A_1268 = arith.index_cast %parallel_loop3A_1195 : i32 to index
        %parallel_loop3A_1269 = arith.constant 80 : index
        %parallel_loop3A_1270 = tpu.vector_load %arg13[%parallel_loop3A_1267, %parallel_loop3A_1268, %parallel_loop3A_1269] {strides = array<i32>} : memref<3x80x128xf32, #tpu.memory_space<vmem>>, vector<16xf32>,
        tpu.vector_store %arg13[%parallel_loop3A_1267, %parallel_loop3A_1268, %parallel_loop3A_1269], %parallel_loop3A_1265 {strides = array<i32>} : memref<3x80x128xf32, #tpu.memory_space<vmem>>, vector<16xf32>,
        %parallel_loop3A_1271 = arith.constant 0 : i32
        %parallel_loop3A_1272 = arith.index_cast %parallel_loop3A_1271 : i32 to index
        %parallel_loop3A_1273 = arith.index_cast %parallel_loop3A_1195 : i32 to index
        %parallel_loop3A_1274 = arith.constant 96 : index
        %parallel_loop3A_1275 = tpu.vector_load %arg13[%parallel_loop3A_1272, %parallel_loop3A_1273, %parallel_loop3A_1274] {strides = array<i32>} : memref<3x80x128xf32, #tpu.memory_space<vmem>>, vector<16xf32>,
        %parallel_loop3A_1276 = arith.mulf %parallel_loop3A_1275, %parallel_loop3A_1204 : vector<16xf32>
        %parallel_loop3A_1277 = arith.constant 0 : i32
        %parallel_loop3A_1278 = arith.index_cast %parallel_loop3A_1277 : i32 to index
        %parallel_loop3A_1279 = arith.index_cast %parallel_loop3A_1195 : i32 to index
        %parallel_loop3A_1280 = arith.constant 96 : index
        %parallel_loop3A_1281 = tpu.vector_load %arg13[%parallel_loop3A_1278, %parallel_loop3A_1279, %parallel_loop3A_1280] {strides = array<i32>} : memref<3x80x128xf32, #tpu.memory_space<vmem>>, vector<16xf32>,
        tpu.vector_store %arg13[%parallel_loop3A_1278, %parallel_loop3A_1279, %parallel_loop3A_1280], %parallel_loop3A_1276 {strides = array<i32>} : memref<3x80x128xf32, #tpu.memory_space<vmem>>, vector<16xf32>,
        %parallel_loop3A_1282 = arith.constant 0 : i32
        %parallel_loop3A_1283 = arith.index_cast %parallel_loop3A_1282 : i32 to index
        %parallel_loop3A_1284 = arith.index_cast %parallel_loop3A_1195 : i32 to index
        %parallel_loop3A_1285 = arith.constant 112 : index
        %parallel_loop3A_1286 = tpu.vector_load %arg13[%parallel_loop3A_1283, %parallel_loop3A_1284, %parallel_loop3A_1285] {strides = array<i32>} : memref<3x80x128xf32, #tpu.memory_space<vmem>>, vector<16xf32>,
        %parallel_loop3A_1287 = arith.mulf %parallel_loop3A_1286, %parallel_loop3A_1204 : vector<16xf32>
        %parallel_loop3A_1288 = arith.constant 0 : i32
        %parallel_loop3A_1289 = arith.index_cast %parallel_loop3A_1288 : i32 to index
        %parallel_loop3A_1290 = arith.index_cast %parallel_loop3A_1195 : i32 to index
        %parallel_loop3A_1291 = arith.constant 112 : index
        %parallel_loop3A_1292 = tpu.vector_load %arg13[%parallel_loop3A_1289, %parallel_loop3A_1290, %parallel_loop3A_1291] {strides = array<i32>} : memref<3x80x128xf32, #tpu.memory_space<vmem>>, vector<16xf32>,
        tpu.vector_store %arg13[%parallel_loop3A_1289, %parallel_loop3A_1290, %parallel_loop3A_1291], %parallel_loop3A_1287 {strides = array<i32>} : memref<3x80x128xf32, #tpu.memory_space<vmem>>, vector<16xf32>,
      } {sc.loop_unroll_factor = 4 : i64, sc.parallel_access}
      %get3A_832 = arith.constant 0 : i32
      %get3A_833 = arith.index_cast %get3A_832 : i32 to index
      %get3A_834 = arith.constant 0 : index
      %get3A_835 = tpu.vector_load %arg11[%get3A_833, %get3A_834] {strides = array<i32>} : memref<3x80xi32, #tpu.memory_space<vmem>>, vector<16xi32>,
      %get3A_836 = arith.constant 0 : i32
      %get3A_837 = arith.index_cast %get3A_836 : i32 to index
      %get3A_838 = arith.constant 0 : index
      %get3A_839 = tpu.vector_load %arg12[%get3A_837, %get3A_838] {strides = array<i32>} : memref<3x80xf32, #tpu.memory_space<vmem>>, vector<16xf32>,
      tpu.vector_store_idx %arg9[%get3A_835], %get3A_839 {add = true} : memref<10000xf32, #tpu.memory_space<vmem>>[vector<16xi32>], vector<16xf32>,
      %get3A_840 = arith.constant 0 : i32
      %get3A_841 = arith.index_cast %get3A_840 : i32 to index
      %get3A_842 = arith.constant 16 : index
      %get3A_843 = tpu.vector_load %arg11[%get3A_841, %get3A_842] {strides = array<i32>} : memref<3x80xi32, #tpu.memory_space<vmem>>, vector<16xi32>,
      %get3A_844 = arith.constant 0 : i32
      %get3A_845 = arith.index_cast %get3A_844 : i32 to index
      %get3A_846 = arith.constant 16 : index
      %get3A_847 = tpu.vector_load %arg12[%get3A_845, %get3A_846] {strides = array<i32>} : memref<3x80xf32, #tpu.memory_space<vmem>>, vector<16xf32>,
      tpu.vector_store_idx %arg9[%get3A_843], %get3A_847 {add = true} : memref<10000xf32, #tpu.memory_space<vmem>>[vector<16xi32>], vector<16xf32>,
      %get3A_848 = arith.constant 0 : i32
      %get3A_849 = arith.index_cast %get3A_848 : i32 to index
      %get3A_850 = arith.constant 32 : index
      %get3A_851 = tpu.vector_load %arg11[%get3A_849, %get3A_850] {strides = array<i32>} : memref<3x80xi32, #tpu.memory_space<vmem>>, vector<16xi32>,
      %get3A_852 = arith.constant 0 : i32
      %get3A_853 = arith.index_cast %get3A_852 : i32 to index
      %get3A_854 = arith.constant 32 : index
      %get3A_855 = tpu.vector_load %arg12[%get3A_853, %get3A_854] {strides = array<i32>} : memref<3x80xf32, #tpu.memory_space<vmem>>, vector<16xf32>,
      tpu.vector_store_idx %arg9[%get3A_851], %get3A_855 {add = true} : memref<10000xf32, #tpu.memory_space<vmem>>[vector<16xi32>], vector<16xf32>,
      %get3A_856 = arith.constant 0 : i32
      %get3A_857 = arith.index_cast %get3A_856 : i32 to index
      %get3A_858 = arith.constant 48 : index
      %get3A_859 = tpu.vector_load %arg11[%get3A_857, %get3A_858] {strides = array<i32>} : memref<3x80xi32, #tpu.memory_space<vmem>>, vector<16xi32>,
      %get3A_860 = arith.constant 0 : i32
      %get3A_861 = arith.index_cast %get3A_860 : i32 to index
      %get3A_862 = arith.constant 48 : index
      %get3A_863 = tpu.vector_load %arg12[%get3A_861, %get3A_862] {strides = array<i32>} : memref<3x80xf32, #tpu.memory_space<vmem>>, vector<16xf32>,
      tpu.vector_store_idx %arg9[%get3A_859], %get3A_863 {add = true} : memref<10000xf32, #tpu.memory_space<vmem>>[vector<16xi32>], vector<16xf32>,
      %get3A_864 = arith.constant 0 : i32
      %get3A_865 = arith.index_cast %get3A_864 : i32 to index
      %get3A_866 = arith.constant 64 : index
      %get3A_867 = tpu.vector_load %arg11[%get3A_865, %get3A_866] {strides = array<i32>} : memref<3x80xi32, #tpu.memory_space<vmem>>, vector<16xi32>,
      %get3A_868 = arith.constant 0 : i32
      %get3A_869 = arith.index_cast %get3A_868 : i32 to index
      %get3A_870 = arith.constant 64 : index
      %get3A_871 = tpu.vector_load %arg12[%get3A_869, %get3A_870] {strides = array<i32>} : memref<3x80xf32, #tpu.memory_space<vmem>>, vector<16xf32>,
      tpu.vector_store_idx %arg9[%get3A_867], %get3A_871 {add = true} : memref<10000xf32, #tpu.memory_space<vmem>>[vector<16xi32>], vector<16xf32>,
      %dma_start3A_872 = arith.constant 0 : i32
      %dma_start3A_873 = arith.constant 0 : i32
      %dma_start3A_874 = arith.constant 0 : i32
      %dma_start3A_875 = arith.constant 0 : i32
      %dma_start3A_876 = tpu.memref_slice %arg13[%dma_start3A_872, %dma_start3A_874, %dma_start3A_875] : memref<3x80x128xf32, #tpu.memory_space<vmem>> -> memref<1x80x128xf32, #tpu.memory_space<vmem>>
      %dma_start3A_877 = tpu.memref_squeeze %dma_start3A_876 : memref<1x80x128xf32, #tpu.memory_space<vmem>> -> memref<80x128xf32, #tpu.memory_space<vmem>>
      %dma_start3A_878 = arith.constant 0 : i32
      %dma_start3A_879 = tpu.memref_slice %arg11[%dma_start3A_873, %dma_start3A_878] : memref<3x80xi32, #tpu.memory_space<vmem>> -> memref<1x80xi32, #tpu.memory_space<vmem>>
      %dma_start3A_880 = tpu.memref_squeeze %dma_start3A_879 : memref<1x80xi32, #tpu.memory_space<vmem>> -> memref<80xi32, #tpu.memory_space<vmem>>
      %dma_start3A_881 = arith.constant 0 : i32
      %dma_start3A_882 = arith.constant 0 : i32
      %dma_start3A_883 = tpu.memref_slice %arg8[%dma_start3A_881, %dma_start3A_882] : memref<10000x128xf32, #tpu.memory_space<vmem_shared>> -> memref<10000x128xf32, #tpu.memory_space<vmem_shared>>
      tpu.enqueue_indirect_dma source(%dma_start3A_877 : memref<80x128xf32, #tpu.memory_space<vmem>>) target(%dma_start3A_883 : memref<10000x128xf32, #tpu.memory_space<vmem_shared>>) offsets(%dma_start3A_880 : memref<80xi32, #tpu.memory_space<vmem>>) semaphore(%arg15 : memref<!tpu.dma_semaphore, #tpu.memory_space<semaphore_mem>>) {add = true}
      %add3A_884 = arith.constant 1 : i32
      %add3A_885 = arith.addi %mul3A_728, %add3A_884 : i32
      %dma_wait3A_886 = arith.constant 2 : i32
      %dma_wait3A_887 = arith.constant 2 : i32
      %dma_wait3A_888 = arith.constant 0 : i32
      %dma_wait3A_889 = arith.constant 0 : i32
      %dma_wait3A_890 = tpu.memref_slice %arg13[%dma_wait3A_886, %dma_wait3A_888, %dma_wait3A_889] : memref<3x80x128xf32, #tpu.memory_space<vmem>> -> memref<1x80x128xf32, #tpu.memory_space<vmem>>
      %dma_wait3A_891 = tpu.memref_squeeze %dma_wait3A_890 : memref<1x80x128xf32, #tpu.memory_space<vmem>> -> memref<80x128xf32, #tpu.memory_space<vmem>>
      %dma_wait3A_892 = arith.constant 0 : i32
      %dma_wait3A_893 = tpu.memref_slice %arg11[%dma_wait3A_887, %dma_wait3A_892] : memref<3x80xi32, #tpu.memory_space<vmem>> -> memref<1x80xi32, #tpu.memory_space<vmem>>
      %dma_wait3A_894 = tpu.memref_squeeze %dma_wait3A_893 : memref<1x80xi32, #tpu.memory_space<vmem>> -> memref<80xi32, #tpu.memory_space<vmem>>
      %dma_wait3A_895 = arith.constant 0 : i32
      %dma_wait3A_896 = arith.constant 0 : i32
      %dma_wait3A_897 = tpu.memref_slice %arg8[%dma_wait3A_895, %dma_wait3A_896] : memref<10000x128xf32, #tpu.memory_space<vmem_shared>> -> memref<10000x128xf32, #tpu.memory_space<vmem_shared>>
      tpu.wait_indirect_dma semaphore(%arg15 : memref<!tpu.dma_semaphore, #tpu.memory_space<semaphore_mem>>) src(%dma_wait3A_891 : memref<80x128xf32, #tpu.memory_space<vmem>>) dst(%dma_wait3A_897 : memref<10000x128xf32, #tpu.memory_space<vmem_shared>>)
      %dma_wait3A_898 = arith.constant 2 : i32
      %dma_wait3A_899 = arith.constant 0 : i32
      %dma_wait3A_900 = tpu.memref_slice %arg10[%dma_wait3A_898, %dma_wait3A_899] : memref<3x80xi32, #tpu.memory_space<vmem>> -> memref<1x80xi32, #tpu.memory_space<vmem>>
      %dma_wait3A_901 = tpu.memref_squeeze %dma_wait3A_900 : memref<1x80xi32, #tpu.memory_space<vmem>> -> memref<80xi32, #tpu.memory_space<vmem>>
      %dma_wait3A_902 = tpu.memref_slice %arg4[%multiple_of3A_233] : memref<320000xi32, #tpu.memory_space<hbm>> -> memref<80xi32, #tpu.memory_space<hbm>>
      %dma_wait3A_903 = arith.constant 0 : i32
      %dma_wait3A_904 = tpu.memref_slice %arg10[%dma_wait3A_898, %dma_wait3A_903] : memref<3x80xi32, #tpu.memory_space<vmem>> -> memref<1x80xi32, #tpu.memory_space<vmem>>
      %dma_wait3A_905 = tpu.memref_squeeze %dma_wait3A_904 : memref<1x80xi32, #tpu.memory_space<vmem>> -> memref<80xi32, #tpu.memory_space<vmem>>
      %dma_wait3A_906 = tpu.memref_slice %arg4[%multiple_of3A_233] : memref<320000xi32, #tpu.memory_space<hbm>> -> memref<80xi32, #tpu.memory_space<hbm>>
      tpu.wait_dma2 semaphore(%arg16 : memref<!tpu.dma_semaphore, #tpu.memory_space<semaphore_mem>>) src(%dma_wait3A_906 : memref<80xi32, #tpu.memory_space<hbm>>) dst(%dma_wait3A_905 : memref<80xi32, #tpu.memory_space<vmem>>)
      %dma_wait3A_907 = arith.constant 2 : i32
      %dma_wait3A_908 = arith.constant 0 : i32
      %dma_wait3A_909 = tpu.memref_slice %arg11[%dma_wait3A_907, %dma_wait3A_908] : memref<3x80xi32, #tpu.memory_space<vmem>> -> memref<1x80xi32, #tpu.memory_space<vmem>>
      %dma_wait3A_910 = tpu.memref_squeeze %dma_wait3A_909 : memref<1x80xi32, #tpu.memory_space<vmem>> -> memref<80xi32, #tpu.memory_space<vmem>>
      %dma_wait3A_911 = tpu.memref_slice %arg4[%multiple_of3A_233] : memref<320000xi32, #tpu.memory_space<hbm>> -> memref<80xi32, #tpu.memory_space<hbm>>
      %dma_wait3A_912 = arith.constant 0 : i32
      %dma_wait3A_913 = tpu.memref_slice %arg11[%dma_wait3A_907, %dma_wait3A_912] : memref<3x80xi32, #tpu.memory_space<vmem>> -> memref<1x80xi32, #tpu.memory_space<vmem>>
      %dma_wait3A_914 = tpu.memref_squeeze %dma_wait3A_913 : memref<1x80xi32, #tpu.memory_space<vmem>> -> memref<80xi32, #tpu.memory_space<vmem>>
      %dma_wait3A_915 = tpu.memref_slice %arg4[%multiple_of3A_233] : memref<320000xi32, #tpu.memory_space<hbm>> -> memref<80xi32, #tpu.memory_space<hbm>>
      tpu.wait_dma2 semaphore(%arg16 : memref<!tpu.dma_semaphore, #tpu.memory_space<semaphore_mem>>) src(%dma_wait3A_915 : memref<80xi32, #tpu.memory_space<hbm>>) dst(%dma_wait3A_914 : memref<80xi32, #tpu.memory_space<vmem>>)
      %dma_wait3A_916 = arith.constant 2 : i32
      %dma_wait3A_917 = arith.constant 0 : i32
      %dma_wait3A_918 = tpu.memref_slice %arg12[%dma_wait3A_916, %dma_wait3A_917] : memref<3x80xf32, #tpu.memory_space<vmem>> -> memref<1x80xf32, #tpu.memory_space<vmem>>
      %dma_wait3A_919 = tpu.memref_squeeze %dma_wait3A_918 : memref<1x80xf32, #tpu.memory_space<vmem>> -> memref<80xf32, #tpu.memory_space<vmem>>
      %dma_wait3A_920 = tpu.memref_slice %arg4[%multiple_of3A_233] : memref<320000xi32, #tpu.memory_space<hbm>> -> memref<80xi32, #tpu.memory_space<hbm>>
      %dma_wait3A_921 = arith.constant 0 : i32
      %dma_wait3A_922 = tpu.memref_slice %arg12[%dma_wait3A_916, %dma_wait3A_921] : memref<3x80xf32, #tpu.memory_space<vmem>> -> memref<1x80xf32, #tpu.memory_space<vmem>>
      %dma_wait3A_923 = tpu.memref_squeeze %dma_wait3A_922 : memref<1x80xf32, #tpu.memory_space<vmem>> -> memref<80xf32, #tpu.memory_space<vmem>>
      %dma_wait3A_924 = tpu.memref_slice %arg4[%multiple_of3A_233] : memref<320000xi32, #tpu.memory_space<hbm>> -> memref<80xi32, #tpu.memory_space<hbm>>
      tpu.wait_dma2 semaphore(%arg16 : memref<!tpu.dma_semaphore, #tpu.memory_space<semaphore_mem>>) src(%dma_wait3A_924 : memref<80xi32, #tpu.memory_space<hbm>>) dst(%dma_wait3A_923 : memref<80xf32, #tpu.memory_space<vmem>>)
      %dma_start3A_925 = arith.constant 2 : i32
      %dma_start3A_926 = arith.constant 2 : i32
      %dma_start3A_927 = arith.constant 0 : i32
      %dma_start3A_928 = arith.constant 0 : i32
      %dma_start3A_929 = tpu.memref_slice %arg13[%dma_start3A_926, %dma_start3A_927, %dma_start3A_928] : memref<3x80x128xf32, #tpu.memory_space<vmem>> -> memref<1x80x128xf32, #tpu.memory_space<vmem>>
      %dma_start3A_930 = tpu.memref_squeeze %dma_start3A_929 : memref<1x80x128xf32, #tpu.memory_space<vmem>> -> memref<80x128xf32, #tpu.memory_space<vmem>>
      %dma_start3A_931 = arith.constant 0 : i32
      %dma_start3A_932 = tpu.memref_slice %arg10[%dma_start3A_925, %dma_start3A_931] : memref<3x80xi32, #tpu.memory_space<vmem>> -> memref<1x80xi32, #tpu.memory_space<vmem>>
      %dma_start3A_933 = tpu.memref_squeeze %dma_start3A_932 : memref<1x80xi32, #tpu.memory_space<vmem>> -> memref<80xi32, #tpu.memory_space<vmem>>
      %dma_start3A_934 = arith.constant 0 : i32
      %dma_start3A_935 = arith.constant 0 : i32
      %dma_start3A_936 = tpu.memref_slice %arg2[%dma_start3A_934, %dma_start3A_935] : memref<10000x128xf32, #tpu.memory_space<hbm>> -> memref<10000x128xf32, #tpu.memory_space<hbm>>
      tpu.enqueue_indirect_dma source(%dma_start3A_936 : memref<10000x128xf32, #tpu.memory_space<hbm>>) target(%dma_start3A_930 : memref<80x128xf32, #tpu.memory_space<vmem>>) offsets(%dma_start3A_933 : memref<80xi32, #tpu.memory_space<vmem>>) semaphore(%arg14 : memref<!tpu.dma_semaphore, #tpu.memory_space<semaphore_mem>>)
      %dma_wait3A_937 = arith.constant 1 : i32
      %dma_wait3A_938 = arith.constant 1 : i32
      %dma_wait3A_939 = arith.constant 0 : i32
      %dma_wait3A_940 = arith.constant 0 : i32
      %dma_wait3A_941 = tpu.memref_slice %arg13[%dma_wait3A_938, %dma_wait3A_939, %dma_wait3A_940] : memref<3x80x128xf32, #tpu.memory_space<vmem>> -> memref<1x80x128xf32, #tpu.memory_space<vmem>>
      %dma_wait3A_942 = tpu.memref_squeeze %dma_wait3A_941 : memref<1x80x128xf32, #tpu.memory_space<vmem>> -> memref<80x128xf32, #tpu.memory_space<vmem>>
      %dma_wait3A_943 = arith.constant 0 : i32
      %dma_wait3A_944 = tpu.memref_slice %arg10[%dma_wait3A_937, %dma_wait3A_943] : memref<3x80xi32, #tpu.memory_space<vmem>> -> memref<1x80xi32, #tpu.memory_space<vmem>>
      %dma_wait3A_945 = tpu.memref_squeeze %dma_wait3A_944 : memref<1x80xi32, #tpu.memory_space<vmem>> -> memref<80xi32, #tpu.memory_space<vmem>>
      %dma_wait3A_946 = arith.constant 0 : i32
      %dma_wait3A_947 = arith.constant 0 : i32
      %dma_wait3A_948 = tpu.memref_slice %arg2[%dma_wait3A_946, %dma_wait3A_947] : memref<10000x128xf32, #tpu.memory_space<hbm>> -> memref<10000x128xf32, #tpu.memory_space<hbm>>
      tpu.wait_indirect_dma semaphore(%arg14 : memref<!tpu.dma_semaphore, #tpu.memory_space<semaphore_mem>>) src(%dma_wait3A_948 : memref<10000x128xf32, #tpu.memory_space<hbm>>) dst(%dma_wait3A_942 : memref<80x128xf32, #tpu.memory_space<vmem>>)
      %add3A_949 = arith.constant 2 : i32
      %add3A_950 = arith.addi %add3A_885, %add3A_949 : i32
      %rem3A_951 = arith.constant 125 : i32
      %rem3A_952 = arith.remsi %add3A_950, %rem3A_951 : i32
      %mul3A_953 = arith.constant 80 : i32
      %mul3A_954 = arith.muli %rem3A_952, %mul3A_953 : i32
      %add3A_955 = arith.addi %multiple_of3A_233, %mul3A_954 : i32
      %multiple_of3A_956 = tpu.assume_multiple %add3A_955, 8 : i32
      %dma_start3A_957 = arith.constant 0 : i32
      %dma_start3A_958 = arith.constant 0 : i32
      %dma_start3A_959 = tpu.memref_slice %arg10[%dma_start3A_957, %dma_start3A_958] : memref<3x80xi32, #tpu.memory_space<vmem>> -> memref<1x80xi32, #tpu.memory_space<vmem>>
      %dma_start3A_960 = tpu.memref_squeeze %dma_start3A_959 : memref<1x80xi32, #tpu.memory_space<vmem>> -> memref<80xi32, #tpu.memory_space<vmem>>
      %dma_start3A_961 = tpu.memref_slice %arg4[%multiple_of3A_956] : memref<320000xi32, #tpu.memory_space<hbm>> -> memref<80xi32, #tpu.memory_space<hbm>>
      %dma_start3A_962 = arith.constant 0 : i32
      %dma_start3A_963 = tpu.memref_slice %arg10[%dma_start3A_957, %dma_start3A_962] : memref<3x80xi32, #tpu.memory_space<vmem>> -> memref<1x80xi32, #tpu.memory_space<vmem>>
      %dma_start3A_964 = tpu.memref_squeeze %dma_start3A_963 : memref<1x80xi32, #tpu.memory_space<vmem>> -> memref<80xi32, #tpu.memory_space<vmem>>
      %dma_start3A_965 = tpu.memref_slice %arg4[%multiple_of3A_956] : memref<320000xi32, #tpu.memory_space<hbm>> -> memref<80xi32, #tpu.memory_space<hbm>>
      tpu.enqueue_dma source(%dma_start3A_965 : memref<80xi32, #tpu.memory_space<hbm>>) target(%dma_start3A_964 : memref<80xi32, #tpu.memory_space<vmem>>) target_semaphore(%arg16 : memref<!tpu.dma_semaphore, #tpu.memory_space<semaphore_mem>>)
      %dma_start3A_966 = arith.constant 0 : i32
      %dma_start3A_967 = arith.constant 0 : i32
      %dma_start3A_968 = tpu.memref_slice %arg11[%dma_start3A_966, %dma_start3A_967] : memref<3x80xi32, #tpu.memory_space<vmem>> -> memref<1x80xi32, #tpu.memory_space<vmem>>
      %dma_start3A_969 = tpu.memref_squeeze %dma_start3A_968 : memref<1x80xi32, #tpu.memory_space<vmem>> -> memref<80xi32, #tpu.memory_space<vmem>>
      %dma_start3A_970 = tpu.memref_slice %arg3[%multiple_of3A_956] : memref<320000xi32, #tpu.memory_space<hbm>> -> memref<80xi32, #tpu.memory_space<hbm>>
      %dma_start3A_971 = arith.constant 0 : i32
      %dma_start3A_972 = tpu.memref_slice %arg11[%dma_start3A_966, %dma_start3A_971] : memref<3x80xi32, #tpu.memory_space<vmem>> -> memref<1x80xi32, #tpu.memory_space<vmem>>
      %dma_start3A_973 = tpu.memref_squeeze %dma_start3A_972 : memref<1x80xi32, #tpu.memory_space<vmem>> -> memref<80xi32, #tpu.memory_space<vmem>>
      %dma_start3A_974 = tpu.memref_slice %arg3[%multiple_of3A_956] : memref<320000xi32, #tpu.memory_space<hbm>> -> memref<80xi32, #tpu.memory_space<hbm>>
      tpu.enqueue_dma source(%dma_start3A_974 : memref<80xi32, #tpu.memory_space<hbm>>) target(%dma_start3A_973 : memref<80xi32, #tpu.memory_space<vmem>>) target_semaphore(%arg16 : memref<!tpu.dma_semaphore, #tpu.memory_space<semaphore_mem>>)
      %dma_start3A_975 = arith.constant 0 : i32
      %dma_start3A_976 = arith.constant 0 : i32
      %dma_start3A_977 = tpu.memref_slice %arg12[%dma_start3A_975, %dma_start3A_976] : memref<3x80xf32, #tpu.memory_space<vmem>> -> memref<1x80xf32, #tpu.memory_space<vmem>>
      %dma_start3A_978 = tpu.memref_squeeze %dma_start3A_977 : memref<1x80xf32, #tpu.memory_space<vmem>> -> memref<80xf32, #tpu.memory_space<vmem>>
      %dma_start3A_979 = tpu.memref_slice %arg5[%multiple_of3A_956] : memref<320000xf32, #tpu.memory_space<hbm>> -> memref<80xf32, #tpu.memory_space<hbm>>
      %dma_start3A_980 = arith.constant 0 : i32
      %dma_start3A_981 = tpu.memref_slice %arg12[%dma_start3A_975, %dma_start3A_980] : memref<3x80xf32, #tpu.memory_space<vmem>> -> memref<1x80xf32, #tpu.memory_space<vmem>>
      %dma_start3A_982 = tpu.memref_squeeze %dma_start3A_981 : memref<1x80xf32, #tpu.memory_space<vmem>> -> memref<80xf32, #tpu.memory_space<vmem>>
      %dma_start3A_983 = tpu.memref_slice %arg5[%multiple_of3A_956] : memref<320000xf32, #tpu.memory_space<hbm>> -> memref<80xf32, #tpu.memory_space<hbm>>
      tpu.enqueue_dma source(%dma_start3A_983 : memref<80xf32, #tpu.memory_space<hbm>>) target(%dma_start3A_982 : memref<80xf32, #tpu.memory_space<vmem>>) target_semaphore(%arg16 : memref<!tpu.dma_semaphore, #tpu.memory_space<semaphore_mem>>)
      %parallel_loop3A_984 = arith.constant 0 : i32
      %parallel_loop3A_985 = arith.constant 80 : i32
      %parallel_loop3A_986 = arith.constant 1 : i32
      scf.for %parallel_loop3A_1195 = %parallel_loop3A_984 to %parallel_loop3A_985 step %parallel_loop3A_986  : i32 {
        %parallel_loop3A_1196 = arith.constant 0 : i32
        %parallel_loop3A_1197 = vector.broadcast %parallel_loop3A_1196 : i32 to vector<16xi32>
        %parallel_loop3A_1198 = vector.broadcast %parallel_loop3A_1195 : i32 to vector<16xi32>
        %parallel_loop3A_1199 = arith.addi %parallel_loop3A_1197, %parallel_loop3A_1198 : vector<16xi32>
        %parallel_loop3A_1200 = arith.constant 1 : i32
        %parallel_loop3A_1201 = arith.constant 0 : i32
        %parallel_loop3A_1202 = tpu.memref_slice %arg12[%parallel_loop3A_1200, %parallel_loop3A_1201] : memref<3x80xf32, #tpu.memory_space<vmem>> -> memref<1x80xf32, #tpu.memory_space<vmem>>
        %parallel_loop3A_1203 = tpu.memref_squeeze %parallel_loop3A_1202 : memref<1x80xf32, #tpu.memory_space<vmem>> -> memref<80xf32, #tpu.memory_space<vmem>>
        %parallel_loop3A_1204 = tpu.vector_load_idx %parallel_loop3A_1203[%parallel_loop3A_1199] : memref<80xf32, #tpu.memory_space<vmem>>[vector<16xi32>], vector<16xf32>,
        %parallel_loop3A_1205 = arith.constant 1 : i32
        %parallel_loop3A_1206 = arith.index_cast %parallel_loop3A_1205 : i32 to index
        %parallel_loop3A_1207 = arith.index_cast %parallel_loop3A_1195 : i32 to index
        %parallel_loop3A_1208 = arith.constant 0 : index
        %parallel_loop3A_1209 = tpu.vector_load %arg13[%parallel_loop3A_1206, %parallel_loop3A_1207, %parallel_loop3A_1208] {strides = array<i32>} : memref<3x80x128xf32, #tpu.memory_space<vmem>>, vector<16xf32>,
        %parallel_loop3A_1210 = arith.mulf %parallel_loop3A_1209, %parallel_loop3A_1204 : vector<16xf32>
        %parallel_loop3A_1211 = arith.constant 1 : i32
        %parallel_loop3A_1212 = arith.index_cast %parallel_loop3A_1211 : i32 to index
        %parallel_loop3A_1213 = arith.index_cast %parallel_loop3A_1195 : i32 to index
        %parallel_loop3A_1214 = arith.constant 0 : index
        %parallel_loop3A_1215 = tpu.vector_load %arg13[%parallel_loop3A_1212, %parallel_loop3A_1213, %parallel_loop3A_1214] {strides = array<i32>} : memref<3x80x128xf32, #tpu.memory_space<vmem>>, vector<16xf32>,
        tpu.vector_store %arg13[%parallel_loop3A_1212, %parallel_loop3A_1213, %parallel_loop3A_1214], %parallel_loop3A_1210 {strides = array<i32>} : memref<3x80x128xf32, #tpu.memory_space<vmem>>, vector<16xf32>,
        %parallel_loop3A_1216 = arith.constant 1 : i32
        %parallel_loop3A_1217 = arith.index_cast %parallel_loop3A_1216 : i32 to index
        %parallel_loop3A_1218 = arith.index_cast %parallel_loop3A_1195 : i32 to index
        %parallel_loop3A_1219 = arith.constant 16 : index
        %parallel_loop3A_1220 = tpu.vector_load %arg13[%parallel_loop3A_1217, %parallel_loop3A_1218, %parallel_loop3A_1219] {strides = array<i32>} : memref<3x80x128xf32, #tpu.memory_space<vmem>>, vector<16xf32>,
        %parallel_loop3A_1221 = arith.mulf %parallel_loop3A_1220, %parallel_loop3A_1204 : vector<16xf32>
        %parallel_loop3A_1222 = arith.constant 1 : i32
        %parallel_loop3A_1223 = arith.index_cast %parallel_loop3A_1222 : i32 to index
        %parallel_loop3A_1224 = arith.index_cast %parallel_loop3A_1195 : i32 to index
        %parallel_loop3A_1225 = arith.constant 16 : index
        %parallel_loop3A_1226 = tpu.vector_load %arg13[%parallel_loop3A_1223, %parallel_loop3A_1224, %parallel_loop3A_1225] {strides = array<i32>} : memref<3x80x128xf32, #tpu.memory_space<vmem>>, vector<16xf32>,
        tpu.vector_store %arg13[%parallel_loop3A_1223, %parallel_loop3A_1224, %parallel_loop3A_1225], %parallel_loop3A_1221 {strides = array<i32>} : memref<3x80x128xf32, #tpu.memory_space<vmem>>, vector<16xf32>,
        %parallel_loop3A_1227 = arith.constant 1 : i32
        %parallel_loop3A_1228 = arith.index_cast %parallel_loop3A_1227 : i32 to index
        %parallel_loop3A_1229 = arith.index_cast %parallel_loop3A_1195 : i32 to index
        %parallel_loop3A_1230 = arith.constant 32 : index
        %parallel_loop3A_1231 = tpu.vector_load %arg13[%parallel_loop3A_1228, %parallel_loop3A_1229, %parallel_loop3A_1230] {strides = array<i32>} : memref<3x80x128xf32, #tpu.memory_space<vmem>>, vector<16xf32>,
        %parallel_loop3A_1232 = arith.mulf %parallel_loop3A_1231, %parallel_loop3A_1204 : vector<16xf32>
        %parallel_loop3A_1233 = arith.constant 1 : i32
        %parallel_loop3A_1234 = arith.index_cast %parallel_loop3A_1233 : i32 to index
        %parallel_loop3A_1235 = arith.index_cast %parallel_loop3A_1195 : i32 to index
        %parallel_loop3A_1236 = arith.constant 32 : index
        %parallel_loop3A_1237 = tpu.vector_load %arg13[%parallel_loop3A_1234, %parallel_loop3A_1235, %parallel_loop3A_1236] {strides = array<i32>} : memref<3x80x128xf32, #tpu.memory_space<vmem>>, vector<16xf32>,
        tpu.vector_store %arg13[%parallel_loop3A_1234, %parallel_loop3A_1235, %parallel_loop3A_1236], %parallel_loop3A_1232 {strides = array<i32>} : memref<3x80x128xf32, #tpu.memory_space<vmem>>, vector<16xf32>,
        %parallel_loop3A_1238 = arith.constant 1 : i32
        %parallel_loop3A_1239 = arith.index_cast %parallel_loop3A_1238 : i32 to index
        %parallel_loop3A_1240 = arith.index_cast %parallel_loop3A_1195 : i32 to index
        %parallel_loop3A_1241 = arith.constant 48 : index
        %parallel_loop3A_1242 = tpu.vector_load %arg13[%parallel_loop3A_1239, %parallel_loop3A_1240, %parallel_loop3A_1241] {strides = array<i32>} : memref<3x80x128xf32, #tpu.memory_space<vmem>>, vector<16xf32>,
        %parallel_loop3A_1243 = arith.mulf %parallel_loop3A_1242, %parallel_loop3A_1204 : vector<16xf32>
        %parallel_loop3A_1244 = arith.constant 1 : i32
        %parallel_loop3A_1245 = arith.index_cast %parallel_loop3A_1244 : i32 to index
        %parallel_loop3A_1246 = arith.index_cast %parallel_loop3A_1195 : i32 to index
        %parallel_loop3A_1247 = arith.constant 48 : index
        %parallel_loop3A_1248 = tpu.vector_load %arg13[%parallel_loop3A_1245, %parallel_loop3A_1246, %parallel_loop3A_1247] {strides = array<i32>} : memref<3x80x128xf32, #tpu.memory_space<vmem>>, vector<16xf32>,
        tpu.vector_store %arg13[%parallel_loop3A_1245, %parallel_loop3A_1246, %parallel_loop3A_1247], %parallel_loop3A_1243 {strides = array<i32>} : memref<3x80x128xf32, #tpu.memory_space<vmem>>, vector<16xf32>,
        %parallel_loop3A_1249 = arith.constant 1 : i32
        %parallel_loop3A_1250 = arith.index_cast %parallel_loop3A_1249 : i32 to index
        %parallel_loop3A_1251 = arith.index_cast %parallel_loop3A_1195 : i32 to index
        %parallel_loop3A_1252 = arith.constant 64 : index
        %parallel_loop3A_1253 = tpu.vector_load %arg13[%parallel_loop3A_1250, %parallel_loop3A_1251, %parallel_loop3A_1252] {strides = array<i32>} : memref<3x80x128xf32, #tpu.memory_space<vmem>>, vector<16xf32>,
        %parallel_loop3A_1254 = arith.mulf %parallel_loop3A_1253, %parallel_loop3A_1204 : vector<16xf32>
        %parallel_loop3A_1255 = arith.constant 1 : i32
        %parallel_loop3A_1256 = arith.index_cast %parallel_loop3A_1255 : i32 to index
        %parallel_loop3A_1257 = arith.index_cast %parallel_loop3A_1195 : i32 to index
        %parallel_loop3A_1258 = arith.constant 64 : index
        %parallel_loop3A_1259 = tpu.vector_load %arg13[%parallel_loop3A_1256, %parallel_loop3A_1257, %parallel_loop3A_1258] {strides = array<i32>} : memref<3x80x128xf32, #tpu.memory_space<vmem>>, vector<16xf32>,
        tpu.vector_store %arg13[%parallel_loop3A_1256, %parallel_loop3A_1257, %parallel_loop3A_1258], %parallel_loop3A_1254 {strides = array<i32>} : memref<3x80x128xf32, #tpu.memory_space<vmem>>, vector<16xf32>,
        %parallel_loop3A_1260 = arith.constant 1 : i32
        %parallel_loop3A_1261 = arith.index_cast %parallel_loop3A_1260 : i32 to index
        %parallel_loop3A_1262 = arith.index_cast %parallel_loop3A_1195 : i32 to index
        %parallel_loop3A_1263 = arith.constant 80 : index
        %parallel_loop3A_1264 = tpu.vector_load %arg13[%parallel_loop3A_1261, %parallel_loop3A_1262, %parallel_loop3A_1263] {strides = array<i32>} : memref<3x80x128xf32, #tpu.memory_space<vmem>>, vector<16xf32>,
        %parallel_loop3A_1265 = arith.mulf %parallel_loop3A_1264, %parallel_loop3A_1204 : vector<16xf32>
        %parallel_loop3A_1266 = arith.constant 1 : i32
        %parallel_loop3A_1267 = arith.index_cast %parallel_loop3A_1266 : i32 to index
        %parallel_loop3A_1268 = arith.index_cast %parallel_loop3A_1195 : i32 to index
        %parallel_loop3A_1269 = arith.constant 80 : index
        %parallel_loop3A_1270 = tpu.vector_load %arg13[%parallel_loop3A_1267, %parallel_loop3A_1268, %parallel_loop3A_1269] {strides = array<i32>} : memref<3x80x128xf32, #tpu.memory_space<vmem>>, vector<16xf32>,
        tpu.vector_store %arg13[%parallel_loop3A_1267, %parallel_loop3A_1268, %parallel_loop3A_1269], %parallel_loop3A_1265 {strides = array<i32>} : memref<3x80x128xf32, #tpu.memory_space<vmem>>, vector<16xf32>,
        %parallel_loop3A_1271 = arith.constant 1 : i32
        %parallel_loop3A_1272 = arith.index_cast %parallel_loop3A_1271 : i32 to index
        %parallel_loop3A_1273 = arith.index_cast %parallel_loop3A_1195 : i32 to index
        %parallel_loop3A_1274 = arith.constant 96 : index
        %parallel_loop3A_1275 = tpu.vector_load %arg13[%parallel_loop3A_1272, %parallel_loop3A_1273, %parallel_loop3A_1274] {strides = array<i32>} : memref<3x80x128xf32, #tpu.memory_space<vmem>>, vector<16xf32>,
        %parallel_loop3A_1276 = arith.mulf %parallel_loop3A_1275, %parallel_loop3A_1204 : vector<16xf32>
        %parallel_loop3A_1277 = arith.constant 1 : i32
        %parallel_loop3A_1278 = arith.index_cast %parallel_loop3A_1277 : i32 to index
        %parallel_loop3A_1279 = arith.index_cast %parallel_loop3A_1195 : i32 to index
        %parallel_loop3A_1280 = arith.constant 96 : index
        %parallel_loop3A_1281 = tpu.vector_load %arg13[%parallel_loop3A_1278, %parallel_loop3A_1279, %parallel_loop3A_1280] {strides = array<i32>} : memref<3x80x128xf32, #tpu.memory_space<vmem>>, vector<16xf32>,
        tpu.vector_store %arg13[%parallel_loop3A_1278, %parallel_loop3A_1279, %parallel_loop3A_1280], %parallel_loop3A_1276 {strides = array<i32>} : memref<3x80x128xf32, #tpu.memory_space<vmem>>, vector<16xf32>,
        %parallel_loop3A_1282 = arith.constant 1 : i32
        %parallel_loop3A_1283 = arith.index_cast %parallel_loop3A_1282 : i32 to index
        %parallel_loop3A_1284 = arith.index_cast %parallel_loop3A_1195 : i32 to index
        %parallel_loop3A_1285 = arith.constant 112 : index
        %parallel_loop3A_1286 = tpu.vector_load %arg13[%parallel_loop3A_1283, %parallel_loop3A_1284, %parallel_loop3A_1285] {strides = array<i32>} : memref<3x80x128xf32, #tpu.memory_space<vmem>>, vector<16xf32>,
        %parallel_loop3A_1287 = arith.mulf %parallel_loop3A_1286, %parallel_loop3A_1204 : vector<16xf32>
        %parallel_loop3A_1288 = arith.constant 1 : i32
        %parallel_loop3A_1289 = arith.index_cast %parallel_loop3A_1288 : i32 to index
        %parallel_loop3A_1290 = arith.index_cast %parallel_loop3A_1195 : i32 to index
        %parallel_loop3A_1291 = arith.constant 112 : index
        %parallel_loop3A_1292 = tpu.vector_load %arg13[%parallel_loop3A_1289, %parallel_loop3A_1290, %parallel_loop3A_1291] {strides = array<i32>} : memref<3x80x128xf32, #tpu.memory_space<vmem>>, vector<16xf32>,
        tpu.vector_store %arg13[%parallel_loop3A_1289, %parallel_loop3A_1290, %parallel_loop3A_1291], %parallel_loop3A_1287 {strides = array<i32>} : memref<3x80x128xf32, #tpu.memory_space<vmem>>, vector<16xf32>,
      } {sc.loop_unroll_factor = 4 : i64, sc.parallel_access}
      %get3A_987 = arith.constant 1 : i32
      %get3A_988 = arith.index_cast %get3A_987 : i32 to index
      %get3A_989 = arith.constant 0 : index
      %get3A_990 = tpu.vector_load %arg11[%get3A_988, %get3A_989] {strides = array<i32>} : memref<3x80xi32, #tpu.memory_space<vmem>>, vector<16xi32>,
      %get3A_991 = arith.constant 1 : i32
      %get3A_992 = arith.index_cast %get3A_991 : i32 to index
      %get3A_993 = arith.constant 0 : index
      %get3A_994 = tpu.vector_load %arg12[%get3A_992, %get3A_993] {strides = array<i32>} : memref<3x80xf32, #tpu.memory_space<vmem>>, vector<16xf32>,
      tpu.vector_store_idx %arg9[%get3A_990], %get3A_994 {add = true} : memref<10000xf32, #tpu.memory_space<vmem>>[vector<16xi32>], vector<16xf32>,
      %get3A_995 = arith.constant 1 : i32
      %get3A_996 = arith.index_cast %get3A_995 : i32 to index
      %get3A_997 = arith.constant 16 : index
      %get3A_998 = tpu.vector_load %arg11[%get3A_996, %get3A_997] {strides = array<i32>} : memref<3x80xi32, #tpu.memory_space<vmem>>, vector<16xi32>,
      %get3A_999 = arith.constant 1 : i32
      %get3A_1000 = arith.index_cast %get3A_999 : i32 to index
      %get3A_1001 = arith.constant 16 : index
      %get3A_1002 = tpu.vector_load %arg12[%get3A_1000, %get3A_1001] {strides = array<i32>} : memref<3x80xf32, #tpu.memory_space<vmem>>, vector<16xf32>,
      tpu.vector_store_idx %arg9[%get3A_998], %get3A_1002 {add = true} : memref<10000xf32, #tpu.memory_space<vmem>>[vector<16xi32>], vector<16xf32>,
      %get3A_1003 = arith.constant 1 : i32
      %get3A_1004 = arith.index_cast %get3A_1003 : i32 to index
      %get3A_1005 = arith.constant 32 : index
      %get3A_1006 = tpu.vector_load %arg11[%get3A_1004, %get3A_1005] {strides = array<i32>} : memref<3x80xi32, #tpu.memory_space<vmem>>, vector<16xi32>,
      %get3A_1007 = arith.constant 1 : i32
      %get3A_1008 = arith.index_cast %get3A_1007 : i32 to index
      %get3A_1009 = arith.constant 32 : index
      %get3A_1010 = tpu.vector_load %arg12[%get3A_1008, %get3A_1009] {strides = array<i32>} : memref<3x80xf32, #tpu.memory_space<vmem>>, vector<16xf32>,
      tpu.vector_store_idx %arg9[%get3A_1006], %get3A_1010 {add = true} : memref<10000xf32, #tpu.memory_space<vmem>>[vector<16xi32>], vector<16xf32>,
      %get3A_1011 = arith.constant 1 : i32
      %get3A_1012 = arith.index_cast %get3A_1011 : i32 to index
      %get3A_1013 = arith.constant 48 : index
      %get3A_1014 = tpu.vector_load %arg11[%get3A_1012, %get3A_1013] {strides = array<i32>} : memref<3x80xi32, #tpu.memory_space<vmem>>, vector<16xi32>,
      %get3A_1015 = arith.constant 1 : i32
      %get3A_1016 = arith.index_cast %get3A_1015 : i32 to index
      %get3A_1017 = arith.constant 48 : index
      %get3A_1018 = tpu.vector_load %arg12[%get3A_1016, %get3A_1017] {strides = array<i32>} : memref<3x80xf32, #tpu.memory_space<vmem>>, vector<16xf32>,
      tpu.vector_store_idx %arg9[%get3A_1014], %get3A_1018 {add = true} : memref<10000xf32, #tpu.memory_space<vmem>>[vector<16xi32>], vector<16xf32>,
      %get3A_1019 = arith.constant 1 : i32
      %get3A_1020 = arith.index_cast %get3A_1019 : i32 to index
      %get3A_1021 = arith.constant 64 : index
      %get3A_1022 = tpu.vector_load %arg11[%get3A_1020, %get3A_1021] {strides = array<i32>} : memref<3x80xi32, #tpu.memory_space<vmem>>, vector<16xi32>,
      %get3A_1023 = arith.constant 1 : i32
      %get3A_1024 = arith.index_cast %get3A_1023 : i32 to index
      %get3A_1025 = arith.constant 64 : index
      %get3A_1026 = tpu.vector_load %arg12[%get3A_1024, %get3A_1025] {strides = array<i32>} : memref<3x80xf32, #tpu.memory_space<vmem>>, vector<16xf32>,
      tpu.vector_store_idx %arg9[%get3A_1022], %get3A_1026 {add = true} : memref<10000xf32, #tpu.memory_space<vmem>>[vector<16xi32>], vector<16xf32>,
      %dma_start3A_1027 = arith.constant 1 : i32
      %dma_start3A_1028 = arith.constant 1 : i32
      %dma_start3A_1029 = arith.constant 0 : i32
      %dma_start3A_1030 = arith.constant 0 : i32
      %dma_start3A_1031 = tpu.memref_slice %arg13[%dma_start3A_1027, %dma_start3A_1029, %dma_start3A_1030] : memref<3x80x128xf32, #tpu.memory_space<vmem>> -> memref<1x80x128xf32, #tpu.memory_space<vmem>>
      %dma_start3A_1032 = tpu.memref_squeeze %dma_start3A_1031 : memref<1x80x128xf32, #tpu.memory_space<vmem>> -> memref<80x128xf32, #tpu.memory_space<vmem>>
      %dma_start3A_1033 = arith.constant 0 : i32
      %dma_start3A_1034 = tpu.memref_slice %arg11[%dma_start3A_1028, %dma_start3A_1033] : memref<3x80xi32, #tpu.memory_space<vmem>> -> memref<1x80xi32, #tpu.memory_space<vmem>>
      %dma_start3A_1035 = tpu.memref_squeeze %dma_start3A_1034 : memref<1x80xi32, #tpu.memory_space<vmem>> -> memref<80xi32, #tpu.memory_space<vmem>>
      %dma_start3A_1036 = arith.constant 0 : i32
      %dma_start3A_1037 = arith.constant 0 : i32
      %dma_start3A_1038 = tpu.memref_slice %arg8[%dma_start3A_1036, %dma_start3A_1037] : memref<10000x128xf32, #tpu.memory_space<vmem_shared>> -> memref<10000x128xf32, #tpu.memory_space<vmem_shared>>
      tpu.enqueue_indirect_dma source(%dma_start3A_1032 : memref<80x128xf32, #tpu.memory_space<vmem>>) target(%dma_start3A_1038 : memref<10000x128xf32, #tpu.memory_space<vmem_shared>>) offsets(%dma_start3A_1035 : memref<80xi32, #tpu.memory_space<vmem>>) semaphore(%arg15 : memref<!tpu.dma_semaphore, #tpu.memory_space<semaphore_mem>>) {add = true}
      %add3A_1039 = arith.constant 2 : i32
      %add3A_1040 = arith.addi %mul3A_728, %add3A_1039 : i32
      %dma_wait3A_1041 = arith.constant 0 : i32
      %dma_wait3A_1042 = arith.constant 0 : i32
      %dma_wait3A_1043 = arith.constant 0 : i32
      %dma_wait3A_1044 = arith.constant 0 : i32
      %dma_wait3A_1045 = tpu.memref_slice %arg13[%dma_wait3A_1041, %dma_wait3A_1043, %dma_wait3A_1044] : memref<3x80x128xf32, #tpu.memory_space<vmem>> -> memref<1x80x128xf32, #tpu.memory_space<vmem>>
      %dma_wait3A_1046 = tpu.memref_squeeze %dma_wait3A_1045 : memref<1x80x128xf32, #tpu.memory_space<vmem>> -> memref<80x128xf32, #tpu.memory_space<vmem>>
      %dma_wait3A_1047 = arith.constant 0 : i32
      %dma_wait3A_1048 = tpu.memref_slice %arg11[%dma_wait3A_1042, %dma_wait3A_1047] : memref<3x80xi32, #tpu.memory_space<vmem>> -> memref<1x80xi32, #tpu.memory_space<vmem>>
      %dma_wait3A_1049 = tpu.memref_squeeze %dma_wait3A_1048 : memref<1x80xi32, #tpu.memory_space<vmem>> -> memref<80xi32, #tpu.memory_space<vmem>>
      %dma_wait3A_1050 = arith.constant 0 : i32
      %dma_wait3A_1051 = arith.constant 0 : i32
      %dma_wait3A_1052 = tpu.memref_slice %arg8[%dma_wait3A_1050, %dma_wait3A_1051] : memref<10000x128xf32, #tpu.memory_space<vmem_shared>> -> memref<10000x128xf32, #tpu.memory_space<vmem_shared>>
      tpu.wait_indirect_dma semaphore(%arg15 : memref<!tpu.dma_semaphore, #tpu.memory_space<semaphore_mem>>) src(%dma_wait3A_1046 : memref<80x128xf32, #tpu.memory_space<vmem>>) dst(%dma_wait3A_1052 : memref<10000x128xf32, #tpu.memory_space<vmem_shared>>)
      %dma_wait3A_1053 = arith.constant 0 : i32
      %dma_wait3A_1054 = arith.constant 0 : i32
      %dma_wait3A_1055 = tpu.memref_slice %arg10[%dma_wait3A_1053, %dma_wait3A_1054] : memref<3x80xi32, #tpu.memory_space<vmem>> -> memref<1x80xi32, #tpu.memory_space<vmem>>
      %dma_wait3A_1056 = tpu.memref_squeeze %dma_wait3A_1055 : memref<1x80xi32, #tpu.memory_space<vmem>> -> memref<80xi32, #tpu.memory_space<vmem>>
      %dma_wait3A_1057 = tpu.memref_slice %arg4[%multiple_of3A_233] : memref<320000xi32, #tpu.memory_space<hbm>> -> memref<80xi32, #tpu.memory_space<hbm>>
      %dma_wait3A_1058 = arith.constant 0 : i32
      %dma_wait3A_1059 = tpu.memref_slice %arg10[%dma_wait3A_1053, %dma_wait3A_1058] : memref<3x80xi32, #tpu.memory_space<vmem>> -> memref<1x80xi32, #tpu.memory_space<vmem>>
      %dma_wait3A_1060 = tpu.memref_squeeze %dma_wait3A_1059 : memref<1x80xi32, #tpu.memory_space<vmem>> -> memref<80xi32, #tpu.memory_space<vmem>>
      %dma_wait3A_1061 = tpu.memref_slice %arg4[%multiple_of3A_233] : memref<320000xi32, #tpu.memory_space<hbm>> -> memref<80xi32, #tpu.memory_space<hbm>>
      tpu.wait_dma2 semaphore(%arg16 : memref<!tpu.dma_semaphore, #tpu.memory_space<semaphore_mem>>) src(%dma_wait3A_1061 : memref<80xi32, #tpu.memory_space<hbm>>) dst(%dma_wait3A_1060 : memref<80xi32, #tpu.memory_space<vmem>>)
      %dma_wait3A_1062 = arith.constant 0 : i32
      %dma_wait3A_1063 = arith.constant 0 : i32
      %dma_wait3A_1064 = tpu.memref_slice %arg11[%dma_wait3A_1062, %dma_wait3A_1063] : memref<3x80xi32, #tpu.memory_space<vmem>> -> memref<1x80xi32, #tpu.memory_space<vmem>>
      %dma_wait3A_1065 = tpu.memref_squeeze %dma_wait3A_1064 : memref<1x80xi32, #tpu.memory_space<vmem>> -> memref<80xi32, #tpu.memory_space<vmem>>
      %dma_wait3A_1066 = tpu.memref_slice %arg4[%multiple_of3A_233] : memref<320000xi32, #tpu.memory_space<hbm>> -> memref<80xi32, #tpu.memory_space<hbm>>
      %dma_wait3A_1067 = arith.constant 0 : i32
      %dma_wait3A_1068 = tpu.memref_slice %arg11[%dma_wait3A_1062, %dma_wait3A_1067] : memref<3x80xi32, #tpu.memory_space<vmem>> -> memref<1x80xi32, #tpu.memory_space<vmem>>
      %dma_wait3A_1069 = tpu.memref_squeeze %dma_wait3A_1068 : memref<1x80xi32, #tpu.memory_space<vmem>> -> memref<80xi32, #tpu.memory_space<vmem>>
      %dma_wait3A_1070 = tpu.memref_slice %arg4[%multiple_of3A_233] : memref<320000xi32, #tpu.memory_space<hbm>> -> memref<80xi32, #tpu.memory_space<hbm>>
      tpu.wait_dma2 semaphore(%arg16 : memref<!tpu.dma_semaphore, #tpu.memory_space<semaphore_mem>>) src(%dma_wait3A_1070 : memref<80xi32, #tpu.memory_space<hbm>>) dst(%dma_wait3A_1069 : memref<80xi32, #tpu.memory_space<vmem>>)
      %dma_wait3A_1071 = arith.constant 0 : i32
      %dma_wait3A_1072 = arith.constant 0 : i32
      %dma_wait3A_1073 = tpu.memref_slice %arg12[%dma_wait3A_1071, %dma_wait3A_1072] : memref<3x80xf32, #tpu.memory_space<vmem>> -> memref<1x80xf32, #tpu.memory_space<vmem>>
      %dma_wait3A_1074 = tpu.memref_squeeze %dma_wait3A_1073 : memref<1x80xf32, #tpu.memory_space<vmem>> -> memref<80xf32, #tpu.memory_space<vmem>>
      %dma_wait3A_1075 = tpu.memref_slice %arg4[%multiple_of3A_233] : memref<320000xi32, #tpu.memory_space<hbm>> -> memref<80xi32, #tpu.memory_space<hbm>>
      %dma_wait3A_1076 = arith.constant 0 : i32
      %dma_wait3A_1077 = tpu.memref_slice %arg12[%dma_wait3A_1071, %dma_wait3A_1076] : memref<3x80xf32, #tpu.memory_space<vmem>> -> memref<1x80xf32, #tpu.memory_space<vmem>>
      %dma_wait3A_1078 = tpu.memref_squeeze %dma_wait3A_1077 : memref<1x80xf32, #tpu.memory_space<vmem>> -> memref<80xf32, #tpu.memory_space<vmem>>
      %dma_wait3A_1079 = tpu.memref_slice %arg4[%multiple_of3A_233] : memref<320000xi32, #tpu.memory_space<hbm>> -> memref<80xi32, #tpu.memory_space<hbm>>
      tpu.wait_dma2 semaphore(%arg16 : memref<!tpu.dma_semaphore, #tpu.memory_space<semaphore_mem>>) src(%dma_wait3A_1079 : memref<80xi32, #tpu.memory_space<hbm>>) dst(%dma_wait3A_1078 : memref<80xf32, #tpu.memory_space<vmem>>)
      %dma_start3A_1080 = arith.constant 0 : i32
      %dma_start3A_1081 = arith.constant 0 : i32
      %dma_start3A_1082 = arith.constant 0 : i32
      %dma_start3A_1083 = arith.constant 0 : i32
      %dma_start3A_1084 = tpu.memref_slice %arg13[%dma_start3A_1081, %dma_start3A_1082, %dma_start3A_1083] : memref<3x80x128xf32, #tpu.memory_space<vmem>> -> memref<1x80x128xf32, #tpu.memory_space<vmem>>
      %dma_start3A_1085 = tpu.memref_squeeze %dma_start3A_1084 : memref<1x80x128xf32, #tpu.memory_space<vmem>> -> memref<80x128xf32, #tpu.memory_space<vmem>>
      %dma_start3A_1086 = arith.constant 0 : i32
      %dma_start3A_1087 = tpu.memref_slice %arg10[%dma_start3A_1080, %dma_start3A_1086] : memref<3x80xi32, #tpu.memory_space<vmem>> -> memref<1x80xi32, #tpu.memory_space<vmem>>
      %dma_start3A_1088 = tpu.memref_squeeze %dma_start3A_1087 : memref<1x80xi32, #tpu.memory_space<vmem>> -> memref<80xi32, #tpu.memory_space<vmem>>
      %dma_start3A_1089 = arith.constant 0 : i32
      %dma_start3A_1090 = arith.constant 0 : i32
      %dma_start3A_1091 = tpu.memref_slice %arg2[%dma_start3A_1089, %dma_start3A_1090] : memref<10000x128xf32, #tpu.memory_space<hbm>> -> memref<10000x128xf32, #tpu.memory_space<hbm>>
      tpu.enqueue_indirect_dma source(%dma_start3A_1091 : memref<10000x128xf32, #tpu.memory_space<hbm>>) target(%dma_start3A_1085 : memref<80x128xf32, #tpu.memory_space<vmem>>) offsets(%dma_start3A_1088 : memref<80xi32, #tpu.memory_space<vmem>>) semaphore(%arg14 : memref<!tpu.dma_semaphore, #tpu.memory_space<semaphore_mem>>)
      %dma_wait3A_1092 = arith.constant 2 : i32
      %dma_wait3A_1093 = arith.constant 2 : i32
      %dma_wait3A_1094 = arith.constant 0 : i32
      %dma_wait3A_1095 = arith.constant 0 : i32
      %dma_wait3A_1096 = tpu.memref_slice %arg13[%dma_wait3A_1093, %dma_wait3A_1094, %dma_wait3A_1095] : memref<3x80x128xf32, #tpu.memory_space<vmem>> -> memref<1x80x128xf32, #tpu.memory_space<vmem>>
      %dma_wait3A_1097 = tpu.memref_squeeze %dma_wait3A_1096 : memref<1x80x128xf32, #tpu.memory_space<vmem>> -> memref<80x128xf32, #tpu.memory_space<vmem>>
      %dma_wait3A_1098 = arith.constant 0 : i32
      %dma_wait3A_1099 = tpu.memref_slice %arg10[%dma_wait3A_1092, %dma_wait3A_1098] : memref<3x80xi32, #tpu.memory_space<vmem>> -> memref<1x80xi32, #tpu.memory_space<vmem>>
      %dma_wait3A_1100 = tpu.memref_squeeze %dma_wait3A_1099 : memref<1x80xi32, #tpu.memory_space<vmem>> -> memref<80xi32, #tpu.memory_space<vmem>>
      %dma_wait3A_1101 = arith.constant 0 : i32
      %dma_wait3A_1102 = arith.constant 0 : i32
      %dma_wait3A_1103 = tpu.memref_slice %arg2[%dma_wait3A_1101, %dma_wait3A_1102] : memref<10000x128xf32, #tpu.memory_space<hbm>> -> memref<10000x128xf32, #tpu.memory_space<hbm>>
      tpu.wait_indirect_dma semaphore(%arg14 : memref<!tpu.dma_semaphore, #tpu.memory_space<semaphore_mem>>) src(%dma_wait3A_1103 : memref<10000x128xf32, #tpu.memory_space<hbm>>) dst(%dma_wait3A_1097 : memref<80x128xf32, #tpu.memory_space<vmem>>)
      %add3A_1104 = arith.constant 2 : i32
      %add3A_1105 = arith.addi %add3A_1040, %add3A_1104 : i32
      %rem3A_1106 = arith.constant 125 : i32
      %rem3A_1107 = arith.remsi %add3A_1105, %rem3A_1106 : i32
      %mul3A_1108 = arith.constant 80 : i32
      %mul3A_1109 = arith.muli %rem3A_1107, %mul3A_1108 : i32
      %add3A_1110 = arith.addi %multiple_of3A_233, %mul3A_1109 : i32
      %multiple_of3A_1111 = tpu.assume_multiple %add3A_1110, 8 : i32
      %dma_start3A_1112 = arith.constant 1 : i32
      %dma_start3A_1113 = arith.constant 0 : i32
      %dma_start3A_1114 = tpu.memref_slice %arg10[%dma_start3A_1112, %dma_start3A_1113] : memref<3x80xi32, #tpu.memory_space<vmem>> -> memref<1x80xi32, #tpu.memory_space<vmem>>
      %dma_start3A_1115 = tpu.memref_squeeze %dma_start3A_1114 : memref<1x80xi32, #tpu.memory_space<vmem>> -> memref<80xi32, #tpu.memory_space<vmem>>
      %dma_start3A_1116 = tpu.memref_slice %arg4[%multiple_of3A_1111] : memref<320000xi32, #tpu.memory_space<hbm>> -> memref<80xi32, #tpu.memory_space<hbm>>
      %dma_start3A_1117 = arith.constant 0 : i32
      %dma_start3A_1118 = tpu.memref_slice %arg10[%dma_start3A_1112, %dma_start3A_1117] : memref<3x80xi32, #tpu.memory_space<vmem>> -> memref<1x80xi32, #tpu.memory_space<vmem>>
      %dma_start3A_1119 = tpu.memref_squeeze %dma_start3A_1118 : memref<1x80xi32, #tpu.memory_space<vmem>> -> memref<80xi32, #tpu.memory_space<vmem>>
      %dma_start3A_1120 = tpu.memref_slice %arg4[%multiple_of3A_1111] : memref<320000xi32, #tpu.memory_space<hbm>> -> memref<80xi32, #tpu.memory_space<hbm>>
      tpu.enqueue_dma source(%dma_start3A_1120 : memref<80xi32, #tpu.memory_space<hbm>>) target(%dma_start3A_1119 : memref<80xi32, #tpu.memory_space<vmem>>) target_semaphore(%arg16 : memref<!tpu.dma_semaphore, #tpu.memory_space<semaphore_mem>>)
      %dma_start3A_1121 = arith.constant 1 : i32
      %dma_start3A_1122 = arith.constant 0 : i32
      %dma_start3A_1123 = tpu.memref_slice %arg11[%dma_start3A_1121, %dma_start3A_1122] : memref<3x80xi32, #tpu.memory_space<vmem>> -> memref<1x80xi32, #tpu.memory_space<vmem>>
      %dma_start3A_1124 = tpu.memref_squeeze %dma_start3A_1123 : memref<1x80xi32, #tpu.memory_space<vmem>> -> memref<80xi32, #tpu.memory_space<vmem>>
      %dma_start3A_1125 = tpu.memref_slice %arg3[%multiple_of3A_1111] : memref<320000xi32, #tpu.memory_space<hbm>> -> memref<80xi32, #tpu.memory_space<hbm>>
      %dma_start3A_1126 = arith.constant 0 : i32
      %dma_start3A_1127 = tpu.memref_slice %arg11[%dma_start3A_1121, %dma_start3A_1126] : memref<3x80xi32, #tpu.memory_space<vmem>> -> memref<1x80xi32, #tpu.memory_space<vmem>>
      %dma_start3A_1128 = tpu.memref_squeeze %dma_start3A_1127 : memref<1x80xi32, #tpu.memory_space<vmem>> -> memref<80xi32, #tpu.memory_space<vmem>>
      %dma_start3A_1129 = tpu.memref_slice %arg3[%multiple_of3A_1111] : memref<320000xi32, #tpu.memory_space<hbm>> -> memref<80xi32, #tpu.memory_space<hbm>>
      tpu.enqueue_dma source(%dma_start3A_1129 : memref<80xi32, #tpu.memory_space<hbm>>) target(%dma_start3A_1128 : memref<80xi32, #tpu.memory_space<vmem>>) target_semaphore(%arg16 : memref<!tpu.dma_semaphore, #tpu.memory_space<semaphore_mem>>)
      %dma_start3A_1130 = arith.constant 1 : i32
      %dma_start3A_1131 = arith.constant 0 : i32
      %dma_start3A_1132 = tpu.memref_slice %arg12[%dma_start3A_1130, %dma_start3A_1131] : memref<3x80xf32, #tpu.memory_space<vmem>> -> memref<1x80xf32, #tpu.memory_space<vmem>>
      %dma_start3A_1133 = tpu.memref_squeeze %dma_start3A_1132 : memref<1x80xf32, #tpu.memory_space<vmem>> -> memref<80xf32, #tpu.memory_space<vmem>>
      %dma_start3A_1134 = tpu.memref_slice %arg5[%multiple_of3A_1111] : memref<320000xf32, #tpu.memory_space<hbm>> -> memref<80xf32, #tpu.memory_space<hbm>>
      %dma_start3A_1135 = arith.constant 0 : i32
      %dma_start3A_1136 = tpu.memref_slice %arg12[%dma_start3A_1130, %dma_start3A_1135] : memref<3x80xf32, #tpu.memory_space<vmem>> -> memref<1x80xf32, #tpu.memory_space<vmem>>
      %dma_start3A_1137 = tpu.memref_squeeze %dma_start3A_1136 : memref<1x80xf32, #tpu.memory_space<vmem>> -> memref<80xf32, #tpu.memory_space<vmem>>
      %dma_start3A_1138 = tpu.memref_slice %arg5[%multiple_of3A_1111] : memref<320000xf32, #tpu.memory_space<hbm>> -> memref<80xf32, #tpu.memory_space<hbm>>
      tpu.enqueue_dma source(%dma_start3A_1138 : memref<80xf32, #tpu.memory_space<hbm>>) target(%dma_start3A_1137 : memref<80xf32, #tpu.memory_space<vmem>>) target_semaphore(%arg16 : memref<!tpu.dma_semaphore, #tpu.memory_space<semaphore_mem>>)
      %parallel_loop3A_1139 = arith.constant 0 : i32
      %parallel_loop3A_1140 = arith.constant 80 : i32
      %parallel_loop3A_1141 = arith.constant 1 : i32
      scf.for %parallel_loop3A_1195 = %parallel_loop3A_1139 to %parallel_loop3A_1140 step %parallel_loop3A_1141  : i32 {
        %parallel_loop3A_1196 = arith.constant 0 : i32
        %parallel_loop3A_1197 = vector.broadcast %parallel_loop3A_1196 : i32 to vector<16xi32>
        %parallel_loop3A_1198 = vector.broadcast %parallel_loop3A_1195 : i32 to vector<16xi32>
        %parallel_loop3A_1199 = arith.addi %parallel_loop3A_1197, %parallel_loop3A_1198 : vector<16xi32>
        %parallel_loop3A_1200 = arith.constant 2 : i32
        %parallel_loop3A_1201 = arith.constant 0 : i32
        %parallel_loop3A_1202 = tpu.memref_slice %arg12[%parallel_loop3A_1200, %parallel_loop3A_1201] : memref<3x80xf32, #tpu.memory_space<vmem>> -> memref<1x80xf32, #tpu.memory_space<vmem>>
        %parallel_loop3A_1203 = tpu.memref_squeeze %parallel_loop3A_1202 : memref<1x80xf32, #tpu.memory_space<vmem>> -> memref<80xf32, #tpu.memory_space<vmem>>
        %parallel_loop3A_1204 = tpu.vector_load_idx %parallel_loop3A_1203[%parallel_loop3A_1199] : memref<80xf32, #tpu.memory_space<vmem>>[vector<16xi32>], vector<16xf32>,
        %parallel_loop3A_1205 = arith.constant 2 : i32
        %parallel_loop3A_1206 = arith.index_cast %parallel_loop3A_1205 : i32 to index
        %parallel_loop3A_1207 = arith.index_cast %parallel_loop3A_1195 : i32 to index
        %parallel_loop3A_1208 = arith.constant 0 : index
        %parallel_loop3A_1209 = tpu.vector_load %arg13[%parallel_loop3A_1206, %parallel_loop3A_1207, %parallel_loop3A_1208] {strides = array<i32>} : memref<3x80x128xf32, #tpu.memory_space<vmem>>, vector<16xf32>,
        %parallel_loop3A_1210 = arith.mulf %parallel_loop3A_1209, %parallel_loop3A_1204 : vector<16xf32>
        %parallel_loop3A_1211 = arith.constant 2 : i32
        %parallel_loop3A_1212 = arith.index_cast %parallel_loop3A_1211 : i32 to index
        %parallel_loop3A_1213 = arith.index_cast %parallel_loop3A_1195 : i32 to index
        %parallel_loop3A_1214 = arith.constant 0 : index
        %parallel_loop3A_1215 = tpu.vector_load %arg13[%parallel_loop3A_1212, %parallel_loop3A_1213, %parallel_loop3A_1214] {strides = array<i32>} : memref<3x80x128xf32, #tpu.memory_space<vmem>>, vector<16xf32>,
        tpu.vector_store %arg13[%parallel_loop3A_1212, %parallel_loop3A_1213, %parallel_loop3A_1214], %parallel_loop3A_1210 {strides = array<i32>} : memref<3x80x128xf32, #tpu.memory_space<vmem>>, vector<16xf32>,
        %parallel_loop3A_1216 = arith.constant 2 : i32
        %parallel_loop3A_1217 = arith.index_cast %parallel_loop3A_1216 : i32 to index
        %parallel_loop3A_1218 = arith.index_cast %parallel_loop3A_1195 : i32 to index
        %parallel_loop3A_1219 = arith.constant 16 : index
        %parallel_loop3A_1220 = tpu.vector_load %arg13[%parallel_loop3A_1217, %parallel_loop3A_1218, %parallel_loop3A_1219] {strides = array<i32>} : memref<3x80x128xf32, #tpu.memory_space<vmem>>, vector<16xf32>,
        %parallel_loop3A_1221 = arith.mulf %parallel_loop3A_1220, %parallel_loop3A_1204 : vector<16xf32>
        %parallel_loop3A_1222 = arith.constant 2 : i32
        %parallel_loop3A_1223 = arith.index_cast %parallel_loop3A_1222 : i32 to index
        %parallel_loop3A_1224 = arith.index_cast %parallel_loop3A_1195 : i32 to index
        %parallel_loop3A_1225 = arith.constant 16 : index
        %parallel_loop3A_1226 = tpu.vector_load %arg13[%parallel_loop3A_1223, %parallel_loop3A_1224, %parallel_loop3A_1225] {strides = array<i32>} : memref<3x80x128xf32, #tpu.memory_space<vmem>>, vector<16xf32>,
        tpu.vector_store %arg13[%parallel_loop3A_1223, %parallel_loop3A_1224, %parallel_loop3A_1225], %parallel_loop3A_1221 {strides = array<i32>} : memref<3x80x128xf32, #tpu.memory_space<vmem>>, vector<16xf32>,
        %parallel_loop3A_1227 = arith.constant 2 : i32
        %parallel_loop3A_1228 = arith.index_cast %parallel_loop3A_1227 : i32 to index
        %parallel_loop3A_1229 = arith.index_cast %parallel_loop3A_1195 : i32 to index
        %parallel_loop3A_1230 = arith.constant 32 : index
        %parallel_loop3A_1231 = tpu.vector_load %arg13[%parallel_loop3A_1228, %parallel_loop3A_1229, %parallel_loop3A_1230] {strides = array<i32>} : memref<3x80x128xf32, #tpu.memory_space<vmem>>, vector<16xf32>,
        %parallel_loop3A_1232 = arith.mulf %parallel_loop3A_1231, %parallel_loop3A_1204 : vector<16xf32>
        %parallel_loop3A_1233 = arith.constant 2 : i32
        %parallel_loop3A_1234 = arith.index_cast %parallel_loop3A_1233 : i32 to index
        %parallel_loop3A_1235 = arith.index_cast %parallel_loop3A_1195 : i32 to index
        %parallel_loop3A_1236 = arith.constant 32 : index
        %parallel_loop3A_1237 = tpu.vector_load %arg13[%parallel_loop3A_1234, %parallel_loop3A_1235, %parallel_loop3A_1236] {strides = array<i32>} : memref<3x80x128xf32, #tpu.memory_space<vmem>>, vector<16xf32>,
        tpu.vector_store %arg13[%parallel_loop3A_1234, %parallel_loop3A_1235, %parallel_loop3A_1236], %parallel_loop3A_1232 {strides = array<i32>} : memref<3x80x128xf32, #tpu.memory_space<vmem>>, vector<16xf32>,
        %parallel_loop3A_1238 = arith.constant 2 : i32
        %parallel_loop3A_1239 = arith.index_cast %parallel_loop3A_1238 : i32 to index
        %parallel_loop3A_1240 = arith.index_cast %parallel_loop3A_1195 : i32 to index
        %parallel_loop3A_1241 = arith.constant 48 : index
        %parallel_loop3A_1242 = tpu.vector_load %arg13[%parallel_loop3A_1239, %parallel_loop3A_1240, %parallel_loop3A_1241] {strides = array<i32>} : memref<3x80x128xf32, #tpu.memory_space<vmem>>, vector<16xf32>,
        %parallel_loop3A_1243 = arith.mulf %parallel_loop3A_1242, %parallel_loop3A_1204 : vector<16xf32>
        %parallel_loop3A_1244 = arith.constant 2 : i32
        %parallel_loop3A_1245 = arith.index_cast %parallel_loop3A_1244 : i32 to index
        %parallel_loop3A_1246 = arith.index_cast %parallel_loop3A_1195 : i32 to index
        %parallel_loop3A_1247 = arith.constant 48 : index
        %parallel_loop3A_1248 = tpu.vector_load %arg13[%parallel_loop3A_1245, %parallel_loop3A_1246, %parallel_loop3A_1247] {strides = array<i32>} : memref<3x80x128xf32, #tpu.memory_space<vmem>>, vector<16xf32>,
        tpu.vector_store %arg13[%parallel_loop3A_1245, %parallel_loop3A_1246, %parallel_loop3A_1247], %parallel_loop3A_1243 {strides = array<i32>} : memref<3x80x128xf32, #tpu.memory_space<vmem>>, vector<16xf32>,
        %parallel_loop3A_1249 = arith.constant 2 : i32
        %parallel_loop3A_1250 = arith.index_cast %parallel_loop3A_1249 : i32 to index
        %parallel_loop3A_1251 = arith.index_cast %parallel_loop3A_1195 : i32 to index
        %parallel_loop3A_1252 = arith.constant 64 : index
        %parallel_loop3A_1253 = tpu.vector_load %arg13[%parallel_loop3A_1250, %parallel_loop3A_1251, %parallel_loop3A_1252] {strides = array<i32>} : memref<3x80x128xf32, #tpu.memory_space<vmem>>, vector<16xf32>,
        %parallel_loop3A_1254 = arith.mulf %parallel_loop3A_1253, %parallel_loop3A_1204 : vector<16xf32>
        %parallel_loop3A_1255 = arith.constant 2 : i32
        %parallel_loop3A_1256 = arith.index_cast %parallel_loop3A_1255 : i32 to index
        %parallel_loop3A_1257 = arith.index_cast %parallel_loop3A_1195 : i32 to index
        %parallel_loop3A_1258 = arith.constant 64 : index
        %parallel_loop3A_1259 = tpu.vector_load %arg13[%parallel_loop3A_1256, %parallel_loop3A_1257, %parallel_loop3A_1258] {strides = array<i32>} : memref<3x80x128xf32, #tpu.memory_space<vmem>>, vector<16xf32>,
        tpu.vector_store %arg13[%parallel_loop3A_1256, %parallel_loop3A_1257, %parallel_loop3A_1258], %parallel_loop3A_1254 {strides = array<i32>} : memref<3x80x128xf32, #tpu.memory_space<vmem>>, vector<16xf32>,
        %parallel_loop3A_1260 = arith.constant 2 : i32
        %parallel_loop3A_1261 = arith.index_cast %parallel_loop3A_1260 : i32 to index
        %parallel_loop3A_1262 = arith.index_cast %parallel_loop3A_1195 : i32 to index
        %parallel_loop3A_1263 = arith.constant 80 : index
        %parallel_loop3A_1264 = tpu.vector_load %arg13[%parallel_loop3A_1261, %parallel_loop3A_1262, %parallel_loop3A_1263] {strides = array<i32>} : memref<3x80x128xf32, #tpu.memory_space<vmem>>, vector<16xf32>,
        %parallel_loop3A_1265 = arith.mulf %parallel_loop3A_1264, %parallel_loop3A_1204 : vector<16xf32>
        %parallel_loop3A_1266 = arith.constant 2 : i32
        %parallel_loop3A_1267 = arith.index_cast %parallel_loop3A_1266 : i32 to index
        %parallel_loop3A_1268 = arith.index_cast %parallel_loop3A_1195 : i32 to index
        %parallel_loop3A_1269 = arith.constant 80 : index
        %parallel_loop3A_1270 = tpu.vector_load %arg13[%parallel_loop3A_1267, %parallel_loop3A_1268, %parallel_loop3A_1269] {strides = array<i32>} : memref<3x80x128xf32, #tpu.memory_space<vmem>>, vector<16xf32>,
        tpu.vector_store %arg13[%parallel_loop3A_1267, %parallel_loop3A_1268, %parallel_loop3A_1269], %parallel_loop3A_1265 {strides = array<i32>} : memref<3x80x128xf32, #tpu.memory_space<vmem>>, vector<16xf32>,
        %parallel_loop3A_1271 = arith.constant 2 : i32
        %parallel_loop3A_1272 = arith.index_cast %parallel_loop3A_1271 : i32 to index
        %parallel_loop3A_1273 = arith.index_cast %parallel_loop3A_1195 : i32 to index
        %parallel_loop3A_1274 = arith.constant 96 : index
        %parallel_loop3A_1275 = tpu.vector_load %arg13[%parallel_loop3A_1272, %parallel_loop3A_1273, %parallel_loop3A_1274] {strides = array<i32>} : memref<3x80x128xf32, #tpu.memory_space<vmem>>, vector<16xf32>,
        %parallel_loop3A_1276 = arith.mulf %parallel_loop3A_1275, %parallel_loop3A_1204 : vector<16xf32>
        %parallel_loop3A_1277 = arith.constant 2 : i32
        %parallel_loop3A_1278 = arith.index_cast %parallel_loop3A_1277 : i32 to index
        %parallel_loop3A_1279 = arith.index_cast %parallel_loop3A_1195 : i32 to index
        %parallel_loop3A_1280 = arith.constant 96 : index
        %parallel_loop3A_1281 = tpu.vector_load %arg13[%parallel_loop3A_1278, %parallel_loop3A_1279, %parallel_loop3A_1280] {strides = array<i32>} : memref<3x80x128xf32, #tpu.memory_space<vmem>>, vector<16xf32>,
        tpu.vector_store %arg13[%parallel_loop3A_1278, %parallel_loop3A_1279, %parallel_loop3A_1280], %parallel_loop3A_1276 {strides = array<i32>} : memref<3x80x128xf32, #tpu.memory_space<vmem>>, vector<16xf32>,
        %parallel_loop3A_1282 = arith.constant 2 : i32
        %parallel_loop3A_1283 = arith.index_cast %parallel_loop3A_1282 : i32 to index
        %parallel_loop3A_1284 = arith.index_cast %parallel_loop3A_1195 : i32 to index
        %parallel_loop3A_1285 = arith.constant 112 : index
        %parallel_loop3A_1286 = tpu.vector_load %arg13[%parallel_loop3A_1283, %parallel_loop3A_1284, %parallel_loop3A_1285] {strides = array<i32>} : memref<3x80x128xf32, #tpu.memory_space<vmem>>, vector<16xf32>,
        %parallel_loop3A_1287 = arith.mulf %parallel_loop3A_1286, %parallel_loop3A_1204 : vector<16xf32>
        %parallel_loop3A_1288 = arith.constant 2 : i32
        %parallel_loop3A_1289 = arith.index_cast %parallel_loop3A_1288 : i32 to index
        %parallel_loop3A_1290 = arith.index_cast %parallel_loop3A_1195 : i32 to index
        %parallel_loop3A_1291 = arith.constant 112 : index
        %parallel_loop3A_1292 = tpu.vector_load %arg13[%parallel_loop3A_1289, %parallel_loop3A_1290, %parallel_loop3A_1291] {strides = array<i32>} : memref<3x80x128xf32, #tpu.memory_space<vmem>>, vector<16xf32>,
        tpu.vector_store %arg13[%parallel_loop3A_1289, %parallel_loop3A_1290, %parallel_loop3A_1291], %parallel_loop3A_1287 {strides = array<i32>} : memref<3x80x128xf32, #tpu.memory_space<vmem>>, vector<16xf32>,
      } {sc.loop_unroll_factor = 4 : i64, sc.parallel_access}
      %get3A_1142 = arith.constant 2 : i32
      %get3A_1143 = arith.index_cast %get3A_1142 : i32 to index
      %get3A_1144 = arith.constant 0 : index
      %get3A_1145 = tpu.vector_load %arg11[%get3A_1143, %get3A_1144] {strides = array<i32>} : memref<3x80xi32, #tpu.memory_space<vmem>>, vector<16xi32>,
      %get3A_1146 = arith.constant 2 : i32
      %get3A_1147 = arith.index_cast %get3A_1146 : i32 to index
      %get3A_1148 = arith.constant 0 : index
      %get3A_1149 = tpu.vector_load %arg12[%get3A_1147, %get3A_1148] {strides = array<i32>} : memref<3x80xf32, #tpu.memory_space<vmem>>, vector<16xf32>,
      tpu.vector_store_idx %arg9[%get3A_1145], %get3A_1149 {add = true} : memref<10000xf32, #tpu.memory_space<vmem>>[vector<16xi32>], vector<16xf32>,
      %get3A_1150 = arith.constant 2 : i32
      %get3A_1151 = arith.index_cast %get3A_1150 : i32 to index
      %get3A_1152 = arith.constant 16 : index
      %get3A_1153 = tpu.vector_load %arg11[%get3A_1151, %get3A_1152] {strides = array<i32>} : memref<3x80xi32, #tpu.memory_space<vmem>>, vector<16xi32>,
      %get3A_1154 = arith.constant 2 : i32
      %get3A_1155 = arith.index_cast %get3A_1154 : i32 to index
      %get3A_1156 = arith.constant 16 : index
      %get3A_1157 = tpu.vector_load %arg12[%get3A_1155, %get3A_1156] {strides = array<i32>} : memref<3x80xf32, #tpu.memory_space<vmem>>, vector<16xf32>,
      tpu.vector_store_idx %arg9[%get3A_1153], %get3A_1157 {add = true} : memref<10000xf32, #tpu.memory_space<vmem>>[vector<16xi32>], vector<16xf32>,
      %get3A_1158 = arith.constant 2 : i32
      %get3A_1159 = arith.index_cast %get3A_1158 : i32 to index
      %get3A_1160 = arith.constant 32 : index
      %get3A_1161 = tpu.vector_load %arg11[%get3A_1159, %get3A_1160] {strides = array<i32>} : memref<3x80xi32, #tpu.memory_space<vmem>>, vector<16xi32>,
      %get3A_1162 = arith.constant 2 : i32
      %get3A_1163 = arith.index_cast %get3A_1162 : i32 to index
      %get3A_1164 = arith.constant 32 : index
      %get3A_1165 = tpu.vector_load %arg12[%get3A_1163, %get3A_1164] {strides = array<i32>} : memref<3x80xf32, #tpu.memory_space<vmem>>, vector<16xf32>,
      tpu.vector_store_idx %arg9[%get3A_1161], %get3A_1165 {add = true} : memref<10000xf32, #tpu.memory_space<vmem>>[vector<16xi32>], vector<16xf32>,
      %get3A_1166 = arith.constant 2 : i32
      %get3A_1167 = arith.index_cast %get3A_1166 : i32 to index
      %get3A_1168 = arith.constant 48 : index
      %get3A_1169 = tpu.vector_load %arg11[%get3A_1167, %get3A_1168] {strides = array<i32>} : memref<3x80xi32, #tpu.memory_space<vmem>>, vector<16xi32>,
      %get3A_1170 = arith.constant 2 : i32
      %get3A_1171 = arith.index_cast %get3A_1170 : i32 to index
      %get3A_1172 = arith.constant 48 : index
      %get3A_1173 = tpu.vector_load %arg12[%get3A_1171, %get3A_1172] {strides = array<i32>} : memref<3x80xf32, #tpu.memory_space<vmem>>, vector<16xf32>,
      tpu.vector_store_idx %arg9[%get3A_1169], %get3A_1173 {add = true} : memref<10000xf32, #tpu.memory_space<vmem>>[vector<16xi32>], vector<16xf32>,
      %get3A_1174 = arith.constant 2 : i32
      %get3A_1175 = arith.index_cast %get3A_1174 : i32 to index
      %get3A_1176 = arith.constant 64 : index
      %get3A_1177 = tpu.vector_load %arg11[%get3A_1175, %get3A_1176] {strides = array<i32>} : memref<3x80xi32, #tpu.memory_space<vmem>>, vector<16xi32>,
      %get3A_1178 = arith.constant 2 : i32
      %get3A_1179 = arith.index_cast %get3A_1178 : i32 to index
      %get3A_1180 = arith.constant 64 : index
      %get3A_1181 = tpu.vector_load %arg12[%get3A_1179, %get3A_1180] {strides = array<i32>} : memref<3x80xf32, #tpu.memory_space<vmem>>, vector<16xf32>,
      tpu.vector_store_idx %arg9[%get3A_1177], %get3A_1181 {add = true} : memref<10000xf32, #tpu.memory_space<vmem>>[vector<16xi32>], vector<16xf32>,
      %dma_start3A_1182 = arith.constant 2 : i32
      %dma_start3A_1183 = arith.constant 2 : i32
      %dma_start3A_1184 = arith.constant 0 : i32
      %dma_start3A_1185 = arith.constant 0 : i32
      %dma_start3A_1186 = tpu.memref_slice %arg13[%dma_start3A_1182, %dma_start3A_1184, %dma_start3A_1185] : memref<3x80x128xf32, #tpu.memory_space<vmem>> -> memref<1x80x128xf32, #tpu.memory_space<vmem>>
      %dma_start3A_1187 = tpu.memref_squeeze %dma_start3A_1186 : memref<1x80x128xf32, #tpu.memory_space<vmem>> -> memref<80x128xf32, #tpu.memory_space<vmem>>
      %dma_start3A_1188 = arith.constant 0 : i32
      %dma_start3A_1189 = tpu.memref_slice %arg11[%dma_start3A_1183, %dma_start3A_1188] : memref<3x80xi32, #tpu.memory_space<vmem>> -> memref<1x80xi32, #tpu.memory_space<vmem>>
      %dma_start3A_1190 = tpu.memref_squeeze %dma_start3A_1189 : memref<1x80xi32, #tpu.memory_space<vmem>> -> memref<80xi32, #tpu.memory_space<vmem>>
      %dma_start3A_1191 = arith.constant 0 : i32
      %dma_start3A_1192 = arith.constant 0 : i32
      %dma_start3A_1193 = tpu.memref_slice %arg8[%dma_start3A_1191, %dma_start3A_1192] : memref<10000x128xf32, #tpu.memory_space<vmem_shared>> -> memref<10000x128xf32, #tpu.memory_space<vmem_shared>>
      tpu.enqueue_indirect_dma source(%dma_start3A_1187 : memref<80x128xf32, #tpu.memory_space<vmem>>) target(%dma_start3A_1193 : memref<10000x128xf32, #tpu.memory_space<vmem_shared>>) offsets(%dma_start3A_1190 : memref<80xi32, #tpu.memory_space<vmem>>) semaphore(%arg15 : memref<!tpu.dma_semaphore, #tpu.memory_space<semaphore_mem>>) {add = true}
      %scan3A_1194 = arith.constant 0 : i32
      scf.yield %scan3A_1194 : i32
    }
    %scan3A_369 = arith.constant 41 : i32
    %dma_wait3A_370 = arith.constant 1 : i32
    %dma_wait3A_371 = arith.constant 1 : i32
    %dma_wait3A_372 = arith.constant 0 : i32
    %dma_wait3A_373 = arith.constant 0 : i32
    %dma_wait3A_374 = tpu.memref_slice %arg13[%dma_wait3A_370, %dma_wait3A_372, %dma_wait3A_373] : memref<3x80x128xf32, #tpu.memory_space<vmem>> -> memref<1x80x128xf32, #tpu.memory_space<vmem>>
    %dma_wait3A_375 = tpu.memref_squeeze %dma_wait3A_374 : memref<1x80x128xf32, #tpu.memory_space<vmem>> -> memref<80x128xf32, #tpu.memory_space<vmem>>
    %dma_wait3A_376 = arith.constant 0 : i32
    %dma_wait3A_377 = tpu.memref_slice %arg11[%dma_wait3A_371, %dma_wait3A_376] : memref<3x80xi32, #tpu.memory_space<vmem>> -> memref<1x80xi32, #tpu.memory_space<vmem>>
    %dma_wait3A_378 = tpu.memref_squeeze %dma_wait3A_377 : memref<1x80xi32, #tpu.memory_space<vmem>> -> memref<80xi32, #tpu.memory_space<vmem>>
    %dma_wait3A_379 = arith.constant 0 : i32
    %dma_wait3A_380 = arith.constant 0 : i32
    %dma_wait3A_381 = tpu.memref_slice %arg8[%dma_wait3A_379, %dma_wait3A_380] : memref<10000x128xf32, #tpu.memory_space<vmem_shared>> -> memref<10000x128xf32, #tpu.memory_space<vmem_shared>>
    tpu.wait_indirect_dma semaphore(%arg15 : memref<!tpu.dma_semaphore, #tpu.memory_space<semaphore_mem>>) src(%dma_wait3A_375 : memref<80x128xf32, #tpu.memory_space<vmem>>) dst(%dma_wait3A_381 : memref<10000x128xf32, #tpu.memory_space<vmem_shared>>)
    %dma_wait3A_382 = arith.constant 1 : i32
    %dma_wait3A_383 = arith.constant 0 : i32
    %dma_wait3A_384 = tpu.memref_slice %arg10[%dma_wait3A_382, %dma_wait3A_383] : memref<3x80xi32, #tpu.memory_space<vmem>> -> memref<1x80xi32, #tpu.memory_space<vmem>>
    %dma_wait3A_385 = tpu.memref_squeeze %dma_wait3A_384 : memref<1x80xi32, #tpu.memory_space<vmem>> -> memref<80xi32, #tpu.memory_space<vmem>>
    %dma_wait3A_386 = tpu.memref_slice %arg4[%multiple_of3A_233] : memref<320000xi32, #tpu.memory_space<hbm>> -> memref<80xi32, #tpu.memory_space<hbm>>
    %dma_wait3A_387 = arith.constant 0 : i32
    %dma_wait3A_388 = tpu.memref_slice %arg10[%dma_wait3A_382, %dma_wait3A_387] : memref<3x80xi32, #tpu.memory_space<vmem>> -> memref<1x80xi32, #tpu.memory_space<vmem>>
    %dma_wait3A_389 = tpu.memref_squeeze %dma_wait3A_388 : memref<1x80xi32, #tpu.memory_space<vmem>> -> memref<80xi32, #tpu.memory_space<vmem>>
    %dma_wait3A_390 = tpu.memref_slice %arg4[%multiple_of3A_233] : memref<320000xi32, #tpu.memory_space<hbm>> -> memref<80xi32, #tpu.memory_space<hbm>>
    tpu.wait_dma2 semaphore(%arg16 : memref<!tpu.dma_semaphore, #tpu.memory_space<semaphore_mem>>) src(%dma_wait3A_390 : memref<80xi32, #tpu.memory_space<hbm>>) dst(%dma_wait3A_389 : memref<80xi32, #tpu.memory_space<vmem>>)
    %dma_wait3A_391 = arith.constant 1 : i32
    %dma_wait3A_392 = arith.constant 0 : i32
    %dma_wait3A_393 = tpu.memref_slice %arg11[%dma_wait3A_391, %dma_wait3A_392] : memref<3x80xi32, #tpu.memory_space<vmem>> -> memref<1x80xi32, #tpu.memory_space<vmem>>
    %dma_wait3A_394 = tpu.memref_squeeze %dma_wait3A_393 : memref<1x80xi32, #tpu.memory_space<vmem>> -> memref<80xi32, #tpu.memory_space<vmem>>
    %dma_wait3A_395 = tpu.memref_slice %arg4[%multiple_of3A_233] : memref<320000xi32, #tpu.memory_space<hbm>> -> memref<80xi32, #tpu.memory_space<hbm>>
    %dma_wait3A_396 = arith.constant 0 : i32
    %dma_wait3A_397 = tpu.memref_slice %arg11[%dma_wait3A_391, %dma_wait3A_396] : memref<3x80xi32, #tpu.memory_space<vmem>> -> memref<1x80xi32, #tpu.memory_space<vmem>>
    %dma_wait3A_398 = tpu.memref_squeeze %dma_wait3A_397 : memref<1x80xi32, #tpu.memory_space<vmem>> -> memref<80xi32, #tpu.memory_space<vmem>>
    %dma_wait3A_399 = tpu.memref_slice %arg4[%multiple_of3A_233] : memref<320000xi32, #tpu.memory_space<hbm>> -> memref<80xi32, #tpu.memory_space<hbm>>
    tpu.wait_dma2 semaphore(%arg16 : memref<!tpu.dma_semaphore, #tpu.memory_space<semaphore_mem>>) src(%dma_wait3A_399 : memref<80xi32, #tpu.memory_space<hbm>>) dst(%dma_wait3A_398 : memref<80xi32, #tpu.memory_space<vmem>>)
    %dma_wait3A_400 = arith.constant 1 : i32
    %dma_wait3A_401 = arith.constant 0 : i32
    %dma_wait3A_402 = tpu.memref_slice %arg12[%dma_wait3A_400, %dma_wait3A_401] : memref<3x80xf32, #tpu.memory_space<vmem>> -> memref<1x80xf32, #tpu.memory_space<vmem>>
    %dma_wait3A_403 = tpu.memref_squeeze %dma_wait3A_402 : memref<1x80xf32, #tpu.memory_space<vmem>> -> memref<80xf32, #tpu.memory_space<vmem>>
    %dma_wait3A_404 = tpu.memref_slice %arg4[%multiple_of3A_233] : memref<320000xi32, #tpu.memory_space<hbm>> -> memref<80xi32, #tpu.memory_space<hbm>>
    %dma_wait3A_405 = arith.constant 0 : i32
    %dma_wait3A_406 = tpu.memref_slice %arg12[%dma_wait3A_400, %dma_wait3A_405] : memref<3x80xf32, #tpu.memory_space<vmem>> -> memref<1x80xf32, #tpu.memory_space<vmem>>
    %dma_wait3A_407 = tpu.memref_squeeze %dma_wait3A_406 : memref<1x80xf32, #tpu.memory_space<vmem>> -> memref<80xf32, #tpu.memory_space<vmem>>
    %dma_wait3A_408 = tpu.memref_slice %arg4[%multiple_of3A_233] : memref<320000xi32, #tpu.memory_space<hbm>> -> memref<80xi32, #tpu.memory_space<hbm>>
    tpu.wait_dma2 semaphore(%arg16 : memref<!tpu.dma_semaphore, #tpu.memory_space<semaphore_mem>>) src(%dma_wait3A_408 : memref<80xi32, #tpu.memory_space<hbm>>) dst(%dma_wait3A_407 : memref<80xf32, #tpu.memory_space<vmem>>)
    %dma_start3A_409 = arith.constant 1 : i32
    %dma_start3A_410 = arith.constant 1 : i32
    %dma_start3A_411 = arith.constant 0 : i32
    %dma_start3A_412 = arith.constant 0 : i32
    %dma_start3A_413 = tpu.memref_slice %arg13[%dma_start3A_410, %dma_start3A_411, %dma_start3A_412] : memref<3x80x128xf32, #tpu.memory_space<vmem>> -> memref<1x80x128xf32, #tpu.memory_space<vmem>>
    %dma_start3A_414 = tpu.memref_squeeze %dma_start3A_413 : memref<1x80x128xf32, #tpu.memory_space<vmem>> -> memref<80x128xf32, #tpu.memory_space<vmem>>
    %dma_start3A_415 = arith.constant 0 : i32
    %dma_start3A_416 = tpu.memref_slice %arg10[%dma_start3A_409, %dma_start3A_415] : memref<3x80xi32, #tpu.memory_space<vmem>> -> memref<1x80xi32, #tpu.memory_space<vmem>>
    %dma_start3A_417 = tpu.memref_squeeze %dma_start3A_416 : memref<1x80xi32, #tpu.memory_space<vmem>> -> memref<80xi32, #tpu.memory_space<vmem>>
    %dma_start3A_418 = arith.constant 0 : i32
    %dma_start3A_419 = arith.constant 0 : i32
    %dma_start3A_420 = tpu.memref_slice %arg2[%dma_start3A_418, %dma_start3A_419] : memref<10000x128xf32, #tpu.memory_space<hbm>> -> memref<10000x128xf32, #tpu.memory_space<hbm>>
    tpu.enqueue_indirect_dma source(%dma_start3A_420 : memref<10000x128xf32, #tpu.memory_space<hbm>>) target(%dma_start3A_414 : memref<80x128xf32, #tpu.memory_space<vmem>>) offsets(%dma_start3A_417 : memref<80xi32, #tpu.memory_space<vmem>>) semaphore(%arg14 : memref<!tpu.dma_semaphore, #tpu.memory_space<semaphore_mem>>)
    %dma_wait3A_421 = arith.constant 0 : i32
    %dma_wait3A_422 = arith.constant 0 : i32
    %dma_wait3A_423 = arith.constant 0 : i32
    %dma_wait3A_424 = arith.constant 0 : i32
    %dma_wait3A_425 = tpu.memref_slice %arg13[%dma_wait3A_422, %dma_wait3A_423, %dma_wait3A_424] : memref<3x80x128xf32, #tpu.memory_space<vmem>> -> memref<1x80x128xf32, #tpu.memory_space<vmem>>
    %dma_wait3A_426 = tpu.memref_squeeze %dma_wait3A_425 : memref<1x80x128xf32, #tpu.memory_space<vmem>> -> memref<80x128xf32, #tpu.memory_space<vmem>>
    %dma_wait3A_427 = arith.constant 0 : i32
    %dma_wait3A_428 = tpu.memref_slice %arg10[%dma_wait3A_421, %dma_wait3A_427] : memref<3x80xi32, #tpu.memory_space<vmem>> -> memref<1x80xi32, #tpu.memory_space<vmem>>
    %dma_wait3A_429 = tpu.memref_squeeze %dma_wait3A_428 : memref<1x80xi32, #tpu.memory_space<vmem>> -> memref<80xi32, #tpu.memory_space<vmem>>
    %dma_wait3A_430 = arith.constant 0 : i32
    %dma_wait3A_431 = arith.constant 0 : i32
    %dma_wait3A_432 = tpu.memref_slice %arg2[%dma_wait3A_430, %dma_wait3A_431] : memref<10000x128xf32, #tpu.memory_space<hbm>> -> memref<10000x128xf32, #tpu.memory_space<hbm>>
    tpu.wait_indirect_dma semaphore(%arg14 : memref<!tpu.dma_semaphore, #tpu.memory_space<semaphore_mem>>) src(%dma_wait3A_432 : memref<10000x128xf32, #tpu.memory_space<hbm>>) dst(%dma_wait3A_426 : memref<80x128xf32, #tpu.memory_space<vmem>>)
    %parallel_loop3A_433 = arith.constant 0 : i32
    %parallel_loop3A_434 = arith.constant 80 : i32
    %parallel_loop3A_435 = arith.constant 1 : i32
    scf.for %parallel_loop3A_725 = %parallel_loop3A_433 to %parallel_loop3A_434 step %parallel_loop3A_435  : i32 {
      %parallel_loop3A_726 = arith.constant 0 : i32
      %parallel_loop3A_727 = vector.broadcast %parallel_loop3A_726 : i32 to vector<16xi32>
      %parallel_loop3A_728 = vector.broadcast %parallel_loop3A_725 : i32 to vector<16xi32>
      %parallel_loop3A_729 = arith.addi %parallel_loop3A_727, %parallel_loop3A_728 : vector<16xi32>
      %parallel_loop3A_730 = arith.constant 0 : i32
      %parallel_loop3A_731 = arith.constant 0 : i32
      %parallel_loop3A_732 = tpu.memref_slice %arg12[%parallel_loop3A_730, %parallel_loop3A_731] : memref<3x80xf32, #tpu.memory_space<vmem>> -> memref<1x80xf32, #tpu.memory_space<vmem>>
      %parallel_loop3A_733 = tpu.memref_squeeze %parallel_loop3A_732 : memref<1x80xf32, #tpu.memory_space<vmem>> -> memref<80xf32, #tpu.memory_space<vmem>>
      %parallel_loop3A_734 = tpu.vector_load_idx %parallel_loop3A_733[%parallel_loop3A_729] : memref<80xf32, #tpu.memory_space<vmem>>[vector<16xi32>], vector<16xf32>,
      %parallel_loop3A_735 = arith.constant 0 : i32
      %parallel_loop3A_736 = arith.index_cast %parallel_loop3A_735 : i32 to index
      %parallel_loop3A_737 = arith.index_cast %parallel_loop3A_725 : i32 to index
      %parallel_loop3A_738 = arith.constant 0 : index
      %parallel_loop3A_739 = tpu.vector_load %arg13[%parallel_loop3A_736, %parallel_loop3A_737, %parallel_loop3A_738] {strides = array<i32>} : memref<3x80x128xf32, #tpu.memory_space<vmem>>, vector<16xf32>,
      %parallel_loop3A_740 = arith.mulf %parallel_loop3A_739, %parallel_loop3A_734 : vector<16xf32>
      %parallel_loop3A_741 = arith.constant 0 : i32
      %parallel_loop3A_742 = arith.index_cast %parallel_loop3A_741 : i32 to index
      %parallel_loop3A_743 = arith.index_cast %parallel_loop3A_725 : i32 to index
      %parallel_loop3A_744 = arith.constant 0 : index
      %parallel_loop3A_745 = tpu.vector_load %arg13[%parallel_loop3A_742, %parallel_loop3A_743, %parallel_loop3A_744] {strides = array<i32>} : memref<3x80x128xf32, #tpu.memory_space<vmem>>, vector<16xf32>,
      tpu.vector_store %arg13[%parallel_loop3A_742, %parallel_loop3A_743, %parallel_loop3A_744], %parallel_loop3A_740 {strides = array<i32>} : memref<3x80x128xf32, #tpu.memory_space<vmem>>, vector<16xf32>,
      %parallel_loop3A_746 = arith.constant 0 : i32
      %parallel_loop3A_747 = arith.index_cast %parallel_loop3A_746 : i32 to index
      %parallel_loop3A_748 = arith.index_cast %parallel_loop3A_725 : i32 to index
      %parallel_loop3A_749 = arith.constant 16 : index
      %parallel_loop3A_750 = tpu.vector_load %arg13[%parallel_loop3A_747, %parallel_loop3A_748, %parallel_loop3A_749] {strides = array<i32>} : memref<3x80x128xf32, #tpu.memory_space<vmem>>, vector<16xf32>,
      %parallel_loop3A_751 = arith.mulf %parallel_loop3A_750, %parallel_loop3A_734 : vector<16xf32>
      %parallel_loop3A_752 = arith.constant 0 : i32
      %parallel_loop3A_753 = arith.index_cast %parallel_loop3A_752 : i32 to index
      %parallel_loop3A_754 = arith.index_cast %parallel_loop3A_725 : i32 to index
      %parallel_loop3A_755 = arith.constant 16 : index
      %parallel_loop3A_756 = tpu.vector_load %arg13[%parallel_loop3A_753, %parallel_loop3A_754, %parallel_loop3A_755] {strides = array<i32>} : memref<3x80x128xf32, #tpu.memory_space<vmem>>, vector<16xf32>,
      tpu.vector_store %arg13[%parallel_loop3A_753, %parallel_loop3A_754, %parallel_loop3A_755], %parallel_loop3A_751 {strides = array<i32>} : memref<3x80x128xf32, #tpu.memory_space<vmem>>, vector<16xf32>,
      %parallel_loop3A_757 = arith.constant 0 : i32
      %parallel_loop3A_758 = arith.index_cast %parallel_loop3A_757 : i32 to index
      %parallel_loop3A_759 = arith.index_cast %parallel_loop3A_725 : i32 to index
      %parallel_loop3A_760 = arith.constant 32 : index
      %parallel_loop3A_761 = tpu.vector_load %arg13[%parallel_loop3A_758, %parallel_loop3A_759, %parallel_loop3A_760] {strides = array<i32>} : memref<3x80x128xf32, #tpu.memory_space<vmem>>, vector<16xf32>,
      %parallel_loop3A_762 = arith.mulf %parallel_loop3A_761, %parallel_loop3A_734 : vector<16xf32>
      %parallel_loop3A_763 = arith.constant 0 : i32
      %parallel_loop3A_764 = arith.index_cast %parallel_loop3A_763 : i32 to index
      %parallel_loop3A_765 = arith.index_cast %parallel_loop3A_725 : i32 to index
      %parallel_loop3A_766 = arith.constant 32 : index
      %parallel_loop3A_767 = tpu.vector_load %arg13[%parallel_loop3A_764, %parallel_loop3A_765, %parallel_loop3A_766] {strides = array<i32>} : memref<3x80x128xf32, #tpu.memory_space<vmem>>, vector<16xf32>,
      tpu.vector_store %arg13[%parallel_loop3A_764, %parallel_loop3A_765, %parallel_loop3A_766], %parallel_loop3A_762 {strides = array<i32>} : memref<3x80x128xf32, #tpu.memory_space<vmem>>, vector<16xf32>,
      %parallel_loop3A_768 = arith.constant 0 : i32
      %parallel_loop3A_769 = arith.index_cast %parallel_loop3A_768 : i32 to index
      %parallel_loop3A_770 = arith.index_cast %parallel_loop3A_725 : i32 to index
      %parallel_loop3A_771 = arith.constant 48 : index
      %parallel_loop3A_772 = tpu.vector_load %arg13[%parallel_loop3A_769, %parallel_loop3A_770, %parallel_loop3A_771] {strides = array<i32>} : memref<3x80x128xf32, #tpu.memory_space<vmem>>, vector<16xf32>,
      %parallel_loop3A_773 = arith.mulf %parallel_loop3A_772, %parallel_loop3A_734 : vector<16xf32>
      %parallel_loop3A_774 = arith.constant 0 : i32
      %parallel_loop3A_775 = arith.index_cast %parallel_loop3A_774 : i32 to index
      %parallel_loop3A_776 = arith.index_cast %parallel_loop3A_725 : i32 to index
      %parallel_loop3A_777 = arith.constant 48 : index
      %parallel_loop3A_778 = tpu.vector_load %arg13[%parallel_loop3A_775, %parallel_loop3A_776, %parallel_loop3A_777] {strides = array<i32>} : memref<3x80x128xf32, #tpu.memory_space<vmem>>, vector<16xf32>,
      tpu.vector_store %arg13[%parallel_loop3A_775, %parallel_loop3A_776, %parallel_loop3A_777], %parallel_loop3A_773 {strides = array<i32>} : memref<3x80x128xf32, #tpu.memory_space<vmem>>, vector<16xf32>,
      %parallel_loop3A_779 = arith.constant 0 : i32
      %parallel_loop3A_780 = arith.index_cast %parallel_loop3A_779 : i32 to index
      %parallel_loop3A_781 = arith.index_cast %parallel_loop3A_725 : i32 to index
      %parallel_loop3A_782 = arith.constant 64 : index
      %parallel_loop3A_783 = tpu.vector_load %arg13[%parallel_loop3A_780, %parallel_loop3A_781, %parallel_loop3A_782] {strides = array<i32>} : memref<3x80x128xf32, #tpu.memory_space<vmem>>, vector<16xf32>,
      %parallel_loop3A_784 = arith.mulf %parallel_loop3A_783, %parallel_loop3A_734 : vector<16xf32>
      %parallel_loop3A_785 = arith.constant 0 : i32
      %parallel_loop3A_786 = arith.index_cast %parallel_loop3A_785 : i32 to index
      %parallel_loop3A_787 = arith.index_cast %parallel_loop3A_725 : i32 to index
      %parallel_loop3A_788 = arith.constant 64 : index
      %parallel_loop3A_789 = tpu.vector_load %arg13[%parallel_loop3A_786, %parallel_loop3A_787, %parallel_loop3A_788] {strides = array<i32>} : memref<3x80x128xf32, #tpu.memory_space<vmem>>, vector<16xf32>,
      tpu.vector_store %arg13[%parallel_loop3A_786, %parallel_loop3A_787, %parallel_loop3A_788], %parallel_loop3A_784 {strides = array<i32>} : memref<3x80x128xf32, #tpu.memory_space<vmem>>, vector<16xf32>,
      %parallel_loop3A_790 = arith.constant 0 : i32
      %parallel_loop3A_791 = arith.index_cast %parallel_loop3A_790 : i32 to index
      %parallel_loop3A_792 = arith.index_cast %parallel_loop3A_725 : i32 to index
      %parallel_loop3A_793 = arith.constant 80 : index
      %parallel_loop3A_794 = tpu.vector_load %arg13[%parallel_loop3A_791, %parallel_loop3A_792, %parallel_loop3A_793] {strides = array<i32>} : memref<3x80x128xf32, #tpu.memory_space<vmem>>, vector<16xf32>,
      %parallel_loop3A_795 = arith.mulf %parallel_loop3A_794, %parallel_loop3A_734 : vector<16xf32>
      %parallel_loop3A_796 = arith.constant 0 : i32
      %parallel_loop3A_797 = arith.index_cast %parallel_loop3A_796 : i32 to index
      %parallel_loop3A_798 = arith.index_cast %parallel_loop3A_725 : i32 to index
      %parallel_loop3A_799 = arith.constant 80 : index
      %parallel_loop3A_800 = tpu.vector_load %arg13[%parallel_loop3A_797, %parallel_loop3A_798, %parallel_loop3A_799] {strides = array<i32>} : memref<3x80x128xf32, #tpu.memory_space<vmem>>, vector<16xf32>,
      tpu.vector_store %arg13[%parallel_loop3A_797, %parallel_loop3A_798, %parallel_loop3A_799], %parallel_loop3A_795 {strides = array<i32>} : memref<3x80x128xf32, #tpu.memory_space<vmem>>, vector<16xf32>,
      %parallel_loop3A_801 = arith.constant 0 : i32
      %parallel_loop3A_802 = arith.index_cast %parallel_loop3A_801 : i32 to index
      %parallel_loop3A_803 = arith.index_cast %parallel_loop3A_725 : i32 to index
      %parallel_loop3A_804 = arith.constant 96 : index
      %parallel_loop3A_805 = tpu.vector_load %arg13[%parallel_loop3A_802, %parallel_loop3A_803, %parallel_loop3A_804] {strides = array<i32>} : memref<3x80x128xf32, #tpu.memory_space<vmem>>, vector<16xf32>,
      %parallel_loop3A_806 = arith.mulf %parallel_loop3A_805, %parallel_loop3A_734 : vector<16xf32>
      %parallel_loop3A_807 = arith.constant 0 : i32
      %parallel_loop3A_808 = arith.index_cast %parallel_loop3A_807 : i32 to index
      %parallel_loop3A_809 = arith.index_cast %parallel_loop3A_725 : i32 to index
      %parallel_loop3A_810 = arith.constant 96 : index
      %parallel_loop3A_811 = tpu.vector_load %arg13[%parallel_loop3A_808, %parallel_loop3A_809, %parallel_loop3A_810] {strides = array<i32>} : memref<3x80x128xf32, #tpu.memory_space<vmem>>, vector<16xf32>,
      tpu.vector_store %arg13[%parallel_loop3A_808, %parallel_loop3A_809, %parallel_loop3A_810], %parallel_loop3A_806 {strides = array<i32>} : memref<3x80x128xf32, #tpu.memory_space<vmem>>, vector<16xf32>,
      %parallel_loop3A_812 = arith.constant 0 : i32
      %parallel_loop3A_813 = arith.index_cast %parallel_loop3A_812 : i32 to index
      %parallel_loop3A_814 = arith.index_cast %parallel_loop3A_725 : i32 to index
      %parallel_loop3A_815 = arith.constant 112 : index
      %parallel_loop3A_816 = tpu.vector_load %arg13[%parallel_loop3A_813, %parallel_loop3A_814, %parallel_loop3A_815] {strides = array<i32>} : memref<3x80x128xf32, #tpu.memory_space<vmem>>, vector<16xf32>,
      %parallel_loop3A_817 = arith.mulf %parallel_loop3A_816, %parallel_loop3A_734 : vector<16xf32>
      %parallel_loop3A_818 = arith.constant 0 : i32
      %parallel_loop3A_819 = arith.index_cast %parallel_loop3A_818 : i32 to index
      %parallel_loop3A_820 = arith.index_cast %parallel_loop3A_725 : i32 to index
      %parallel_loop3A_821 = arith.constant 112 : index
      %parallel_loop3A_822 = tpu.vector_load %arg13[%parallel_loop3A_819, %parallel_loop3A_820, %parallel_loop3A_821] {strides = array<i32>} : memref<3x80x128xf32, #tpu.memory_space<vmem>>, vector<16xf32>,
      tpu.vector_store %arg13[%parallel_loop3A_819, %parallel_loop3A_820, %parallel_loop3A_821], %parallel_loop3A_817 {strides = array<i32>} : memref<3x80x128xf32, #tpu.memory_space<vmem>>, vector<16xf32>,
    } {sc.loop_unroll_factor = 4 : i64, sc.parallel_access}
    %get3A = arith.constant 0 : i32
    %get3A_436 = arith.index_cast %get3A : i32 to index
    %get3A_437 = arith.constant 0 : index
    %get3A_438 = tpu.vector_load %arg11[%get3A_436, %get3A_437] {strides = array<i32>} : memref<3x80xi32, #tpu.memory_space<vmem>>, vector<16xi32>,
    %get3A_439 = arith.constant 0 : i32
    %get3A_440 = arith.index_cast %get3A_439 : i32 to index
    %get3A_441 = arith.constant 0 : index
    %get3A_442 = tpu.vector_load %arg12[%get3A_440, %get3A_441] {strides = array<i32>} : memref<3x80xf32, #tpu.memory_space<vmem>>, vector<16xf32>,
    tpu.vector_store_idx %arg9[%get3A_438], %get3A_442 {add = true} : memref<10000xf32, #tpu.memory_space<vmem>>[vector<16xi32>], vector<16xf32>,
    %get3A_443 = arith.constant 0 : i32
    %get3A_444 = arith.index_cast %get3A_443 : i32 to index
    %get3A_445 = arith.constant 16 : index
    %get3A_446 = tpu.vector_load %arg11[%get3A_444, %get3A_445] {strides = array<i32>} : memref<3x80xi32, #tpu.memory_space<vmem>>, vector<16xi32>,
    %get3A_447 = arith.constant 0 : i32
    %get3A_448 = arith.index_cast %get3A_447 : i32 to index
    %get3A_449 = arith.constant 16 : index
    %get3A_450 = tpu.vector_load %arg12[%get3A_448, %get3A_449] {strides = array<i32>} : memref<3x80xf32, #tpu.memory_space<vmem>>, vector<16xf32>,
    tpu.vector_store_idx %arg9[%get3A_446], %get3A_450 {add = true} : memref<10000xf32, #tpu.memory_space<vmem>>[vector<16xi32>], vector<16xf32>,
    %get3A_451 = arith.constant 0 : i32
    %get3A_452 = arith.index_cast %get3A_451 : i32 to index
    %get3A_453 = arith.constant 32 : index
    %get3A_454 = tpu.vector_load %arg11[%get3A_452, %get3A_453] {strides = array<i32>} : memref<3x80xi32, #tpu.memory_space<vmem>>, vector<16xi32>,
    %get3A_455 = arith.constant 0 : i32
    %get3A_456 = arith.index_cast %get3A_455 : i32 to index
    %get3A_457 = arith.constant 32 : index
    %get3A_458 = tpu.vector_load %arg12[%get3A_456, %get3A_457] {strides = array<i32>} : memref<3x80xf32, #tpu.memory_space<vmem>>, vector<16xf32>,
    tpu.vector_store_idx %arg9[%get3A_454], %get3A_458 {add = true} : memref<10000xf32, #tpu.memory_space<vmem>>[vector<16xi32>], vector<16xf32>,
    %get3A_459 = arith.constant 0 : i32
    %get3A_460 = arith.index_cast %get3A_459 : i32 to index
    %get3A_461 = arith.constant 48 : index
    %get3A_462 = tpu.vector_load %arg11[%get3A_460, %get3A_461] {strides = array<i32>} : memref<3x80xi32, #tpu.memory_space<vmem>>, vector<16xi32>,
    %get3A_463 = arith.constant 0 : i32
    %get3A_464 = arith.index_cast %get3A_463 : i32 to index
    %get3A_465 = arith.constant 48 : index
    %get3A_466 = tpu.vector_load %arg12[%get3A_464, %get3A_465] {strides = array<i32>} : memref<3x80xf32, #tpu.memory_space<vmem>>, vector<16xf32>,
    tpu.vector_store_idx %arg9[%get3A_462], %get3A_466 {add = true} : memref<10000xf32, #tpu.memory_space<vmem>>[vector<16xi32>], vector<16xf32>,
    %get3A_467 = arith.constant 0 : i32
    %get3A_468 = arith.index_cast %get3A_467 : i32 to index
    %get3A_469 = arith.constant 64 : index
    %get3A_470 = tpu.vector_load %arg11[%get3A_468, %get3A_469] {strides = array<i32>} : memref<3x80xi32, #tpu.memory_space<vmem>>, vector<16xi32>,
    %get3A_471 = arith.constant 0 : i32
    %get3A_472 = arith.index_cast %get3A_471 : i32 to index
    %get3A_473 = arith.constant 64 : index
    %get3A_474 = tpu.vector_load %arg12[%get3A_472, %get3A_473] {strides = array<i32>} : memref<3x80xf32, #tpu.memory_space<vmem>>, vector<16xf32>,
    tpu.vector_store_idx %arg9[%get3A_470], %get3A_474 {add = true} : memref<10000xf32, #tpu.memory_space<vmem>>[vector<16xi32>], vector<16xf32>,
    %dma_start3A_475 = arith.constant 0 : i32
    %dma_start3A_476 = arith.constant 0 : i32
    %dma_start3A_477 = arith.constant 0 : i32
    %dma_start3A_478 = arith.constant 0 : i32
    %dma_start3A_479 = tpu.memref_slice %arg13[%dma_start3A_475, %dma_start3A_477, %dma_start3A_478] : memref<3x80x128xf32, #tpu.memory_space<vmem>> -> memref<1x80x128xf32, #tpu.memory_space<vmem>>
    %dma_start3A_480 = tpu.memref_squeeze %dma_start3A_479 : memref<1x80x128xf32, #tpu.memory_space<vmem>> -> memref<80x128xf32, #tpu.memory_space<vmem>>
    %dma_start3A_481 = arith.constant 0 : i32
    %dma_start3A_482 = tpu.memref_slice %arg11[%dma_start3A_476, %dma_start3A_481] : memref<3x80xi32, #tpu.memory_space<vmem>> -> memref<1x80xi32, #tpu.memory_space<vmem>>
    %dma_start3A_483 = tpu.memref_squeeze %dma_start3A_482 : memref<1x80xi32, #tpu.memory_space<vmem>> -> memref<80xi32, #tpu.memory_space<vmem>>
    %dma_start3A_484 = arith.constant 0 : i32
    %dma_start3A_485 = arith.constant 0 : i32
    %dma_start3A_486 = tpu.memref_slice %arg8[%dma_start3A_484, %dma_start3A_485] : memref<10000x128xf32, #tpu.memory_space<vmem_shared>> -> memref<10000x128xf32, #tpu.memory_space<vmem_shared>>
    tpu.enqueue_indirect_dma source(%dma_start3A_480 : memref<80x128xf32, #tpu.memory_space<vmem>>) target(%dma_start3A_486 : memref<10000x128xf32, #tpu.memory_space<vmem_shared>>) offsets(%dma_start3A_483 : memref<80xi32, #tpu.memory_space<vmem>>) semaphore(%arg15 : memref<!tpu.dma_semaphore, #tpu.memory_space<semaphore_mem>>) {add = true}
    %dma_wait3A_487 = arith.constant 2 : i32
    %dma_wait3A_488 = arith.constant 2 : i32
    %dma_wait3A_489 = arith.constant 0 : i32
    %dma_wait3A_490 = arith.constant 0 : i32
    %dma_wait3A_491 = tpu.memref_slice %arg13[%dma_wait3A_487, %dma_wait3A_489, %dma_wait3A_490] : memref<3x80x128xf32, #tpu.memory_space<vmem>> -> memref<1x80x128xf32, #tpu.memory_space<vmem>>
    %dma_wait3A_492 = tpu.memref_squeeze %dma_wait3A_491 : memref<1x80x128xf32, #tpu.memory_space<vmem>> -> memref<80x128xf32, #tpu.memory_space<vmem>>
    %dma_wait3A_493 = arith.constant 0 : i32
    %dma_wait3A_494 = tpu.memref_slice %arg11[%dma_wait3A_488, %dma_wait3A_493] : memref<3x80xi32, #tpu.memory_space<vmem>> -> memref<1x80xi32, #tpu.memory_space<vmem>>
    %dma_wait3A_495 = tpu.memref_squeeze %dma_wait3A_494 : memref<1x80xi32, #tpu.memory_space<vmem>> -> memref<80xi32, #tpu.memory_space<vmem>>
    %dma_wait3A_496 = arith.constant 0 : i32
    %dma_wait3A_497 = arith.constant 0 : i32
    %dma_wait3A_498 = tpu.memref_slice %arg8[%dma_wait3A_496, %dma_wait3A_497] : memref<10000x128xf32, #tpu.memory_space<vmem_shared>> -> memref<10000x128xf32, #tpu.memory_space<vmem_shared>>
    tpu.wait_indirect_dma semaphore(%arg15 : memref<!tpu.dma_semaphore, #tpu.memory_space<semaphore_mem>>) src(%dma_wait3A_492 : memref<80x128xf32, #tpu.memory_space<vmem>>) dst(%dma_wait3A_498 : memref<10000x128xf32, #tpu.memory_space<vmem_shared>>)
    %dma_wait3A_499 = arith.constant 1 : i32
    %dma_wait3A_500 = arith.constant 1 : i32
    %dma_wait3A_501 = arith.constant 0 : i32
    %dma_wait3A_502 = arith.constant 0 : i32
    %dma_wait3A_503 = tpu.memref_slice %arg13[%dma_wait3A_500, %dma_wait3A_501, %dma_wait3A_502] : memref<3x80x128xf32, #tpu.memory_space<vmem>> -> memref<1x80x128xf32, #tpu.memory_space<vmem>>
    %dma_wait3A_504 = tpu.memref_squeeze %dma_wait3A_503 : memref<1x80x128xf32, #tpu.memory_space<vmem>> -> memref<80x128xf32, #tpu.memory_space<vmem>>
    %dma_wait3A_505 = arith.constant 0 : i32
    %dma_wait3A_506 = tpu.memref_slice %arg10[%dma_wait3A_499, %dma_wait3A_505] : memref<3x80xi32, #tpu.memory_space<vmem>> -> memref<1x80xi32, #tpu.memory_space<vmem>>
    %dma_wait3A_507 = tpu.memref_squeeze %dma_wait3A_506 : memref<1x80xi32, #tpu.memory_space<vmem>> -> memref<80xi32, #tpu.memory_space<vmem>>
    %dma_wait3A_508 = arith.constant 0 : i32
    %dma_wait3A_509 = arith.constant 0 : i32
    %dma_wait3A_510 = tpu.memref_slice %arg2[%dma_wait3A_508, %dma_wait3A_509] : memref<10000x128xf32, #tpu.memory_space<hbm>> -> memref<10000x128xf32, #tpu.memory_space<hbm>>
    tpu.wait_indirect_dma semaphore(%arg14 : memref<!tpu.dma_semaphore, #tpu.memory_space<semaphore_mem>>) src(%dma_wait3A_510 : memref<10000x128xf32, #tpu.memory_space<hbm>>) dst(%dma_wait3A_504 : memref<80x128xf32, #tpu.memory_space<vmem>>)
    %parallel_loop3A_511 = arith.constant 0 : i32
    %parallel_loop3A_512 = arith.constant 80 : i32
    %parallel_loop3A_513 = arith.constant 1 : i32
    scf.for %parallel_loop3A_725 = %parallel_loop3A_511 to %parallel_loop3A_512 step %parallel_loop3A_513  : i32 {
      %parallel_loop3A_726 = arith.constant 0 : i32
      %parallel_loop3A_727 = vector.broadcast %parallel_loop3A_726 : i32 to vector<16xi32>
      %parallel_loop3A_728 = vector.broadcast %parallel_loop3A_725 : i32 to vector<16xi32>
      %parallel_loop3A_729 = arith.addi %parallel_loop3A_727, %parallel_loop3A_728 : vector<16xi32>
      %parallel_loop3A_730 = arith.constant 1 : i32
      %parallel_loop3A_731 = arith.constant 0 : i32
      %parallel_loop3A_732 = tpu.memref_slice %arg12[%parallel_loop3A_730, %parallel_loop3A_731] : memref<3x80xf32, #tpu.memory_space<vmem>> -> memref<1x80xf32, #tpu.memory_space<vmem>>
      %parallel_loop3A_733 = tpu.memref_squeeze %parallel_loop3A_732 : memref<1x80xf32, #tpu.memory_space<vmem>> -> memref<80xf32, #tpu.memory_space<vmem>>
      %parallel_loop3A_734 = tpu.vector_load_idx %parallel_loop3A_733[%parallel_loop3A_729] : memref<80xf32, #tpu.memory_space<vmem>>[vector<16xi32>], vector<16xf32>,
      %parallel_loop3A_735 = arith.constant 1 : i32
      %parallel_loop3A_736 = arith.index_cast %parallel_loop3A_735 : i32 to index
      %parallel_loop3A_737 = arith.index_cast %parallel_loop3A_725 : i32 to index
      %parallel_loop3A_738 = arith.constant 0 : index
      %parallel_loop3A_739 = tpu.vector_load %arg13[%parallel_loop3A_736, %parallel_loop3A_737, %parallel_loop3A_738] {strides = array<i32>} : memref<3x80x128xf32, #tpu.memory_space<vmem>>, vector<16xf32>,
      %parallel_loop3A_740 = arith.mulf %parallel_loop3A_739, %parallel_loop3A_734 : vector<16xf32>
      %parallel_loop3A_741 = arith.constant 1 : i32
      %parallel_loop3A_742 = arith.index_cast %parallel_loop3A_741 : i32 to index
      %parallel_loop3A_743 = arith.index_cast %parallel_loop3A_725 : i32 to index
      %parallel_loop3A_744 = arith.constant 0 : index
      %parallel_loop3A_745 = tpu.vector_load %arg13[%parallel_loop3A_742, %parallel_loop3A_743, %parallel_loop3A_744] {strides = array<i32>} : memref<3x80x128xf32, #tpu.memory_space<vmem>>, vector<16xf32>,
      tpu.vector_store %arg13[%parallel_loop3A_742, %parallel_loop3A_743, %parallel_loop3A_744], %parallel_loop3A_740 {strides = array<i32>} : memref<3x80x128xf32, #tpu.memory_space<vmem>>, vector<16xf32>,
      %parallel_loop3A_746 = arith.constant 1 : i32
      %parallel_loop3A_747 = arith.index_cast %parallel_loop3A_746 : i32 to index
      %parallel_loop3A_748 = arith.index_cast %parallel_loop3A_725 : i32 to index
      %parallel_loop3A_749 = arith.constant 16 : index
      %parallel_loop3A_750 = tpu.vector_load %arg13[%parallel_loop3A_747, %parallel_loop3A_748, %parallel_loop3A_749] {strides = array<i32>} : memref<3x80x128xf32, #tpu.memory_space<vmem>>, vector<16xf32>,
      %parallel_loop3A_751 = arith.mulf %parallel_loop3A_750, %parallel_loop3A_734 : vector<16xf32>
      %parallel_loop3A_752 = arith.constant 1 : i32
      %parallel_loop3A_753 = arith.index_cast %parallel_loop3A_752 : i32 to index
      %parallel_loop3A_754 = arith.index_cast %parallel_loop3A_725 : i32 to index
      %parallel_loop3A_755 = arith.constant 16 : index
      %parallel_loop3A_756 = tpu.vector_load %arg13[%parallel_loop3A_753, %parallel_loop3A_754, %parallel_loop3A_755] {strides = array<i32>} : memref<3x80x128xf32, #tpu.memory_space<vmem>>, vector<16xf32>,
      tpu.vector_store %arg13[%parallel_loop3A_753, %parallel_loop3A_754, %parallel_loop3A_755], %parallel_loop3A_751 {strides = array<i32>} : memref<3x80x128xf32, #tpu.memory_space<vmem>>, vector<16xf32>,
      %parallel_loop3A_757 = arith.constant 1 : i32
      %parallel_loop3A_758 = arith.index_cast %parallel_loop3A_757 : i32 to index
      %parallel_loop3A_759 = arith.index_cast %parallel_loop3A_725 : i32 to index
      %parallel_loop3A_760 = arith.constant 32 : index
      %parallel_loop3A_761 = tpu.vector_load %arg13[%parallel_loop3A_758, %parallel_loop3A_759, %parallel_loop3A_760] {strides = array<i32>} : memref<3x80x128xf32, #tpu.memory_space<vmem>>, vector<16xf32>,
      %parallel_loop3A_762 = arith.mulf %parallel_loop3A_761, %parallel_loop3A_734 : vector<16xf32>
      %parallel_loop3A_763 = arith.constant 1 : i32
      %parallel_loop3A_764 = arith.index_cast %parallel_loop3A_763 : i32 to index
      %parallel_loop3A_765 = arith.index_cast %parallel_loop3A_725 : i32 to index
      %parallel_loop3A_766 = arith.constant 32 : index
      %parallel_loop3A_767 = tpu.vector_load %arg13[%parallel_loop3A_764, %parallel_loop3A_765, %parallel_loop3A_766] {strides = array<i32>} : memref<3x80x128xf32, #tpu.memory_space<vmem>>, vector<16xf32>,
      tpu.vector_store %arg13[%parallel_loop3A_764, %parallel_loop3A_765, %parallel_loop3A_766], %parallel_loop3A_762 {strides = array<i32>} : memref<3x80x128xf32, #tpu.memory_space<vmem>>, vector<16xf32>,
      %parallel_loop3A_768 = arith.constant 1 : i32
      %parallel_loop3A_769 = arith.index_cast %parallel_loop3A_768 : i32 to index
      %parallel_loop3A_770 = arith.index_cast %parallel_loop3A_725 : i32 to index
      %parallel_loop3A_771 = arith.constant 48 : index
      %parallel_loop3A_772 = tpu.vector_load %arg13[%parallel_loop3A_769, %parallel_loop3A_770, %parallel_loop3A_771] {strides = array<i32>} : memref<3x80x128xf32, #tpu.memory_space<vmem>>, vector<16xf32>,
      %parallel_loop3A_773 = arith.mulf %parallel_loop3A_772, %parallel_loop3A_734 : vector<16xf32>
      %parallel_loop3A_774 = arith.constant 1 : i32
      %parallel_loop3A_775 = arith.index_cast %parallel_loop3A_774 : i32 to index
      %parallel_loop3A_776 = arith.index_cast %parallel_loop3A_725 : i32 to index
      %parallel_loop3A_777 = arith.constant 48 : index
      %parallel_loop3A_778 = tpu.vector_load %arg13[%parallel_loop3A_775, %parallel_loop3A_776, %parallel_loop3A_777] {strides = array<i32>} : memref<3x80x128xf32, #tpu.memory_space<vmem>>, vector<16xf32>,
      tpu.vector_store %arg13[%parallel_loop3A_775, %parallel_loop3A_776, %parallel_loop3A_777], %parallel_loop3A_773 {strides = array<i32>} : memref<3x80x128xf32, #tpu.memory_space<vmem>>, vector<16xf32>,
      %parallel_loop3A_779 = arith.constant 1 : i32
      %parallel_loop3A_780 = arith.index_cast %parallel_loop3A_779 : i32 to index
      %parallel_loop3A_781 = arith.index_cast %parallel_loop3A_725 : i32 to index
      %parallel_loop3A_782 = arith.constant 64 : index
      %parallel_loop3A_783 = tpu.vector_load %arg13[%parallel_loop3A_780, %parallel_loop3A_781, %parallel_loop3A_782] {strides = array<i32>} : memref<3x80x128xf32, #tpu.memory_space<vmem>>, vector<16xf32>,
      %parallel_loop3A_784 = arith.mulf %parallel_loop3A_783, %parallel_loop3A_734 : vector<16xf32>
      %parallel_loop3A_785 = arith.constant 1 : i32
      %parallel_loop3A_786 = arith.index_cast %parallel_loop3A_785 : i32 to index
      %parallel_loop3A_787 = arith.index_cast %parallel_loop3A_725 : i32 to index
      %parallel_loop3A_788 = arith.constant 64 : index
      %parallel_loop3A_789 = tpu.vector_load %arg13[%parallel_loop3A_786, %parallel_loop3A_787, %parallel_loop3A_788] {strides = array<i32>} : memref<3x80x128xf32, #tpu.memory_space<vmem>>, vector<16xf32>,
      tpu.vector_store %arg13[%parallel_loop3A_786, %parallel_loop3A_787, %parallel_loop3A_788], %parallel_loop3A_784 {strides = array<i32>} : memref<3x80x128xf32, #tpu.memory_space<vmem>>, vector<16xf32>,
      %parallel_loop3A_790 = arith.constant 1 : i32
      %parallel_loop3A_791 = arith.index_cast %parallel_loop3A_790 : i32 to index
      %parallel_loop3A_792 = arith.index_cast %parallel_loop3A_725 : i32 to index
      %parallel_loop3A_793 = arith.constant 80 : index
      %parallel_loop3A_794 = tpu.vector_load %arg13[%parallel_loop3A_791, %parallel_loop3A_792, %parallel_loop3A_793] {strides = array<i32>} : memref<3x80x128xf32, #tpu.memory_space<vmem>>, vector<16xf32>,
      %parallel_loop3A_795 = arith.mulf %parallel_loop3A_794, %parallel_loop3A_734 : vector<16xf32>
      %parallel_loop3A_796 = arith.constant 1 : i32
      %parallel_loop3A_797 = arith.index_cast %parallel_loop3A_796 : i32 to index
      %parallel_loop3A_798 = arith.index_cast %parallel_loop3A_725 : i32 to index
      %parallel_loop3A_799 = arith.constant 80 : index
      %parallel_loop3A_800 = tpu.vector_load %arg13[%parallel_loop3A_797, %parallel_loop3A_798, %parallel_loop3A_799] {strides = array<i32>} : memref<3x80x128xf32, #tpu.memory_space<vmem>>, vector<16xf32>,
      tpu.vector_store %arg13[%parallel_loop3A_797, %parallel_loop3A_798, %parallel_loop3A_799], %parallel_loop3A_795 {strides = array<i32>} : memref<3x80x128xf32, #tpu.memory_space<vmem>>, vector<16xf32>,
      %parallel_loop3A_801 = arith.constant 1 : i32
      %parallel_loop3A_802 = arith.index_cast %parallel_loop3A_801 : i32 to index
      %parallel_loop3A_803 = arith.index_cast %parallel_loop3A_725 : i32 to index
      %parallel_loop3A_804 = arith.constant 96 : index
      %parallel_loop3A_805 = tpu.vector_load %arg13[%parallel_loop3A_802, %parallel_loop3A_803, %parallel_loop3A_804] {strides = array<i32>} : memref<3x80x128xf32, #tpu.memory_space<vmem>>, vector<16xf32>,
      %parallel_loop3A_806 = arith.mulf %parallel_loop3A_805, %parallel_loop3A_734 : vector<16xf32>
      %parallel_loop3A_807 = arith.constant 1 : i32
      %parallel_loop3A_808 = arith.index_cast %parallel_loop3A_807 : i32 to index
      %parallel_loop3A_809 = arith.index_cast %parallel_loop3A_725 : i32 to index
      %parallel_loop3A_810 = arith.constant 96 : index
      %parallel_loop3A_811 = tpu.vector_load %arg13[%parallel_loop3A_808, %parallel_loop3A_809, %parallel_loop3A_810] {strides = array<i32>} : memref<3x80x128xf32, #tpu.memory_space<vmem>>, vector<16xf32>,
      tpu.vector_store %arg13[%parallel_loop3A_808, %parallel_loop3A_809, %parallel_loop3A_810], %parallel_loop3A_806 {strides = array<i32>} : memref<3x80x128xf32, #tpu.memory_space<vmem>>, vector<16xf32>,
      %parallel_loop3A_812 = arith.constant 1 : i32
      %parallel_loop3A_813 = arith.index_cast %parallel_loop3A_812 : i32 to index
      %parallel_loop3A_814 = arith.index_cast %parallel_loop3A_725 : i32 to index
      %parallel_loop3A_815 = arith.constant 112 : index
      %parallel_loop3A_816 = tpu.vector_load %arg13[%parallel_loop3A_813, %parallel_loop3A_814, %parallel_loop3A_815] {strides = array<i32>} : memref<3x80x128xf32, #tpu.memory_space<vmem>>, vector<16xf32>,
      %parallel_loop3A_817 = arith.mulf %parallel_loop3A_816, %parallel_loop3A_734 : vector<16xf32>
      %parallel_loop3A_818 = arith.constant 1 : i32
      %parallel_loop3A_819 = arith.index_cast %parallel_loop3A_818 : i32 to index
      %parallel_loop3A_820 = arith.index_cast %parallel_loop3A_725 : i32 to index
      %parallel_loop3A_821 = arith.constant 112 : index
      %parallel_loop3A_822 = tpu.vector_load %arg13[%parallel_loop3A_819, %parallel_loop3A_820, %parallel_loop3A_821] {strides = array<i32>} : memref<3x80x128xf32, #tpu.memory_space<vmem>>, vector<16xf32>,
      tpu.vector_store %arg13[%parallel_loop3A_819, %parallel_loop3A_820, %parallel_loop3A_821], %parallel_loop3A_817 {strides = array<i32>} : memref<3x80x128xf32, #tpu.memory_space<vmem>>, vector<16xf32>,
    } {sc.loop_unroll_factor = 4 : i64, sc.parallel_access}
    %get3A_514 = arith.constant 1 : i32
    %get3A_515 = arith.index_cast %get3A_514 : i32 to index
    %get3A_516 = arith.constant 0 : index
    %get3A_517 = tpu.vector_load %arg11[%get3A_515, %get3A_516] {strides = array<i32>} : memref<3x80xi32, #tpu.memory_space<vmem>>, vector<16xi32>,
    %get3A_518 = arith.constant 1 : i32
    %get3A_519 = arith.index_cast %get3A_518 : i32 to index
    %get3A_520 = arith.constant 0 : index
    %get3A_521 = tpu.vector_load %arg12[%get3A_519, %get3A_520] {strides = array<i32>} : memref<3x80xf32, #tpu.memory_space<vmem>>, vector<16xf32>,
    tpu.vector_store_idx %arg9[%get3A_517], %get3A_521 {add = true} : memref<10000xf32, #tpu.memory_space<vmem>>[vector<16xi32>], vector<16xf32>,
    %get3A_522 = arith.constant 1 : i32
    %get3A_523 = arith.index_cast %get3A_522 : i32 to index
    %get3A_524 = arith.constant 16 : index
    %get3A_525 = tpu.vector_load %arg11[%get3A_523, %get3A_524] {strides = array<i32>} : memref<3x80xi32, #tpu.memory_space<vmem>>, vector<16xi32>,
    %get3A_526 = arith.constant 1 : i32
    %get3A_527 = arith.index_cast %get3A_526 : i32 to index
    %get3A_528 = arith.constant 16 : index
    %get3A_529 = tpu.vector_load %arg12[%get3A_527, %get3A_528] {strides = array<i32>} : memref<3x80xf32, #tpu.memory_space<vmem>>, vector<16xf32>,
    tpu.vector_store_idx %arg9[%get3A_525], %get3A_529 {add = true} : memref<10000xf32, #tpu.memory_space<vmem>>[vector<16xi32>], vector<16xf32>,
    %get3A_530 = arith.constant 1 : i32
    %get3A_531 = arith.index_cast %get3A_530 : i32 to index
    %get3A_532 = arith.constant 32 : index
    %get3A_533 = tpu.vector_load %arg11[%get3A_531, %get3A_532] {strides = array<i32>} : memref<3x80xi32, #tpu.memory_space<vmem>>, vector<16xi32>,
    %get3A_534 = arith.constant 1 : i32
    %get3A_535 = arith.index_cast %get3A_534 : i32 to index
    %get3A_536 = arith.constant 32 : index
    %get3A_537 = tpu.vector_load %arg12[%get3A_535, %get3A_536] {strides = array<i32>} : memref<3x80xf32, #tpu.memory_space<vmem>>, vector<16xf32>,
    tpu.vector_store_idx %arg9[%get3A_533], %get3A_537 {add = true} : memref<10000xf32, #tpu.memory_space<vmem>>[vector<16xi32>], vector<16xf32>,
    %get3A_538 = arith.constant 1 : i32
    %get3A_539 = arith.index_cast %get3A_538 : i32 to index
    %get3A_540 = arith.constant 48 : index
    %get3A_541 = tpu.vector_load %arg11[%get3A_539, %get3A_540] {strides = array<i32>} : memref<3x80xi32, #tpu.memory_space<vmem>>, vector<16xi32>,
    %get3A_542 = arith.constant 1 : i32
    %get3A_543 = arith.index_cast %get3A_542 : i32 to index
    %get3A_544 = arith.constant 48 : index
    %get3A_545 = tpu.vector_load %arg12[%get3A_543, %get3A_544] {strides = array<i32>} : memref<3x80xf32, #tpu.memory_space<vmem>>, vector<16xf32>,
    tpu.vector_store_idx %arg9[%get3A_541], %get3A_545 {add = true} : memref<10000xf32, #tpu.memory_space<vmem>>[vector<16xi32>], vector<16xf32>,
    %get3A_546 = arith.constant 1 : i32
    %get3A_547 = arith.index_cast %get3A_546 : i32 to index
    %get3A_548 = arith.constant 64 : index
    %get3A_549 = tpu.vector_load %arg11[%get3A_547, %get3A_548] {strides = array<i32>} : memref<3x80xi32, #tpu.memory_space<vmem>>, vector<16xi32>,
    %get3A_550 = arith.constant 1 : i32
    %get3A_551 = arith.index_cast %get3A_550 : i32 to index
    %get3A_552 = arith.constant 64 : index
    %get3A_553 = tpu.vector_load %arg12[%get3A_551, %get3A_552] {strides = array<i32>} : memref<3x80xf32, #tpu.memory_space<vmem>>, vector<16xf32>,
    tpu.vector_store_idx %arg9[%get3A_549], %get3A_553 {add = true} : memref<10000xf32, #tpu.memory_space<vmem>>[vector<16xi32>], vector<16xf32>,
    %dma_start3A_554 = arith.constant 1 : i32
    %dma_start3A_555 = arith.constant 1 : i32
    %dma_start3A_556 = arith.constant 0 : i32
    %dma_start3A_557 = arith.constant 0 : i32
    %dma_start3A_558 = tpu.memref_slice %arg13[%dma_start3A_554, %dma_start3A_556, %dma_start3A_557] : memref<3x80x128xf32, #tpu.memory_space<vmem>> -> memref<1x80x128xf32, #tpu.memory_space<vmem>>
    %dma_start3A_559 = tpu.memref_squeeze %dma_start3A_558 : memref<1x80x128xf32, #tpu.memory_space<vmem>> -> memref<80x128xf32, #tpu.memory_space<vmem>>
    %dma_start3A_560 = arith.constant 0 : i32
    %dma_start3A_561 = tpu.memref_slice %arg11[%dma_start3A_555, %dma_start3A_560] : memref<3x80xi32, #tpu.memory_space<vmem>> -> memref<1x80xi32, #tpu.memory_space<vmem>>
    %dma_start3A_562 = tpu.memref_squeeze %dma_start3A_561 : memref<1x80xi32, #tpu.memory_space<vmem>> -> memref<80xi32, #tpu.memory_space<vmem>>
    %dma_start3A_563 = arith.constant 0 : i32
    %dma_start3A_564 = arith.constant 0 : i32
    %dma_start3A_565 = tpu.memref_slice %arg8[%dma_start3A_563, %dma_start3A_564] : memref<10000x128xf32, #tpu.memory_space<vmem_shared>> -> memref<10000x128xf32, #tpu.memory_space<vmem_shared>>
    tpu.enqueue_indirect_dma source(%dma_start3A_559 : memref<80x128xf32, #tpu.memory_space<vmem>>) target(%dma_start3A_565 : memref<10000x128xf32, #tpu.memory_space<vmem_shared>>) offsets(%dma_start3A_562 : memref<80xi32, #tpu.memory_space<vmem>>) semaphore(%arg15 : memref<!tpu.dma_semaphore, #tpu.memory_space<semaphore_mem>>) {add = true}
    %dma_wait3A_566 = arith.constant 0 : i32
    %dma_wait3A_567 = arith.constant 0 : i32
    %dma_wait3A_568 = arith.constant 0 : i32
    %dma_wait3A_569 = arith.constant 0 : i32
    %dma_wait3A_570 = tpu.memref_slice %arg13[%dma_wait3A_566, %dma_wait3A_568, %dma_wait3A_569] : memref<3x80x128xf32, #tpu.memory_space<vmem>> -> memref<1x80x128xf32, #tpu.memory_space<vmem>>
    %dma_wait3A_571 = tpu.memref_squeeze %dma_wait3A_570 : memref<1x80x128xf32, #tpu.memory_space<vmem>> -> memref<80x128xf32, #tpu.memory_space<vmem>>
    %dma_wait3A_572 = arith.constant 0 : i32
    %dma_wait3A_573 = tpu.memref_slice %arg11[%dma_wait3A_567, %dma_wait3A_572] : memref<3x80xi32, #tpu.memory_space<vmem>> -> memref<1x80xi32, #tpu.memory_space<vmem>>
    %dma_wait3A_574 = tpu.memref_squeeze %dma_wait3A_573 : memref<1x80xi32, #tpu.memory_space<vmem>> -> memref<80xi32, #tpu.memory_space<vmem>>
    %dma_wait3A_575 = arith.constant 0 : i32
    %dma_wait3A_576 = arith.constant 0 : i32
    %dma_wait3A_577 = tpu.memref_slice %arg8[%dma_wait3A_575, %dma_wait3A_576] : memref<10000x128xf32, #tpu.memory_space<vmem_shared>> -> memref<10000x128xf32, #tpu.memory_space<vmem_shared>>
    tpu.wait_indirect_dma semaphore(%arg15 : memref<!tpu.dma_semaphore, #tpu.memory_space<semaphore_mem>>) src(%dma_wait3A_571 : memref<80x128xf32, #tpu.memory_space<vmem>>) dst(%dma_wait3A_577 : memref<10000x128xf32, #tpu.memory_space<vmem_shared>>)
    %dma_wait3A_578 = arith.constant 1 : i32
    %dma_wait3A_579 = arith.constant 1 : i32
    %dma_wait3A_580 = arith.constant 0 : i32
    %dma_wait3A_581 = arith.constant 0 : i32
    %dma_wait3A_582 = tpu.memref_slice %arg13[%dma_wait3A_578, %dma_wait3A_580, %dma_wait3A_581] : memref<3x80x128xf32, #tpu.memory_space<vmem>> -> memref<1x80x128xf32, #tpu.memory_space<vmem>>
    %dma_wait3A_583 = tpu.memref_squeeze %dma_wait3A_582 : memref<1x80x128xf32, #tpu.memory_space<vmem>> -> memref<80x128xf32, #tpu.memory_space<vmem>>
    %dma_wait3A_584 = arith.constant 0 : i32
    %dma_wait3A_585 = tpu.memref_slice %arg11[%dma_wait3A_579, %dma_wait3A_584] : memref<3x80xi32, #tpu.memory_space<vmem>> -> memref<1x80xi32, #tpu.memory_space<vmem>>
    %dma_wait3A_586 = tpu.memref_squeeze %dma_wait3A_585 : memref<1x80xi32, #tpu.memory_space<vmem>> -> memref<80xi32, #tpu.memory_space<vmem>>
    %dma_wait3A_587 = arith.constant 0 : i32
    %dma_wait3A_588 = arith.constant 0 : i32
    %dma_wait3A_589 = tpu.memref_slice %arg8[%dma_wait3A_587, %dma_wait3A_588] : memref<10000x128xf32, #tpu.memory_space<vmem_shared>> -> memref<10000x128xf32, #tpu.memory_space<vmem_shared>>
    tpu.wait_indirect_dma semaphore(%arg15 : memref<!tpu.dma_semaphore, #tpu.memory_space<semaphore_mem>>) src(%dma_wait3A_583 : memref<80x128xf32, #tpu.memory_space<vmem>>) dst(%dma_wait3A_589 : memref<10000x128xf32, #tpu.memory_space<vmem_shared>>)
    %barrier3A_590 = arith.constant 0 : index
    tpu.barrier barrier_id(%barrier3A_590)
    %add3A_591 = arith.constant 0 : i32
    %add3A_592 = arith.addi %multiple_of3A, %add3A_591 : i32
    %multiple_of3A_593 = tpu.assume_multiple %add3A_592, 8 : i32
    %add3A_594 = arith.constant 0 : i32
    %add3A_595 = arith.addi %multiple_of3A, %add3A_594 : i32
    %multiple_of3A_596 = tpu.assume_multiple %add3A_595, 8 : i32
    %dma_start3A_597 = arith.constant 0 : i32
    %dma_start3A_598 = tpu.memref_slice %arg6[%arg0, %multiple_of3A_596, %dma_start3A_597] : memref<2x10000x128xf32, #tpu.memory_space<hbm>> -> memref<1x80x128xf32, #tpu.memory_space<hbm>>
    %dma_start3A_599 = tpu.memref_squeeze %dma_start3A_598 : memref<1x80x128xf32, #tpu.memory_space<hbm>> -> memref<80x128xf32, #tpu.memory_space<hbm>>
    %dma_start3A_600 = arith.constant 0 : i32
    %dma_start3A_601 = tpu.memref_slice %arg8[%multiple_of3A_593, %dma_start3A_600] : memref<10000x128xf32, #tpu.memory_space<vmem_shared>> -> memref<80x128xf32, #tpu.memory_space<vmem_shared>>
    tpu.enqueue_dma source(%dma_start3A_601 : memref<80x128xf32, #tpu.memory_space<vmem_shared>>) target(%dma_start3A_599 : memref<80x128xf32, #tpu.memory_space<hbm>>) target_semaphore(%arg14 : memref<!tpu.dma_semaphore, #tpu.memory_space<semaphore_mem>>)
    %add3A_602 = arith.constant 80 : i32
    %add3A_603 = arith.addi %multiple_of3A, %add3A_602 : i32
    %multiple_of3A_604 = tpu.assume_multiple %add3A_603, 8 : i32
    %add3A_605 = arith.constant 80 : i32
    %add3A_606 = arith.addi %multiple_of3A, %add3A_605 : i32
    %multiple_of3A_607 = tpu.assume_multiple %add3A_606, 8 : i32
    %dma_start3A_608 = arith.constant 0 : i32
    %dma_start3A_609 = tpu.memref_slice %arg6[%arg0, %multiple_of3A_607, %dma_start3A_608] : memref<2x10000x128xf32, #tpu.memory_space<hbm>> -> memref<1x80x128xf32, #tpu.memory_space<hbm>>
    %dma_start3A_610 = tpu.memref_squeeze %dma_start3A_609 : memref<1x80x128xf32, #tpu.memory_space<hbm>> -> memref<80x128xf32, #tpu.memory_space<hbm>>
    %dma_start3A_611 = arith.constant 0 : i32
    %dma_start3A_612 = tpu.memref_slice %arg8[%multiple_of3A_604, %dma_start3A_611] : memref<10000x128xf32, #tpu.memory_space<vmem_shared>> -> memref<80x128xf32, #tpu.memory_space<vmem_shared>>
    tpu.enqueue_dma source(%dma_start3A_612 : memref<80x128xf32, #tpu.memory_space<vmem_shared>>) target(%dma_start3A_610 : memref<80x128xf32, #tpu.memory_space<hbm>>) target_semaphore(%arg14 : memref<!tpu.dma_semaphore, #tpu.memory_space<semaphore_mem>>)
    %add3A_613 = arith.constant 160 : i32
    %add3A_614 = arith.addi %multiple_of3A, %add3A_613 : i32
    %multiple_of3A_615 = tpu.assume_multiple %add3A_614, 8 : i32
    %add3A_616 = arith.constant 160 : i32
    %add3A_617 = arith.addi %multiple_of3A, %add3A_616 : i32
    %multiple_of3A_618 = tpu.assume_multiple %add3A_617, 8 : i32
    %dma_start3A_619 = arith.constant 0 : i32
    %dma_start3A_620 = tpu.memref_slice %arg6[%arg0, %multiple_of3A_618, %dma_start3A_619] : memref<2x10000x128xf32, #tpu.memory_space<hbm>> -> memref<1x80x128xf32, #tpu.memory_space<hbm>>
    %dma_start3A_621 = tpu.memref_squeeze %dma_start3A_620 : memref<1x80x128xf32, #tpu.memory_space<hbm>> -> memref<80x128xf32, #tpu.memory_space<hbm>>
    %dma_start3A_622 = arith.constant 0 : i32
    %dma_start3A_623 = tpu.memref_slice %arg8[%multiple_of3A_615, %dma_start3A_622] : memref<10000x128xf32, #tpu.memory_space<vmem_shared>> -> memref<80x128xf32, #tpu.memory_space<vmem_shared>>
    tpu.enqueue_dma source(%dma_start3A_623 : memref<80x128xf32, #tpu.memory_space<vmem_shared>>) target(%dma_start3A_621 : memref<80x128xf32, #tpu.memory_space<hbm>>) target_semaphore(%arg14 : memref<!tpu.dma_semaphore, #tpu.memory_space<semaphore_mem>>)
    %add3A_624 = arith.constant 240 : i32
    %add3A_625 = arith.addi %multiple_of3A, %add3A_624 : i32
    %multiple_of3A_626 = tpu.assume_multiple %add3A_625, 8 : i32
    %add3A_627 = arith.constant 240 : i32
    %add3A_628 = arith.addi %multiple_of3A, %add3A_627 : i32
    %multiple_of3A_629 = tpu.assume_multiple %add3A_628, 8 : i32
    %dma_start3A_630 = arith.constant 0 : i32
    %dma_start3A_631 = tpu.memref_slice %arg6[%arg0, %multiple_of3A_629, %dma_start3A_630] : memref<2x10000x128xf32, #tpu.memory_space<hbm>> -> memref<1x80x128xf32, #tpu.memory_space<hbm>>
    %dma_start3A_632 = tpu.memref_squeeze %dma_start3A_631 : memref<1x80x128xf32, #tpu.memory_space<hbm>> -> memref<80x128xf32, #tpu.memory_space<hbm>>
    %dma_start3A_633 = arith.constant 0 : i32
    %dma_start3A_634 = tpu.memref_slice %arg8[%multiple_of3A_626, %dma_start3A_633] : memref<10000x128xf32, #tpu.memory_space<vmem_shared>> -> memref<80x128xf32, #tpu.memory_space<vmem_shared>>
    tpu.enqueue_dma source(%dma_start3A_634 : memref<80x128xf32, #tpu.memory_space<vmem_shared>>) target(%dma_start3A_632 : memref<80x128xf32, #tpu.memory_space<hbm>>) target_semaphore(%arg14 : memref<!tpu.dma_semaphore, #tpu.memory_space<semaphore_mem>>)
    %add3A_635 = arith.constant 320 : i32
    %add3A_636 = arith.addi %multiple_of3A, %add3A_635 : i32
    %multiple_of3A_637 = tpu.assume_multiple %add3A_636, 8 : i32
    %add3A_638 = arith.constant 320 : i32
    %add3A_639 = arith.addi %multiple_of3A, %add3A_638 : i32
    %multiple_of3A_640 = tpu.assume_multiple %add3A_639, 8 : i32
    %dma_start3A_641 = arith.constant 0 : i32
    %dma_start3A_642 = tpu.memref_slice %arg6[%arg0, %multiple_of3A_640, %dma_start3A_641] : memref<2x10000x128xf32, #tpu.memory_space<hbm>> -> memref<1x80x128xf32, #tpu.memory_space<hbm>>
    %dma_start3A_643 = tpu.memref_squeeze %dma_start3A_642 : memref<1x80x128xf32, #tpu.memory_space<hbm>> -> memref<80x128xf32, #tpu.memory_space<hbm>>
    %dma_start3A_644 = arith.constant 0 : i32
    %dma_start3A_645 = tpu.memref_slice %arg8[%multiple_of3A_637, %dma_start3A_644] : memref<10000x128xf32, #tpu.memory_space<vmem_shared>> -> memref<80x128xf32, #tpu.memory_space<vmem_shared>>
    tpu.enqueue_dma source(%dma_start3A_645 : memref<80x128xf32, #tpu.memory_space<vmem_shared>>) target(%dma_start3A_643 : memref<80x128xf32, #tpu.memory_space<hbm>>) target_semaphore(%arg14 : memref<!tpu.dma_semaphore, #tpu.memory_space<semaphore_mem>>)
    %add3A_646 = arith.constant 400 : i32
    %add3A_647 = arith.addi %multiple_of3A, %add3A_646 : i32
    %multiple_of3A_648 = tpu.assume_multiple %add3A_647, 8 : i32
    %add3A_649 = arith.constant 400 : i32
    %add3A_650 = arith.addi %multiple_of3A, %add3A_649 : i32
    %multiple_of3A_651 = tpu.assume_multiple %add3A_650, 8 : i32
    %dma_start3A_652 = arith.constant 0 : i32
    %dma_start3A_653 = tpu.memref_slice %arg6[%arg0, %multiple_of3A_651, %dma_start3A_652] : memref<2x10000x128xf32, #tpu.memory_space<hbm>> -> memref<1x80x128xf32, #tpu.memory_space<hbm>>
    %dma_start3A_654 = tpu.memref_squeeze %dma_start3A_653 : memref<1x80x128xf32, #tpu.memory_space<hbm>> -> memref<80x128xf32, #tpu.memory_space<hbm>>
    %dma_start3A_655 = arith.constant 0 : i32
    %dma_start3A_656 = tpu.memref_slice %arg8[%multiple_of3A_648, %dma_start3A_655] : memref<10000x128xf32, #tpu.memory_space<vmem_shared>> -> memref<80x128xf32, #tpu.memory_space<vmem_shared>>
    tpu.enqueue_dma source(%dma_start3A_656 : memref<80x128xf32, #tpu.memory_space<vmem_shared>>) target(%dma_start3A_654 : memref<80x128xf32, #tpu.memory_space<hbm>>) target_semaphore(%arg14 : memref<!tpu.dma_semaphore, #tpu.memory_space<semaphore_mem>>)
    %add3A_657 = arith.constant 480 : i32
    %add3A_658 = arith.addi %multiple_of3A, %add3A_657 : i32
    %multiple_of3A_659 = tpu.assume_multiple %add3A_658, 8 : i32
    %add3A_660 = arith.constant 480 : i32
    %add3A_661 = arith.addi %multiple_of3A, %add3A_660 : i32
    %multiple_of3A_662 = tpu.assume_multiple %add3A_661, 8 : i32
    %dma_start3A_663 = arith.constant 0 : i32
    %dma_start3A_664 = tpu.memref_slice %arg6[%arg0, %multiple_of3A_662, %dma_start3A_663] : memref<2x10000x128xf32, #tpu.memory_space<hbm>> -> memref<1x80x128xf32, #tpu.memory_space<hbm>>
    %dma_start3A_665 = tpu.memref_squeeze %dma_start3A_664 : memref<1x80x128xf32, #tpu.memory_space<hbm>> -> memref<80x128xf32, #tpu.memory_space<hbm>>
    %dma_start3A_666 = arith.constant 0 : i32
    %dma_start3A_667 = tpu.memref_slice %arg8[%multiple_of3A_659, %dma_start3A_666] : memref<10000x128xf32, #tpu.memory_space<vmem_shared>> -> memref<80x128xf32, #tpu.memory_space<vmem_shared>>
    tpu.enqueue_dma source(%dma_start3A_667 : memref<80x128xf32, #tpu.memory_space<vmem_shared>>) target(%dma_start3A_665 : memref<80x128xf32, #tpu.memory_space<hbm>>) target_semaphore(%arg14 : memref<!tpu.dma_semaphore, #tpu.memory_space<semaphore_mem>>)
    %add3A_668 = arith.constant 560 : i32
    %add3A_669 = arith.addi %multiple_of3A, %add3A_668 : i32
    %multiple_of3A_670 = tpu.assume_multiple %add3A_669, 8 : i32
    %add3A_671 = arith.constant 560 : i32
    %add3A_672 = arith.addi %multiple_of3A, %add3A_671 : i32
    %multiple_of3A_673 = tpu.assume_multiple %add3A_672, 8 : i32
    %dma_start3A_674 = arith.constant 0 : i32
    %dma_start3A_675 = tpu.memref_slice %arg6[%arg0, %multiple_of3A_673, %dma_start3A_674] : memref<2x10000x128xf32, #tpu.memory_space<hbm>> -> memref<1x80x128xf32, #tpu.memory_space<hbm>>
    %dma_start3A_676 = tpu.memref_squeeze %dma_start3A_675 : memref<1x80x128xf32, #tpu.memory_space<hbm>> -> memref<80x128xf32, #tpu.memory_space<hbm>>
    %dma_start3A_677 = arith.constant 0 : i32
    %dma_start3A_678 = tpu.memref_slice %arg8[%multiple_of3A_670, %dma_start3A_677] : memref<10000x128xf32, #tpu.memory_space<vmem_shared>> -> memref<80x128xf32, #tpu.memory_space<vmem_shared>>
    tpu.enqueue_dma source(%dma_start3A_678 : memref<80x128xf32, #tpu.memory_space<vmem_shared>>) target(%dma_start3A_676 : memref<80x128xf32, #tpu.memory_space<hbm>>) target_semaphore(%arg14 : memref<!tpu.dma_semaphore, #tpu.memory_space<semaphore_mem>>)
    %mul3A_679 = arith.constant 10000 : i32
    %mul3A_680 = arith.muli %add3A, %mul3A_679 : i32
    %dma_start3A_681 = tpu.memref_slice %arg7[%mul3A_680] : memref<320000xf32, #tpu.memory_space<hbm>> -> memref<10000xf32, #tpu.memory_space<hbm>>
    %dma_start3A_682 = tpu.memref_slice %arg7[%mul3A_680] : memref<320000xf32, #tpu.memory_space<hbm>> -> memref<10000xf32, #tpu.memory_space<hbm>>
    tpu.enqueue_dma source(%arg9 : memref<10000xf32, #tpu.memory_space<vmem>>) target(%dma_start3A_682 : memref<10000xf32, #tpu.memory_space<hbm>>) target_semaphore(%arg15 : memref<!tpu.dma_semaphore, #tpu.memory_space<semaphore_mem>>)
    %dma_wait3A_683 = arith.constant 0 : i32
    %dma_wait3A_684 = tpu.memref_slice %arg6[%arg0, %multiple_of3A_596, %dma_wait3A_683] : memref<2x10000x128xf32, #tpu.memory_space<hbm>> -> memref<1x80x128xf32, #tpu.memory_space<hbm>>
    %dma_wait3A_685 = tpu.memref_squeeze %dma_wait3A_684 : memref<1x80x128xf32, #tpu.memory_space<hbm>> -> memref<80x128xf32, #tpu.memory_space<hbm>>
    %dma_wait3A_686 = arith.constant 0 : i32
    %dma_wait3A_687 = tpu.memref_slice %arg8[%multiple_of3A_593, %dma_wait3A_686] : memref<10000x128xf32, #tpu.memory_space<vmem_shared>> -> memref<80x128xf32, #tpu.memory_space<vmem_shared>>
    tpu.wait_dma2 semaphore(%arg14 : memref<!tpu.dma_semaphore, #tpu.memory_space<semaphore_mem>>) src(%dma_wait3A_687 : memref<80x128xf32, #tpu.memory_space<vmem_shared>>) dst(%dma_wait3A_685 : memref<80x128xf32, #tpu.memory_space<hbm>>)
    %dma_wait3A_688 = arith.constant 0 : i32
    %dma_wait3A_689 = tpu.memref_slice %arg6[%arg0, %multiple_of3A_607, %dma_wait3A_688] : memref<2x10000x128xf32, #tpu.memory_space<hbm>> -> memref<1x80x128xf32, #tpu.memory_space<hbm>>
    %dma_wait3A_690 = tpu.memref_squeeze %dma_wait3A_689 : memref<1x80x128xf32, #tpu.memory_space<hbm>> -> memref<80x128xf32, #tpu.memory_space<hbm>>
    %dma_wait3A_691 = arith.constant 0 : i32
    %dma_wait3A_692 = tpu.memref_slice %arg8[%multiple_of3A_604, %dma_wait3A_691] : memref<10000x128xf32, #tpu.memory_space<vmem_shared>> -> memref<80x128xf32, #tpu.memory_space<vmem_shared>>
    tpu.wait_dma2 semaphore(%arg14 : memref<!tpu.dma_semaphore, #tpu.memory_space<semaphore_mem>>) src(%dma_wait3A_692 : memref<80x128xf32, #tpu.memory_space<vmem_shared>>) dst(%dma_wait3A_690 : memref<80x128xf32, #tpu.memory_space<hbm>>)
    %dma_wait3A_693 = arith.constant 0 : i32
    %dma_wait3A_694 = tpu.memref_slice %arg6[%arg0, %multiple_of3A_618, %dma_wait3A_693] : memref<2x10000x128xf32, #tpu.memory_space<hbm>> -> memref<1x80x128xf32, #tpu.memory_space<hbm>>
    %dma_wait3A_695 = tpu.memref_squeeze %dma_wait3A_694 : memref<1x80x128xf32, #tpu.memory_space<hbm>> -> memref<80x128xf32, #tpu.memory_space<hbm>>
    %dma_wait3A_696 = arith.constant 0 : i32
    %dma_wait3A_697 = tpu.memref_slice %arg8[%multiple_of3A_615, %dma_wait3A_696] : memref<10000x128xf32, #tpu.memory_space<vmem_shared>> -> memref<80x128xf32, #tpu.memory_space<vmem_shared>>
    tpu.wait_dma2 semaphore(%arg14 : memref<!tpu.dma_semaphore, #tpu.memory_space<semaphore_mem>>) src(%dma_wait3A_697 : memref<80x128xf32, #tpu.memory_space<vmem_shared>>) dst(%dma_wait3A_695 : memref<80x128xf32, #tpu.memory_space<hbm>>)
    %dma_wait3A_698 = arith.constant 0 : i32
    %dma_wait3A_699 = tpu.memref_slice %arg6[%arg0, %multiple_of3A_629, %dma_wait3A_698] : memref<2x10000x128xf32, #tpu.memory_space<hbm>> -> memref<1x80x128xf32, #tpu.memory_space<hbm>>
    %dma_wait3A_700 = tpu.memref_squeeze %dma_wait3A_699 : memref<1x80x128xf32, #tpu.memory_space<hbm>> -> memref<80x128xf32, #tpu.memory_space<hbm>>
    %dma_wait3A_701 = arith.constant 0 : i32
    %dma_wait3A_702 = tpu.memref_slice %arg8[%multiple_of3A_626, %dma_wait3A_701] : memref<10000x128xf32, #tpu.memory_space<vmem_shared>> -> memref<80x128xf32, #tpu.memory_space<vmem_shared>>
    tpu.wait_dma2 semaphore(%arg14 : memref<!tpu.dma_semaphore, #tpu.memory_space<semaphore_mem>>) src(%dma_wait3A_702 : memref<80x128xf32, #tpu.memory_space<vmem_shared>>) dst(%dma_wait3A_700 : memref<80x128xf32, #tpu.memory_space<hbm>>)
    %dma_wait3A_703 = arith.constant 0 : i32
    %dma_wait3A_704 = tpu.memref_slice %arg6[%arg0, %multiple_of3A_640, %dma_wait3A_703] : memref<2x10000x128xf32, #tpu.memory_space<hbm>> -> memref<1x80x128xf32, #tpu.memory_space<hbm>>
    %dma_wait3A_705 = tpu.memref_squeeze %dma_wait3A_704 : memref<1x80x128xf32, #tpu.memory_space<hbm>> -> memref<80x128xf32, #tpu.memory_space<hbm>>
    %dma_wait3A_706 = arith.constant 0 : i32
    %dma_wait3A_707 = tpu.memref_slice %arg8[%multiple_of3A_637, %dma_wait3A_706] : memref<10000x128xf32, #tpu.memory_space<vmem_shared>> -> memref<80x128xf32, #tpu.memory_space<vmem_shared>>
    tpu.wait_dma2 semaphore(%arg14 : memref<!tpu.dma_semaphore, #tpu.memory_space<semaphore_mem>>) src(%dma_wait3A_707 : memref<80x128xf32, #tpu.memory_space<vmem_shared>>) dst(%dma_wait3A_705 : memref<80x128xf32, #tpu.memory_space<hbm>>)
    %dma_wait3A_708 = arith.constant 0 : i32
    %dma_wait3A_709 = tpu.memref_slice %arg6[%arg0, %multiple_of3A_651, %dma_wait3A_708] : memref<2x10000x128xf32, #tpu.memory_space<hbm>> -> memref<1x80x128xf32, #tpu.memory_space<hbm>>
    %dma_wait3A_710 = tpu.memref_squeeze %dma_wait3A_709 : memref<1x80x128xf32, #tpu.memory_space<hbm>> -> memref<80x128xf32, #tpu.memory_space<hbm>>
    %dma_wait3A_711 = arith.constant 0 : i32
    %dma_wait3A_712 = tpu.memref_slice %arg8[%multiple_of3A_648, %dma_wait3A_711] : memref<10000x128xf32, #tpu.memory_space<vmem_shared>> -> memref<80x128xf32, #tpu.memory_space<vmem_shared>>
    tpu.wait_dma2 semaphore(%arg14 : memref<!tpu.dma_semaphore, #tpu.memory_space<semaphore_mem>>) src(%dma_wait3A_712 : memref<80x128xf32, #tpu.memory_space<vmem_shared>>) dst(%dma_wait3A_710 : memref<80x128xf32, #tpu.memory_space<hbm>>)
    %dma_wait3A_713 = arith.constant 0 : i32
    %dma_wait3A_714 = tpu.memref_slice %arg6[%arg0, %multiple_of3A_662, %dma_wait3A_713] : memref<2x10000x128xf32, #tpu.memory_space<hbm>> -> memref<1x80x128xf32, #tpu.memory_space<hbm>>
    %dma_wait3A_715 = tpu.memref_squeeze %dma_wait3A_714 : memref<1x80x128xf32, #tpu.memory_space<hbm>> -> memref<80x128xf32, #tpu.memory_space<hbm>>
    %dma_wait3A_716 = arith.constant 0 : i32
    %dma_wait3A_717 = tpu.memref_slice %arg8[%multiple_of3A_659, %dma_wait3A_716] : memref<10000x128xf32, #tpu.memory_space<vmem_shared>> -> memref<80x128xf32, #tpu.memory_space<vmem_shared>>
    tpu.wait_dma2 semaphore(%arg14 : memref<!tpu.dma_semaphore, #tpu.memory_space<semaphore_mem>>) src(%dma_wait3A_717 : memref<80x128xf32, #tpu.memory_space<vmem_shared>>) dst(%dma_wait3A_715 : memref<80x128xf32, #tpu.memory_space<hbm>>)
    %dma_wait3A_718 = arith.constant 0 : i32
    %dma_wait3A_719 = tpu.memref_slice %arg6[%arg0, %multiple_of3A_673, %dma_wait3A_718] : memref<2x10000x128xf32, #tpu.memory_space<hbm>> -> memref<1x80x128xf32, #tpu.memory_space<hbm>>
    %dma_wait3A_720 = tpu.memref_squeeze %dma_wait3A_719 : memref<1x80x128xf32, #tpu.memory_space<hbm>> -> memref<80x128xf32, #tpu.memory_space<hbm>>
    %dma_wait3A_721 = arith.constant 0 : i32
    %dma_wait3A_722 = tpu.memref_slice %arg8[%multiple_of3A_670, %dma_wait3A_721] : memref<10000x128xf32, #tpu.memory_space<vmem_shared>> -> memref<80x128xf32, #tpu.memory_space<vmem_shared>>
    tpu.wait_dma2 semaphore(%arg14 : memref<!tpu.dma_semaphore, #tpu.memory_space<semaphore_mem>>) src(%dma_wait3A_722 : memref<80x128xf32, #tpu.memory_space<vmem_shared>>) dst(%dma_wait3A_720 : memref<80x128xf32, #tpu.memory_space<hbm>>)
    %dma_wait3A_723 = tpu.memref_slice %arg7[%mul3A_680] : memref<320000xf32, #tpu.memory_space<hbm>> -> memref<10000xf32, #tpu.memory_space<hbm>>
    %dma_wait3A_724 = tpu.memref_slice %arg7[%mul3A_680] : memref<320000xf32, #tpu.memory_space<hbm>> -> memref<10000xf32, #tpu.memory_space<hbm>>
    tpu.wait_dma2 semaphore(%arg15 : memref<!tpu.dma_semaphore, #tpu.memory_space<semaphore_mem>>) src(%arg9 : memref<10000xf32, #tpu.memory_space<vmem>>) dst(%dma_wait3A_724 : memref<10000xf32, #tpu.memory_space<hbm>>)
    return
  }
}

module attributes {stable_mosaic.version = 14 : i64} {
  func.func @body(%arg0: i32, %arg1: memref<1000x128xf32, #tpu.memory_space<vmem>>, %arg2: memref<128x128xf32, #tpu.memory_space<vmem>>, %arg3: memref<1x128xf32, #tpu.memory_space<vmem>>, %arg4: memref<1000x128xf32, #tpu.memory_space<vmem>>) attributes {dimension_semantics = [#tpu.dimension_semantics<arbitrary>], iteration_bounds = array<i64: 10>, scalar_prefetch = 0 : i64, scratch_operands = 0 : i64, tpu.core_type = #tpu.core_type<tc>, window_params = [{transform_indices = @transform_0, window_bounds = array<i64: 1000, 128>}, {pipeline_mode = #tpu.pipeline_mode<synchronous>, transform_indices = @transform_1, window_bounds = array<i64: 128, 128>}, {pipeline_mode = #tpu.pipeline_mode<synchronous>, transform_indices = @transform_2, window_bounds = array<i64: 1, 128>}, {transform_indices = @transform_3, window_bounds = array<i64: 1000, 128>}]} {
    %get3A = arith.constant 0 : index
    %get3A_0 = arith.constant 0 : index
    %get3A_1 = vector.load %arg1[%get3A, %get3A_0] : memref<1000x128xf32, #tpu.memory_space<vmem>>, vector<1000x128xf32>
    %get3A_2 = arith.constant 0 : index
    %get3A_3 = arith.constant 0 : index
    %get3A_4 = vector.load %arg2[%get3A_2, %get3A_3] : memref<128x128xf32, #tpu.memory_space<vmem>>, vector<128x128xf32>
    %dot_general3A = arith.constant dense<0.000000e+00> : vector<1000x128xf32>
    %dot_general3A_5 = tpu.matmul %get3A_1, %get3A_4, %dot_general3A {dimension_numbers = #tpu.dot_dimension_numbers<[1], [1], [0], [0], [0, 0, 1, 0], [], []>, transpose_lhs_hint = false} : vector<1000x128xf32>, vector<128x128xf32>, vector<1000x128xf32> -> vector<1000x128xf32>
    %get3A_6 = arith.constant 0 : index
    %get3A_7 = arith.constant 0 : index
    %get3A_8 = vector.load %arg3[%get3A_6, %get3A_7] : memref<1x128xf32, #tpu.memory_space<vmem>>, vector<1x128xf32>
    %add3A = vector.broadcast %get3A_8 : vector<1x128xf32> to vector<1000x128xf32>
    %add3A_9 = arith.addf %dot_general3A_5, %add3A : vector<1000x128xf32>
    %max3A = arith.constant 0.000000e+00 : f32
    %max3A_10 = vector.broadcast %max3A : f32 to vector<1000x128xf32>
    %max3A_11 = arith.maximumf %add3A_9, %max3A_10 : vector<1000x128xf32>
    %swap3A = arith.constant 0 : index
    %swap3A_12 = arith.constant 0 : index
    %swap3A_13 = vector.load %arg4[%swap3A, %swap3A_12] : memref<1000x128xf32, #tpu.memory_space<vmem>>, vector<1000x128xf32>
    tpu.vector_store %arg4[%swap3A, %swap3A_12], %max3A_11 {strides = array<i32>} : memref<1000x128xf32, #tpu.memory_space<vmem>>, vector<1000x128xf32>,
    return
  }
  func.func @transform_0(%arg0: i32) -> (i32, i32) {
    %c0_i32 = arith.constant 0 : i32
    %c0_i32_0 = arith.constant 0 : i32
    return %arg0, %c0_i32 : i32, i32
  }
  func.func @transform_1(%arg0: i32) -> (i32, i32) {
    %c0_i32 = arith.constant 0 : i32
    %c0_i32_0 = arith.constant 0 : i32
    %c0_i32_1 = arith.constant 0 : i32
    return %c0_i32, %c0_i32_0 : i32, i32
  }
  func.func @transform_2(%arg0: i32) -> (i32, i32) {
    %c0_i32 = arith.constant 0 : i32
    %c0_i32_0 = arith.constant 0 : i32
    %c0_i32_1 = arith.constant 0 : i32
    return %c0_i32, %c0_i32_0 : i32, i32
  }
  func.func @transform_3(%arg0: i32) -> (i32, i32) {
    %c0_i32 = arith.constant 0 : i32
    %c0_i32_0 = arith.constant 0 : i32
    return %arg0, %c0_i32 : i32, i32
  }
}

module attributes {stable_mosaic.version = 14 : i64} {
  func.func @body(%arg0: i32, %arg1: memref<2x1000x128xf32, #tpu.memory_space<vmem>>, %arg2: memref<1x32x1000xf32, #tpu.memory_space<vmem>>, %arg3: memref<1000x128xf32, #tpu.memory_space<vmem>>) attributes {dimension_semantics = [#tpu.dimension_semantics<arbitrary>], iteration_bounds = array<i64: 10>, scalar_prefetch = 0 : i64, scratch_operands = 0 : i64, tpu.core_type = #tpu.core_type<tc>, window_params = [{transform_indices = @transform_0, window_bounds = array<i64: 2, 1000, 128>}, {transform_indices = @transform_1, window_bounds = array<i64: 1, 32, 1000>}, {transform_indices = @transform_2, window_bounds = array<i64: 1000, 128>}]} {
    %get3A = arith.constant 0 : index
    %get3A_0 = arith.constant 0 : index
    %get3A_1 = arith.constant 0 : index
    %get3A_2 = vector.load %arg1[%get3A, %get3A_0, %get3A_1] : memref<2x1000x128xf32, #tpu.memory_space<vmem>>, vector<1x1000x128xf32>
    %get3A_3 = vector.shape_cast %get3A_2 : vector<1x1000x128xf32> to vector<1000x128xf32>
    %get3A_4 = arith.constant 1 : index
    %get3A_5 = arith.constant 0 : index
    %get3A_6 = arith.constant 0 : index
    %get3A_7 = vector.load %arg1[%get3A_4, %get3A_5, %get3A_6] : memref<2x1000x128xf32, #tpu.memory_space<vmem>>, vector<1x1000x128xf32>
    %get3A_8 = vector.shape_cast %get3A_7 : vector<1x1000x128xf32> to vector<1000x128xf32>
    %add3A = arith.addf %get3A_3, %get3A_8 : vector<1000x128xf32>
    %get3A_9 = arith.constant 0 : index
    %get3A_10 = arith.constant 0 : index
    %get3A_11 = arith.constant 0 : index
    %get3A_12 = vector.load %arg2[%get3A_9, %get3A_10, %get3A_11] : memref<1x32x1000xf32, #tpu.memory_space<vmem>>, vector<1x32x1000xf32>
    %get3A_13 = vector.shape_cast %get3A_12 : vector<1x32x1000xf32> to vector<32x1000xf32>
    %broadcast_in_dim3A = arith.constant 1.000000e+00 : f32
    %broadcast_in_dim3A_14 = vector.broadcast %broadcast_in_dim3A : f32 to vector<32x1xf32>
    %dot_general3A = arith.constant dense<0.000000e+00> : vector<1000x1xf32>
    %dot_general3A_15 = tpu.matmul %get3A_13, %broadcast_in_dim3A_14, %dot_general3A {dimension_numbers = #tpu.dot_dimension_numbers<[0], [0], [1], [1], [0, 1, 1, 1], [], []>, transpose_lhs_hint = false} : vector<32x1000xf32>, vector<32x1xf32>, vector<1000x1xf32> -> vector<1000x1xf32>
    %max3A = arith.constant 1.000000e+00 : f32
    %max3A_16 = vector.broadcast %max3A : f32 to vector<1000x1xf32>
    %max3A_17 = arith.maximumf %dot_general3A_15, %max3A_16 : vector<1000x1xf32>
    %div3A = vector.broadcast %max3A_17 : vector<1000x1xf32> to vector<1000x128xf32>
    %div3A_18 = arith.divf %add3A, %div3A : vector<1000x128xf32>
    %swap3A = arith.constant 0 : index
    %swap3A_19 = arith.constant 0 : index
    %swap3A_20 = vector.load %arg3[%swap3A, %swap3A_19] : memref<1000x128xf32, #tpu.memory_space<vmem>>, vector<1000x128xf32>
    tpu.vector_store %arg3[%swap3A, %swap3A_19], %div3A_18 {strides = array<i32>} : memref<1000x128xf32, #tpu.memory_space<vmem>>, vector<1000x128xf32>,
    return
  }
  func.func @transform_0(%arg0: i32) -> (i32, i32, i32) {
    %c0_i32 = arith.constant 0 : i32
    %c0_i32_0 = arith.constant 0 : i32
    %c0_i32_1 = arith.constant 0 : i32
    return %c0_i32, %arg0, %c0_i32_0 : i32, i32, i32
  }
  func.func @transform_1(%arg0: i32) -> (i32, i32, i32) {
    %c0_i32 = arith.constant 0 : i32
    %c0_i32_0 = arith.constant 0 : i32
    %c0_i32_1 = arith.constant 0 : i32
    return %arg0, %c0_i32, %c0_i32_0 : i32, i32, i32
  }
  func.func @transform_2(%arg0: i32) -> (i32, i32) {
    %c0_i32 = arith.constant 0 : i32
    %c0_i32_0 = arith.constant 0 : i32
    return %arg0, %c0_i32 : i32, i32
  }
}

</mosaic_0001>

<sc_bundles>
// kernel: kernel.5.cloned.1.call-start
scs
__scs_entry_jumppad:
0x0: {  	(pc) =	sbr.rel $0x88, $3  }
0x1: {  	(tag) =	ssettag $0x0;
	lr =	simm.s32 $0x1  }
0x2: {  	[smem:$0x3F9C] =	sst lr;
	_ =	strace $0xD0000000  }
0x3: {  	_ = 	snop  }
0x4: {  	_ = 	snop  }
0x5: {  	_ = 	snop  }
0x6: {  	_ = 	snop  }
0x7: {  	_ = 	snop  }
__scs_overlays_trampoline_lowered:
0x8: {  	[smem:$0x3FAB] =	sst s0  }
0x9: {  	[smem:$0x3FAC] =	sst s1  }
0xa: {  	[smem:$0x3FAD] =	sst s2  }
0xb: {  	[smem:$0x3FAE] =	sst s3  }
0xc: {  	[smem:$0x3FAF] =	sst s4  }
0xd: {  	[smem:$0x3FB0] =	sst s5  }
0xe: {  	[smem:$0x3FB1] =	sst s6  }
0xf: {  	[smem:$0x3FB2] =	sst s7  }
0x10: {  	[smem:$0x3FB3] =	sst s8  }
0x11: {  	[smem:$0x3FB4] =	sst s9;
	s0 =	simm.s32 @!p0 $0x0  }
0x12: {  	s1 =	sld [smem:$0x3F9A];
	s0 =	simm.s32 @p0 $0x1  }
0x13: {  	[smem:$0x3FB5] =	sst s0;
	s0 =	simm.s32 @!p1 $0x0  }
0x14: {  	s2 =	sld [smem:$0x3F99];
	s0 =	simm.s32 @p1 $0x1  }
0x15: {  	[smem:$0x3FB6] =	sst s0;
	s0 =	simm.s32 @!p2 $0x0  }
0x16: {  	s3 =	sld [smem:$0x3FDB];
	s0 =	simm.s32 @p2 $0x1  }
0x17: {  	s4 =	simm.s32 $0x1BF5;
	[smem:$0x3FB8] =	sst s0  }
0x18: {  	s0 =	sld [smem:$0x3F9B];
	_ =	swait.ge [sflag:s4], $0x0  }
0x19: {  	s7 =	sld [smem:$0x3F9C]  }
0x1a: {  	s8 =	sadd.s32 $0xFFFFE003, lr  }
0x1b: {  	s9 =	sadd.s32 $0xFFFFFEF7, lr;
	s5 =	simm.s32 $0xFFFFFFFF;
	p2 =	slt.u32 s8, $0xFFFFF086  }
0x1c: {  	p1 =	slt.u32 s9, $0xF7A;
	s5 =	simm.s32 @!p2 $0x0  }
0x1d: {  	s5 =	simm.s32 @p1 $0x1;
	p0 =	seq.s32 s7, s2  }
0x1e: {  	s7 =	smul.u32 @!p0 $0xF7A, s2;
	p2 =	seq.s32 @!p0 s5, $0x0  }
0x1f: {  	s9 =	smul.u32 $0xF7A, s1;
	s8 =	simm.s32 @!p0 $0x1BF5;
	p2 =	por !p2, p0  }
0x20: {  	[sflag:s8] =	ssyncset.s32 @!p0 $0xFFFFF086;
	s6 =	sadd.s32 @!p0 s3, s7;
	s7 =	simm.s32 @!p0 $0x108  }
0x21: {  	s3 =	sadd.s32 s3, s9;
	s6 =	sadd.s32 @!p0 $0x88, s6;
	s7 =	simm.s32 @p2 $0x1082  }
0x22: {  	[simem:s7], [sflag:s8] =	dma.local @!p0 [hbm:s6], $0xF7A  }
0x23: {  	s9 =	sor.u32 $0xD0000000, s2;
	s6 =	simm.s32 $0x108;
	_ =	swait.ge @!p0 [sflag:s8], $0x0  }
0x24: {  	s3 =	sadd.s32 $0x88, s3;
	s6 =	simm.s32 @!p1 $0x1082;
	[sflag:s4] =	ssyncset.s32 $0xFFFFF086  }
0x25: {  	[simem:s6], [sflag:s4] =	dma.local [hbm:s3], $0xF7A  }
0x26: {  	[smem:$0x3F9C] =	sst s1;
	(tag) =	ssettag s2;
	_ =	strace s9  }
0x27: {  	s1 =	sld [smem:$0x3FAC]  }
0x28: {  	s2 =	sld [smem:$0x3FAD]  }
0x29: {  	s4 =	sld [smem:$0x3FAF]  }
0x2a: {  	p0 =	seq.s32 s5, $0x0;
	s5 =	sld [smem:$0x3FB0]  }
0x2b: {  	s6 =	sld [smem:$0x3FB1]  }
0x2c: {  	s7 =	sld [smem:$0x3FB2]  }
0x2d: {  	s3 =	simm.s32 $0x108;
	s8 =	sld [smem:$0x3FB3]  }
0x2e: {  	s3 =	simm.s32 @!p0 $0x1082;
	s9 =	sld [smem:$0x3FB4]  }
0x2f: {  	lr =	sadd.s32 s0, s3;
	s0 =	sld [smem:$0x3FAB]  }
0x30: {  	s3 =	sld [smem:$0x3FAE]  }
0x31: {  	[smem:$0x3FB7] =	sst s10  }
0x32: {  	s10 =	sld [smem:$0x3FB5];
	_ =	sdelay $0x3  }
0x33: {  	p0 =	seq.s32 s10, $0x1;
	s10 =	sld [smem:$0x3FB7];
	_ =	sdelay $0x3  }
0x34: {  	[smem:$0x3FB7] =	sst s10  }
0x35: {  	s10 =	sld [smem:$0x3FB6];
	_ =	sdelay $0x3  }
0x36: {  	p1 =	seq.s32 s10, $0x1;
	s10 =	sld [smem:$0x3FB7];
	_ =	sdelay $0x3  }
0x37: {  	[smem:$0x3FB7] =	sst s10  }
0x38: {  	s10 =	sld [smem:$0x3FB8]  }
0x39: {  	_ = 	snop;
	(pc) =	sbr.ind lr, $3  }
0x3a: {  	_ = 	snop  }
0x3b: {  	_ = 	snop  }
0x3c: {  	p2 =	seq.s32 s10, $0x1;
	s10 =	sld [smem:$0x3FB7]  }
0x3d: {  	_ =	shalt  }
0x3e: {  	_ =	shalt  }
0x3f: {  	_ =	shalt  }
0x40: {  	_ =	shalt  }
0x41: {  	_ =	shalt  }
0x42: {  	_ =	shalt  }
0x43: {  	_ =	shalt  }
0x44: {  	_ =	shalt  }
0x45: {  	_ =	shalt  }
0x46: {  	_ =	shalt  }
0x47: {  	_ =	shalt  }
0x48: {  	_ =	shalt  }
0x49: {  	_ =	shalt  }
0x4a: {  	_ =	shalt  }
0x4b: {  	_ =	shalt  }
0x4c: {  	_ =	shalt  }
0x4d: {  	_ =	shalt  }
0x4e: {  	_ =	shalt  }
0x4f: {  	_ =	shalt  }
0x50: {  	_ =	shalt  }
0x51: {  	_ =	shalt  }
0x52: {  	_ =	shalt  }
0x53: {  	_ =	shalt  }
0x54: {  	_ =	shalt  }
0x55: {  	_ =	shalt  }
0x56: {  	_ =	shalt  }
0x57: {  	_ =	shalt  }
0x58: {  	_ =	shalt  }
0x59: {  	_ =	shalt  }
0x5a: {  	_ =	shalt  }
0x5b: {  	_ =	shalt  }
0x5c: {  	_ =	shalt  }
0x5d: {  	_ =	shalt  }
0x5e: {  	_ =	shalt  }
0x5f: {  	_ =	shalt  }
0x60: {  	_ =	shalt  }
0x61: {  	_ =	shalt  }
0x62: {  	_ =	shalt  }
0x63: {  	_ =	shalt  }
0x64: {  	_ =	shalt  }
0x65: {  	_ =	shalt  }
0x66: {  	_ =	shalt  }
0x67: {  	_ =	shalt  }
0x68: {  	_ =	shalt  }
0x69: {  	_ =	shalt  }
0x6a: {  	_ =	shalt  }
0x6b: {  	_ =	shalt  }
0x6c: {  	_ =	shalt  }
0x6d: {  	_ =	shalt  }
0x6e: {  	_ =	shalt  }
0x6f: {  	_ =	shalt  }
0x70: {  	_ =	shalt  }
0x71: {  	_ =	shalt  }
0x72: {  	_ =	shalt  }
0x73: {  	_ =	shalt  }
0x74: {  	_ =	shalt  }
0x75: {  	_ =	shalt  }
0x76: {  	_ =	shalt  }
0x77: {  	_ =	shalt  }
0x78: {  	_ =	shalt  }
0x79: {  	_ =	shalt  }
0x7a: {  	_ =	shalt  }
0x7b: {  	_ =	shalt  }
0x7c: {  	_ =	shalt  }
0x7d: {  	_ =	shalt  }
0x7e: {  	_ =	shalt  }
0x7f: {  	_ =	shalt  }
0x80: {  	_ =	shalt  }
0x81: {  	_ =	shalt  }
0x82: {  	_ =	shalt  }
0x83: {  	_ =	shalt  }
0x84: {  	_ =	shalt  }
0x85: {  	_ =	shalt  }
0x86: {  	_ =	shalt  }
0x87: {  	_ =	shalt  }
.Lfunc_end0:
.L_simem_size_0:
called_computation_lowered:
.L_overlay_start_0:
0x88: {  	s2 =	sld [smem:$0x3FD9]  }
0x89: {  	s3 =	sld [smem:$0x3FFE];
	_ =	sdelay $0x1  }
0x8a: {  	s1 =	srdreg.scid  }
0x8b: {  	s0 =	sand.u32 $0x1, s1  }
0x8c: {  	s17 =	sshll.u32 s0, $0xA;
	s2 =	sadd.s32 s3, s2  }
0x8d: {  	s2 =	sadd.s32 s2, s17  }
0x8e: {  	[smem:$0x3FC3] =	sst s2  }
0x8f: {  	_ = 	snop  }
0x90: {  	s2 =	sld [smem:$0x3FC7]  }
0x91: {  	s18 =	sld [smem:$0x3FD0];
	(tm) =	ssettm $0x1  }
0x92: {  	s4 =	sld [smem:$0x3FFB];
	_ =	sdelay $0x3  }
0x93: {  	_ =	strace s4  }
0x94: {  	s4 =	sld [smem:$0x3FFC];
	_ =	sdelay $0x3  }
0x95: {  	_ =	strace s4  }
0x96: {  	s4 =	sld [smem:$0x3FFD];
	_ =	sdelay $0x3  }
0x97: {  	_ =	strace s4  }
0x98: {  	_ =	strace $0x8FFFFFFF  }
0x99: {  	s19 =	sld [smem:$0x3FDB];
	_ =	sdelay $0x1  }
0x9a: {  	s5 =	simm.s32 $_scs_section_size  }
0x9b: {  	s6 =	simm.s32 $_size__tile_overlayer_lowered;
	s7 =	simm.s32 $_tile_overlayer_lowered  }
0x9c: {  	s22 =	simm.s32 $0x1BFF;
	s21 =	sshll.u32 s7, $0x1;
	s4 =	sadd.s32 s5, s19  }
0x9d: {  	s8 =	simm.s32 $0x0;
	s20 =	sshll.u32 s6, $0x1;
	s6 =	sadd.s32 s21, s4  }
0x9e: {  	[timem:s8], [sflag:s22] =	dma.local [hbm:s6], s20  }
0x9f: {  	_ =	swait.ge [sflag:s22], s20  }
0xa0: {  	s5 =	ssub.s32 $0x0, s20;
	[sflag:s22] =	ssyncset.done $0x0  }
0xa1: {  	[sflag:s22] =	ssyncadd.s32 s5;
	_ =	sdelay $0x1  }
0xa2: {  	s23 =	simm.s32 $0x1B8B  }
0xa3: {  	_ =	swait.ge [sflag:s23], $0x1  }
0xa4: {  	[sflag:s23] =	ssyncset.done $0x0  }
0xa5: {  	s25 =	simm.s32 $0x1B8E;
	s24 =	sld [smem:$0x3FFE];
	[sflag:s23] =	ssyncadd.s32 $0xFFFFFFFF  }
0xa6: {  	s26 =	simm.s32 $execute0_lowered;
	[smem:$0x3FD2] =	sst s25  }
0xa7: {  	s6 =	sshll.u32 s26, $0x1;
	_ =	strace $0x80000046;
	[dreg:$0x1] =	wrdreg $0xFFFFFFFF  }
0xa8: {  	s28 =	simm.s32 $_size_execute0_lowered;
	s4 =	sadd.s32 s4, s6;
	[dreg:$0x0] =	wrdreg $0x0  }
0xa9: {  	s6 =	sshll.u32 s28, $0x1;
	[dreg:$0x2] =	wrdreg s4  }
0xaa: {  	[dreg:$0x3] =	wrdreg s6  }
0xab: {  	[dreg:$0x4] =	wrdreg $0xC0  }
0xac: {  	_ =	task [dreg:s8], $0x5FFFF  }
0xad: {  	[dreg:$0x1] =	wrdreg $0xFFFFFFFF  }
0xae: {  	[dreg:$0x0] =	wrdreg $0x60  }
0xaf: {  	[dreg:$0x2] =	wrdreg s18  }
0xb0: {  	[dreg:$0x3] =	wrdreg s24  }
0xb1: {  	[dreg:$0x4] =	wrdreg s2  }
0xb2: {  	[dreg:$0x5] =	wrdreg $0x0  }
0xb3: {  	[dreg:$0x6] =	wrdreg $0x9  }
0xb4: {  	_ =	task.clear_ibuf [dreg:s8], $0x7FFFF;
	_ =	strace $0x90000046  }
0xb5: {  	s29 =	simm.s32 $0x9;
	_ =	strace $0x80000048  }
0xb6: {  	_ =	swait.ge [sflag:s29], $0x1  }
0xb7: {  	[sflag:s29] =	ssyncadd.s32 $0xFFFFFFFF  }
0xb8: {  	_ =	strace $0x90000048  }
0xb9: {  	_ =	sfence  }
0xba: {  	s30 =	sld [smem:$0x0];
	_ =	sdelay $0x2  }
0xbb: {  	s31 =	sshll.u32 s1, $0xD;
	s1 =	sshrl.u32 s1, $0x2  }
0xbc: {  	s3 =	sand.u32 $0x4000, s31;
	s1 =	sadd.s32 s1, s30  }
0xbd: {  	s0 =	sor.u32 s3, s0;
	s1 =	sshll.u32 s1, $0x11  }
0xbe: {  	s0 =	sor.u32 s1, s0  }
0xbf: {  	s0 =	sadd.s32 $0x8F2B, s0  }
0xc0: {  	[sflag:s0] =	ssyncadd.remote.s32 $0x1  }
0xc1: {  	_ =	sfence.sel $0xFFFF  }
0xc2: {  	[dreg:$0x0] =	wrdreg $0xFFFFFFFF;
	(pc) =	sbr.abs _section_cstart, $3  }
0xc3: {  	[dreg:$0x1] =	wrdreg $0xFFFFFFFF  }
0xc4: {  	_ =	task.clear_ibuf [dreg:s8], $0x2FFFF;
	_ =	strace $0x9FFFFFFF  }
0xc5: {  	(tm) =	ssettm $0x7FFFFFFF  }
tec
execute0_lowered:
.L_overlay_start_1:
0x0: {  	(tag) =	ssettag $0x1  }
0x1: {  	s1 =	rddreg [dreg:$0x0]  }
0x2: {  	s0 =	rddreg [dreg:$0x1]  }
0x3: {  	s3 =	rddreg [dreg:$0x2];
	s2 =	srdreg.scid  }
0x4: {  	s10 =	stileid.u32;
	s4 =	rddreg [dreg:$0x3]  }
0x5: {  	s19 =	simm.s32 $0x0;
	s5 =	sand.u32 $0x1, s2;
	s23 =	sshll.u32 s10, $0x1  }
0x6: {  	[smem:$0x7FF] =	sst s19;
	s8 =	smul.u32 $0x13800, s10;
	s9 =	sadd.s32 $0x1E400, s0  }
0x7: {  	s2 =	sor.u32 s5, s23;
	s6 =	ssub.s32 $0x2, s5;
	s5 =	smul.u32 $0x138800, s5  }
0x8: {  	_ =	strace $0x80000047;
	s2 =	smul.u32 $0x2710, s2;
	s7 =	sshrl.u32 s6, $0x1  }
0x9: {  	s11 =	sadd.s32 $0x5000, s8;
	s12 =	sadd.s32 $0x7800, s8;
	s13 =	sadd.s32 $0xA000, s8  }
0xa: {  	s16 =	sadd.s32 $0xC800, s8;
	s17 =	sadd.s32 $0xF000, s8;
	s6 =	ssub.s32 s6, s7  }
0xb: {  	s7 =	smul.u32 $0x4E000, s10;
	s10 =	sadd.s32 $0x2800, s8;
	s14 =	sadd.s32 s8, s5  }
0xc: {  	s8 =	sadd.s32 $0x11800, s8;
	s25 =	sadd.s32 s5, s11;
	s26 =	sadd.s32 s5, s12  }
0xd: {  	s18 =	sadd.s32 s5, s13;
	s22 =	sadd.s32 s5, s16;
	s23 =	sadd.s32 s5, s17  }
0xe: {  	s15 =	sadd.s32 s5, s10;
	s14 =	sshrl.u32 s14, $0x3;
	s20 =	sshrl.u32 s18, $0x3  }
0xf: {  	s5 =	sadd.s32 s5, s8;
	s15 =	sshrl.u32 s15, $0x3;
	s14 =	sadd.s32 s9, s14  }
0x10: {  	s21 =	sadd.s32 s9, s20;
	s5 =	sshrl.u32 s5, $0x3;
	[dreg:$0x5] =	wrdreg s14  }
0x11: {  	s24 =	sadd.s32 s9, s15;
	s14 =	sshrl.u32 s25, $0x3;
	[dreg:$0x9] =	wrdreg s21  }
0x12: {  	s15 =	sshrl.u32 s26, $0x3;
	s5 =	sadd.s32 s9, s5;
	[dreg:$0x6] =	wrdreg s24  }
0x13: {  	s25 =	sshrl.u32 s7, $0x2;
	s14 =	sadd.s32 s9, s14;
	[dreg:$0xc] =	wrdreg s5  }
0x14: {  	s26 =	sshrl.u32 s2, $0x3;
	s5 =	sadd.s32 s25, s4;
	[dreg:$0x7] =	wrdreg s14  }
0x15: {  	s7 =	sadd.s32 s3, s26;
	[dreg:$0xd] =	wrdreg s5  }
0x16: {  	s25 =	sadd.s32 $0xA0, s2;
	[dreg:$0x17] =	wrdreg s7  }
0x17: {  	s21 =	sadd.s32 $0xA, s26;
	s14 =	sadd.s32 s9, s15;
	[dreg:$0x1d] =	wrdreg s25  }
0x18: {  	s15 =	sadd.s32 $0xA00, s0;
	s5 =	sadd.s32 s3, s21;
	[dreg:$0x8] =	wrdreg s14  }
0x19: {  	s18 =	sadd.s32 s15, s26;
	[dreg:$0x1a] =	wrdreg s5  }
0x1a: {  	s14 =	sshrl.u32 s22, $0x3;
	s22 =	sadd.s32 s15, s21;
	[dreg:$0x15] =	wrdreg s18  }
0x1b: {  	s24 =	sshrl.u32 s23, $0x3;
	s14 =	sadd.s32 s9, s14;
	[dreg:$0x18] =	wrdreg s22  }
0x1c: {  	s28 =	simm.s32 $0x18E00;
	[dreg:$0xa] =	wrdreg s14;
	s14 =	sadd.s32 s9, s24  }
0x1d: {  	s29 =	simm.s32 $0x1B600;
	s9 =	sadd.s32 s10, s4;
	[dreg:$0xb] =	wrdreg s14  }
0x1e: {  	s30 =	simm.s32 $0x2;
	s10 =	sadd.s32 s11, s4;
	[dreg:$0xe] =	wrdreg s9  }
0x1f: {  	s31 =	simm.s32 $0x16100;
	s11 =	sadd.s32 s12, s4;
	[dreg:$0xf] =	wrdreg s10  }
0x20: {  	s7 =	simm.s32 $0x16600;
	s12 =	sadd.s32 s13, s4;
	[dreg:$0x10] =	wrdreg s11  }
0x21: {  	s25 =	simm.s32 $0x16480;
	s13 =	sadd.s32 s16, s4;
	[dreg:$0x11] =	wrdreg s12  }
0x22: {  	s5 =	simm.s32 $0x0;
	s16 =	sadd.s32 s17, s4;
	[dreg:$0x12] =	wrdreg s13  }
0x23: {  	s17 =	sadd.s32 s8, s4;
	s24 =	smax.u32 s6, $0x1;
	[dreg:$0x13] =	wrdreg s16  }
0x24: {  	s6 =	sadd.s32 $0x140, s2;
	s8 =	simm.s32 $0x1;
	[dreg:$0x14] =	wrdreg s17  }
0x25: {  	s14 =	sadd.s32 $0xA800, s0;
	s0 =	sadd.s32 s26, s0;
	[dreg:$0x1c] =	wrdreg s24  }
0x26: {  	s9 =	simm.s32 $0x16000;
	s10 =	simm.s32 $0x16200;
	s11 =	simm.s32 $0x16400  }
0x27: {  	s12 =	simm.s32 $0x3;
	s13 =	simm.s32 $0x16080;
	s20 =	sadd.s32 s14, s26  }
0x28: {  	s24 =	simm.s32 $0x16280;
	s23 =	sadd.s32 s14, s21;
	[dreg:$0x16] =	wrdreg s20  }
0x29: {  	s16 =	simm.s32 $0x16500;
	s0 =	sadd.s32 $0x14600, s0;
	[dreg:$0x19] =	wrdreg s23  }
0x2a: {  	s17 =	simm.s32 $0x13880;
	s26 =	sadd.s32 $0xF0, s2;
	[dreg:$0x1b] =	wrdreg s0  }
0x2b: {  	v0 =	vimm.f32 $0.0e+00;
	s2 =	simm.s32 $0x16300;
	[dreg:$0x1e] =	wrdreg s26;
	s26 =	simm.s32 $0x50  }
.LBB2_1:
0x2c: {  	s0 =	smul.u32 $0xCD, s19;
	_ =	sdelay $0x1  }
0x2d: {  	s18 =	simm.s32 $0x0;
	s0 =	sshrl.u32 s0, $0xE  }
0x2e: {  	s23 =	smul.u32 $0xCCCD, s18;
	s0 =	sand.u32 $0x3, s0  }
0x2f: {  	s0 =	smul.u32 $0x50, s0  }
0x30: {  	s19 =	sshrl.u32 s23, $0x19  }
0x31: {  	s19 =	smul.u32 $0xA000, s19;
	s0 =	ssub.s32 $0x0, s0  }
0x32: {  	s20 =	simm.s32 $0x1;
	s0 =	sand.u32 $0xFF, s0  }
0x33: {  	s20 =	smul.u32 $0xCD, s20;
	s21 =	sshrl.u32 s19, $0x2;
	s0 =	sshll.u32 s0, $0x7  }
0x34: {  	[dreg:$0x1f] =	wrdreg s5;
	s19 =	simm.s32 $0x8;
	s0 =	sadd.s32 s0, s21  }
0x35: {  	s22 =	sshrl.u32 s20, $0xE;
	s5 =	smul.u32 $0xCCCD, s19;
	s20 =	sadd.s32 $0x16600, s0;
	[tilespmem:s0+$0x16600] =	vst v0  }
0x36: {  	s23 =	sand.u32 $0x3, s22;
	[tilespmem:s20+$0x60] =	vst v0  }
0x37: {  	s21 =	sshrl.u32 s5, $0x19;
	s0 =	smul.u32 $0x50, s23;
	[tilespmem:s20+$0x50] =	vst v0  }
0x38: {  	s21 =	smul.u32 $0xA000, s21;
	[tilespmem:s20+$0x40] =	vst v0  }
0x39: {  	[tilespmem:s20+$0x30] =	vst v0;
	s0 =	ssub.s32 $0x1, s0  }
0x3a: {  	[tilespmem:s20+$0x20] =	vst v0;
	s22 =	sshrl.u32 s21, $0x2;
	s21 =	simm.s32 $0x2;
	s0 =	sand.u32 $0xFF, s0  }
.LBB2_2:
0x3b: {  	s19 =	sadd.s32 $0x8, s19;
	s23 =	smul.u32 $0xCD, s21;
	s0 =	sshll.u32 s0, $0x7;
	[tilespmem:s20+$0x10] =	vst v0  }
0x3c: {  	s5 =	smul.u32 $0xCCCD, s19;
	p0 =	slt.u32 s19, $0x778;
	s0 =	sadd.s32 s0, s22;
	[tilespmem:s20+$0x70] =	vst v0  }
0x3d: {  	s22 =	sshrl.u32 s23, $0xE;
	s20 =	sadd.s32 $0x16600, s0;
	[tilespmem:s0+$0x16600] =	vst v0  }
.Ltmp0:
0x3e: {  	s0 =	sshrl.u32 s5, $0x19;
	s5 =	sand.u32 $0x3, s22;
	[tilespmem:s20+$0x60] =	vst v0;
	(pc) =	sbr.rel @p0 .LBB2_2-.Ltmp0, $4  }
0x3f: {  	s5 =	smul.u32 $0x50, s5;
	[tilespmem:s20+$0x50] =	vst v0  }
0x40: {  	s22 =	smul.u32 $0xA000, s0;
	[tilespmem:s20+$0x40] =	vst v0  }
0x41: {  	s0 =	ssub.s32 s21, s5;
	[tilespmem:s20+$0x30] =	vst v0  }
0x42: {  	s22 =	sshrl.u32 s22, $0x2;
	s21 =	sadd.s32 $0x1, s21;
	s0 =	sand.u32 $0xFF, s0;
	[tilespmem:s20+$0x20] =	vst v0  }
0x43: {  	s0 =	sshll.u32 s0, $0x7;
	[tilespmem:s20+$0x10] =	vst v0  }
0x44: {  	[tilespmem:s20+$0x70] =	vst v0;
	s0 =	sadd.s32 s0, s22  }
0x45: {  	s5 =	sadd.s32 $0x16600, s0;
	[tilespmem:s0+$0x16600] =	vst v0  }
0x46: {  	[tilespmem:s5+$0x60] =	vst v0  }
0x47: {  	[tilespmem:s5+$0x50] =	vst v0  }
0x48: {  	[tilespmem:s5+$0x40] =	vst v0  }
0x49: {  	[tilespmem:s5+$0x30] =	vst v0  }
0x4a: {  	[tilespmem:s5+$0x20] =	vst v0  }
0x4b: {  	[tilespmem:s5+$0x10] =	vst v0  }
0x4c: {  	s19 =	simm.s32 $0x138C0;
	[tilespmem:s5+$0x70] =	vst v0  }
0x4d: {  	[tilespmem:s19+$0xFFFFFFC0] =	vst v0  }
0x4e: {  	[tilespmem:s19+$0x30] =	vst v0  }
0x4f: {  	[tilespmem:s19+$0x20] =	vst v0  }
0x50: {  	[tilespmem:s19+$0x10] =	vst v0  }
0x51: {  	[tilespmem:s19+$0x0] =	vst v0  }
0x52: {  	[tilespmem:s19+$0xFFFFFFF0] =	vst v0  }
0x53: {  	[tilespmem:s19+$0xFFFFFFE0] =	vst v0  }
.LBB2_4:
0x54: {  	s18 =	sadd.s32 $0x8, s18;
	[tilespmem:s19+$0xFFFFFFD0] =	vst v0;
	s19 =	sadd.s32 $0x80, s19  }
0x55: {  	[tilespmem:s19+$0xFFFFFFC0] =	vst v0;
	p0 =	slt.u32 s18, $0x268  }
0x56: {  	[tilespmem:s19+$0x30] =	vst v0  }
.Ltmp1:
0x57: {  	[tilespmem:s19+$0x20] =	vst v0;
	(pc) =	sbr.rel @p0 .LBB2_4-.Ltmp1, $4  }
0x58: {  	[tilespmem:s19+$0x10] =	vst v0  }
0x59: {  	[tilespmem:s19+$0x0] =	vst v0  }
0x5a: {  	[tilespmem:s19+$0xFFFFFFF0] =	vst v0  }
0x5b: {  	[tilespmem:s19+$0xFFFFFFE0] =	vst v0  }
0x5c: {  	[tilespmem:s19+$0xFFFFFFD0] =	vst v0  }
0x5d: {  	[tilespmem:$0x15F80] =	vst v0;
	s0 =	rddreg [dreg:$0xd]  }
0x5e: {  	[spmem:s0] =	stream.linear.scatter [tilespmem:s7], [sflag:$0x1], $0x2800, $0x38;
	[tilespmem:$0x1DE00] =	vst v63  }
0x5f: {  	s5 =	rddreg [dreg:$0xe]  }
0x60: {  	[spmem:s5] =	stream.linear.scatter [tilespmem:s7], [sflag:$0x1], $0x2800, $0x38;
	[tilespmem:$0x1DE00] =	vst v63  }
0x61: {  	s18 =	rddreg [dreg:$0xf]  }
0x62: {  	[spmem:s18] =	stream.linear.scatter [tilespmem:s7], [sflag:$0x1], $0x2800, $0x38;
	[tilespmem:$0x1DE00] =	vst v63  }
0x63: {  	s19 =	rddreg [dreg:$0x10]  }
0x64: {  	[spmem:s19] =	stream.linear.scatter [tilespmem:s7], [sflag:$0x1], $0x2800, $0x38;
	[tilespmem:$0x1DE00] =	vst v63  }
0x65: {  	s20 =	rddreg [dreg:$0x11]  }
0x66: {  	[spmem:s20] =	stream.linear.scatter [tilespmem:s7], [sflag:$0x1], $0x2800, $0x38;
	[tilespmem:$0x1DE00] =	vst v63  }
0x67: {  	s21 =	rddreg [dreg:$0x12]  }
0x68: {  	[spmem:s21] =	stream.linear.scatter [tilespmem:s7], [sflag:$0x1], $0x2800, $0x38;
	[tilespmem:$0x1DE00] =	vst v63  }
0x69: {  	s22 =	rddreg [dreg:$0x13]  }
0x6a: {  	[spmem:s22] =	stream.linear.scatter [tilespmem:s7], [sflag:$0x1], $0x2800, $0x38;
	[tilespmem:$0x1DE00] =	vst v63  }
0x6b: {  	s23 =	rddreg [dreg:$0x14]  }
0x6c: {  	[spmem:s23] =	stream.linear.scatter [tilespmem:s7], [sflag:$0x1], $0x2800, $0x38;
	[tilespmem:$0x1DE00] =	vst v63  }
0x6d: {  	_ =	swait.ge [sflag:s8], $0x2800  }
0x6e: {  	[sflag:s8] =	ssyncset.done $0x0  }
0x6f: {  	[sflag:s8] =	ssyncadd.s32 $0xFFFFD800  }
0x70: {  	_ =	swait.ge [sflag:s8], $0x2800  }
0x71: {  	[sflag:s8] =	ssyncset.done $0x0  }
0x72: {  	[sflag:s8] =	ssyncadd.s32 $0xFFFFD800  }
0x73: {  	_ =	swait.ge [sflag:s8], $0x2800  }
0x74: {  	[sflag:s8] =	ssyncset.done $0x0  }
0x75: {  	[sflag:s8] =	ssyncadd.s32 $0xFFFFD800  }
0x76: {  	_ =	swait.ge [sflag:s8], $0x2800  }
0x77: {  	[sflag:s8] =	ssyncset.done $0x0  }
0x78: {  	[sflag:s8] =	ssyncadd.s32 $0xFFFFD800  }
0x79: {  	_ =	swait.ge [sflag:s8], $0x2800  }
0x7a: {  	[sflag:s8] =	ssyncset.done $0x0  }
0x7b: {  	[sflag:s8] =	ssyncadd.s32 $0xFFFFD800  }
0x7c: {  	_ =	swait.ge [sflag:s8], $0x2800  }
0x7d: {  	[sflag:s8] =	ssyncset.done $0x0  }
0x7e: {  	[sflag:s8] =	ssyncadd.s32 $0xFFFFD800  }
0x7f: {  	_ =	swait.ge [sflag:s8], $0x2800  }
0x80: {  	[sflag:s8] =	ssyncset.done $0x0  }
0x81: {  	[sflag:s8] =	ssyncadd.s32 $0xFFFFD800  }
0x82: {  	_ =	swait.ge [sflag:s8], $0x2800  }
0x83: {  	[sflag:s8] =	ssyncset.done $0x0  }
0x84: {  	[sflag:s8] =	ssyncadd.s32 $0xFFFFD800  }
0x85: {  	[bflag:$0x0] =	sbarrier.arrive $0xFFFF  }
0x86: {  	s19 =	simm.s32 $0x0;
	s5 =	rddreg [dreg:$0x15]  }
0x87: {  	[tilespmem:s9], [sflag:$0x3] =	stream.linear.gather [hbm4b:s5+s19], $0x50, $0x38;
	[tilespmem:$0x1DE00] =	vst v63  }
0x88: {  	s18 =	rddreg [dreg:$0x16]  }
0x89: {  	[tilespmem:s10], [sflag:$0x3] =	stream.linear.gather [hbm4b:s18+s19], $0x50, $0x38;
	[tilespmem:$0x1DE00] =	vst v63  }
0x8a: {  	s20 =	rddreg [dreg:$0x17]  }
0x8b: {  	[tilespmem:s11], [sflag:$0x3] =	stream.linear.gather [hbm4b:s20+s19], $0x50, $0x38;
	[tilespmem:$0x1DE00] =	vst v63  }
0x8c: {  	_ =	swait.ge [sflag:s12], $0x50  }
0x8d: {  	[sflag:s12] =	ssyncset.done $0x0  }
0x8e: {  	[sflag:s12] =	ssyncadd.s32 $0xFFFFFFB0  }
0x8f: {  	_ =	swait.ge [sflag:s12], $0x50  }
0x90: {  	[sflag:s12] =	ssyncset.done $0x0  }
0x91: {  	[sflag:s12] =	ssyncadd.s32 $0xFFFFFFB0  }
0x92: {  	_ =	swait.ge [sflag:s12], $0x50  }
0x93: {  	[sflag:s12] =	ssyncset.done $0x0  }
0x94: {  	s21 =	rddreg [dreg:$0x18];
	[sflag:s12] =	ssyncadd.s32 $0xFFFFFFB0  }
0x95: {  	[tilespmem:s13], [sflag:$0x3] =	stream.linear.gather [hbm4b:s21+s19], $0x50, $0x38;
	[tilespmem:$0x1DE00] =	vst v63  }
0x96: {  	s22 =	rddreg [dreg:$0x19]  }
0x97: {  	[tilespmem:s24], [sflag:$0x3] =	stream.linear.gather [hbm4b:s22+s19], $0x50, $0x38;
	[tilespmem:$0x1DE00] =	vst v63  }
0x98: {  	s23 =	rddreg [dreg:$0x1a]  }
0x99: {  	[tilespmem:s25], [sflag:$0x3] =	stream.linear.gather [hbm4b:s23+s19], $0x50, $0x38;
	[tilespmem:$0x1DE00] =	vst v63  }
0x9a: {  	_ = 	snop  }
0x9b: {  	[tilespmem:s7], [sflag:$0x1] =	stream.indirect.gather [hbm4b:s1+s26], $0x80, s9, s26, $0xb8;
	[tilespmem:$0x1DE00] =	vst v63  }
0x9c: {  	_ = 	snop  }
0x9d: {  	[spmem:s4] =	stream.indirect.scatter.add.f32 [tilespmem:s28], [sflag:$0x2], $0x80, s10, s26, $0xb8;
	[tilespmem:$0x1DE00] =	vst v63  }
0x9e: {  	s20 =	simm.s32 $0x0  }
0x9f: {  	[spmem:s4] =	stream.indirect.scatter.add.f32 [tilespmem:s29], [sflag:$0x2], $0x80, s10, s26, $0xb8;
	[tilespmem:$0x1DE00] =	vst v63  }
.LBB2_6:
0xa0: {  	_ =	swait.ge [sflag:s30], $0x2800  }
0xa1: {  	[sflag:s30] =	ssyncset.done $0x0  }
0xa2: {  	[sflag:s30] =	ssyncadd.s32 $0xFFFFD800  }
0xa3: {  	_ =	swait.ge [sflag:s12], $0x50  }
0xa4: {  	[sflag:s12] =	ssyncset.done $0x0  }
0xa5: {  	[sflag:s12] =	ssyncadd.s32 $0xFFFFFFB0  }
0xa6: {  	_ =	swait.ge [sflag:s12], $0x50  }
0xa7: {  	[sflag:s12] =	ssyncset.done $0x0  }
0xa8: {  	[sflag:s12] =	ssyncadd.s32 $0xFFFFFFB0  }
0xa9: {  	_ =	swait.ge [sflag:s12], $0x50  }
0xaa: {  	[sflag:s12] =	ssyncset.done $0x0  }
0xab: {  	[sflag:s12] =	ssyncadd.s32 $0xFFFFFFB0  }
0xac: {  	[tilespmem:s28], [sflag:$0x1] =	stream.indirect.gather [hbm4b:s1+s26], $0x80, s13, s26, $0xb8;
	[tilespmem:$0x1DE00] =	vst v63  }
0xad: {  	s21 =	smul.u32 $0xF0, s20;
	_ =	swait.ge [sflag:s8], $0x2800  }
0xae: {  	s0 =	rddreg [dreg:$0x1d]  }
0xaf: {  	v1 =	vmov s19;
	s5 =	simm.s32 $0x2;
	s0 =	sadd.s32 s21, s0  }
0xb0: {  	v1 =	vand.u32 $0xFFFFFFFC, v1;
	v2 =	vmov s5;
	[sflag:s8] =	ssyncset.done $0x0;
	s0 =	sshrl.u32 s0, $0x3  }
0xb1: {  	v1 =	vbroadcast v1, $0x0;
	v2 =	vand.u32 $0xFFFFFFFE, v2;
	[sflag:s8] =	ssyncadd.s32 $0xFFFFD800;
	s22 =	sadd.s32 s15, s0  }
0xb2: {  	v2 =	vbroadcast v2, $0x0;
	[tilespmem:s31], [sflag:$0x3] =	stream.linear.gather [hbm4b:s22+s19], $0x50, $0x38;
	[tilespmem:$0x1DE00] =	vst v63  }
0xb3: {  	s23 =	sadd.s32 s14, s0  }
0xb4: {  	[tilespmem:s2], [sflag:$0x3] =	stream.linear.gather [hbm4b:s23+s19], $0x50, $0x38;
	[tilespmem:$0x1DE00] =	vst v63  }
0xb5: {  	s0 =	sadd.s32 s3, s0  }
0xb6: {  	[tilespmem:s16], [sflag:$0x3] =	stream.linear.gather [hbm4b:s0+s19], $0x50, $0x38;
	[tilespmem:$0x1DE00] =	vst v63  }
0xb7: {  	v1 =	vld.idx.msk [tilespmem:v1+s11+$0x0], $0xffff  }
0xb8: {  	s18 =	simm.s32 $0x1;
	s22 =	simm.s32 $0x16700;
	v2 =	vld.idx.msk [tilespmem:v2+s11+$0x0], $0xffff  }
0xb9: {  	v3 =	vmov s18;
	v4 =	vld [tilespmem:s22+$0x70]  }
0xba: {  	v3 =	vand.u32 $0xFFFFFFFD, v3;
	v5 =	vld [tilespmem:s22+$0xFFFFFF00]  }
0xbb: {  	v3 =	vbroadcast v3, $0x0;
	v6 =	vld [tilespmem:s22+$0xFFFFFF10]  }
0xbc: {  	v7 =	vld [tilespmem:s22+$0xFFFFFF20]  }
0xbd: {  	v8 =	vld [tilespmem:s22+$0xFFFFFF30]  }
0xbe: {  	v9 =	vld [tilespmem:s22+$0xFFFFFF40]  }
0xbf: {  	v10 =	vld [tilespmem:s22+$0xFFFFFF50]  }
0xc0: {  	v11 =	vld [tilespmem:s22+$0xFFFFFF60];
	v5 =	vmul.f32 v5, v1  }
0xc1: {  	v3 =	vld.idx.msk [tilespmem:v3+s11+$0x0], $0xffff;
	v4 =	vmul.f32 v4, v2  }
0xc2: {  	v13 =	vld [tilespmem:s22+$0x40];
	[tilespmem:s22+$0xFFFFFF00] =	vst v5;
	v5 =	vmul.f32 v6, v1  }
0xc3: {  	v6 =	vld [tilespmem:s22+$0xFFFFFF70];
	[tilespmem:s22+$0x70] =	vst v4;
	v4 =	vmul.f32 v7, v1  }
0xc4: {  	v7 =	vld [tilespmem:s22+$0xFFFFFF80];
	[tilespmem:s22+$0xFFFFFF10] =	vst v5;
	v5 =	vmul.f32 v8, v1  }
0xc5: {  	v8 =	vld [tilespmem:s22+$0xFFFFFF90];
	[tilespmem:s22+$0xFFFFFF20] =	vst v4;
	v4 =	vmul.f32 v9, v1  }
0xc6: {  	v9 =	vld [tilespmem:s22+$0xFFFFFFA0];
	[tilespmem:s22+$0xFFFFFF30] =	vst v5;
	v5 =	vmul.f32 v10, v1  }
0xc7: {  	v10 =	vld [tilespmem:s22+$0xFFFFFFB0];
	[tilespmem:s22+$0xFFFFFF40] =	vst v4;
	v4 =	vmul.f32 v11, v1  }
0xc8: {  	v11 =	vld [tilespmem:s22+$0xFFFFFFC0];
	v6 =	vmul.f32 v6, v1;
	[tilespmem:s22+$0xFFFFFF50] =	vst v5  }
0xc9: {  	v5 =	vmul.f32 v7, v3;
	v7 =	vld [tilespmem:s22+$0xFFFFFFD0];
	[tilespmem:s22+$0xFFFFFF60] =	vst v4  }
0xca: {  	s23 =	simm.s32 $0x3;
	v4 =	vld [tilespmem:s22+$0xFFFFFFE0];
	v8 =	vmul.f32 v8, v3;
	[tilespmem:s22+$0xFFFFFF70] =	vst v6  }
0xcb: {  	v12 =	vmov s23;
	v6 =	vld [tilespmem:s22+$0xFFFFFFF0];
	[tilespmem:s22+$0xFFFFFF80] =	vst v5;
	v5 =	vmul.f32 v9, v3  }
0xcc: {  	v9 =	vld [tilespmem:s22+$0x0];
	[tilespmem:s22+$0xFFFFFF90] =	vst v8;
	v8 =	vmul.f32 v10, v3  }
0xcd: {  	v10 =	vld [tilespmem:s22+$0x10];
	[tilespmem:s22+$0xFFFFFFA0] =	vst v5;
	v5 =	vmul.f32 v11, v3  }
0xce: {  	[tilespmem:s22+$0xFFFFFFB0] =	vst v8;
	v7 =	vmul.f32 v7, v3;
	v8 =	vld [tilespmem:s22+$0x20]  }
0xcf: {  	v11 =	vld [tilespmem:s22+$0x30];
	v4 =	vmul.f32 v4, v3;
	[tilespmem:s22+$0xFFFFFFC0] =	vst v5  }
0xd0: {  	v1 =	vld.idx.msk [tilespmem:v12+s11+$0x0], $0xffff;
	v3 =	vmul.f32 v6, v3;
	[tilespmem:s22+$0xFFFFFFD0] =	vst v7  }
0xd1: {  	[tilespmem:s22+$0xFFFFFFE0] =	vst v4;
	v5 =	vmul.f32 v9, v2;
	v4 =	vld [tilespmem:s22+$0x50]  }
0xd2: {  	s5 =	simm.s32 $0x4;
	[tilespmem:s22+$0xFFFFFFF0] =	vst v3;
	v6 =	vmul.f32 v10, v2;
	v3 =	vld [tilespmem:s22+$0x60]  }
0xd3: {  	s18 =	simm.s32 $0x7;
	v7 =	vmov s5;
	[tilespmem:s22+$0x0] =	vst v5;
	v9 =	vmul.f32 v8, v2;
	v8 =	vld [tilespmem:s22+$0x80]  }
0xd4: {  	s23 =	simm.s32 $0x5;
	v12 =	vand.u32 $0xFFFFFFFC, v7;
	v7 =	vld [tilespmem:s22+$0x90];
	v5 =	vmov s18;
	v10 =	vmul.f32 v11, v2;
	[tilespmem:s22+$0x10] =	vst v6  }
0xd5: {  	s0 =	simm.s32 $0x6;
	s18 =	simm.s32 $0x8;
	v11 =	vmul.f32 v13, v2;
	v6 =	vbroadcast v12, $0x0;
	v12 =	vmov s23;
	s23 =	simm.s32 $0x16700;
	[tilespmem:s22+$0x20] =	vst v9;
	v9 =	vld [tilespmem:s22+$0xA0]  }
.LBB2_7:
0xd6: {  	p0 =	slt.u32 s18, $0x4C;
	v12 =	vand.u32 $0xFFFFFFFD, v12;
	v13 =	vmov s0;
	[tilespmem:s22+$0x30] =	vst v10;
	v4 =	vmul.f32 v4, v2;
	v10 =	vld [tilespmem:s22+$0xB0]  }
0xd7: {  	v12 =	vbroadcast v12, $0x0;
	v13 =	vand.u32 $0xFFFFFFFE, v13;
	[tilespmem:s22+$0x40] =	vst v11;
	v2 =	vmul.f32 v3, v2;
	v3 =	vld [tilespmem:s22+$0xC0]  }
0xd8: {  	v11 =	vbroadcast v13, $0x0;
	[tilespmem:s22+$0x50] =	vst v4;
	v4 =	vmul.f32 v8, v1;
	v8 =	vld [tilespmem:s22+$0xD0]  }
0xd9: {  	[tilespmem:s22+$0x60] =	vst v2;
	v2 =	vmul.f32 v7, v1;
	v7 =	vld [tilespmem:s22+$0xE0]  }
0xda: {  	[tilespmem:s22+$0x80] =	vst v4;
	v4 =	vmul.f32 v9, v1;
	v9 =	vld [tilespmem:s22+$0xF0]  }
0xdb: {  	v5 =	vld.idx.msk [tilespmem:v5+s11+$0x0], $0xffff;
	[tilespmem:s22+$0x90] =	vst v2;
	v2 =	vmul.f32 v10, v1  }
0xdc: {  	v6 =	vld.idx.msk [tilespmem:v6+s11+$0x0], $0xffff;
	[tilespmem:s22+$0xA0] =	vst v4;
	v3 =	vmul.f32 v3, v1  }
0xdd: {  	v4 =	vld.idx.msk [tilespmem:v12+s11+$0x0], $0xffff;
	[tilespmem:s22+$0xB0] =	vst v2;
	v8 =	vmul.f32 v8, v1  }
0xde: {  	s22 =	sadd.s32 $0x200, s22;
	v2 =	vld.idx.msk [tilespmem:v11+s11+$0x0], $0xffff;
	[tilespmem:s23+$0xC0] =	vst v3;
	v3 =	vmul.f32 v7, v1  }
0xdf: {  	v7 =	vld [tilespmem:s22+$0x70];
	[tilespmem:s23+$0xD0] =	vst v8;
	v9 =	vmul.f32 v9, v1  }
0xe0: {  	v8 =	vld [tilespmem:s22+$0xFFFFFF00];
	[tilespmem:s23+$0xE0] =	vst v3  }
0xe1: {  	v1 =	vmov v5;
	v3 =	vld [tilespmem:s22+$0xFFFFFF10];
	[tilespmem:s23+$0xF0] =	vst v9;
	s23 =	smov.u32 s22  }
0xe2: {  	v5 =	vld [tilespmem:s22+$0xFFFFFF20]  }
0xe3: {  	v9 =	vld [tilespmem:s22+$0xFFFFFF30]  }
0xe4: {  	v10 =	vld [tilespmem:s22+$0xFFFFFF40];
	v7 =	vmul.f32 v7, v2  }
0xe5: {  	v8 =	vmul.f32 v8, v6;
	v11 =	vld [tilespmem:s22+$0xFFFFFF50]  }
0xe6: {  	v3 =	vmul.f32 v3, v6;
	v12 =	vld [tilespmem:s22+$0xFFFFFF60];
	[tilespmem:s22+$0x70] =	vst v7  }
0xe7: {  	[tilespmem:s22+$0xFFFFFF00] =	vst v8;
	v5 =	vmul.f32 v5, v6;
	v7 =	vld [tilespmem:s22+$0xFFFFFF70]  }
0xe8: {  	[tilespmem:s22+$0xFFFFFF10] =	vst v3;
	v3 =	vmul.f32 v9, v6;
	v8 =	vld [tilespmem:s22+$0xFFFFFF80]  }
0xe9: {  	[tilespmem:s22+$0xFFFFFF20] =	vst v5;
	v5 =	vmul.f32 v10, v6;
	v9 =	vld [tilespmem:s22+$0xFFFFFF90]  }
0xea: {  	[tilespmem:s22+$0xFFFFFF30] =	vst v3;
	v3 =	vmul.f32 v11, v6;
	v10 =	vld [tilespmem:s22+$0xFFFFFFA0]  }
0xeb: {  	[tilespmem:s22+$0xFFFFFF40] =	vst v5;
	v5 =	vmul.f32 v12, v6;
	v11 =	vld [tilespmem:s22+$0xFFFFFFB0]  }
0xec: {  	[tilespmem:s22+$0xFFFFFF50] =	vst v3;
	v3 =	vmul.f32 v7, v6;
	v6 =	vld [tilespmem:s22+$0xFFFFFFC0]  }
0xed: {  	[tilespmem:s22+$0xFFFFFF60] =	vst v5;
	v5 =	vmul.f32 v8, v4;
	v7 =	vld [tilespmem:s22+$0xFFFFFFD0]  }
0xee: {  	[tilespmem:s22+$0xFFFFFF70] =	vst v3;
	v3 =	vmul.f32 v9, v4;
	v8 =	vld [tilespmem:s22+$0xFFFFFFE0]  }
0xef: {  	[tilespmem:s22+$0xFFFFFF80] =	vst v5;
	v5 =	vmul.f32 v10, v4;
	v9 =	vld [tilespmem:s22+$0xFFFFFFF0]  }
0xf0: {  	[tilespmem:s22+$0xFFFFFF90] =	vst v3;
	v3 =	vmul.f32 v11, v4;
	v10 =	vld [tilespmem:s22+$0x0]  }
0xf1: {  	[tilespmem:s22+$0xFFFFFFA0] =	vst v5;
	v5 =	vmul.f32 v6, v4;
	v6 =	vld [tilespmem:s22+$0x10]  }
0xf2: {  	[tilespmem:s22+$0xFFFFFFB0] =	vst v3;
	v3 =	vmul.f32 v7, v4;
	v7 =	vld [tilespmem:s22+$0x20]  }
0xf3: {  	[tilespmem:s22+$0xFFFFFFC0] =	vst v5;
	v5 =	vmul.f32 v8, v4;
	v11 =	vld [tilespmem:s22+$0x30]  }
0xf4: {  	[tilespmem:s22+$0xFFFFFFD0] =	vst v3;
	v3 =	vmul.f32 v9, v4;
	v9 =	vld [tilespmem:s22+$0x40]  }
.Ltmp2:
0xf5: {  	[tilespmem:s22+$0xFFFFFFE0] =	vst v5;
	v5 =	vmul.f32 v10, v2;
	v4 =	vld [tilespmem:s22+$0x50];
	(pc) =	sbr.rel @p0 .LBB2_7-.Ltmp2, $4  }
0xf6: {  	[tilespmem:s22+$0xFFFFFFF0] =	vst v3;
	v6 =	vmul.f32 v6, v2;
	v3 =	vld [tilespmem:s22+$0x60]  }
0xf7: {  	s0 =	sadd.s32 $0x3, s18;
	v10 =	vmov s18;
	[tilespmem:s22+$0x0] =	vst v5;
	v13 =	vmul.f32 v7, v2;
	v8 =	vld [tilespmem:s22+$0x80]  }
0xf8: {  	s5 =	sadd.s32 $0x1, s18;
	v12 =	vand.u32 $0xFFFFFFFC, v10;
	v5 =	vmov s0;
	[tilespmem:s22+$0x10] =	vst v6;
	v10 =	vmul.f32 v11, v2;
	v7 =	vld [tilespmem:s22+$0x90]  }
0xf9: {  	s0 =	sadd.s32 $0x2, s18;
	s18 =	sadd.s32 $0x4, s18;
	v6 =	vbroadcast v12, $0x0;
	v12 =	vmov s5;
	[tilespmem:s22+$0x20] =	vst v13;
	v11 =	vmul.f32 v9, v2;
	v9 =	vld [tilespmem:s22+$0xA0]  }
0xfa: {  	v13 =	vld [tilespmem:s22+$0xB0]  }
0xfb: {  	v15 =	vld [tilespmem:s22+$0xC0]  }
0xfc: {  	v14 =	vmov s0;
	v16 =	vld [tilespmem:s22+$0xD0]  }
0xfd: {  	v17 =	vld [tilespmem:s22+$0xE0];
	[tilespmem:s22+$0x30] =	vst v10;
	v4 =	vmul.f32 v4, v2;
	v14 =	vand.u32 $0xFFFFFFFE, v14  }
0xfe: {  	v12 =	vand.u32 $0xFFFFFFFD, v12;
	v5 =	vld.idx.msk [tilespmem:v5+s11+$0x0], $0xffff;
	[tilespmem:s22+$0x40] =	vst v11;
	v2 =	vmul.f32 v3, v2;
	v14 =	vbroadcast v14, $0x0  }
0xff: {  	s18 =	sadd.s32 $0x200, s22;
	v12 =	vbroadcast v12, $0x0;
	v3 =	vld.idx.msk [tilespmem:v6+s11+$0x0], $0xffff;
	v8 =	vmul.f32 v8, v1;
	[tilespmem:s22+$0x50] =	vst v4  }
0x100: {  	v10 =	vld [tilespmem:s18+$0xFFFFFF00];
	v4 =	vmul.f32 v7, v1;
	[tilespmem:s22+$0x60] =	vst v2  }
0x101: {  	[tilespmem:s22+$0x80] =	vst v8;
	v8 =	vld [tilespmem:s22+$0xF0];
	v2 =	vmul.f32 v9, v1  }
0x102: {  	v11 =	vld [tilespmem:s18+$0xFFFFFF10];
	[tilespmem:s22+$0x90] =	vst v4;
	v4 =	vmul.f32 v13, v1  }
0x103: {  	v9 =	vld [tilespmem:s18+$0x70];
	[tilespmem:s22+$0xA0] =	vst v2;
	v2 =	vmul.f32 v15, v1  }
0x104: {  	[tilespmem:s22+$0xB0] =	vst v4;
	v4 =	vmul.f32 v16, v1;
	v7 =	vld.idx.msk [tilespmem:v14+s11+$0x0], $0xffff  }
0x105: {  	v6 =	vld.idx.msk [tilespmem:v12+s11+$0x0], $0xffff;
	[tilespmem:s23+$0xC0] =	vst v2;
	v2 =	vmul.f32 v17, v1  }
0x106: {  	v12 =	vld [tilespmem:s18+$0xFFFFFF20];
	[tilespmem:s23+$0xD0] =	vst v4;
	v1 =	vmul.f32 v8, v1  }
0x107: {  	v4 =	vld [tilespmem:s18+$0xFFFFFF30];
	[tilespmem:s23+$0xE0] =	vst v2  }
0x108: {  	v2 =	vld [tilespmem:s18+$0xFFFFFF40];
	[tilespmem:s23+$0xF0] =	vst v1;
	v1 =	vmul.f32 v10, v3  }
0x109: {  	v8 =	vmul.f32 v9, v7;
	v9 =	vld [tilespmem:s18+$0xFFFFFF50]  }
0x10a: {  	v10 =	vmul.f32 v11, v3;
	v11 =	vld [tilespmem:s18+$0xFFFFFF60];
	[tilespmem:s18+$0xFFFFFF00] =	vst v1  }
0x10b: {  	v1 =	vmul.f32 v12, v3;
	[tilespmem:s18+$0x70] =	vst v8;
	v8 =	vld [tilespmem:s18+$0xFFFFFF70]  }
0x10c: {  	[tilespmem:s18+$0xFFFFFF10] =	vst v10;
	v10 =	vld [tilespmem:s18+$0xFFFFFF80];
	v4 =	vmul.f32 v4, v3  }
0x10d: {  	[tilespmem:s18+$0xFFFFFF20] =	vst v1;
	v1 =	vmul.f32 v2, v3;
	v2 =	vld [tilespmem:s18+$0xFFFFFF90]  }
0x10e: {  	[tilespmem:s18+$0xFFFFFF30] =	vst v4;
	v4 =	vmul.f32 v9, v3;
	v9 =	vld [tilespmem:s18+$0xFFFFFFA0]  }
0x10f: {  	[tilespmem:s18+$0xFFFFFF40] =	vst v1;
	v1 =	vmul.f32 v11, v3;
	v11 =	vld [tilespmem:s18+$0xFFFFFFB0]  }
0x110: {  	[tilespmem:s18+$0xFFFFFF50] =	vst v4;
	v3 =	vmul.f32 v8, v3;
	v4 =	vld [tilespmem:s18+$0xFFFFFFC0]  }
0x111: {  	[tilespmem:s18+$0xFFFFFF60] =	vst v1;
	v1 =	vmul.f32 v10, v6;
	v8 =	vld [tilespmem:s18+$0xFFFFFFD0]  }
0x112: {  	v2 =	vmul.f32 v2, v6;
	[tilespmem:s18+$0xFFFFFF70] =	vst v3;
	v3 =	vld [tilespmem:s18+$0xFFFFFFE0]  }
0x113: {  	[tilespmem:s18+$0xFFFFFF80] =	vst v1;
	v1 =	vmul.f32 v9, v6;
	v9 =	vld [tilespmem:s18+$0xFFFFFFF0]  }
0x114: {  	v10 =	vld [tilespmem:s18+$0x0];
	[tilespmem:s18+$0xFFFFFF90] =	vst v2;
	v2 =	vmul.f32 v11, v6  }
0x115: {  	[tilespmem:s18+$0xFFFFFFA0] =	vst v1;
	v1 =	vmul.f32 v4, v6;
	v4 =	vld [tilespmem:s18+$0x10]  }
0x116: {  	[tilespmem:s18+$0xFFFFFFB0] =	vst v2;
	v2 =	vmul.f32 v8, v6;
	v8 =	vld [tilespmem:s18+$0x20]  }
0x117: {  	[tilespmem:s18+$0xFFFFFFC0] =	vst v1;
	v1 =	vmul.f32 v3, v6;
	v3 =	vld [tilespmem:s18+$0x30]  }
0x118: {  	[tilespmem:s18+$0xFFFFFFD0] =	vst v2;
	v2 =	vmul.f32 v9, v6;
	v6 =	vld [tilespmem:s18+$0x40]  }
0x119: {  	v9 =	vld [tilespmem:s18+$0x50];
	[tilespmem:s18+$0xFFFFFFE0] =	vst v1;
	v1 =	vmul.f32 v10, v7  }
0x11a: {  	[tilespmem:s18+$0xFFFFFFF0] =	vst v2;
	v2 =	vmul.f32 v4, v7;
	v4 =	vld [tilespmem:s18+$0x60]  }
0x11b: {  	[tilespmem:s18+$0x0] =	vst v1;
	v1 =	vmul.f32 v8, v7;
	v8 =	vld [tilespmem:s18+$0x80]  }
0x11c: {  	[tilespmem:s18+$0x10] =	vst v2;
	v2 =	vmul.f32 v3, v7;
	v3 =	vld [tilespmem:s18+$0x90]  }
0x11d: {  	[tilespmem:s18+$0x20] =	vst v1;
	v1 =	vmul.f32 v6, v7;
	v6 =	vld [tilespmem:s18+$0xA0]  }
0x11e: {  	[tilespmem:s18+$0x30] =	vst v2;
	v2 =	vmul.f32 v9, v7;
	v9 =	vld [tilespmem:s18+$0xB0]  }
0x11f: {  	[tilespmem:s18+$0x40] =	vst v1;
	v1 =	vmul.f32 v4, v7;
	v4 =	vld [tilespmem:s18+$0xC0]  }
0x120: {  	v7 =	vld [tilespmem:s18+$0xD0];
	[tilespmem:s18+$0x50] =	vst v2;
	v2 =	vmul.f32 v8, v5  }
0x121: {  	[tilespmem:s18+$0x60] =	vst v1;
	v1 =	vmul.f32 v3, v5;
	v3 =	vld [tilespmem:s18+$0xE0]  }
0x122: {  	[tilespmem:s18+$0x80] =	vst v2;
	v2 =	vmul.f32 v6, v5;
	v6 =	vld [tilespmem:s18+$0xF0]  }
0x123: {  	[tilespmem:s18+$0x90] =	vst v1;
	v1 =	vmul.f32 v9, v5  }
0x124: {  	[tilespmem:s18+$0xA0] =	vst v2;
	v2 =	vmul.f32 v4, v5  }
0x125: {  	[tilespmem:s18+$0xB0] =	vst v1;
	v1 =	vmul.f32 v7, v5  }
0x126: {  	[tilespmem:s18+$0xC0] =	vst v2;
	v2 =	vmul.f32 v3, v5  }
0x127: {  	[tilespmem:s18+$0xD0] =	vst v1;
	v1 =	vmul.f32 v6, v5  }
0x128: {  	[tilespmem:s18+$0xE0] =	vst v2  }
0x129: {  	[tilespmem:s18+$0xF0] =	vst v1  }
0x12a: {  	v1 =	vld [tilespmem:$0x16200];
	_ =	sdelay $0x2  }
0x12b: {  	v2 =	vld [tilespmem:$0x16400];
	_ =	sdelay $0x4  }
0x12c: {  	[tilespmem:v1+s17+$0x0] =	vst.idx.add.f32.msk $0xffff, v2  }
0x12d: {  	v1 =	vld [tilespmem:$0x16210];
	_ =	sdelay $0x2  }
0x12e: {  	v2 =	vld [tilespmem:$0x16410];
	_ =	sdelay $0x4  }
0x12f: {  	[tilespmem:v1+s17+$0x0] =	vst.idx.add.f32.msk $0xffff, v2  }
0x130: {  	v1 =	vld [tilespmem:$0x16220];
	_ =	sdelay $0x2  }
0x131: {  	v2 =	vld [tilespmem:$0x16420];
	_ =	sdelay $0x4  }
0x132: {  	[tilespmem:v1+s17+$0x0] =	vst.idx.add.f32.msk $0xffff, v2  }
0x133: {  	v1 =	vld [tilespmem:$0x16230];
	_ =	sdelay $0x2  }
0x134: {  	v2 =	vld [tilespmem:$0x16430];
	_ =	sdelay $0x4  }
0x135: {  	[tilespmem:v1+s17+$0x0] =	vst.idx.add.f32.msk $0xffff, v2  }
0x136: {  	v1 =	vld [tilespmem:$0x16240];
	_ =	sdelay $0x2  }
0x137: {  	v2 =	vld [tilespmem:$0x16440];
	_ =	sdelay $0x4  }
0x138: {  	[tilespmem:v1+s17+$0x0] =	vst.idx.add.f32.msk $0xffff, v2  }
0x139: {  	[spmem:s4] =	stream.indirect.scatter.add.f32 [tilespmem:s7], [sflag:$0x2], $0x80, s10, s26, $0xb8;
	[tilespmem:$0x1DE00] =	vst v63  }
0x13a: {  	_ =	swait.ge [sflag:s30], $0x2800  }
0x13b: {  	[sflag:s30] =	ssyncset.done $0x0  }
0x13c: {  	[sflag:s30] =	ssyncadd.s32 $0xFFFFD800  }
0x13d: {  	_ =	swait.ge [sflag:s12], $0x50  }
0x13e: {  	[sflag:s12] =	ssyncset.done $0x0  }
0x13f: {  	[sflag:s12] =	ssyncadd.s32 $0xFFFFFFB0  }
0x140: {  	_ =	swait.ge [sflag:s12], $0x50  }
0x141: {  	[sflag:s12] =	ssyncset.done $0x0  }
0x142: {  	[sflag:s12] =	ssyncadd.s32 $0xFFFFFFB0  }
0x143: {  	_ =	swait.ge [sflag:s12], $0x50  }
0x144: {  	[sflag:s12] =	ssyncset.done $0x0  }
0x145: {  	[sflag:s12] =	ssyncadd.s32 $0xFFFFFFB0  }
0x146: {  	[tilespmem:s29], [sflag:$0x1] =	stream.indirect.gather [hbm4b:s1+s26], $0x80, s31, s26, $0xb8;
	[tilespmem:$0x1DE00] =	vst v63  }
0x147: {  	_ =	swait.ge [sflag:s8], $0x2800  }
0x148: {  	s0 =	simm.s32 $0x0;
	s5 =	rddreg [dreg:$0x1e]  }
0x149: {  	s23 =	simm.s32 $0x2;
	v1 =	vmov s0;
	s5 =	sadd.s32 s5, s21  }
0x14a: {  	v2 =	vmov s23;
	v1 =	vand.u32 $0xFFFFFFFC, v1;
	[sflag:s8] =	ssyncset.done $0x0;
	s5 =	sshrl.u32 s5, $0x3  }
0x14b: {  	v2 =	vand.u32 $0xFFFFFFFE, v2;
	v1 =	vbroadcast v1, $0x0;
	[sflag:s8] =	ssyncadd.s32 $0xFFFFD800;
	s22 =	sadd.s32 s15, s5  }
0x14c: {  	v2 =	vbroadcast v2, $0x0;
	[tilespmem:s9], [sflag:$0x3] =	stream.linear.gather [hbm4b:s22+s0], $0x50, $0x38;
	[tilespmem:$0x1DE00] =	vst v63  }
0x14d: {  	s23 =	sadd.s32 s14, s5  }
0x14e: {  	[tilespmem:s10], [sflag:$0x3] =	stream.linear.gather [hbm4b:s23+s0], $0x50, $0x38;
	[tilespmem:$0x1DE00] =	vst v63  }
0x14f: {  	s5 =	sadd.s32 s3, s5  }
0x150: {  	[tilespmem:s11], [sflag:$0x3] =	stream.linear.gather [hbm4b:s5+s0], $0x50, $0x38;
	[tilespmem:$0x1DE00] =	vst v63  }
0x151: {  	v1 =	vld.idx.msk [tilespmem:v1+s25+$0x0], $0xffff  }
0x152: {  	s18 =	simm.s32 $0x1;
	s22 =	simm.s32 $0x18FF0;
	v2 =	vld.idx.msk [tilespmem:v2+s25+$0x0], $0xffff  }
0x153: {  	v3 =	vmov s18;
	v4 =	vld [tilespmem:s22+$0xFFFFFF80]  }
0x154: {  	v3 =	vand.u32 $0xFFFFFFFD, v3;
	v5 =	vld [tilespmem:s22+$0xFFFFFE10]  }
0x155: {  	v3 =	vbroadcast v3, $0x0;
	v6 =	vld [tilespmem:s22+$0xFFFFFE20]  }
0x156: {  	v7 =	vld [tilespmem:s22+$0xFFFFFE30]  }
0x157: {  	v8 =	vld [tilespmem:s22+$0xFFFFFE40]  }
0x158: {  	v9 =	vld [tilespmem:s22+$0xFFFFFE50]  }
0x159: {  	v10 =	vld [tilespmem:s22+$0xFFFFFE60]  }
0x15a: {  	v11 =	vld [tilespmem:s22+$0xFFFFFE70];
	v5 =	vmul.f32 v5, v1  }
0x15b: {  	v3 =	vld.idx.msk [tilespmem:v3+s25+$0x0], $0xffff;
	v4 =	vmul.f32 v4, v2  }
0x15c: {  	v13 =	vld [tilespmem:s22+$0xFFFFFF50];
	[tilespmem:s22+$0xFFFFFE10] =	vst v5;
	v5 =	vmul.f32 v6, v1  }
0x15d: {  	v6 =	vld [tilespmem:s22+$0xFFFFFE80];
	[tilespmem:s22+$0xFFFFFF80] =	vst v4;
	v4 =	vmul.f32 v7, v1  }
0x15e: {  	v7 =	vld [tilespmem:s22+$0xFFFFFE90];
	[tilespmem:s22+$0xFFFFFE20] =	vst v5;
	v5 =	vmul.f32 v8, v1  }
0x15f: {  	v8 =	vld [tilespmem:s22+$0xFFFFFEA0];
	[tilespmem:s22+$0xFFFFFE30] =	vst v4;
	v4 =	vmul.f32 v9, v1  }
0x160: {  	v9 =	vld [tilespmem:s22+$0xFFFFFEB0];
	[tilespmem:s22+$0xFFFFFE40] =	vst v5;
	v5 =	vmul.f32 v10, v1  }
0x161: {  	v10 =	vld [tilespmem:s22+$0xFFFFFEC0];
	[tilespmem:s22+$0xFFFFFE50] =	vst v4;
	v4 =	vmul.f32 v11, v1  }
0x162: {  	v11 =	vld [tilespmem:s22+$0xFFFFFED0];
	v6 =	vmul.f32 v6, v1;
	[tilespmem:s22+$0xFFFFFE60] =	vst v5  }
0x163: {  	v5 =	vmul.f32 v7, v3;
	v7 =	vld [tilespmem:s22+$0xFFFFFEE0];
	[tilespmem:s22+$0xFFFFFE70] =	vst v4  }
0x164: {  	s23 =	simm.s32 $0x3;
	v4 =	vld [tilespmem:s22+$0xFFFFFEF0];
	v8 =	vmul.f32 v8, v3;
	[tilespmem:s22+$0xFFFFFE80] =	vst v6  }
0x165: {  	v12 =	vmov s23;
	v6 =	vld [tilespmem:s22+$0xFFFFFF00];
	[tilespmem:s22+$0xFFFFFE90] =	vst v5;
	v5 =	vmul.f32 v9, v3  }
0x166: {  	v9 =	vld [tilespmem:s22+$0xFFFFFF10];
	[tilespmem:s22+$0xFFFFFEA0] =	vst v8;
	v8 =	vmul.f32 v10, v3  }
0x167: {  	v10 =	vld [tilespmem:s22+$0xFFFFFF20];
	[tilespmem:s22+$0xFFFFFEB0] =	vst v5;
	v5 =	vmul.f32 v11, v3  }
0x168: {  	[tilespmem:s22+$0xFFFFFEC0] =	vst v8;
	v7 =	vmul.f32 v7, v3;
	v8 =	vld [tilespmem:s22+$0xFFFFFF30]  }
0x169: {  	v11 =	vld [tilespmem:s22+$0xFFFFFF40];
	v4 =	vmul.f32 v4, v3;
	[tilespmem:s22+$0xFFFFFED0] =	vst v5  }
0x16a: {  	v1 =	vld.idx.msk [tilespmem:v12+s25+$0x0], $0xffff;
	v3 =	vmul.f32 v6, v3;
	[tilespmem:s22+$0xFFFFFEE0] =	vst v7  }
0x16b: {  	[tilespmem:s22+$0xFFFFFEF0] =	vst v4;
	v5 =	vmul.f32 v9, v2;
	v4 =	vld [tilespmem:s22+$0xFFFFFF60]  }
0x16c: {  	s5 =	simm.s32 $0x4;
	[tilespmem:s22+$0xFFFFFF00] =	vst v3;
	v6 =	vmul.f32 v10, v2;
	v3 =	vld [tilespmem:s22+$0xFFFFFF70]  }
0x16d: {  	s18 =	simm.s32 $0x7;
	v7 =	vmov s5;
	[tilespmem:s22+$0xFFFFFF10] =	vst v5;
	v9 =	vmul.f32 v8, v2;
	v8 =	vld [tilespmem:s22+$0xFFFFFF90]  }
0x16e: {  	s23 =	simm.s32 $0x5;
	v12 =	vand.u32 $0xFFFFFFFC, v7;
	v7 =	vld [tilespmem:s22+$0xFFFFFFA0];
	v5 =	vmov s18;
	v10 =	vmul.f32 v11, v2;
	[tilespmem:s22+$0xFFFFFF20] =	vst v6  }
0x16f: {  	s0 =	simm.s32 $0x6;
	s18 =	simm.s32 $0x8;
	v11 =	vmul.f32 v13, v2;
	v6 =	vbroadcast v12, $0x0;
	v12 =	vmov s23;
	s23 =	simm.s32 $0x18FF0;
	[tilespmem:s22+$0xFFFFFF30] =	vst v9;
	v9 =	vld [tilespmem:s22+$0xFFFFFFB0]  }
.LBB2_9:
0x170: {  	p0 =	slt.u32 s18, $0x4C;
	v12 =	vand.u32 $0xFFFFFFFD, v12;
	v13 =	vmov s0;
	[tilespmem:s22+$0xFFFFFF40] =	vst v10;
	v4 =	vmul.f32 v4, v2;
	v10 =	vld [tilespmem:s22+$0xFFFFFFC0]  }
0x171: {  	v12 =	vbroadcast v12, $0x0;
	v13 =	vand.u32 $0xFFFFFFFE, v13;
	[tilespmem:s22+$0xFFFFFF50] =	vst v11;
	v2 =	vmul.f32 v3, v2;
	v3 =	vld [tilespmem:s22+$0xFFFFFFD0]  }
0x172: {  	v11 =	vbroadcast v13, $0x0;
	[tilespmem:s22+$0xFFFFFF60] =	vst v4;
	v4 =	vmul.f32 v8, v1;
	v8 =	vld [tilespmem:s22+$0xFFFFFFE0]  }
0x173: {  	[tilespmem:s22+$0xFFFFFF70] =	vst v2;
	v2 =	vmul.f32 v7, v1;
	v7 =	vld [tilespmem:s22+$0xFFFFFFF0]  }
0x174: {  	[tilespmem:s22+$0xFFFFFF90] =	vst v4;
	v4 =	vmul.f32 v9, v1;
	v9 =	vld [tilespmem:s22+$0x0]  }
0x175: {  	v5 =	vld.idx.msk [tilespmem:v5+s25+$0x0], $0xffff;
	[tilespmem:s22+$0xFFFFFFA0] =	vst v2;
	v2 =	vmul.f32 v10, v1  }
0x176: {  	v6 =	vld.idx.msk [tilespmem:v6+s25+$0x0], $0xffff;
	[tilespmem:s22+$0xFFFFFFB0] =	vst v4;
	v3 =	vmul.f32 v3, v1  }
0x177: {  	v4 =	vld.idx.msk [tilespmem:v12+s25+$0x0], $0xffff;
	[tilespmem:s22+$0xFFFFFFC0] =	vst v2;
	v8 =	vmul.f32 v8, v1  }
0x178: {  	s22 =	sadd.s32 $0x200, s22;
	v2 =	vld.idx.msk [tilespmem:v11+s25+$0x0], $0xffff;
	[tilespmem:s23+$0xFFFFFFD0] =	vst v3;
	v3 =	vmul.f32 v7, v1  }
0x179: {  	v7 =	vld [tilespmem:s22+$0xFFFFFF80];
	[tilespmem:s23+$0xFFFFFFE0] =	vst v8;
	v9 =	vmul.f32 v9, v1  }
0x17a: {  	v8 =	vld [tilespmem:s22+$0xFFFFFE10];
	[tilespmem:s23+$0xFFFFFFF0] =	vst v3  }
0x17b: {  	v1 =	vmov v5;
	v3 =	vld [tilespmem:s22+$0xFFFFFE20];
	[tilespmem:s23+$0x0] =	vst v9;
	s23 =	smov.u32 s22  }
0x17c: {  	v5 =	vld [tilespmem:s22+$0xFFFFFE30]  }
0x17d: {  	v9 =	vld [tilespmem:s22+$0xFFFFFE40]  }
0x17e: {  	v10 =	vld [tilespmem:s22+$0xFFFFFE50];
	v7 =	vmul.f32 v7, v2  }
0x17f: {  	v8 =	vmul.f32 v8, v6;
	v11 =	vld [tilespmem:s22+$0xFFFFFE60]  }
0x180: {  	v3 =	vmul.f32 v3, v6;
	v12 =	vld [tilespmem:s22+$0xFFFFFE70];
	[tilespmem:s22+$0xFFFFFF80] =	vst v7  }
0x181: {  	[tilespmem:s22+$0xFFFFFE10] =	vst v8;
	v5 =	vmul.f32 v5, v6;
	v7 =	vld [tilespmem:s22+$0xFFFFFE80]  }
0x182: {  	[tilespmem:s22+$0xFFFFFE20] =	vst v3;
	v3 =	vmul.f32 v9, v6;
	v8 =	vld [tilespmem:s22+$0xFFFFFE90]  }
0x183: {  	[tilespmem:s22+$0xFFFFFE30] =	vst v5;
	v5 =	vmul.f32 v10, v6;
	v9 =	vld [tilespmem:s22+$0xFFFFFEA0]  }
0x184: {  	[tilespmem:s22+$0xFFFFFE40] =	vst v3;
	v3 =	vmul.f32 v11, v6;
	v10 =	vld [tilespmem:s22+$0xFFFFFEB0]  }
0x185: {  	[tilespmem:s22+$0xFFFFFE50] =	vst v5;
	v5 =	vmul.f32 v12, v6;
	v11 =	vld [tilespmem:s22+$0xFFFFFEC0]  }
0x186: {  	[tilespmem:s22+$0xFFFFFE60] =	vst v3;
	v3 =	vmul.f32 v7, v6;
	v6 =	vld [tilespmem:s22+$0xFFFFFED0]  }
0x187: {  	[tilespmem:s22+$0xFFFFFE70] =	vst v5;
	v5 =	vmul.f32 v8, v4;
	v7 =	vld [tilespmem:s22+$0xFFFFFEE0]  }
0x188: {  	[tilespmem:s22+$0xFFFFFE80] =	vst v3;
	v3 =	vmul.f32 v9, v4;
	v8 =	vld [tilespmem:s22+$0xFFFFFEF0]  }
0x189: {  	[tilespmem:s22+$0xFFFFFE90] =	vst v5;
	v5 =	vmul.f32 v10, v4;
	v9 =	vld [tilespmem:s22+$0xFFFFFF00]  }
0x18a: {  	[tilespmem:s22+$0xFFFFFEA0] =	vst v3;
	v3 =	vmul.f32 v11, v4;
	v10 =	vld [tilespmem:s22+$0xFFFFFF10]  }
0x18b: {  	[tilespmem:s22+$0xFFFFFEB0] =	vst v5;
	v5 =	vmul.f32 v6, v4;
	v6 =	vld [tilespmem:s22+$0xFFFFFF20]  }
0x18c: {  	[tilespmem:s22+$0xFFFFFEC0] =	vst v3;
	v3 =	vmul.f32 v7, v4;
	v7 =	vld [tilespmem:s22+$0xFFFFFF30]  }
0x18d: {  	[tilespmem:s22+$0xFFFFFED0] =	vst v5;
	v5 =	vmul.f32 v8, v4;
	v11 =	vld [tilespmem:s22+$0xFFFFFF40]  }
0x18e: {  	[tilespmem:s22+$0xFFFFFEE0] =	vst v3;
	v3 =	vmul.f32 v9, v4;
	v9 =	vld [tilespmem:s22+$0xFFFFFF50]  }
.Ltmp3:
0x18f: {  	[tilespmem:s22+$0xFFFFFEF0] =	vst v5;
	v5 =	vmul.f32 v10, v2;
	v4 =	vld [tilespmem:s22+$0xFFFFFF60];
	(pc) =	sbr.rel @p0 .LBB2_9-.Ltmp3, $4  }
0x190: {  	[tilespmem:s22+$0xFFFFFF00] =	vst v3;
	v6 =	vmul.f32 v6, v2;
	v3 =	vld [tilespmem:s22+$0xFFFFFF70]  }
0x191: {  	s0 =	sadd.s32 $0x3, s18;
	v10 =	vmov s18;
	[tilespmem:s22+$0xFFFFFF10] =	vst v5;
	v13 =	vmul.f32 v7, v2;
	v8 =	vld [tilespmem:s22+$0xFFFFFF90]  }
0x192: {  	s5 =	sadd.s32 $0x1, s18;
	v12 =	vand.u32 $0xFFFFFFFC, v10;
	v5 =	vmov s0;
	[tilespmem:s22+$0xFFFFFF20] =	vst v6;
	v10 =	vmul.f32 v11, v2;
	v7 =	vld [tilespmem:s22+$0xFFFFFFA0]  }
0x193: {  	s0 =	sadd.s32 $0x2, s18;
	s18 =	sadd.s32 $0x4, s18;
	v6 =	vbroadcast v12, $0x0;
	v12 =	vmov s5;
	[tilespmem:s22+$0xFFFFFF30] =	vst v13;
	v11 =	vmul.f32 v9, v2;
	v9 =	vld [tilespmem:s22+$0xFFFFFFB0]  }
0x194: {  	v13 =	vld [tilespmem:s22+$0xFFFFFFC0]  }
0x195: {  	v15 =	vld [tilespmem:s22+$0xFFFFFFD0]  }
0x196: {  	v14 =	vmov s0;
	v16 =	vld [tilespmem:s22+$0xFFFFFFE0]  }
0x197: {  	v17 =	vld [tilespmem:s22+$0xFFFFFFF0];
	[tilespmem:s22+$0xFFFFFF40] =	vst v10;
	v4 =	vmul.f32 v4, v2;
	v14 =	vand.u32 $0xFFFFFFFE, v14  }
0x198: {  	v12 =	vand.u32 $0xFFFFFFFD, v12;
	v5 =	vld.idx.msk [tilespmem:v5+s25+$0x0], $0xffff;
	[tilespmem:s22+$0xFFFFFF50] =	vst v11;
	v2 =	vmul.f32 v3, v2;
	v14 =	vbroadcast v14, $0x0  }
0x199: {  	s18 =	sadd.s32 $0x200, s22;
	v12 =	vbroadcast v12, $0x0;
	v3 =	vld.idx.msk [tilespmem:v6+s25+$0x0], $0xffff;
	v8 =	vmul.f32 v8, v1;
	[tilespmem:s22+$0xFFFFFF60] =	vst v4  }
0x19a: {  	v10 =	vld [tilespmem:s18+$0xFFFFFE10];
	v4 =	vmul.f32 v7, v1;
	[tilespmem:s22+$0xFFFFFF70] =	vst v2  }
0x19b: {  	[tilespmem:s22+$0xFFFFFF90] =	vst v8;
	v8 =	vld [tilespmem:s22+$0x0];
	v2 =	vmul.f32 v9, v1  }
0x19c: {  	v11 =	vld [tilespmem:s18+$0xFFFFFE20];
	[tilespmem:s22+$0xFFFFFFA0] =	vst v4;
	v4 =	vmul.f32 v13, v1  }
0x19d: {  	v9 =	vld [tilespmem:s18+$0xFFFFFF80];
	[tilespmem:s22+$0xFFFFFFB0] =	vst v2;
	v2 =	vmul.f32 v15, v1  }
0x19e: {  	[tilespmem:s22+$0xFFFFFFC0] =	vst v4;
	v4 =	vmul.f32 v16, v1;
	v7 =	vld.idx.msk [tilespmem:v14+s25+$0x0], $0xffff  }
0x19f: {  	v6 =	vld.idx.msk [tilespmem:v12+s25+$0x0], $0xffff;
	[tilespmem:s23+$0xFFFFFFD0] =	vst v2;
	v2 =	vmul.f32 v17, v1  }
0x1a0: {  	v12 =	vld [tilespmem:s18+$0xFFFFFE30];
	[tilespmem:s23+$0xFFFFFFE0] =	vst v4;
	v1 =	vmul.f32 v8, v1  }
0x1a1: {  	v4 =	vld [tilespmem:s18+$0xFFFFFE40];
	[tilespmem:s23+$0xFFFFFFF0] =	vst v2  }
0x1a2: {  	v2 =	vld [tilespmem:s18+$0xFFFFFE50];
	[tilespmem:s23+$0x0] =	vst v1;
	v1 =	vmul.f32 v10, v3  }
0x1a3: {  	v8 =	vmul.f32 v9, v7;
	v9 =	vld [tilespmem:s18+$0xFFFFFE60]  }
0x1a4: {  	v10 =	vmul.f32 v11, v3;
	v11 =	vld [tilespmem:s18+$0xFFFFFE70];
	[tilespmem:s18+$0xFFFFFE10] =	vst v1  }
0x1a5: {  	v1 =	vmul.f32 v12, v3;
	[tilespmem:s18+$0xFFFFFF80] =	vst v8;
	v8 =	vld [tilespmem:s18+$0xFFFFFE80]  }
0x1a6: {  	[tilespmem:s18+$0xFFFFFE20] =	vst v10;
	v10 =	vld [tilespmem:s18+$0xFFFFFE90];
	v4 =	vmul.f32 v4, v3  }
0x1a7: {  	[tilespmem:s18+$0xFFFFFE30] =	vst v1;
	v1 =	vmul.f32 v2, v3;
	v2 =	vld [tilespmem:s18+$0xFFFFFEA0]  }
0x1a8: {  	[tilespmem:s18+$0xFFFFFE40] =	vst v4;
	v4 =	vmul.f32 v9, v3;
	v9 =	vld [tilespmem:s18+$0xFFFFFEB0]  }
0x1a9: {  	[tilespmem:s18+$0xFFFFFE50] =	vst v1;
	v1 =	vmul.f32 v11, v3;
	v11 =	vld [tilespmem:s18+$0xFFFFFEC0]  }
0x1aa: {  	[tilespmem:s18+$0xFFFFFE60] =	vst v4;
	v3 =	vmul.f32 v8, v3;
	v4 =	vld [tilespmem:s18+$0xFFFFFED0]  }
0x1ab: {  	[tilespmem:s18+$0xFFFFFE70] =	vst v1;
	v1 =	vmul.f32 v10, v6;
	v8 =	vld [tilespmem:s18+$0xFFFFFEE0]  }
0x1ac: {  	v2 =	vmul.f32 v2, v6;
	[tilespmem:s18+$0xFFFFFE80] =	vst v3;
	v3 =	vld [tilespmem:s18+$0xFFFFFEF0]  }
0x1ad: {  	[tilespmem:s18+$0xFFFFFE90] =	vst v1;
	v1 =	vmul.f32 v9, v6;
	v9 =	vld [tilespmem:s18+$0xFFFFFF00]  }
0x1ae: {  	v10 =	vld [tilespmem:s18+$0xFFFFFF10];
	[tilespmem:s18+$0xFFFFFEA0] =	vst v2;
	v2 =	vmul.f32 v11, v6  }
0x1af: {  	[tilespmem:s18+$0xFFFFFEB0] =	vst v1;
	v1 =	vmul.f32 v4, v6;
	v4 =	vld [tilespmem:s18+$0xFFFFFF20]  }
0x1b0: {  	[tilespmem:s18+$0xFFFFFEC0] =	vst v2;
	v2 =	vmul.f32 v8, v6;
	v8 =	vld [tilespmem:s18+$0xFFFFFF30]  }
0x1b1: {  	[tilespmem:s18+$0xFFFFFED0] =	vst v1;
	v1 =	vmul.f32 v3, v6;
	v3 =	vld [tilespmem:s18+$0xFFFFFF40]  }
0x1b2: {  	[tilespmem:s18+$0xFFFFFEE0] =	vst v2;
	v2 =	vmul.f32 v9, v6;
	v6 =	vld [tilespmem:s18+$0xFFFFFF50]  }
0x1b3: {  	v9 =	vld [tilespmem:s18+$0xFFFFFF60];
	[tilespmem:s18+$0xFFFFFEF0] =	vst v1;
	v1 =	vmul.f32 v10, v7  }
0x1b4: {  	[tilespmem:s18+$0xFFFFFF00] =	vst v2;
	v2 =	vmul.f32 v4, v7;
	v4 =	vld [tilespmem:s18+$0xFFFFFF70]  }
0x1b5: {  	[tilespmem:s18+$0xFFFFFF10] =	vst v1;
	v1 =	vmul.f32 v8, v7;
	v8 =	vld [tilespmem:s18+$0xFFFFFF90]  }
0x1b6: {  	[tilespmem:s18+$0xFFFFFF20] =	vst v2;
	v2 =	vmul.f32 v3, v7;
	v3 =	vld [tilespmem:s18+$0xFFFFFFA0]  }
0x1b7: {  	[tilespmem:s18+$0xFFFFFF30] =	vst v1;
	v1 =	vmul.f32 v6, v7;
	v6 =	vld [tilespmem:s18+$0xFFFFFFB0]  }
0x1b8: {  	[tilespmem:s18+$0xFFFFFF40] =	vst v2;
	v2 =	vmul.f32 v9, v7;
	v9 =	vld [tilespmem:s18+$0xFFFFFFC0]  }
0x1b9: {  	[tilespmem:s18+$0xFFFFFF50] =	vst v1;
	v1 =	vmul.f32 v4, v7;
	v4 =	vld [tilespmem:s18+$0xFFFFFFD0]  }
0x1ba: {  	v7 =	vld [tilespmem:s18+$0xFFFFFFE0];
	[tilespmem:s18+$0xFFFFFF60] =	vst v2;
	v2 =	vmul.f32 v8, v5  }
0x1bb: {  	[tilespmem:s18+$0xFFFFFF70] =	vst v1;
	v1 =	vmul.f32 v3, v5;
	v3 =	vld [tilespmem:s18+$0xFFFFFFF0]  }
0x1bc: {  	[tilespmem:s18+$0xFFFFFF90] =	vst v2;
	v2 =	vmul.f32 v6, v5;
	v6 =	vld [tilespmem:s18+$0x0]  }
0x1bd: {  	[tilespmem:s18+$0xFFFFFFA0] =	vst v1;
	v1 =	vmul.f32 v9, v5  }
0x1be: {  	[tilespmem:s18+$0xFFFFFFB0] =	vst v2;
	v2 =	vmul.f32 v4, v5  }
0x1bf: {  	[tilespmem:s18+$0xFFFFFFC0] =	vst v1;
	v1 =	vmul.f32 v7, v5  }
0x1c0: {  	[tilespmem:s18+$0xFFFFFFD0] =	vst v2;
	v2 =	vmul.f32 v3, v5  }
0x1c1: {  	[tilespmem:s18+$0xFFFFFFE0] =	vst v1;
	v1 =	vmul.f32 v6, v5  }
0x1c2: {  	[tilespmem:s18+$0xFFFFFFF0] =	vst v2  }
0x1c3: {  	[tilespmem:s18+$0x0] =	vst v1  }
0x1c4: {  	v1 =	vld [tilespmem:$0x16280];
	_ =	sdelay $0x2  }
0x1c5: {  	v2 =	vld [tilespmem:$0x16480];
	_ =	sdelay $0x4  }
0x1c6: {  	[tilespmem:v1+s17+$0x0] =	vst.idx.add.f32.msk $0xffff, v2  }
0x1c7: {  	v1 =	vld [tilespmem:$0x16290];
	_ =	sdelay $0x2  }
0x1c8: {  	v2 =	vld [tilespmem:$0x16490];
	_ =	sdelay $0x4  }
0x1c9: {  	[tilespmem:v1+s17+$0x0] =	vst.idx.add.f32.msk $0xffff, v2  }
0x1ca: {  	v1 =	vld [tilespmem:$0x162A0];
	_ =	sdelay $0x2  }
0x1cb: {  	v2 =	vld [tilespmem:$0x164A0];
	_ =	sdelay $0x4  }
0x1cc: {  	[tilespmem:v1+s17+$0x0] =	vst.idx.add.f32.msk $0xffff, v2  }
0x1cd: {  	v1 =	vld [tilespmem:$0x162B0];
	_ =	sdelay $0x2  }
0x1ce: {  	v2 =	vld [tilespmem:$0x164B0];
	_ =	sdelay $0x4  }
0x1cf: {  	[tilespmem:v1+s17+$0x0] =	vst.idx.add.f32.msk $0xffff, v2  }
0x1d0: {  	v1 =	vld [tilespmem:$0x162C0];
	_ =	sdelay $0x2  }
0x1d1: {  	v2 =	vld [tilespmem:$0x164C0];
	_ =	sdelay $0x4  }
0x1d2: {  	[tilespmem:v1+s17+$0x0] =	vst.idx.add.f32.msk $0xffff, v2  }
0x1d3: {  	[spmem:s4] =	stream.indirect.scatter.add.f32 [tilespmem:s28], [sflag:$0x2], $0x80, s24, s26, $0xb8;
	[tilespmem:$0x1DE00] =	vst v63  }
0x1d4: {  	_ =	swait.ge [sflag:s30], $0x2800  }
0x1d5: {  	[sflag:s30] =	ssyncset.done $0x0  }
0x1d6: {  	[sflag:s30] =	ssyncadd.s32 $0xFFFFD800  }
0x1d7: {  	_ =	swait.ge [sflag:s12], $0x50  }
0x1d8: {  	[sflag:s12] =	ssyncset.done $0x0  }
0x1d9: {  	[sflag:s12] =	ssyncadd.s32 $0xFFFFFFB0  }
0x1da: {  	_ =	swait.ge [sflag:s12], $0x50  }
0x1db: {  	[sflag:s12] =	ssyncset.done $0x0  }
0x1dc: {  	[sflag:s12] =	ssyncadd.s32 $0xFFFFFFB0  }
0x1dd: {  	_ =	swait.ge [sflag:s12], $0x50  }
0x1de: {  	[sflag:s12] =	ssyncset.done $0x0  }
0x1df: {  	s0 =	simm.s32 $0x0;
	[sflag:s12] =	ssyncadd.s32 $0xFFFFFFB0  }
0x1e0: {  	[tilespmem:s7], [sflag:$0x1] =	stream.indirect.gather [hbm4b:s1+s26], $0x80, s9, s26, $0xb8;
	[tilespmem:$0x1DE00] =	vst v63  }
0x1e1: {  	s5 =	sadd.s32 s6, s21;
	s23 =	simm.s32 $0x2;
	v1 =	vmov s0;
	_ =	swait.ge [sflag:s8], $0x2800  }
0x1e2: {  	s5 =	sshrl.u32 s5, $0x3;
	v2 =	vmov s23;
	v1 =	vand.u32 $0xFFFFFFFC, v1;
	[sflag:s8] =	ssyncset.done $0x0  }
0x1e3: {  	s21 =	sadd.s32 s15, s5;
	v2 =	vand.u32 $0xFFFFFFFE, v2;
	v1 =	vbroadcast v1, $0x0;
	[sflag:s8] =	ssyncadd.s32 $0xFFFFD800  }
0x1e4: {  	v2 =	vbroadcast v2, $0x0;
	[tilespmem:s13], [sflag:$0x3] =	stream.linear.gather [hbm4b:s21+s0], $0x50, $0x38;
	[tilespmem:$0x1DE00] =	vst v63  }
0x1e5: {  	s22 =	sadd.s32 s14, s5  }
0x1e6: {  	[tilespmem:s24], [sflag:$0x3] =	stream.linear.gather [hbm4b:s22+s0], $0x50, $0x38;
	[tilespmem:$0x1DE00] =	vst v63  }
0x1e7: {  	s5 =	sadd.s32 s3, s5  }
0x1e8: {  	[tilespmem:s25], [sflag:$0x3] =	stream.linear.gather [hbm4b:s5+s0], $0x50, $0x38;
	[tilespmem:$0x1DE00] =	vst v63  }
0x1e9: {  	v1 =	vld.idx.msk [tilespmem:v1+s16+$0x0], $0xffff  }
0x1ea: {  	s23 =	simm.s32 $0x1;
	s21 =	simm.s32 $0x1B7F0;
	v2 =	vld.idx.msk [tilespmem:v2+s16+$0x0], $0xffff  }
0x1eb: {  	v3 =	vmov s23;
	v4 =	vld [tilespmem:s21+$0xFFFFFF80]  }
0x1ec: {  	v3 =	vand.u32 $0xFFFFFFFD, v3;
	v5 =	vld [tilespmem:s21+$0xFFFFFE10]  }
0x1ed: {  	v3 =	vbroadcast v3, $0x0;
	v6 =	vld [tilespmem:s21+$0xFFFFFE20]  }
0x1ee: {  	v7 =	vld [tilespmem:s21+$0xFFFFFE30]  }
0x1ef: {  	v8 =	vld [tilespmem:s21+$0xFFFFFE40]  }
0x1f0: {  	v9 =	vld [tilespmem:s21+$0xFFFFFE50]  }
0x1f1: {  	v10 =	vld [tilespmem:s21+$0xFFFFFE60]  }
0x1f2: {  	v11 =	vld [tilespmem:s21+$0xFFFFFE70];
	v5 =	vmul.f32 v5, v1  }
0x1f3: {  	v3 =	vld.idx.msk [tilespmem:v3+s16+$0x0], $0xffff;
	v4 =	vmul.f32 v4, v2  }
0x1f4: {  	v13 =	vld [tilespmem:s21+$0xFFFFFF50];
	[tilespmem:s21+$0xFFFFFE10] =	vst v5;
	v5 =	vmul.f32 v6, v1  }
0x1f5: {  	v6 =	vld [tilespmem:s21+$0xFFFFFE80];
	[tilespmem:s21+$0xFFFFFF80] =	vst v4;
	v4 =	vmul.f32 v7, v1  }
0x1f6: {  	v7 =	vld [tilespmem:s21+$0xFFFFFE90];
	[tilespmem:s21+$0xFFFFFE20] =	vst v5;
	v5 =	vmul.f32 v8, v1  }
0x1f7: {  	v8 =	vld [tilespmem:s21+$0xFFFFFEA0];
	[tilespmem:s21+$0xFFFFFE30] =	vst v4;
	v4 =	vmul.f32 v9, v1  }
0x1f8: {  	v9 =	vld [tilespmem:s21+$0xFFFFFEB0];
	[tilespmem:s21+$0xFFFFFE40] =	vst v5;
	v5 =	vmul.f32 v10, v1  }
0x1f9: {  	v10 =	vld [tilespmem:s21+$0xFFFFFEC0];
	[tilespmem:s21+$0xFFFFFE50] =	vst v4;
	v4 =	vmul.f32 v11, v1  }
0x1fa: {  	v11 =	vld [tilespmem:s21+$0xFFFFFED0];
	v6 =	vmul.f32 v6, v1;
	[tilespmem:s21+$0xFFFFFE60] =	vst v5  }
0x1fb: {  	v5 =	vmul.f32 v7, v3;
	v7 =	vld [tilespmem:s21+$0xFFFFFEE0];
	[tilespmem:s21+$0xFFFFFE70] =	vst v4  }
0x1fc: {  	s5 =	simm.s32 $0x3;
	v4 =	vld [tilespmem:s21+$0xFFFFFEF0];
	v8 =	vmul.f32 v8, v3;
	[tilespmem:s21+$0xFFFFFE80] =	vst v6  }
0x1fd: {  	v12 =	vmov s5;
	v6 =	vld [tilespmem:s21+$0xFFFFFF00];
	[tilespmem:s21+$0xFFFFFE90] =	vst v5;
	v5 =	vmul.f32 v9, v3  }
0x1fe: {  	v9 =	vld [tilespmem:s21+$0xFFFFFF10];
	[tilespmem:s21+$0xFFFFFEA0] =	vst v8;
	v8 =	vmul.f32 v10, v3  }
0x1ff: {  	v10 =	vld [tilespmem:s21+$0xFFFFFF20];
	[tilespmem:s21+$0xFFFFFEB0] =	vst v5;
	v5 =	vmul.f32 v11, v3  }
0x200: {  	[tilespmem:s21+$0xFFFFFEC0] =	vst v8;
	v7 =	vmul.f32 v7, v3;
	v8 =	vld [tilespmem:s21+$0xFFFFFF30]  }
0x201: {  	v11 =	vld [tilespmem:s21+$0xFFFFFF40];
	v4 =	vmul.f32 v4, v3;
	[tilespmem:s21+$0xFFFFFED0] =	vst v5  }
0x202: {  	v1 =	vld.idx.msk [tilespmem:v12+s16+$0x0], $0xffff;
	v3 =	vmul.f32 v6, v3;
	[tilespmem:s21+$0xFFFFFEE0] =	vst v7  }
0x203: {  	[tilespmem:s21+$0xFFFFFEF0] =	vst v4;
	v5 =	vmul.f32 v9, v2;
	v4 =	vld [tilespmem:s21+$0xFFFFFF60]  }
0x204: {  	s18 =	simm.s32 $0x4;
	[tilespmem:s21+$0xFFFFFF00] =	vst v3;
	v6 =	vmul.f32 v10, v2;
	v3 =	vld [tilespmem:s21+$0xFFFFFF70]  }
0x205: {  	s22 =	simm.s32 $0x7;
	v7 =	vmov s18;
	[tilespmem:s21+$0xFFFFFF10] =	vst v5;
	v9 =	vmul.f32 v8, v2;
	v8 =	vld [tilespmem:s21+$0xFFFFFF90]  }
0x206: {  	s23 =	simm.s32 $0x5;
	v12 =	vand.u32 $0xFFFFFFFC, v7;
	v7 =	vld [tilespmem:s21+$0xFFFFFFA0];
	v5 =	vmov s22;
	v10 =	vmul.f32 v11, v2;
	[tilespmem:s21+$0xFFFFFF20] =	vst v6  }
0x207: {  	s0 =	simm.s32 $0x6;
	s18 =	simm.s32 $0x8;
	v11 =	vmul.f32 v13, v2;
	s22 =	simm.s32 $0x1B7F0;
	v6 =	vbroadcast v12, $0x0;
	v12 =	vmov s23;
	[tilespmem:s21+$0xFFFFFF30] =	vst v9;
	v9 =	vld [tilespmem:s21+$0xFFFFFFB0]  }
.LBB2_11:
0x208: {  	p0 =	slt.u32 s18, $0x4C;
	v12 =	vand.u32 $0xFFFFFFFD, v12;
	v13 =	vmov s0;
	[tilespmem:s21+$0xFFFFFF40] =	vst v10;
	v4 =	vmul.f32 v4, v2;
	v10 =	vld [tilespmem:s21+$0xFFFFFFC0]  }
0x209: {  	v12 =	vbroadcast v12, $0x0;
	v13 =	vand.u32 $0xFFFFFFFE, v13;
	[tilespmem:s21+$0xFFFFFF50] =	vst v11;
	v2 =	vmul.f32 v3, v2;
	v3 =	vld [tilespmem:s21+$0xFFFFFFD0]  }
0x20a: {  	v11 =	vbroadcast v13, $0x0;
	[tilespmem:s21+$0xFFFFFF60] =	vst v4;
	v4 =	vmul.f32 v8, v1;
	v8 =	vld [tilespmem:s21+$0xFFFFFFE0]  }
0x20b: {  	[tilespmem:s21+$0xFFFFFF70] =	vst v2;
	v2 =	vmul.f32 v7, v1;
	v7 =	vld [tilespmem:s21+$0xFFFFFFF0]  }
0x20c: {  	[tilespmem:s21+$0xFFFFFF90] =	vst v4;
	v4 =	vmul.f32 v9, v1;
	v9 =	vld [tilespmem:s21+$0x0]  }
0x20d: {  	v5 =	vld.idx.msk [tilespmem:v5+s16+$0x0], $0xffff;
	[tilespmem:s21+$0xFFFFFFA0] =	vst v2;
	v2 =	vmul.f32 v10, v1  }
0x20e: {  	v6 =	vld.idx.msk [tilespmem:v6+s16+$0x0], $0xffff;
	[tilespmem:s21+$0xFFFFFFB0] =	vst v4;
	v3 =	vmul.f32 v3, v1  }
0x20f: {  	v4 =	vld.idx.msk [tilespmem:v12+s16+$0x0], $0xffff;
	[tilespmem:s21+$0xFFFFFFC0] =	vst v2;
	v8 =	vmul.f32 v8, v1  }
0x210: {  	s21 =	sadd.s32 $0x200, s21;
	v2 =	vld.idx.msk [tilespmem:v11+s16+$0x0], $0xffff;
	[tilespmem:s22+$0xFFFFFFD0] =	vst v3;
	v3 =	vmul.f32 v7, v1  }
0x211: {  	v7 =	vld [tilespmem:s21+$0xFFFFFF80];
	[tilespmem:s22+$0xFFFFFFE0] =	vst v8;
	v9 =	vmul.f32 v9, v1  }
0x212: {  	v8 =	vld [tilespmem:s21+$0xFFFFFE10];
	[tilespmem:s22+$0xFFFFFFF0] =	vst v3  }
0x213: {  	v1 =	vmov v5;
	v3 =	vld [tilespmem:s21+$0xFFFFFE20];
	[tilespmem:s22+$0x0] =	vst v9;
	s22 =	smov.u32 s21  }
0x214: {  	v5 =	vld [tilespmem:s21+$0xFFFFFE30]  }
0x215: {  	v9 =	vld [tilespmem:s21+$0xFFFFFE40]  }
0x216: {  	v10 =	vld [tilespmem:s21+$0xFFFFFE50];
	v7 =	vmul.f32 v7, v2  }
0x217: {  	v8 =	vmul.f32 v8, v6;
	v11 =	vld [tilespmem:s21+$0xFFFFFE60]  }
0x218: {  	v3 =	vmul.f32 v3, v6;
	v12 =	vld [tilespmem:s21+$0xFFFFFE70];
	[tilespmem:s21+$0xFFFFFF80] =	vst v7  }
0x219: {  	[tilespmem:s21+$0xFFFFFE10] =	vst v8;
	v5 =	vmul.f32 v5, v6;
	v7 =	vld [tilespmem:s21+$0xFFFFFE80]  }
0x21a: {  	[tilespmem:s21+$0xFFFFFE20] =	vst v3;
	v3 =	vmul.f32 v9, v6;
	v8 =	vld [tilespmem:s21+$0xFFFFFE90]  }
0x21b: {  	[tilespmem:s21+$0xFFFFFE30] =	vst v5;
	v5 =	vmul.f32 v10, v6;
	v9 =	vld [tilespmem:s21+$0xFFFFFEA0]  }
0x21c: {  	[tilespmem:s21+$0xFFFFFE40] =	vst v3;
	v3 =	vmul.f32 v11, v6;
	v10 =	vld [tilespmem:s21+$0xFFFFFEB0]  }
0x21d: {  	[tilespmem:s21+$0xFFFFFE50] =	vst v5;
	v5 =	vmul.f32 v12, v6;
	v11 =	vld [tilespmem:s21+$0xFFFFFEC0]  }
0x21e: {  	[tilespmem:s21+$0xFFFFFE60] =	vst v3;
	v3 =	vmul.f32 v7, v6;
	v6 =	vld [tilespmem:s21+$0xFFFFFED0]  }
0x21f: {  	[tilespmem:s21+$0xFFFFFE70] =	vst v5;
	v5 =	vmul.f32 v8, v4;
	v7 =	vld [tilespmem:s21+$0xFFFFFEE0]  }
0x220: {  	[tilespmem:s21+$0xFFFFFE80] =	vst v3;
	v3 =	vmul.f32 v9, v4;
	v8 =	vld [tilespmem:s21+$0xFFFFFEF0]  }
0x221: {  	[tilespmem:s21+$0xFFFFFE90] =	vst v5;
	v5 =	vmul.f32 v10, v4;
	v9 =	vld [tilespmem:s21+$0xFFFFFF00]  }
0x222: {  	[tilespmem:s21+$0xFFFFFEA0] =	vst v3;
	v3 =	vmul.f32 v11, v4;
	v10 =	vld [tilespmem:s21+$0xFFFFFF10]  }
0x223: {  	[tilespmem:s21+$0xFFFFFEB0] =	vst v5;
	v5 =	vmul.f32 v6, v4;
	v6 =	vld [tilespmem:s21+$0xFFFFFF20]  }
0x224: {  	[tilespmem:s21+$0xFFFFFEC0] =	vst v3;
	v3 =	vmul.f32 v7, v4;
	v7 =	vld [tilespmem:s21+$0xFFFFFF30]  }
0x225: {  	[tilespmem:s21+$0xFFFFFED0] =	vst v5;
	v5 =	vmul.f32 v8, v4;
	v11 =	vld [tilespmem:s21+$0xFFFFFF40]  }
0x226: {  	[tilespmem:s21+$0xFFFFFEE0] =	vst v3;
	v3 =	vmul.f32 v9, v4;
	v9 =	vld [tilespmem:s21+$0xFFFFFF50]  }
.Ltmp4:
0x227: {  	[tilespmem:s21+$0xFFFFFEF0] =	vst v5;
	v5 =	vmul.f32 v10, v2;
	v4 =	vld [tilespmem:s21+$0xFFFFFF60];
	(pc) =	sbr.rel @p0 .LBB2_11-.Ltmp4, $4  }
0x228: {  	[tilespmem:s21+$0xFFFFFF00] =	vst v3;
	v6 =	vmul.f32 v6, v2;
	v3 =	vld [tilespmem:s21+$0xFFFFFF70]  }
0x229: {  	s0 =	sadd.s32 $0x3, s18;
	v10 =	vmov s18;
	[tilespmem:s21+$0xFFFFFF10] =	vst v5;
	v13 =	vmul.f32 v7, v2;
	v8 =	vld [tilespmem:s21+$0xFFFFFF90]  }
0x22a: {  	s5 =	sadd.s32 $0x1, s18;
	v12 =	vand.u32 $0xFFFFFFFC, v10;
	v5 =	vmov s0;
	[tilespmem:s21+$0xFFFFFF20] =	vst v6;
	v10 =	vmul.f32 v11, v2;
	v7 =	vld [tilespmem:s21+$0xFFFFFFA0]  }
0x22b: {  	s0 =	sadd.s32 $0x2, s18;
	s18 =	sadd.s32 $0x4, s18;
	v6 =	vbroadcast v12, $0x0;
	v12 =	vmov s5;
	[tilespmem:s21+$0xFFFFFF30] =	vst v13;
	v11 =	vmul.f32 v9, v2;
	v9 =	vld [tilespmem:s21+$0xFFFFFFB0]  }
0x22c: {  	v13 =	vld [tilespmem:s21+$0xFFFFFFC0]  }
0x22d: {  	v15 =	vld [tilespmem:s21+$0xFFFFFFD0]  }
0x22e: {  	v16 =	vld [tilespmem:s21+$0xFFFFFFE0]  }
0x22f: {  	v17 =	vld [tilespmem:s21+$0xFFFFFFF0]  }
0x230: {  	v29 =	vld [tilespmem:s21+$0x0];
	[tilespmem:s21+$0xFFFFFF40] =	vst v10;
	v4 =	vmul.f32 v4, v2  }
0x231: {  	v5 =	vld.idx.msk [tilespmem:v5+s16+$0x0], $0xffff;
	[tilespmem:s21+$0xFFFFFF50] =	vst v11;
	v2 =	vmul.f32 v3, v2  }
0x232: {  	s18 =	sadd.s32 $0x200, s21;
	v3 =	vld.idx.msk [tilespmem:v6+s16+$0x0], $0xffff;
	v8 =	vmul.f32 v8, v1;
	[tilespmem:s21+$0xFFFFFF60] =	vst v4  }
0x233: {  	v14 =	vmov s0;
	v34 =	vld [tilespmem:s18+$0xFFFFFF80];
	v30 =	vmul.f32 v7, v1;
	[tilespmem:s21+$0xFFFFFF70] =	vst v2  }
0x234: {  	v14 =	vand.u32 $0xFFFFFFFE, v14;
	v35 =	vld [tilespmem:s18+$0xFFFFFE10];
	[tilespmem:s21+$0xFFFFFF90] =	vst v8;
	v2 =	vmul.f32 v9, v1  }
0x235: {  	v37 =	vld [tilespmem:s18+$0xFFFFFE20];
	v14 =	vbroadcast v14, $0x0;
	[tilespmem:s21+$0xFFFFFFA0] =	vst v30;
	v33 =	vmul.f32 v13, v1  }
0x236: {  	v38 =	vld [tilespmem:s18+$0xFFFFFE30];
	[tilespmem:s21+$0xFFFFFFB0] =	vst v2;
	v2 =	vmul.f32 v15, v1  }
0x237: {  	v12 =	vand.u32 $0xFFFFFFFD, v12;
	v39 =	vld [tilespmem:s18+$0xFFFFFE40];
	v36 =	vmul.f32 v16, v1;
	[tilespmem:s21+$0xFFFFFFC0] =	vst v33  }
0x238: {  	v12 =	vbroadcast v12, $0x0;
	v41 =	vld [tilespmem:s18+$0xFFFFFE60];
	[tilespmem:s22+$0xFFFFFFD0] =	vst v2;
	v2 =	vmul.f32 v17, v1  }
0x239: {  	v43 =	vld [tilespmem:s18+$0xFFFFFE70];
	[tilespmem:s22+$0xFFFFFFE0] =	vst v36;
	v1 =	vmul.f32 v29, v1  }
0x23a: {  	v42 =	vmul.f32 v37, v3;
	[tilespmem:s22+$0xFFFFFFF0] =	vst v2;
	v2 =	vld [tilespmem:s18+$0xFFFFFE50]  }
0x23b: {  	v32 =	vld.idx.msk [tilespmem:v14+s16+$0x0], $0xffff;
	[tilespmem:s22+$0x0] =	vst v1;
	v1 =	vmul.f32 v35, v3  }
0x23c: {  	v44 =	vld [tilespmem:s18+$0xFFFFFE80];
	v4 =	vmul.f32 v39, v3;
	[tilespmem:s18+$0xFFFFFE20] =	vst v42  }
0x23d: {  	v45 =	vld [tilespmem:s18+$0xFFFFFE90];
	[tilespmem:s18+$0xFFFFFE10] =	vst v1;
	v1 =	vmul.f32 v38, v3  }
0x23e: {  	v46 =	vmul.f32 v41, v3;
	v31 =	vld.idx.msk [tilespmem:v12+s16+$0x0], $0xffff;
	[tilespmem:s18+$0xFFFFFE40] =	vst v4  }
0x23f: {  	[tilespmem:s18+$0xFFFFFE30] =	vst v1;
	v1 =	vmul.f32 v2, v3;
	v2 =	vld [tilespmem:s18+$0xFFFFFEA0]  }
0x240: {  	v47 =	vld [tilespmem:s18+$0xFFFFFEB0];
	[tilespmem:s18+$0xFFFFFE60] =	vst v46;
	v40 =	vmul.f32 v34, v32  }
0x241: {  	v48 =	vld [tilespmem:s18+$0xFFFFFEC0];
	[tilespmem:s18+$0xFFFFFE50] =	vst v1;
	v1 =	vmul.f32 v43, v3  }
0x242: {  	v49 =	vld [tilespmem:s18+$0xFFFFFED0];
	[tilespmem:s18+$0xFFFFFF80] =	vst v40;
	v3 =	vmul.f32 v44, v3  }
0x243: {  	v50 =	vld [tilespmem:s18+$0xFFFFFEE0];
	[tilespmem:s18+$0xFFFFFE70] =	vst v1;
	v1 =	vmul.f32 v45, v31  }
0x244: {  	[tilespmem:s18+$0xFFFFFE80] =	vst v3;
	v3 =	vld [tilespmem:s18+$0xFFFFFEF0];
	v2 =	vmul.f32 v2, v31  }
0x245: {  	v51 =	vld [tilespmem:s18+$0xFFFFFF00];
	[tilespmem:s18+$0xFFFFFE90] =	vst v1;
	v1 =	vmul.f32 v47, v31  }
0x246: {  	v52 =	vld [tilespmem:s18+$0xFFFFFF10];
	[tilespmem:s18+$0xFFFFFEA0] =	vst v2;
	v2 =	vmul.f32 v48, v31  }
0x247: {  	v53 =	vld [tilespmem:s18+$0xFFFFFF20];
	[tilespmem:s18+$0xFFFFFEB0] =	vst v1;
	v1 =	vmul.f32 v49, v31  }
0x248: {  	v54 =	vld [tilespmem:s18+$0xFFFFFF30];
	[tilespmem:s18+$0xFFFFFEC0] =	vst v2;
	v2 =	vmul.f32 v50, v31  }
0x249: {  	[tilespmem:s18+$0xFFFFFED0] =	vst v1;
	v1 =	vmul.f32 v3, v31;
	v3 =	vld [tilespmem:s18+$0xFFFFFF40]  }
0x24a: {  	v55 =	vld [tilespmem:s18+$0xFFFFFF50];
	[tilespmem:s18+$0xFFFFFEE0] =	vst v2;
	v2 =	vmul.f32 v51, v31  }
0x24b: {  	v56 =	vld [tilespmem:s18+$0xFFFFFF60];
	[tilespmem:s18+$0xFFFFFEF0] =	vst v1;
	v1 =	vmul.f32 v52, v32  }
0x24c: {  	v57 =	vld [tilespmem:s18+$0xFFFFFF70];
	[tilespmem:s18+$0xFFFFFF00] =	vst v2;
	v2 =	vmul.f32 v53, v32  }
0x24d: {  	v58 =	vld [tilespmem:s18+$0xFFFFFF90];
	[tilespmem:s18+$0xFFFFFF10] =	vst v1;
	v1 =	vmul.f32 v54, v32  }
0x24e: {  	[tilespmem:s18+$0xFFFFFF20] =	vst v2;
	v2 =	vmul.f32 v3, v32;
	v3 =	vld [tilespmem:s18+$0xFFFFFFA0]  }
0x24f: {  	v59 =	vld [tilespmem:s18+$0xFFFFFFB0];
	[tilespmem:s18+$0xFFFFFF30] =	vst v1;
	v1 =	vmul.f32 v55, v32  }
0x250: {  	v60 =	vld [tilespmem:s18+$0xFFFFFFC0];
	[tilespmem:s18+$0xFFFFFF40] =	vst v2;
	v2 =	vmul.f32 v56, v32  }
0x251: {  	v61 =	vld [tilespmem:s18+$0xFFFFFFD0];
	[tilespmem:s18+$0xFFFFFF50] =	vst v1;
	v1 =	vmul.f32 v57, v32  }
0x252: {  	v62 =	vld [tilespmem:s18+$0xFFFFFFE0];
	[tilespmem:s18+$0xFFFFFF60] =	vst v2;
	v2 =	vmul.f32 v58, v5  }
0x253: {  	[tilespmem:s18+$0xFFFFFF70] =	vst v1;
	v1 =	vmul.f32 v3, v5;
	v3 =	vld [tilespmem:s18+$0xFFFFFFF0]  }
0x254: {  	v63 =	vld [tilespmem:s18+$0x0];
	[tilespmem:s18+$0xFFFFFF90] =	vst v2;
	v2 =	vmul.f32 v59, v5  }
0x255: {  	[tilespmem:s18+$0xFFFFFFA0] =	vst v1;
	v1 =	vmul.f32 v60, v5  }
0x256: {  	[tilespmem:s18+$0xFFFFFFB0] =	vst v2;
	v2 =	vmul.f32 v61, v5  }
0x257: {  	[tilespmem:s18+$0xFFFFFFC0] =	vst v1;
	v1 =	vmul.f32 v62, v5  }
0x258: {  	[tilespmem:s18+$0xFFFFFFD0] =	vst v2;
	v2 =	vmul.f32 v3, v5  }
0x259: {  	[tilespmem:s18+$0xFFFFFFE0] =	vst v1;
	v1 =	vmul.f32 v63, v5  }
0x25a: {  	[tilespmem:s18+$0xFFFFFFF0] =	vst v2  }
0x25b: {  	[tilespmem:s18+$0x0] =	vst v1  }
0x25c: {  	v1 =	vld [tilespmem:$0x16300];
	_ =	sdelay $0x2  }
0x25d: {  	v2 =	vld [tilespmem:$0x16500];
	_ =	sdelay $0x4  }
0x25e: {  	[tilespmem:v1+s17+$0x0] =	vst.idx.add.f32.msk $0xffff, v2  }
0x25f: {  	v1 =	vld [tilespmem:$0x16310];
	_ =	sdelay $0x2  }
0x260: {  	v2 =	vld [tilespmem:$0x16510];
	_ =	sdelay $0x4  }
0x261: {  	[tilespmem:v1+s17+$0x0] =	vst.idx.add.f32.msk $0xffff, v2  }
0x262: {  	v1 =	vld [tilespmem:$0x16320];
	_ =	sdelay $0x2  }
0x263: {  	v2 =	vld [tilespmem:$0x16520];
	_ =	sdelay $0x4  }
0x264: {  	[tilespmem:v1+s17+$0x0] =	vst.idx.add.f32.msk $0xffff, v2  }
0x265: {  	v1 =	vld [tilespmem:$0x16330];
	_ =	sdelay $0x2  }
0x266: {  	v2 =	vld [tilespmem:$0x16530];
	_ =	sdelay $0x4  }
0x267: {  	[tilespmem:v1+s17+$0x0] =	vst.idx.add.f32.msk $0xffff, v2  }
0x268: {  	v1 =	vld [tilespmem:$0x16340];
	_ =	sdelay $0x2  }
0x269: {  	s20 =	sadd.s32 $0x1, s20;
	v2 =	vld [tilespmem:$0x16540]  }
0x26a: {  	p0 =	sne.s32 s20, $0x29  }
.Ltmp5:
0x26b: {  	_ = 	snop;
	(pc) =	sbr.rel @p0 .LBB2_6-.Ltmp5, $3  }
0x26c: {  	_ =	sdelay $0x1  }
0x26d: {  	[tilespmem:v1+s17+$0x0] =	vst.idx.add.f32.msk $0xffff, v2  }
0x26e: {  	[spmem:s4] =	stream.indirect.scatter.add.f32 [tilespmem:s29], [sflag:$0x2], $0x80, s2, s26, $0xb8;
	[tilespmem:$0x1DE00] =	vst v63  }
0x26f: {  	_ =	swait.ge [sflag:s30], $0x2800  }
0x270: {  	[sflag:s30] =	ssyncset.done $0x0  }
0x271: {  	[sflag:s30] =	ssyncadd.s32 $0xFFFFD800  }
0x272: {  	_ =	swait.ge [sflag:s12], $0x50  }
0x273: {  	[sflag:s12] =	ssyncset.done $0x0  }
0x274: {  	[sflag:s12] =	ssyncadd.s32 $0xFFFFFFB0  }
0x275: {  	_ =	swait.ge [sflag:s12], $0x50  }
0x276: {  	s0 =	simm.s32 $0x0;
	[sflag:s12] =	ssyncset.done $0x0  }
0x277: {  	s19 =	simm.s32 $0x2;
	v1 =	vmov s0;
	[sflag:s12] =	ssyncadd.s32 $0xFFFFFFB0  }
0x278: {  	v2 =	vmov s19;
	v1 =	vand.u32 $0xFFFFFFFC, v1;
	_ =	swait.ge [sflag:s12], $0x50  }
0x279: {  	v2 =	vand.u32 $0xFFFFFFFE, v2;
	v1 =	vbroadcast v1, $0x0;
	[sflag:s12] =	ssyncset.done $0x0  }
0x27a: {  	v2 =	vbroadcast v2, $0x0;
	[sflag:s12] =	ssyncadd.s32 $0xFFFFFFB0  }
0x27b: {  	[tilespmem:s28], [sflag:$0x1] =	stream.indirect.gather [hbm4b:s1+s26], $0x80, s13, s26, $0xb8;
	[tilespmem:$0x1DE00] =	vst v63  }
0x27c: {  	_ =	swait.ge [sflag:s8], $0x2800  }
0x27d: {  	[sflag:s8] =	ssyncset.done $0x0  }
0x27e: {  	[sflag:s8] =	ssyncadd.s32 $0xFFFFD800  }
0x27f: {  	v1 =	vld.idx.msk [tilespmem:v1+s11+$0x0], $0xffff  }
0x280: {  	s20 =	simm.s32 $0x1;
	s19 =	simm.s32 $0x16700;
	v2 =	vld.idx.msk [tilespmem:v2+s11+$0x0], $0xffff  }
0x281: {  	v3 =	vmov s20;
	v4 =	vld [tilespmem:s19+$0x70]  }
0x282: {  	v3 =	vand.u32 $0xFFFFFFFD, v3;
	v5 =	vld [tilespmem:s19+$0xFFFFFF00]  }
0x283: {  	v3 =	vbroadcast v3, $0x0;
	v6 =	vld [tilespmem:s19+$0xFFFFFF10]  }
0x284: {  	v7 =	vld [tilespmem:s19+$0xFFFFFF20]  }
0x285: {  	v8 =	vld [tilespmem:s19+$0xFFFFFF30]  }
0x286: {  	v9 =	vld [tilespmem:s19+$0xFFFFFF40]  }
0x287: {  	v10 =	vld [tilespmem:s19+$0xFFFFFF50]  }
0x288: {  	v11 =	vld [tilespmem:s19+$0xFFFFFF60];
	v5 =	vmul.f32 v5, v1  }
0x289: {  	v3 =	vld.idx.msk [tilespmem:v3+s11+$0x0], $0xffff;
	v4 =	vmul.f32 v4, v2  }
0x28a: {  	v13 =	vld [tilespmem:s19+$0x40];
	[tilespmem:s19+$0xFFFFFF00] =	vst v5;
	v5 =	vmul.f32 v6, v1  }
0x28b: {  	v6 =	vld [tilespmem:s19+$0xFFFFFF70];
	[tilespmem:s19+$0x70] =	vst v4;
	v4 =	vmul.f32 v7, v1  }
0x28c: {  	v7 =	vld [tilespmem:s19+$0xFFFFFF80];
	[tilespmem:s19+$0xFFFFFF10] =	vst v5;
	v5 =	vmul.f32 v8, v1  }
0x28d: {  	v8 =	vld [tilespmem:s19+$0xFFFFFF90];
	[tilespmem:s19+$0xFFFFFF20] =	vst v4;
	v4 =	vmul.f32 v9, v1  }
0x28e: {  	v9 =	vld [tilespmem:s19+$0xFFFFFFA0];
	[tilespmem:s19+$0xFFFFFF30] =	vst v5;
	v5 =	vmul.f32 v10, v1  }
0x28f: {  	v10 =	vld [tilespmem:s19+$0xFFFFFFB0];
	[tilespmem:s19+$0xFFFFFF40] =	vst v4;
	v4 =	vmul.f32 v11, v1  }
0x290: {  	v11 =	vld [tilespmem:s19+$0xFFFFFFC0];
	v6 =	vmul.f32 v6, v1;
	[tilespmem:s19+$0xFFFFFF50] =	vst v5  }
0x291: {  	v5 =	vmul.f32 v7, v3;
	v7 =	vld [tilespmem:s19+$0xFFFFFFD0];
	[tilespmem:s19+$0xFFFFFF60] =	vst v4  }
0x292: {  	s21 =	simm.s32 $0x3;
	v4 =	vld [tilespmem:s19+$0xFFFFFFE0];
	v8 =	vmul.f32 v8, v3;
	[tilespmem:s19+$0xFFFFFF70] =	vst v6  }
0x293: {  	v12 =	vmov s21;
	v6 =	vld [tilespmem:s19+$0xFFFFFFF0];
	[tilespmem:s19+$0xFFFFFF80] =	vst v5;
	v5 =	vmul.f32 v9, v3  }
0x294: {  	v9 =	vld [tilespmem:s19+$0x0];
	[tilespmem:s19+$0xFFFFFF90] =	vst v8;
	v8 =	vmul.f32 v10, v3  }
0x295: {  	v10 =	vld [tilespmem:s19+$0x10];
	[tilespmem:s19+$0xFFFFFFA0] =	vst v5;
	v5 =	vmul.f32 v11, v3  }
0x296: {  	[tilespmem:s19+$0xFFFFFFB0] =	vst v8;
	v7 =	vmul.f32 v7, v3;
	v8 =	vld [tilespmem:s19+$0x20]  }
0x297: {  	v11 =	vld [tilespmem:s19+$0x30];
	v4 =	vmul.f32 v4, v3;
	[tilespmem:s19+$0xFFFFFFC0] =	vst v5  }
0x298: {  	v1 =	vld.idx.msk [tilespmem:v12+s11+$0x0], $0xffff;
	v3 =	vmul.f32 v6, v3;
	[tilespmem:s19+$0xFFFFFFD0] =	vst v7  }
0x299: {  	[tilespmem:s19+$0xFFFFFFE0] =	vst v4;
	v5 =	vmul.f32 v9, v2;
	v4 =	vld [tilespmem:s19+$0x50]  }
0x29a: {  	s22 =	simm.s32 $0x4;
	[tilespmem:s19+$0xFFFFFFF0] =	vst v3;
	v6 =	vmul.f32 v10, v2;
	v3 =	vld [tilespmem:s19+$0x60]  }
0x29b: {  	s23 =	simm.s32 $0x7;
	v7 =	vmov s22;
	[tilespmem:s19+$0x0] =	vst v5;
	v9 =	vmul.f32 v8, v2;
	v8 =	vld [tilespmem:s19+$0x80]  }
0x29c: {  	s5 =	simm.s32 $0x5;
	v12 =	vand.u32 $0xFFFFFFFC, v7;
	v7 =	vld [tilespmem:s19+$0x90];
	v5 =	vmov s23;
	v10 =	vmul.f32 v11, v2;
	[tilespmem:s19+$0x10] =	vst v6  }
0x29d: {  	s18 =	simm.s32 $0x8;
	s0 =	simm.s32 $0x6;
	s20 =	simm.s32 $0x16700;
	v11 =	vmul.f32 v13, v2;
	v6 =	vbroadcast v12, $0x0;
	v12 =	vmov s5;
	[tilespmem:s19+$0x20] =	vst v9;
	v9 =	vld [tilespmem:s19+$0xA0]  }
.LBB2_14:
0x29e: {  	p0 =	slt.u32 s18, $0x4C;
	v12 =	vand.u32 $0xFFFFFFFD, v12;
	v13 =	vmov s0;
	[tilespmem:s19+$0x30] =	vst v10;
	v4 =	vmul.f32 v4, v2;
	v10 =	vld [tilespmem:s19+$0xB0]  }
0x29f: {  	v12 =	vbroadcast v12, $0x0;
	v13 =	vand.u32 $0xFFFFFFFE, v13;
	[tilespmem:s19+$0x40] =	vst v11;
	v2 =	vmul.f32 v3, v2;
	v3 =	vld [tilespmem:s19+$0xC0]  }
0x2a0: {  	v11 =	vbroadcast v13, $0x0;
	[tilespmem:s19+$0x50] =	vst v4;
	v4 =	vmul.f32 v8, v1;
	v8 =	vld [tilespmem:s19+$0xD0]  }
0x2a1: {  	[tilespmem:s19+$0x60] =	vst v2;
	v2 =	vmul.f32 v7, v1;
	v7 =	vld [tilespmem:s19+$0xE0]  }
0x2a2: {  	[tilespmem:s19+$0x80] =	vst v4;
	v4 =	vmul.f32 v9, v1;
	v9 =	vld [tilespmem:s19+$0xF0]  }
0x2a3: {  	v5 =	vld.idx.msk [tilespmem:v5+s11+$0x0], $0xffff;
	[tilespmem:s19+$0x90] =	vst v2;
	v2 =	vmul.f32 v10, v1  }
0x2a4: {  	v6 =	vld.idx.msk [tilespmem:v6+s11+$0x0], $0xffff;
	[tilespmem:s19+$0xA0] =	vst v4;
	v3 =	vmul.f32 v3, v1  }
0x2a5: {  	v4 =	vld.idx.msk [tilespmem:v12+s11+$0x0], $0xffff;
	[tilespmem:s19+$0xB0] =	vst v2;
	v8 =	vmul.f32 v8, v1  }
0x2a6: {  	s19 =	sadd.s32 $0x200, s19;
	v2 =	vld.idx.msk [tilespmem:v11+s11+$0x0], $0xffff;
	[tilespmem:s20+$0xC0] =	vst v3;
	v3 =	vmul.f32 v7, v1  }
0x2a7: {  	v7 =	vld [tilespmem:s19+$0x70];
	[tilespmem:s20+$0xD0] =	vst v8;
	v9 =	vmul.f32 v9, v1  }
0x2a8: {  	v8 =	vld [tilespmem:s19+$0xFFFFFF00];
	[tilespmem:s20+$0xE0] =	vst v3  }
0x2a9: {  	v1 =	vmov v5;
	v3 =	vld [tilespmem:s19+$0xFFFFFF10];
	[tilespmem:s20+$0xF0] =	vst v9;
	s20 =	smov.u32 s19  }
0x2aa: {  	v5 =	vld [tilespmem:s19+$0xFFFFFF20]  }
0x2ab: {  	v9 =	vld [tilespmem:s19+$0xFFFFFF30]  }
0x2ac: {  	v10 =	vld [tilespmem:s19+$0xFFFFFF40];
	v7 =	vmul.f32 v7, v2  }
0x2ad: {  	v8 =	vmul.f32 v8, v6;
	v11 =	vld [tilespmem:s19+$0xFFFFFF50]  }
0x2ae: {  	v3 =	vmul.f32 v3, v6;
	v12 =	vld [tilespmem:s19+$0xFFFFFF60];
	[tilespmem:s19+$0x70] =	vst v7  }
0x2af: {  	[tilespmem:s19+$0xFFFFFF00] =	vst v8;
	v5 =	vmul.f32 v5, v6;
	v7 =	vld [tilespmem:s19+$0xFFFFFF70]  }
0x2b0: {  	[tilespmem:s19+$0xFFFFFF10] =	vst v3;
	v3 =	vmul.f32 v9, v6;
	v8 =	vld [tilespmem:s19+$0xFFFFFF80]  }
0x2b1: {  	[tilespmem:s19+$0xFFFFFF20] =	vst v5;
	v5 =	vmul.f32 v10, v6;
	v9 =	vld [tilespmem:s19+$0xFFFFFF90]  }
0x2b2: {  	[tilespmem:s19+$0xFFFFFF30] =	vst v3;
	v3 =	vmul.f32 v11, v6;
	v10 =	vld [tilespmem:s19+$0xFFFFFFA0]  }
0x2b3: {  	[tilespmem:s19+$0xFFFFFF40] =	vst v5;
	v5 =	vmul.f32 v12, v6;
	v11 =	vld [tilespmem:s19+$0xFFFFFFB0]  }
0x2b4: {  	[tilespmem:s19+$0xFFFFFF50] =	vst v3;
	v3 =	vmul.f32 v7, v6;
	v6 =	vld [tilespmem:s19+$0xFFFFFFC0]  }
0x2b5: {  	[tilespmem:s19+$0xFFFFFF60] =	vst v5;
	v5 =	vmul.f32 v8, v4;
	v7 =	vld [tilespmem:s19+$0xFFFFFFD0]  }
0x2b6: {  	[tilespmem:s19+$0xFFFFFF70] =	vst v3;
	v3 =	vmul.f32 v9, v4;
	v8 =	vld [tilespmem:s19+$0xFFFFFFE0]  }
0x2b7: {  	[tilespmem:s19+$0xFFFFFF80] =	vst v5;
	v5 =	vmul.f32 v10, v4;
	v9 =	vld [tilespmem:s19+$0xFFFFFFF0]  }
0x2b8: {  	[tilespmem:s19+$0xFFFFFF90] =	vst v3;
	v3 =	vmul.f32 v11, v4;
	v10 =	vld [tilespmem:s19+$0x0]  }
0x2b9: {  	[tilespmem:s19+$0xFFFFFFA0] =	vst v5;
	v5 =	vmul.f32 v6, v4;
	v6 =	vld [tilespmem:s19+$0x10]  }
0x2ba: {  	[tilespmem:s19+$0xFFFFFFB0] =	vst v3;
	v3 =	vmul.f32 v7, v4;
	v7 =	vld [tilespmem:s19+$0x20]  }
0x2bb: {  	[tilespmem:s19+$0xFFFFFFC0] =	vst v5;
	v5 =	vmul.f32 v8, v4;
	v11 =	vld [tilespmem:s19+$0x30]  }
0x2bc: {  	[tilespmem:s19+$0xFFFFFFD0] =	vst v3;
	v3 =	vmul.f32 v9, v4;
	v9 =	vld [tilespmem:s19+$0x40]  }
.Ltmp6:
0x2bd: {  	[tilespmem:s19+$0xFFFFFFE0] =	vst v5;
	v5 =	vmul.f32 v10, v2;
	v4 =	vld [tilespmem:s19+$0x50];
	(pc) =	sbr.rel @p0 .LBB2_14-.Ltmp6, $4  }
0x2be: {  	[tilespmem:s19+$0xFFFFFFF0] =	vst v3;
	v6 =	vmul.f32 v6, v2;
	v3 =	vld [tilespmem:s19+$0x60]  }
0x2bf: {  	s0 =	sadd.s32 $0x3, s18;
	v10 =	vmov s18;
	[tilespmem:s19+$0x0] =	vst v5;
	v13 =	vmul.f32 v7, v2;
	v8 =	vld [tilespmem:s19+$0x80]  }
0x2c0: {  	s5 =	sadd.s32 $0x1, s18;
	v12 =	vand.u32 $0xFFFFFFFC, v10;
	v5 =	vmov s0;
	[tilespmem:s19+$0x10] =	vst v6;
	v10 =	vmul.f32 v11, v2;
	v7 =	vld [tilespmem:s19+$0x90]  }
0x2c1: {  	s0 =	sadd.s32 $0x2, s18;
	s18 =	sadd.s32 $0x4, s18;
	v6 =	vbroadcast v12, $0x0;
	v12 =	vmov s5;
	[tilespmem:s19+$0x20] =	vst v13;
	v11 =	vmul.f32 v9, v2;
	v9 =	vld [tilespmem:s19+$0xA0]  }
0x2c2: {  	v13 =	vld [tilespmem:s19+$0xB0]  }
0x2c3: {  	v15 =	vld [tilespmem:s19+$0xC0]  }
0x2c4: {  	v14 =	vmov s0;
	v16 =	vld [tilespmem:s19+$0xD0]  }
0x2c5: {  	v17 =	vld [tilespmem:s19+$0xE0];
	[tilespmem:s19+$0x30] =	vst v10;
	v4 =	vmul.f32 v4, v2;
	v14 =	vand.u32 $0xFFFFFFFE, v14  }
0x2c6: {  	v12 =	vand.u32 $0xFFFFFFFD, v12;
	v5 =	vld.idx.msk [tilespmem:v5+s11+$0x0], $0xffff;
	[tilespmem:s19+$0x40] =	vst v11;
	v2 =	vmul.f32 v3, v2;
	v14 =	vbroadcast v14, $0x0  }
0x2c7: {  	s18 =	sadd.s32 $0x200, s19;
	v12 =	vbroadcast v12, $0x0;
	v3 =	vld.idx.msk [tilespmem:v6+s11+$0x0], $0xffff;
	v8 =	vmul.f32 v8, v1;
	[tilespmem:s19+$0x50] =	vst v4  }
0x2c8: {  	v10 =	vld [tilespmem:s18+$0xFFFFFF00];
	v4 =	vmul.f32 v7, v1;
	[tilespmem:s19+$0x60] =	vst v2  }
0x2c9: {  	[tilespmem:s19+$0x80] =	vst v8;
	v8 =	vld [tilespmem:s19+$0xF0];
	v2 =	vmul.f32 v9, v1  }
0x2ca: {  	v11 =	vld [tilespmem:s18+$0xFFFFFF10];
	[tilespmem:s19+$0x90] =	vst v4;
	v4 =	vmul.f32 v13, v1  }
0x2cb: {  	v9 =	vld [tilespmem:s18+$0x70];
	[tilespmem:s19+$0xA0] =	vst v2;
	v2 =	vmul.f32 v15, v1  }
0x2cc: {  	[tilespmem:s19+$0xB0] =	vst v4;
	v4 =	vmul.f32 v16, v1;
	v7 =	vld.idx.msk [tilespmem:v14+s11+$0x0], $0xffff  }
0x2cd: {  	v6 =	vld.idx.msk [tilespmem:v12+s11+$0x0], $0xffff;
	[tilespmem:s20+$0xC0] =	vst v2;
	v2 =	vmul.f32 v17, v1  }
0x2ce: {  	v12 =	vld [tilespmem:s18+$0xFFFFFF20];
	[tilespmem:s20+$0xD0] =	vst v4;
	v1 =	vmul.f32 v8, v1  }
0x2cf: {  	v4 =	vld [tilespmem:s18+$0xFFFFFF30];
	[tilespmem:s20+$0xE0] =	vst v2  }
0x2d0: {  	v2 =	vld [tilespmem:s18+$0xFFFFFF40];
	[tilespmem:s20+$0xF0] =	vst v1;
	v1 =	vmul.f32 v10, v3  }
0x2d1: {  	v8 =	vmul.f32 v9, v7;
	v9 =	vld [tilespmem:s18+$0xFFFFFF50]  }
0x2d2: {  	v10 =	vmul.f32 v11, v3;
	v11 =	vld [tilespmem:s18+$0xFFFFFF60];
	[tilespmem:s18+$0xFFFFFF00] =	vst v1  }
0x2d3: {  	v1 =	vmul.f32 v12, v3;
	[tilespmem:s18+$0x70] =	vst v8;
	v8 =	vld [tilespmem:s18+$0xFFFFFF70]  }
0x2d4: {  	[tilespmem:s18+$0xFFFFFF10] =	vst v10;
	v10 =	vld [tilespmem:s18+$0xFFFFFF80];
	v4 =	vmul.f32 v4, v3  }
0x2d5: {  	[tilespmem:s18+$0xFFFFFF20] =	vst v1;
	v1 =	vmul.f32 v2, v3;
	v2 =	vld [tilespmem:s18+$0xFFFFFF90]  }
0x2d6: {  	[tilespmem:s18+$0xFFFFFF30] =	vst v4;
	v4 =	vmul.f32 v9, v3;
	v9 =	vld [tilespmem:s18+$0xFFFFFFA0]  }
0x2d7: {  	[tilespmem:s18+$0xFFFFFF40] =	vst v1;
	v1 =	vmul.f32 v11, v3;
	v11 =	vld [tilespmem:s18+$0xFFFFFFB0]  }
0x2d8: {  	[tilespmem:s18+$0xFFFFFF50] =	vst v4;
	v3 =	vmul.f32 v8, v3;
	v4 =	vld [tilespmem:s18+$0xFFFFFFC0]  }
0x2d9: {  	[tilespmem:s18+$0xFFFFFF60] =	vst v1;
	v1 =	vmul.f32 v10, v6;
	v8 =	vld [tilespmem:s18+$0xFFFFFFD0]  }
0x2da: {  	v2 =	vmul.f32 v2, v6;
	[tilespmem:s18+$0xFFFFFF70] =	vst v3;
	v3 =	vld [tilespmem:s18+$0xFFFFFFE0]  }
0x2db: {  	[tilespmem:s18+$0xFFFFFF80] =	vst v1;
	v1 =	vmul.f32 v9, v6;
	v9 =	vld [tilespmem:s18+$0xFFFFFFF0]  }
0x2dc: {  	v10 =	vld [tilespmem:s18+$0x0];
	[tilespmem:s18+$0xFFFFFF90] =	vst v2;
	v2 =	vmul.f32 v11, v6  }
0x2dd: {  	[tilespmem:s18+$0xFFFFFFA0] =	vst v1;
	v1 =	vmul.f32 v4, v6;
	v4 =	vld [tilespmem:s18+$0x10]  }
0x2de: {  	[tilespmem:s18+$0xFFFFFFB0] =	vst v2;
	v2 =	vmul.f32 v8, v6;
	v8 =	vld [tilespmem:s18+$0x20]  }
0x2df: {  	[tilespmem:s18+$0xFFFFFFC0] =	vst v1;
	v1 =	vmul.f32 v3, v6;
	v3 =	vld [tilespmem:s18+$0x30]  }
0x2e0: {  	[tilespmem:s18+$0xFFFFFFD0] =	vst v2;
	v2 =	vmul.f32 v9, v6;
	v6 =	vld [tilespmem:s18+$0x40]  }
0x2e1: {  	v9 =	vld [tilespmem:s18+$0x50];
	[tilespmem:s18+$0xFFFFFFE0] =	vst v1;
	v1 =	vmul.f32 v10, v7  }
0x2e2: {  	[tilespmem:s18+$0xFFFFFFF0] =	vst v2;
	v2 =	vmul.f32 v4, v7;
	v4 =	vld [tilespmem:s18+$0x60]  }
0x2e3: {  	[tilespmem:s18+$0x0] =	vst v1;
	v1 =	vmul.f32 v8, v7;
	v8 =	vld [tilespmem:s18+$0x80]  }
0x2e4: {  	[tilespmem:s18+$0x10] =	vst v2;
	v2 =	vmul.f32 v3, v7;
	v3 =	vld [tilespmem:s18+$0x90]  }
0x2e5: {  	[tilespmem:s18+$0x20] =	vst v1;
	v1 =	vmul.f32 v6, v7;
	v6 =	vld [tilespmem:s18+$0xA0]  }
0x2e6: {  	[tilespmem:s18+$0x30] =	vst v2;
	v2 =	vmul.f32 v9, v7;
	v9 =	vld [tilespmem:s18+$0xB0]  }
0x2e7: {  	[tilespmem:s18+$0x40] =	vst v1;
	v1 =	vmul.f32 v4, v7;
	v4 =	vld [tilespmem:s18+$0xC0]  }
0x2e8: {  	v7 =	vld [tilespmem:s18+$0xD0];
	[tilespmem:s18+$0x50] =	vst v2;
	v2 =	vmul.f32 v8, v5  }
0x2e9: {  	[tilespmem:s18+$0x60] =	vst v1;
	v1 =	vmul.f32 v3, v5;
	v3 =	vld [tilespmem:s18+$0xE0]  }
0x2ea: {  	[tilespmem:s18+$0x80] =	vst v2;
	v2 =	vmul.f32 v6, v5;
	v6 =	vld [tilespmem:s18+$0xF0]  }
0x2eb: {  	[tilespmem:s18+$0x90] =	vst v1;
	v1 =	vmul.f32 v9, v5  }
0x2ec: {  	[tilespmem:s18+$0xA0] =	vst v2;
	v2 =	vmul.f32 v4, v5  }
0x2ed: {  	[tilespmem:s18+$0xB0] =	vst v1;
	v1 =	vmul.f32 v7, v5  }
0x2ee: {  	[tilespmem:s18+$0xC0] =	vst v2;
	v2 =	vmul.f32 v3, v5  }
0x2ef: {  	[tilespmem:s18+$0xD0] =	vst v1;
	v1 =	vmul.f32 v6, v5  }
0x2f0: {  	[tilespmem:s18+$0xE0] =	vst v2  }
0x2f1: {  	[tilespmem:s18+$0xF0] =	vst v1  }
0x2f2: {  	v1 =	vld [tilespmem:$0x16200];
	_ =	sdelay $0x2  }
0x2f3: {  	v2 =	vld [tilespmem:$0x16400];
	_ =	sdelay $0x4  }
0x2f4: {  	[tilespmem:v1+s17+$0x0] =	vst.idx.add.f32.msk $0xffff, v2  }
0x2f5: {  	v1 =	vld [tilespmem:$0x16210];
	_ =	sdelay $0x2  }
0x2f6: {  	v2 =	vld [tilespmem:$0x16410];
	_ =	sdelay $0x4  }
0x2f7: {  	[tilespmem:v1+s17+$0x0] =	vst.idx.add.f32.msk $0xffff, v2  }
0x2f8: {  	v1 =	vld [tilespmem:$0x16220];
	_ =	sdelay $0x2  }
0x2f9: {  	v2 =	vld [tilespmem:$0x16420];
	_ =	sdelay $0x4  }
0x2fa: {  	[tilespmem:v1+s17+$0x0] =	vst.idx.add.f32.msk $0xffff, v2  }
0x2fb: {  	v1 =	vld [tilespmem:$0x16230];
	_ =	sdelay $0x2  }
0x2fc: {  	v2 =	vld [tilespmem:$0x16430];
	_ =	sdelay $0x4  }
0x2fd: {  	[tilespmem:v1+s17+$0x0] =	vst.idx.add.f32.msk $0xffff, v2  }
0x2fe: {  	v1 =	vld [tilespmem:$0x16240];
	_ =	sdelay $0x2  }
0x2ff: {  	v2 =	vld [tilespmem:$0x16440];
	_ =	sdelay $0x3  }
0x300: {  	s18 =	simm.s32 $0x0  }
0x301: {  	s19 =	simm.s32 $0x2;
	[tilespmem:v1+s17+$0x0] =	vst.idx.add.f32.msk $0xffff, v2;
	v1 =	vmov s18  }
0x302: {  	v2 =	vmov s19;
	[spmem:s4] =	stream.indirect.scatter.add.f32 [tilespmem:s7], [sflag:$0x2], $0x80, s10, s26, $0xb8;
	v1 =	vand.u32 $0xFFFFFFFC, v1;
	[tilespmem:$0x1DE00] =	vst v63  }
0x303: {  	v2 =	vand.u32 $0xFFFFFFFE, v2;
	_ =	swait.ge [sflag:s30], $0x2800;
	v1 =	vbroadcast v1, $0x0  }
0x304: {  	v2 =	vbroadcast v2, $0x0;
	[sflag:s30] =	ssyncset.done $0x0  }
0x305: {  	[sflag:s30] =	ssyncadd.s32 $0xFFFFD800  }
0x306: {  	_ =	swait.ge [sflag:s8], $0x2800  }
0x307: {  	[sflag:s8] =	ssyncset.done $0x0  }
0x308: {  	[sflag:s8] =	ssyncadd.s32 $0xFFFFD800  }
0x309: {  	v1 =	vld.idx.msk [tilespmem:v1+s25+$0x0], $0xffff  }
0x30a: {  	s20 =	simm.s32 $0x1;
	s19 =	simm.s32 $0x18FF0;
	v2 =	vld.idx.msk [tilespmem:v2+s25+$0x0], $0xffff  }
0x30b: {  	v3 =	vmov s20;
	v4 =	vld [tilespmem:s19+$0xFFFFFF80]  }
0x30c: {  	v3 =	vand.u32 $0xFFFFFFFD, v3;
	v5 =	vld [tilespmem:s19+$0xFFFFFE10]  }
0x30d: {  	v3 =	vbroadcast v3, $0x0;
	v6 =	vld [tilespmem:s19+$0xFFFFFE20]  }
0x30e: {  	v7 =	vld [tilespmem:s19+$0xFFFFFE30]  }
0x30f: {  	v8 =	vld [tilespmem:s19+$0xFFFFFE40]  }
0x310: {  	v9 =	vld [tilespmem:s19+$0xFFFFFE50]  }
0x311: {  	v10 =	vld [tilespmem:s19+$0xFFFFFE60]  }
0x312: {  	v11 =	vld [tilespmem:s19+$0xFFFFFE70];
	v5 =	vmul.f32 v5, v1  }
0x313: {  	v3 =	vld.idx.msk [tilespmem:v3+s25+$0x0], $0xffff;
	v4 =	vmul.f32 v4, v2  }
0x314: {  	v13 =	vld [tilespmem:s19+$0xFFFFFF50];
	[tilespmem:s19+$0xFFFFFE10] =	vst v5;
	v5 =	vmul.f32 v6, v1  }
0x315: {  	v6 =	vld [tilespmem:s19+$0xFFFFFE80];
	[tilespmem:s19+$0xFFFFFF80] =	vst v4;
	v4 =	vmul.f32 v7, v1  }
0x316: {  	v7 =	vld [tilespmem:s19+$0xFFFFFE90];
	[tilespmem:s19+$0xFFFFFE20] =	vst v5;
	v5 =	vmul.f32 v8, v1  }
0x317: {  	v8 =	vld [tilespmem:s19+$0xFFFFFEA0];
	[tilespmem:s19+$0xFFFFFE30] =	vst v4;
	v4 =	vmul.f32 v9, v1  }
0x318: {  	v9 =	vld [tilespmem:s19+$0xFFFFFEB0];
	[tilespmem:s19+$0xFFFFFE40] =	vst v5;
	v5 =	vmul.f32 v10, v1  }
0x319: {  	v10 =	vld [tilespmem:s19+$0xFFFFFEC0];
	[tilespmem:s19+$0xFFFFFE50] =	vst v4;
	v4 =	vmul.f32 v11, v1  }
0x31a: {  	v11 =	vld [tilespmem:s19+$0xFFFFFED0];
	v6 =	vmul.f32 v6, v1;
	[tilespmem:s19+$0xFFFFFE60] =	vst v5  }
0x31b: {  	v5 =	vmul.f32 v7, v3;
	v7 =	vld [tilespmem:s19+$0xFFFFFEE0];
	[tilespmem:s19+$0xFFFFFE70] =	vst v4  }
0x31c: {  	s21 =	simm.s32 $0x3;
	v4 =	vld [tilespmem:s19+$0xFFFFFEF0];
	v8 =	vmul.f32 v8, v3;
	[tilespmem:s19+$0xFFFFFE80] =	vst v6  }
0x31d: {  	v12 =	vmov s21;
	v6 =	vld [tilespmem:s19+$0xFFFFFF00];
	[tilespmem:s19+$0xFFFFFE90] =	vst v5;
	v5 =	vmul.f32 v9, v3  }
0x31e: {  	v9 =	vld [tilespmem:s19+$0xFFFFFF10];
	[tilespmem:s19+$0xFFFFFEA0] =	vst v8;
	v8 =	vmul.f32 v10, v3  }
0x31f: {  	v10 =	vld [tilespmem:s19+$0xFFFFFF20];
	[tilespmem:s19+$0xFFFFFEB0] =	vst v5;
	v5 =	vmul.f32 v11, v3  }
0x320: {  	[tilespmem:s19+$0xFFFFFEC0] =	vst v8;
	v7 =	vmul.f32 v7, v3;
	v8 =	vld [tilespmem:s19+$0xFFFFFF30]  }
0x321: {  	v11 =	vld [tilespmem:s19+$0xFFFFFF40];
	v4 =	vmul.f32 v4, v3;
	[tilespmem:s19+$0xFFFFFED0] =	vst v5  }
0x322: {  	v1 =	vld.idx.msk [tilespmem:v12+s25+$0x0], $0xffff;
	v3 =	vmul.f32 v6, v3;
	[tilespmem:s19+$0xFFFFFEE0] =	vst v7  }
0x323: {  	[tilespmem:s19+$0xFFFFFEF0] =	vst v4;
	v5 =	vmul.f32 v9, v2;
	v4 =	vld [tilespmem:s19+$0xFFFFFF60]  }
0x324: {  	s22 =	simm.s32 $0x4;
	[tilespmem:s19+$0xFFFFFF00] =	vst v3;
	v6 =	vmul.f32 v10, v2;
	v3 =	vld [tilespmem:s19+$0xFFFFFF70]  }
0x325: {  	s23 =	simm.s32 $0x7;
	v7 =	vmov s22;
	[tilespmem:s19+$0xFFFFFF10] =	vst v5;
	v9 =	vmul.f32 v8, v2;
	v8 =	vld [tilespmem:s19+$0xFFFFFF90]  }
0x326: {  	s5 =	simm.s32 $0x5;
	v12 =	vand.u32 $0xFFFFFFFC, v7;
	v7 =	vld [tilespmem:s19+$0xFFFFFFA0];
	v5 =	vmov s23;
	v10 =	vmul.f32 v11, v2;
	[tilespmem:s19+$0xFFFFFF20] =	vst v6  }
0x327: {  	s0 =	simm.s32 $0x6;
	s20 =	simm.s32 $0x18FF0;
	s18 =	simm.s32 $0x8;
	v11 =	vmul.f32 v13, v2;
	v6 =	vbroadcast v12, $0x0;
	v12 =	vmov s5;
	[tilespmem:s19+$0xFFFFFF30] =	vst v9;
	v9 =	vld [tilespmem:s19+$0xFFFFFFB0]  }
.LBB2_16:
0x328: {  	p0 =	slt.u32 s18, $0x4C;
	v12 =	vand.u32 $0xFFFFFFFD, v12;
	v13 =	vmov s0;
	[tilespmem:s19+$0xFFFFFF40] =	vst v10;
	v4 =	vmul.f32 v4, v2;
	v10 =	vld [tilespmem:s19+$0xFFFFFFC0]  }
0x329: {  	v12 =	vbroadcast v12, $0x0;
	v13 =	vand.u32 $0xFFFFFFFE, v13;
	[tilespmem:s19+$0xFFFFFF50] =	vst v11;
	v2 =	vmul.f32 v3, v2;
	v3 =	vld [tilespmem:s19+$0xFFFFFFD0]  }
0x32a: {  	v11 =	vbroadcast v13, $0x0;
	[tilespmem:s19+$0xFFFFFF60] =	vst v4;
	v4 =	vmul.f32 v8, v1;
	v8 =	vld [tilespmem:s19+$0xFFFFFFE0]  }
0x32b: {  	[tilespmem:s19+$0xFFFFFF70] =	vst v2;
	v2 =	vmul.f32 v7, v1;
	v7 =	vld [tilespmem:s19+$0xFFFFFFF0]  }
0x32c: {  	[tilespmem:s19+$0xFFFFFF90] =	vst v4;
	v4 =	vmul.f32 v9, v1;
	v9 =	vld [tilespmem:s19+$0x0]  }
0x32d: {  	v5 =	vld.idx.msk [tilespmem:v5+s25+$0x0], $0xffff;
	[tilespmem:s19+$0xFFFFFFA0] =	vst v2;
	v2 =	vmul.f32 v10, v1  }
0x32e: {  	v6 =	vld.idx.msk [tilespmem:v6+s25+$0x0], $0xffff;
	[tilespmem:s19+$0xFFFFFFB0] =	vst v4;
	v3 =	vmul.f32 v3, v1  }
0x32f: {  	v4 =	vld.idx.msk [tilespmem:v12+s25+$0x0], $0xffff;
	[tilespmem:s19+$0xFFFFFFC0] =	vst v2;
	v8 =	vmul.f32 v8, v1  }
0x330: {  	s19 =	sadd.s32 $0x200, s19;
	v2 =	vld.idx.msk [tilespmem:v11+s25+$0x0], $0xffff;
	[tilespmem:s20+$0xFFFFFFD0] =	vst v3;
	v3 =	vmul.f32 v7, v1  }
0x331: {  	v7 =	vld [tilespmem:s19+$0xFFFFFF80];
	[tilespmem:s20+$0xFFFFFFE0] =	vst v8;
	v9 =	vmul.f32 v9, v1  }
0x332: {  	v8 =	vld [tilespmem:s19+$0xFFFFFE10];
	[tilespmem:s20+$0xFFFFFFF0] =	vst v3  }
0x333: {  	v1 =	vmov v5;
	v3 =	vld [tilespmem:s19+$0xFFFFFE20];
	[tilespmem:s20+$0x0] =	vst v9;
	s20 =	smov.u32 s19  }
0x334: {  	v5 =	vld [tilespmem:s19+$0xFFFFFE30]  }
0x335: {  	v9 =	vld [tilespmem:s19+$0xFFFFFE40]  }
0x336: {  	v10 =	vld [tilespmem:s19+$0xFFFFFE50];
	v7 =	vmul.f32 v7, v2  }
0x337: {  	v8 =	vmul.f32 v8, v6;
	v11 =	vld [tilespmem:s19+$0xFFFFFE60]  }
0x338: {  	v3 =	vmul.f32 v3, v6;
	v12 =	vld [tilespmem:s19+$0xFFFFFE70];
	[tilespmem:s19+$0xFFFFFF80] =	vst v7  }
0x339: {  	[tilespmem:s19+$0xFFFFFE10] =	vst v8;
	v5 =	vmul.f32 v5, v6;
	v7 =	vld [tilespmem:s19+$0xFFFFFE80]  }
0x33a: {  	[tilespmem:s19+$0xFFFFFE20] =	vst v3;
	v3 =	vmul.f32 v9, v6;
	v8 =	vld [tilespmem:s19+$0xFFFFFE90]  }
0x33b: {  	[tilespmem:s19+$0xFFFFFE30] =	vst v5;
	v5 =	vmul.f32 v10, v6;
	v9 =	vld [tilespmem:s19+$0xFFFFFEA0]  }
0x33c: {  	[tilespmem:s19+$0xFFFFFE40] =	vst v3;
	v3 =	vmul.f32 v11, v6;
	v10 =	vld [tilespmem:s19+$0xFFFFFEB0]  }
0x33d: {  	[tilespmem:s19+$0xFFFFFE50] =	vst v5;
	v5 =	vmul.f32 v12, v6;
	v11 =	vld [tilespmem:s19+$0xFFFFFEC0]  }
0x33e: {  	[tilespmem:s19+$0xFFFFFE60] =	vst v3;
	v3 =	vmul.f32 v7, v6;
	v6 =	vld [tilespmem:s19+$0xFFFFFED0]  }
0x33f: {  	[tilespmem:s19+$0xFFFFFE70] =	vst v5;
	v5 =	vmul.f32 v8, v4;
	v7 =	vld [tilespmem:s19+$0xFFFFFEE0]  }
0x340: {  	[tilespmem:s19+$0xFFFFFE80] =	vst v3;
	v3 =	vmul.f32 v9, v4;
	v8 =	vld [tilespmem:s19+$0xFFFFFEF0]  }
0x341: {  	[tilespmem:s19+$0xFFFFFE90] =	vst v5;
	v5 =	vmul.f32 v10, v4;
	v9 =	vld [tilespmem:s19+$0xFFFFFF00]  }
0x342: {  	[tilespmem:s19+$0xFFFFFEA0] =	vst v3;
	v3 =	vmul.f32 v11, v4;
	v10 =	vld [tilespmem:s19+$0xFFFFFF10]  }
0x343: {  	[tilespmem:s19+$0xFFFFFEB0] =	vst v5;
	v5 =	vmul.f32 v6, v4;
	v6 =	vld [tilespmem:s19+$0xFFFFFF20]  }
0x344: {  	[tilespmem:s19+$0xFFFFFEC0] =	vst v3;
	v3 =	vmul.f32 v7, v4;
	v7 =	vld [tilespmem:s19+$0xFFFFFF30]  }
0x345: {  	[tilespmem:s19+$0xFFFFFED0] =	vst v5;
	v5 =	vmul.f32 v8, v4;
	v11 =	vld [tilespmem:s19+$0xFFFFFF40]  }
0x346: {  	[tilespmem:s19+$0xFFFFFEE0] =	vst v3;
	v3 =	vmul.f32 v9, v4;
	v9 =	vld [tilespmem:s19+$0xFFFFFF50]  }
.Ltmp7:
0x347: {  	[tilespmem:s19+$0xFFFFFEF0] =	vst v5;
	v5 =	vmul.f32 v10, v2;
	v4 =	vld [tilespmem:s19+$0xFFFFFF60];
	(pc) =	sbr.rel @p0 .LBB2_16-.Ltmp7, $4  }
0x348: {  	[tilespmem:s19+$0xFFFFFF00] =	vst v3;
	v6 =	vmul.f32 v6, v2;
	v3 =	vld [tilespmem:s19+$0xFFFFFF70]  }
0x349: {  	s0 =	sadd.s32 $0x3, s18;
	v10 =	vmov s18;
	[tilespmem:s19+$0xFFFFFF10] =	vst v5;
	v13 =	vmul.f32 v7, v2;
	v8 =	vld [tilespmem:s19+$0xFFFFFF90]  }
0x34a: {  	s5 =	sadd.s32 $0x1, s18;
	v12 =	vand.u32 $0xFFFFFFFC, v10;
	v5 =	vmov s0;
	[tilespmem:s19+$0xFFFFFF20] =	vst v6;
	v10 =	vmul.f32 v11, v2;
	v7 =	vld [tilespmem:s19+$0xFFFFFFA0]  }
0x34b: {  	s0 =	sadd.s32 $0x2, s18;
	s18 =	sadd.s32 $0x4, s18;
	v6 =	vbroadcast v12, $0x0;
	v12 =	vmov s5;
	[tilespmem:s19+$0xFFFFFF30] =	vst v13;
	v11 =	vmul.f32 v9, v2;
	v9 =	vld [tilespmem:s19+$0xFFFFFFB0]  }
0x34c: {  	v13 =	vld [tilespmem:s19+$0xFFFFFFC0]  }
0x34d: {  	v15 =	vld [tilespmem:s19+$0xFFFFFFD0]  }
0x34e: {  	v16 =	vld [tilespmem:s19+$0xFFFFFFE0]  }
0x34f: {  	v17 =	vld [tilespmem:s19+$0xFFFFFFF0]  }
0x350: {  	v29 =	vld [tilespmem:s19+$0x0];
	[tilespmem:s19+$0xFFFFFF40] =	vst v10;
	v4 =	vmul.f32 v4, v2  }
0x351: {  	v5 =	vld.idx.msk [tilespmem:v5+s25+$0x0], $0xffff;
	[tilespmem:s19+$0xFFFFFF50] =	vst v11;
	v2 =	vmul.f32 v3, v2  }
0x352: {  	s18 =	sadd.s32 $0x200, s19;
	v3 =	vld.idx.msk [tilespmem:v6+s25+$0x0], $0xffff;
	v8 =	vmul.f32 v8, v1;
	[tilespmem:s19+$0xFFFFFF60] =	vst v4  }
0x353: {  	v14 =	vmov s0;
	v34 =	vld [tilespmem:s18+$0xFFFFFF80];
	v30 =	vmul.f32 v7, v1;
	[tilespmem:s19+$0xFFFFFF70] =	vst v2  }
0x354: {  	v14 =	vand.u32 $0xFFFFFFFE, v14;
	v35 =	vld [tilespmem:s18+$0xFFFFFE10];
	[tilespmem:s19+$0xFFFFFF90] =	vst v8;
	v2 =	vmul.f32 v9, v1  }
0x355: {  	v37 =	vld [tilespmem:s18+$0xFFFFFE20];
	v14 =	vbroadcast v14, $0x0;
	[tilespmem:s19+$0xFFFFFFA0] =	vst v30;
	v33 =	vmul.f32 v13, v1  }
0x356: {  	v38 =	vld [tilespmem:s18+$0xFFFFFE30];
	[tilespmem:s19+$0xFFFFFFB0] =	vst v2;
	v2 =	vmul.f32 v15, v1  }
0x357: {  	v12 =	vand.u32 $0xFFFFFFFD, v12;
	v39 =	vld [tilespmem:s18+$0xFFFFFE40];
	v36 =	vmul.f32 v16, v1;
	[tilespmem:s19+$0xFFFFFFC0] =	vst v33  }
0x358: {  	v12 =	vbroadcast v12, $0x0;
	v41 =	vld [tilespmem:s18+$0xFFFFFE60];
	[tilespmem:s20+$0xFFFFFFD0] =	vst v2;
	v2 =	vmul.f32 v17, v1  }
0x359: {  	v43 =	vld [tilespmem:s18+$0xFFFFFE70];
	[tilespmem:s20+$0xFFFFFFE0] =	vst v36;
	v1 =	vmul.f32 v29, v1  }
0x35a: {  	v42 =	vmul.f32 v37, v3;
	[tilespmem:s20+$0xFFFFFFF0] =	vst v2;
	v2 =	vld [tilespmem:s18+$0xFFFFFE50]  }
0x35b: {  	v32 =	vld.idx.msk [tilespmem:v14+s25+$0x0], $0xffff;
	[tilespmem:s20+$0x0] =	vst v1;
	v1 =	vmul.f32 v35, v3  }
0x35c: {  	v44 =	vld [tilespmem:s18+$0xFFFFFE80];
	v4 =	vmul.f32 v39, v3;
	[tilespmem:s18+$0xFFFFFE20] =	vst v42  }
0x35d: {  	v45 =	vld [tilespmem:s18+$0xFFFFFE90];
	[tilespmem:s18+$0xFFFFFE10] =	vst v1;
	v1 =	vmul.f32 v38, v3  }
0x35e: {  	v46 =	vmul.f32 v41, v3;
	v31 =	vld.idx.msk [tilespmem:v12+s25+$0x0], $0xffff;
	[tilespmem:s18+$0xFFFFFE40] =	vst v4  }
0x35f: {  	[tilespmem:s18+$0xFFFFFE30] =	vst v1;
	v1 =	vmul.f32 v2, v3;
	v2 =	vld [tilespmem:s18+$0xFFFFFEA0]  }
0x360: {  	v47 =	vld [tilespmem:s18+$0xFFFFFEB0];
	[tilespmem:s18+$0xFFFFFE60] =	vst v46;
	v40 =	vmul.f32 v34, v32  }
0x361: {  	v48 =	vld [tilespmem:s18+$0xFFFFFEC0];
	[tilespmem:s18+$0xFFFFFE50] =	vst v1;
	v1 =	vmul.f32 v43, v3  }
0x362: {  	v49 =	vld [tilespmem:s18+$0xFFFFFED0];
	[tilespmem:s18+$0xFFFFFF80] =	vst v40;
	v3 =	vmul.f32 v44, v3  }
0x363: {  	v50 =	vld [tilespmem:s18+$0xFFFFFEE0];
	[tilespmem:s18+$0xFFFFFE70] =	vst v1;
	v1 =	vmul.f32 v45, v31  }
0x364: {  	[tilespmem:s18+$0xFFFFFE80] =	vst v3;
	v3 =	vld [tilespmem:s18+$0xFFFFFEF0];
	v2 =	vmul.f32 v2, v31  }
0x365: {  	v51 =	vld [tilespmem:s18+$0xFFFFFF00];
	[tilespmem:s18+$0xFFFFFE90] =	vst v1;
	v1 =	vmul.f32 v47, v31  }
0x366: {  	v52 =	vld [tilespmem:s18+$0xFFFFFF10];
	[tilespmem:s18+$0xFFFFFEA0] =	vst v2;
	v2 =	vmul.f32 v48, v31  }
0x367: {  	v53 =	vld [tilespmem:s18+$0xFFFFFF20];
	[tilespmem:s18+$0xFFFFFEB0] =	vst v1;
	v1 =	vmul.f32 v49, v31  }
0x368: {  	v54 =	vld [tilespmem:s18+$0xFFFFFF30];
	[tilespmem:s18+$0xFFFFFEC0] =	vst v2;
	v2 =	vmul.f32 v50, v31  }
0x369: {  	[tilespmem:s18+$0xFFFFFED0] =	vst v1;
	v1 =	vmul.f32 v3, v31;
	v3 =	vld [tilespmem:s18+$0xFFFFFF40]  }
0x36a: {  	v55 =	vld [tilespmem:s18+$0xFFFFFF50];
	[tilespmem:s18+$0xFFFFFEE0] =	vst v2;
	v2 =	vmul.f32 v51, v31  }
0x36b: {  	v56 =	vld [tilespmem:s18+$0xFFFFFF60];
	[tilespmem:s18+$0xFFFFFEF0] =	vst v1;
	v1 =	vmul.f32 v52, v32  }
0x36c: {  	v57 =	vld [tilespmem:s18+$0xFFFFFF70];
	[tilespmem:s18+$0xFFFFFF00] =	vst v2;
	v2 =	vmul.f32 v53, v32  }
0x36d: {  	v58 =	vld [tilespmem:s18+$0xFFFFFF90];
	[tilespmem:s18+$0xFFFFFF10] =	vst v1;
	v1 =	vmul.f32 v54, v32  }
0x36e: {  	[tilespmem:s18+$0xFFFFFF20] =	vst v2;
	v2 =	vmul.f32 v3, v32;
	v3 =	vld [tilespmem:s18+$0xFFFFFFA0]  }
0x36f: {  	v59 =	vld [tilespmem:s18+$0xFFFFFFB0];
	[tilespmem:s18+$0xFFFFFF30] =	vst v1;
	v1 =	vmul.f32 v55, v32  }
0x370: {  	v60 =	vld [tilespmem:s18+$0xFFFFFFC0];
	[tilespmem:s18+$0xFFFFFF40] =	vst v2;
	v2 =	vmul.f32 v56, v32  }
0x371: {  	v61 =	vld [tilespmem:s18+$0xFFFFFFD0];
	[tilespmem:s18+$0xFFFFFF50] =	vst v1;
	v1 =	vmul.f32 v57, v32  }
0x372: {  	v62 =	vld [tilespmem:s18+$0xFFFFFFE0];
	[tilespmem:s18+$0xFFFFFF60] =	vst v2;
	v2 =	vmul.f32 v58, v5  }
0x373: {  	[tilespmem:s18+$0xFFFFFF70] =	vst v1;
	v1 =	vmul.f32 v3, v5;
	v3 =	vld [tilespmem:s18+$0xFFFFFFF0]  }
0x374: {  	v63 =	vld [tilespmem:s18+$0x0];
	[tilespmem:s18+$0xFFFFFF90] =	vst v2;
	v2 =	vmul.f32 v59, v5  }
0x375: {  	[tilespmem:s18+$0xFFFFFFA0] =	vst v1;
	v1 =	vmul.f32 v60, v5  }
0x376: {  	[tilespmem:s18+$0xFFFFFFB0] =	vst v2;
	v2 =	vmul.f32 v61, v5  }
0x377: {  	[tilespmem:s18+$0xFFFFFFC0] =	vst v1;
	v1 =	vmul.f32 v62, v5  }
0x378: {  	[tilespmem:s18+$0xFFFFFFD0] =	vst v2;
	v2 =	vmul.f32 v3, v5  }
0x379: {  	[tilespmem:s18+$0xFFFFFFE0] =	vst v1;
	v1 =	vmul.f32 v63, v5  }
0x37a: {  	[tilespmem:s18+$0xFFFFFFF0] =	vst v2  }
0x37b: {  	[tilespmem:s18+$0x0] =	vst v1  }
0x37c: {  	v1 =	vld [tilespmem:$0x16280];
	_ =	sdelay $0x2  }
0x37d: {  	v2 =	vld [tilespmem:$0x16480];
	_ =	sdelay $0x4  }
0x37e: {  	[tilespmem:v1+s17+$0x0] =	vst.idx.add.f32.msk $0xffff, v2  }
0x37f: {  	v1 =	vld [tilespmem:$0x16290];
	_ =	sdelay $0x2  }
0x380: {  	v2 =	vld [tilespmem:$0x16490];
	_ =	sdelay $0x4  }
0x381: {  	[tilespmem:v1+s17+$0x0] =	vst.idx.add.f32.msk $0xffff, v2  }
0x382: {  	v1 =	vld [tilespmem:$0x162A0];
	_ =	sdelay $0x2  }
0x383: {  	v2 =	vld [tilespmem:$0x164A0];
	_ =	sdelay $0x4  }
0x384: {  	[tilespmem:v1+s17+$0x0] =	vst.idx.add.f32.msk $0xffff, v2  }
0x385: {  	v1 =	vld [tilespmem:$0x162B0];
	_ =	sdelay $0x2  }
0x386: {  	v2 =	vld [tilespmem:$0x164B0];
	_ =	sdelay $0x4  }
0x387: {  	[tilespmem:v1+s17+$0x0] =	vst.idx.add.f32.msk $0xffff, v2  }
0x388: {  	v1 =	vld [tilespmem:$0x162C0];
	_ =	sdelay $0x2  }
0x389: {  	v2 =	vld [tilespmem:$0x164C0];
	_ =	sdelay $0x4  }
0x38a: {  	[tilespmem:v1+s17+$0x0] =	vst.idx.add.f32.msk $0xffff, v2  }
0x38b: {  	[spmem:s4] =	stream.indirect.scatter.add.f32 [tilespmem:s28], [sflag:$0x2], $0x80, s24, s26, $0xb8;
	[tilespmem:$0x1DE00] =	vst v63  }
0x38c: {  	_ =	swait.ge [sflag:s30], $0x2800  }
0x38d: {  	[sflag:s30] =	ssyncset.done $0x0  }
0x38e: {  	[sflag:s30] =	ssyncadd.s32 $0xFFFFD800  }
0x38f: {  	_ =	swait.ge [sflag:s30], $0x2800  }
0x390: {  	[sflag:s30] =	ssyncset.done $0x0  }
0x391: {  	[sflag:s30] =	ssyncadd.s32 $0xFFFFD800  }
0x392: {  	s20 =	stileid.u32;
	[bflag:$0x0] =	sbarrier.arrive $0xFFFF  }
0x393: {  	s0 =	sshll.u32 s20, $0x6;
	s5 =	rddreg [dreg:$0xd]  }
0x394: {  	s0 =	sor.u32 $0x1C01, s0;
	s21 =	rddreg [dreg:$0x5];
	s5 =	sshrl.u32 s5, $0x3  }
0x395: {  	[hbm:s21], [sflag:s0] =	dma.local [spmem:s5], $0x500  }
0x396: {  	s5 =	rddreg [dreg:$0xe]  }
0x397: {  	s18 =	rddreg [dreg:$0x6];
	s5 =	sshrl.u32 s5, $0x3  }
0x398: {  	[hbm:s18], [sflag:s0] =	dma.local [spmem:s5], $0x500  }
0x399: {  	s5 =	rddreg [dreg:$0xf]  }
0x39a: {  	s18 =	rddreg [dreg:$0x7];
	s5 =	sshrl.u32 s5, $0x3  }
0x39b: {  	[hbm:s18], [sflag:s0] =	dma.local [spmem:s5], $0x500  }
0x39c: {  	s5 =	rddreg [dreg:$0x10]  }
0x39d: {  	s18 =	rddreg [dreg:$0x8];
	s5 =	sshrl.u32 s5, $0x3  }
0x39e: {  	[hbm:s18], [sflag:s0] =	dma.local [spmem:s5], $0x500  }
0x39f: {  	s5 =	rddreg [dreg:$0x11]  }
0x3a0: {  	s18 =	rddreg [dreg:$0x9];
	s5 =	sshrl.u32 s5, $0x3  }
0x3a1: {  	[hbm:s18], [sflag:s0] =	dma.local [spmem:s5], $0x500  }
0x3a2: {  	s5 =	rddreg [dreg:$0x12]  }
0x3a3: {  	s18 =	rddreg [dreg:$0xa];
	s5 =	sshrl.u32 s5, $0x3  }
0x3a4: {  	[hbm:s18], [sflag:s0] =	dma.local [spmem:s5], $0x500  }
0x3a5: {  	s5 =	rddreg [dreg:$0x13]  }
0x3a6: {  	s18 =	rddreg [dreg:$0xb];
	s5 =	sshrl.u32 s5, $0x3  }
0x3a7: {  	[hbm:s18], [sflag:s0] =	dma.local [spmem:s5], $0x500  }
0x3a8: {  	s5 =	rddreg [dreg:$0x14]  }
0x3a9: {  	s18 =	rddreg [dreg:$0xc];
	s5 =	sshrl.u32 s5, $0x3  }
0x3aa: {  	[hbm:s18], [sflag:s0] =	dma.local [spmem:s5], $0x500  }
0x3ab: {  	s19 =	simm.s32 $0x0;
	s0 =	rddreg [dreg:$0x1b]  }
0x3ac: {  	[hbm4b:s0+s19] =	stream.linear.scatter [tilespmem:s17], [sflag:$0x2], $0x2710, $0x38;
	[tilespmem:$0x1DE00] =	vst v63  }
0x3ad: {  	_ =	swait.ge [sflag:s8], $0x500  }
0x3ae: {  	[sflag:s8] =	ssyncset.done $0x0  }
0x3af: {  	[sflag:s8] =	ssyncadd.s32 $0xFFFFFB00  }
0x3b0: {  	_ =	swait.ge [sflag:s8], $0x500  }
0x3b1: {  	[sflag:s8] =	ssyncset.done $0x0  }
0x3b2: {  	[sflag:s8] =	ssyncadd.s32 $0xFFFFFB00  }
0x3b3: {  	_ =	swait.ge [sflag:s8], $0x500  }
0x3b4: {  	[sflag:s8] =	ssyncset.done $0x0  }
0x3b5: {  	[sflag:s8] =	ssyncadd.s32 $0xFFFFFB00  }
0x3b6: {  	_ =	swait.ge [sflag:s8], $0x500  }
0x3b7: {  	[sflag:s8] =	ssyncset.done $0x0  }
0x3b8: {  	[sflag:s8] =	ssyncadd.s32 $0xFFFFFB00  }
0x3b9: {  	_ =	swait.ge [sflag:s8], $0x500  }
0x3ba: {  	[sflag:s8] =	ssyncset.done $0x0  }
0x3bb: {  	[sflag:s8] =	ssyncadd.s32 $0xFFFFFB00  }
0x3bc: {  	_ =	swait.ge [sflag:s8], $0x500  }
0x3bd: {  	[sflag:s8] =	ssyncset.done $0x0  }
0x3be: {  	[sflag:s8] =	ssyncadd.s32 $0xFFFFFB00  }
0x3bf: {  	_ =	swait.ge [sflag:s8], $0x500  }
0x3c0: {  	[sflag:s8] =	ssyncset.done $0x0  }
0x3c1: {  	[sflag:s8] =	ssyncadd.s32 $0xFFFFFB00  }
0x3c2: {  	_ =	swait.ge [sflag:s8], $0x500  }
0x3c3: {  	[sflag:s8] =	ssyncset.done $0x0  }
0x3c4: {  	[sflag:s8] =	ssyncadd.s32 $0xFFFFFB00  }
0x3c5: {  	_ =	swait.ge [sflag:s30], $0x2710  }
0x3c6: {  	s22 =	rddreg [dreg:$0x1f]  }
0x3c7: {  	s23 =	rddreg [dreg:$0x1c];
	s5 =	sadd.s32 $0x1, s22  }
0x3c8: {  	p0 =	sne.s32 s5, s23  }
.Ltmp8:
0x3c9: {  	_ = 	snop;
	(pc) =	sbr.rel @p0 .LBB2_1-.Ltmp8, $3  }
0x3ca: {  	_ =	sdelay $0x1  }
0x3cb: {  	[sflag:s30] =	ssyncset.done $0x0  }
0x3cc: {  	[sflag:s30] =	ssyncadd.s32 $0xFFFFD8F0  }
0x3cd: {  	_ =	sfence.sel $0x180000  }
0x3ce: {  	[bflag:$0x0] =	sbarrier.arrive $0xFFFF  }
0x3cf: {  	_ =	strace $0x90000047  }
0x3d0: {  	s0 =	stileid.u32;
	[bflag:$0x2] =	sbarrier.arrive $0xFFFF  }
0x3d1: {  	p0 =	sne.s32 s0, $0x0;
	s0 =	rddreg [dreg:$0x4]  }
0x3d2: {  	s0 =	sadd.s32 @!p0 $0x100000, s0  }
0x3d3: {  	[sflag:s0] =	ssyncadd.tile.s32 @!p0 $0x1;
	_ =	shalt  }
.Lfunc_end2:
_tile_overlayer_lowered:
.L_overlay_start_2:
0x3d4: {  	(tag) =	ssettag $0x2  }
0x3d5: {  	s0 =	rddreg [dreg:$0x0];
	s2 =	stileid.u32  }
0x3d6: {  	s1 =	rddreg [dreg:$0x1];
	p0 =	sne.s32 s2, $0x0  }
0x3d7: {  	s3 =	rddreg [dreg:$0x2];
	[bflag:$0x3] =	sbarrier.arrive $0xFFFF;
	s2 =	simm.s32 @!p0 $0x1C04  }
0x3d8: {  	[timem:s3], [sflag:s2] =	dma.local @!p0 [hbm:s0], s1  }
0x3d9: {  	s0 =	simm.s32 @!p0 $0x4  }
0x3da: {  	_ =	swait.ge @!p0 [sflag:s0], s1  }
0x3db: {  	s1 =	ssub.s32 @!p0 $0x0, s1;
	[sflag:s0] =	ssyncset.done @!p0 $0x0  }
0x3dc: {  	[sflag:s0] =	ssyncadd.s32 @!p0 s1  }
0x3dd: {  	[bflag:$0x3] =	sbarrier.arrive $0xFFFF  }
0x3de: {  	_ =	shalt  }

</sc_bundles>
